<compile_context>
chip_gen: v7x
topology: tpu7x:2x2x1
jax: 0.10.2.dev20260603
libtpu: 0.0.44.dev20260713+nightly
codegen_flags: <defaults>
</compile_context>

<pallas_src>
import functools

import jax
import jax.numpy as jnp
from jax import lax
from jax.experimental import pallas as pl
from jax.experimental.pallas import tpu as pltpu
from jax.experimental.pallas import tpu_sc as plsc

_EPS = 1e-5
_HALF = 128
_B = 125
_TILES = 16



def _mm_stack_body(x_ref, w_ref, out_ref):
    h = lax.dot_general(x_ref[...], w_ref[...], (((1,), (1,)), ((), ())),
                        preferred_element_type=jnp.float32)
    out_ref[0] = h[:, :_HALF]
    out_ref[1] = h[:, _HALF:]


def _mm_stack(x, w, bn):
    n, d = x.shape
    return pl.pallas_call(
        _mm_stack_body,
        grid=(n // bn,),
        in_specs=[
            pl.BlockSpec((bn, d), lambda i: (i, 0)),
            pl.BlockSpec(w.shape, lambda i: (0, 0)),
        ],
        out_specs=pl.BlockSpec((2, bn, _HALF), lambda i: (0, i, 0)),
        out_shape=jax.ShapeDtypeStruct((2, n, _HALF), jnp.float32),
    )(x, w)


def _ln_relu(a_ref, g_ref, b_ref):
    a = jnp.concatenate([a_ref[0], a_ref[1]], axis=-1)
    mu = jnp.mean(a, axis=-1, keepdims=True)
    var = jnp.mean(jnp.square(a - mu), axis=-1, keepdims=True)
    hn = (a - mu) * lax.rsqrt(var + _EPS) * g_ref[...] + b_ref[...]
    return jnp.maximum(hn, 0.0)


def _ln_mm_stack_body(a_ref, g_ref, b_ref, w_ref, out_ref):
    h = _ln_relu(a_ref, g_ref, b_ref)
    o = lax.dot_general(h, w_ref[...], (((1,), (1,)), ((), ())),
                        preferred_element_type=jnp.float32)
    out_ref[0] = o[:, :_HALF]
    out_ref[1] = o[:, _HALF:]


def _ln_mm_stack(a, g, b, w, bn, n):
    return pl.pallas_call(
        _ln_mm_stack_body,
        grid=(n // bn,),
        in_specs=[
            pl.BlockSpec((2, bn, _HALF), lambda i: (0, i, 0)),
            pl.BlockSpec(g.shape, lambda i: (0, 0)),
            pl.BlockSpec(b.shape, lambda i: (0, 0)),
            pl.BlockSpec(w.shape, lambda i: (0, 0)),
        ],
        out_specs=pl.BlockSpec((2, bn, _HALF), lambda i: (0, i, 0)),
        out_shape=jax.ShapeDtypeStruct((2, n, _HALF), jnp.float32),
    )(a, g, b, w)


def _final_body(a_ref, g_ref, b_ref, w_ref, bo_ref, out_ref):
    h = _ln_relu(a_ref, g_ref, b_ref)
    logits = lax.dot_general(h, w_ref[...], (((1,), (1,)), ((), ())),
                             preferred_element_type=jnp.float32) + bo_ref[...]
    m = jnp.max(logits, axis=-1, keepdims=True)
    lse = jnp.log(jnp.sum(jnp.exp(logits - m), axis=-1, keepdims=True)) + m
    out_ref[...] = logits - lse


def _final(a, g, b, w, bo, bn, n):
    c = w.shape[0]
    return pl.pallas_call(
        _final_body,
        grid=(n // bn,),
        in_specs=[
            pl.BlockSpec((2, bn, _HALF), lambda i: (0, i, 0)),
            pl.BlockSpec(g.shape, lambda i: (0, 0)),
            pl.BlockSpec(b.shape, lambda i: (0, 0)),
            pl.BlockSpec(w.shape, lambda i: (0, 0)),
            pl.BlockSpec(bo.shape, lambda i: (0, 0)),
        ],
        out_specs=pl.BlockSpec((bn, c), lambda i: (i, 0)),
        out_shape=jax.ShapeDtypeStruct((n, c), jnp.float32),
    )(a, g, b, w, bo)



_NBUF = 2


def _aggregate(h_stacked, srcoff, dst3, n, n_pad):
    ngrp = dst3.shape[0] // _TILES
    rows_per_tile = n_pad // _TILES
    zrows = 32
    nz = rows_per_tile // zrows
    assert rows_per_tile % zrows == 0

    mesh = plsc.VectorSubcoreMesh(core_axis_name="c", subcore_axis_name="s")

    @functools.partial(
        pl.kernel,
        mesh=mesh,
        out_type=jax.ShapeDtypeStruct((2, n_pad, _HALF), jnp.float32),
        scratch_types=[
            pltpu.VMEM((2, _NBUF, _B), jnp.int32),
            pltpu.VMEM((2, _NBUF, _B), jnp.int32),
            pltpu.VMEM((_NBUF, _B, _HALF), jnp.float32),
            pltpu.VMEM((zrows, _HALF), jnp.float32),
            pltpu.VMEM_SHARED((n_pad, _HALF), jnp.float32),
            pltpu.SemaphoreType.DMA,
        ] + [pltpu.SemaphoreType.DMA] * _NBUF,
    )
    def agg(h_hbm, src_hbm, dst_hbm, out_hbm, src_g, dst_g, rows_v, zero_v,
            acc_sh, sem_idx, *sems):
        c = lax.axis_index("c")
        s = lax.axis_index("s")
        srow0 = (c * _TILES + s) * ngrp
        drow0 = s * ngrp

        pltpu.async_copy(src_hbm.at[srow0], src_g.at[0], sem_idx)
        pltpu.async_copy(dst_hbm.at[drow0], dst_g.at[0], sem_idx)

        def zrow(i, _):
            def zcol(j, _):
                zero_v[i, pl.ds(j * 16, 16)] = jnp.zeros((16,), jnp.float32)
                return 0
            return lax.fori_loop(0, _HALF // 16, zcol, 0)
        lax.fori_loop(0, zrows, zrow, 0)
        for k in range(nz):
            pltpu.async_copy(
                zero_v,
                acc_sh.at[pl.ds(s * rows_per_tile + k * zrows, zrows)],
                sems[k % _NBUF])
        for k in range(nz):
            pltpu.make_async_copy(
                zero_v,
                acc_sh.at[pl.ds(s * rows_per_tile + k * zrows, zrows)],
                sems[k % _NBUF]).wait()

        pltpu.make_async_copy(src_hbm.at[srow0], src_g.at[0], sem_idx).wait()
        pltpu.make_async_copy(dst_hbm.at[drow0], dst_g.at[0], sem_idx).wait()
        for b in range(_NBUF):
            pltpu.async_copy(h_hbm.at[src_g.at[0, b]], rows_v.at[b], sems[b])
        pltpu.async_copy(src_hbm.at[srow0 + 1], src_g.at[1], sem_idx)
        pltpu.async_copy(dst_hbm.at[drow0 + 1], dst_g.at[1], sem_idx)
        plsc.subcore_barrier()

        def group(g, _):
            p = lax.rem(g, 2)
            q = 1 - p

            @pl.when(g + 1 < ngrp)
            def _():
                pltpu.make_async_copy(
                    src_hbm.at[srow0 + g + 1], src_g.at[q], sem_idx).wait()
                pltpu.make_async_copy(
                    dst_hbm.at[drow0 + g + 1], dst_g.at[q], sem_idx).wait()

            for b in range(_NBUF):
                pltpu.make_async_copy(
                    h_hbm.at[src_g.at[p, b]], rows_v.at[b], sems[b]).wait()
                pltpu.sync_copy(rows_v.at[b], acc_sh.at[dst_g.at[p, b]],
                                add=True)

                @pl.when(g + 1 < ngrp)
                def _():
                    pltpu.async_copy(
                        h_hbm.at[src_g.at[q, b]], rows_v.at[b], sems[b])

            @pl.when(g + 2 < ngrp)
            def _():
                pltpu.async_copy(
                    src_hbm.at[srow0 + g + 2], src_g.at[p], sem_idx)
                pltpu.async_copy(
                    dst_hbm.at[drow0 + g + 2], dst_g.at[p], sem_idx)
            return 0
        lax.fori_loop(0, ngrp, group, 0)
        plsc.subcore_barrier()

        pltpu.sync_copy(
            acc_sh.at[pl.ds(s * rows_per_tile, rows_per_tile)],
            out_hbm.at[c, pl.ds(s * rows_per_tile, rows_per_tile)])

    return agg(h_stacked, srcoff, dst3)



def kernel(x, edge_index, W0, g0, b0, W1, g1, b1, W2, g2, b2, Wout, bout):
    n = x.shape[0]
    bn = 2000

    dst = edge_index[0].astype(jnp.int32)
    src = edge_index[1].astype(jnp.int32)

    g0 = g0.reshape(1, -1); b0 = b0.reshape(1, -1)
    g1 = g1.reshape(1, -1); b1 = b1.reshape(1, -1)
    g2 = g2.reshape(1, -1); b2 = b2.reshape(1, -1)
    bout = bout.reshape(1, -1)

    n_pad = ((n + 128 * _TILES - 1) // (128 * _TILES)) * (128 * _TILES)

    e = src.shape[0]
    ngrp = e // _TILES // _B // _NBUF
    dst3 = dst.reshape(_TILES * ngrp, _NBUF, _B)
    src3 = src.reshape(_TILES * ngrp, _NBUF, _B)
    srcoff = jnp.concatenate([src3, src3 + n], axis=0)

    h = _mm_stack(x, W0, bn)
    a = _aggregate(h.reshape(2 * n, _HALF), srcoff, dst3, n, n_pad)
    h = _ln_mm_stack(a, g0, b0, W1, bn, n)
    a = _aggregate(h.reshape(2 * n, _HALF), srcoff, dst3, n, n_pad)
    h = _ln_mm_stack(a, g1, b1, W2, bn, n)
    a = _aggregate(h.reshape(2 * n, _HALF), srcoff, dst3, n, n_pad)
    return _final(a, g2, b2, Wout, bout, bn, n)

# --- scband reference (transcript-rebuilt; emitter-appended) ---
"""Pipeline reference for scband-gcn-45226005627218 (READ-ONLY COPY).

The authoritative reference and input builder live on the scoring server;
editing this copy changes nothing except your own understanding.
"""

import jax, jax.numpy as jnp
import numpy as np

N = 10000
E = 320000
D_IN = 128
H = 256
C = 40
NUM_LAYERS = 3


def setup_inputs(seed: int = 0) -> dict:
    key = jax.random.key(seed)
    ks = jax.random.split(key, 16)
    x = jax.random.normal(ks[0], (N, D_IN), dtype=jnp.float32)
    edge_index = jax.random.randint(ks[1], (2, E), 0, N, dtype=jnp.int64)
    # GCNConv lin weights (bias=False in GCNConv.lin; custom forward skips bias)
    W0 = jax.random.normal(ks[2], (H, D_IN), dtype=jnp.float32) * (1.0 / np.sqrt(D_IN))
    W1 = jax.random.normal(ks[3], (H, H), dtype=jnp.float32) * (1.0 / np.sqrt(H))
    W2 = jax.random.normal(ks[4], (H, H), dtype=jnp.float32) * (1.0 / np.sqrt(H))
    # LayerNorm params per block
    g0 = jnp.ones((H,), dtype=jnp.float32); b0 = jnp.zeros((H,), dtype=jnp.float32)
    g1 = jnp.ones((H,), dtype=jnp.float32); b1 = jnp.zeros((H,), dtype=jnp.float32)
    g2 = jnp.ones((H,), dtype=jnp.float32); b2 = jnp.zeros((H,), dtype=jnp.float32)
    # Final classifier Linear(hidden, num_classes) with bias
    Wout = jax.random.normal(ks[5], (C, H), dtype=jnp.float32) * (1.0 / np.sqrt(H))
    bout = jnp.zeros((C,), dtype=jnp.float32)
    return {"x": x, "edge_index": edge_index, "W0": W0, "g0": g0, "b0": b0,
            "W1": W1, "g1": g1, "b1": b1, "W2": W2, "g2": g2, "b2": b2,
            "Wout": Wout, "bout": bout}


def _layer_norm(h, g, b, eps=1e-5):
    mu = jnp.mean(h, axis=-1, keepdims=True)
    var = jnp.mean(jnp.square(h - mu), axis=-1, keepdims=True)
    return (h - mu) * jax.lax.rsqrt(var + eps) * g + b


def _gcn_block(x, edge_index, W, g, b):
    # MyGCNConv.forward: x = self.lin(x); out = matmul(adj, x, reduce='sum')
    h = x @ W.T
    # sparse matmul: out[dst] = sum over edges (dst, src) of h[src]
    agg = jnp.zeros((N, h.shape[-1]), dtype=h.dtype).at[edge_index[0]].add(h[edge_index[1]])
    # LayerNorm -> ReLU -> Dropout(eval: identity)
    hn = _layer_norm(agg, g, b)
    return jax.nn.relu(hn)


def reference(x, edge_index, W0, g0, b0, W1, g1, b1, W2, g2, b2, Wout, bout):
    h = _gcn_block(x, edge_index, W0, g0, b0)
    h = _gcn_block(h, edge_index, W1, g1, b1)
    h = _gcn_block(h, edge_index, W2, g2, b2)
    logits = h @ Wout.T + bout
    return jax.nn.log_softmax(logits, axis=-1)

if __name__ == "__main__":
    import jax
    _d = setup_inputs()
    print(jax.jit(kernel)(*tuple(_d.values())))

</pallas_src>

<mosaic_0001>
#map = affine_map<(d0, d1) -> (0, 0)>
#map1 = affine_map<(d0, d1) -> (0, 0, 0)>
module attributes {stable_mosaic.version = 14 : i64} {
  func.func @agg(%arg0: i32, %arg1: i32, %arg2: memref<20000x128xf32, #tpu.memory_space<hbm>>, %arg3: memref<2560x2x125xi32, #tpu.memory_space<hbm>>, %arg4: memref<1280x2x125xi32, #tpu.memory_space<hbm>>, %arg5: memref<2x10240x128xf32, #tpu.memory_space<hbm>>, %arg6: memref<2x2x125xi32, #tpu.memory_space<vmem>>, %arg7: memref<2x2x125xi32, #tpu.memory_space<vmem>>, %arg8: memref<2x125x128xf32, #tpu.memory_space<vmem>>, %arg9: memref<32x128xf32, #tpu.memory_space<vmem>>, %arg10: memref<10240x128xf32, #tpu.memory_space<vmem_shared>>, %arg11: memref<!tpu.dma_semaphore, #tpu.memory_space<semaphore_mem>>, %arg12: memref<!tpu.dma_semaphore, #tpu.memory_space<semaphore_mem>>, %arg13: memref<!tpu.dma_semaphore, #tpu.memory_space<semaphore_mem>>) attributes {dimension_semantics = [#tpu.dimension_semantics<core_parallel>, #tpu.dimension_semantics<subcore_parallel>], iteration_bounds = array<i64: 2, 16>, scalar_prefetch = 0 : i64, scratch_operands = 8 : i64, tpu.core_type = #tpu.core_type<sc_vector_subcore>, window_params = [{transform_indices = #map}, {transform_indices = #map1}, {transform_indices = #map1}, {transform_indices = #map1}]} {
    %mul3A = arith.constant 16 : i32
    %mul3A_0 = arith.muli %arg0, %mul3A : i32
    %add3A = arith.addi %mul3A_0, %arg1 : i32
    %mul3A_1 = arith.constant 80 : i32
    %mul3A_2 = arith.muli %add3A, %mul3A_1 : i32
    %mul3A_3 = arith.constant 80 : i32
    %mul3A_4 = arith.muli %arg1, %mul3A_3 : i32
    %dma_start3A = arith.constant 0 : i32
    %dma_start3A_5 = arith.constant 0 : i32
    %dma_start3A_6 = arith.constant 0 : i32
    %dma_start3A_7 = tpu.memref_slice %arg6[%dma_start3A, %dma_start3A_5, %dma_start3A_6] : memref<2x2x125xi32, #tpu.memory_space<vmem>> -> memref<1x2x125xi32, #tpu.memory_space<vmem>>
    %dma_start3A_8 = tpu.memref_squeeze %dma_start3A_7 : memref<1x2x125xi32, #tpu.memory_space<vmem>> -> memref<2x125xi32, #tpu.memory_space<vmem>>
    %dma_start3A_9 = arith.constant 0 : i32
    %dma_start3A_10 = arith.constant 0 : i32
    %dma_start3A_11 = tpu.memref_slice %arg3[%mul3A_2, %dma_start3A_9, %dma_start3A_10] : memref<2560x2x125xi32, #tpu.memory_space<hbm>> -> memref<1x2x125xi32, #tpu.memory_space<hbm>>
    %dma_start3A_12 = tpu.memref_squeeze %dma_start3A_11 : memref<1x2x125xi32, #tpu.memory_space<hbm>> -> memref<2x125xi32, #tpu.memory_space<hbm>>
    %dma_start3A_13 = arith.constant 0 : i32
    %dma_start3A_14 = arith.constant 0 : i32
    %dma_start3A_15 = tpu.memref_slice %arg6[%dma_start3A, %dma_start3A_13, %dma_start3A_14] : memref<2x2x125xi32, #tpu.memory_space<vmem>> -> memref<1x2x125xi32, #tpu.memory_space<vmem>>
    %dma_start3A_16 = tpu.memref_squeeze %dma_start3A_15 : memref<1x2x125xi32, #tpu.memory_space<vmem>> -> memref<2x125xi32, #tpu.memory_space<vmem>>
    %dma_start3A_17 = arith.constant 0 : i32
    %dma_start3A_18 = arith.constant 0 : i32
    %dma_start3A_19 = tpu.memref_slice %arg3[%mul3A_2, %dma_start3A_17, %dma_start3A_18] : memref<2560x2x125xi32, #tpu.memory_space<hbm>> -> memref<1x2x125xi32, #tpu.memory_space<hbm>>
    %dma_start3A_20 = tpu.memref_squeeze %dma_start3A_19 : memref<1x2x125xi32, #tpu.memory_space<hbm>> -> memref<2x125xi32, #tpu.memory_space<hbm>>
    tpu.enqueue_dma source(%dma_start3A_20 : memref<2x125xi32, #tpu.memory_space<hbm>>) target(%dma_start3A_16 : memref<2x125xi32, #tpu.memory_space<vmem>>) target_semaphore(%arg11 : memref<!tpu.dma_semaphore, #tpu.memory_space<semaphore_mem>>)
    %dma_start3A_21 = arith.constant 0 : i32
    %dma_start3A_22 = arith.constant 0 : i32
    %dma_start3A_23 = arith.constant 0 : i32
    %dma_start3A_24 = tpu.memref_slice %arg7[%dma_start3A_21, %dma_start3A_22, %dma_start3A_23] : memref<2x2x125xi32, #tpu.memory_space<vmem>> -> memref<1x2x125xi32, #tpu.memory_space<vmem>>
    %dma_start3A_25 = tpu.memref_squeeze %dma_start3A_24 : memref<1x2x125xi32, #tpu.memory_space<vmem>> -> memref<2x125xi32, #tpu.memory_space<vmem>>
    %dma_start3A_26 = arith.constant 0 : i32
    %dma_start3A_27 = arith.constant 0 : i32
    %dma_start3A_28 = tpu.memref_slice %arg4[%mul3A_4, %dma_start3A_26, %dma_start3A_27] : memref<1280x2x125xi32, #tpu.memory_space<hbm>> -> memref<1x2x125xi32, #tpu.memory_space<hbm>>
    %dma_start3A_29 = tpu.memref_squeeze %dma_start3A_28 : memref<1x2x125xi32, #tpu.memory_space<hbm>> -> memref<2x125xi32, #tpu.memory_space<hbm>>
    %dma_start3A_30 = arith.constant 0 : i32
    %dma_start3A_31 = arith.constant 0 : i32
    %dma_start3A_32 = tpu.memref_slice %arg7[%dma_start3A_21, %dma_start3A_30, %dma_start3A_31] : memref<2x2x125xi32, #tpu.memory_space<vmem>> -> memref<1x2x125xi32, #tpu.memory_space<vmem>>
    %dma_start3A_33 = tpu.memref_squeeze %dma_start3A_32 : memref<1x2x125xi32, #tpu.memory_space<vmem>> -> memref<2x125xi32, #tpu.memory_space<vmem>>
    %dma_start3A_34 = arith.constant 0 : i32
    %dma_start3A_35 = arith.constant 0 : i32
    %dma_start3A_36 = tpu.memref_slice %arg4[%mul3A_4, %dma_start3A_34, %dma_start3A_35] : memref<1280x2x125xi32, #tpu.memory_space<hbm>> -> memref<1x2x125xi32, #tpu.memory_space<hbm>>
    %dma_start3A_37 = tpu.memref_squeeze %dma_start3A_36 : memref<1x2x125xi32, #tpu.memory_space<hbm>> -> memref<2x125xi32, #tpu.memory_space<hbm>>
    tpu.enqueue_dma source(%dma_start3A_37 : memref<2x125xi32, #tpu.memory_space<hbm>>) target(%dma_start3A_33 : memref<2x125xi32, #tpu.memory_space<vmem>>) target_semaphore(%arg11 : memref<!tpu.dma_semaphore, #tpu.memory_space<semaphore_mem>>)
    %scan3A = arith.constant 0 : i32
    %scan3A_38 = arith.constant 0 : i32
    %scan3A_39 = arith.constant 32 : i32
    %scan3A_40 = arith.addi %scan3A_38, %scan3A_39 : i32
    %scan3A_41 = arith.constant 1 : i32
    %scan3A_42 = scf.for %scan3A_473 = %scan3A_38 to %scan3A_40 step %scan3A_41 iter_args(%scan3A_474 = %scan3A) -> (i32)  : i32 {
      %scan3A_475 = arith.constant 0 : i32
      %scan3A_476 = arith.constant 0 : i32
      %scan3A_477 = arith.constant 8 : i32
      %scan3A_478 = arith.addi %scan3A_476, %scan3A_477 : i32
      %scan3A_479 = arith.constant 1 : i32
      %scan3A_480 = scf.for %scan3A_482 = %scan3A_476 to %scan3A_478 step %scan3A_479 iter_args(%scan3A_483 = %scan3A_475) -> (i32)  : i32 {
        %broadcast_in_dim3A = arith.constant 0.000000e+00 : f32
        %broadcast_in_dim3A_484 = vector.broadcast %broadcast_in_dim3A : f32 to vector<16xf32>
        %mul3A_485 = arith.constant 16 : i32
        %mul3A_486 = arith.muli %scan3A_482, %mul3A_485 : i32
        %swap3A = arith.index_cast %scan3A_473 : i32 to index
        %swap3A_487 = arith.index_cast %mul3A_486 : i32 to index
        %swap3A_488 = tpu.vector_load %arg9[%swap3A, %swap3A_487] {strides = array<i32>} : memref<32x128xf32, #tpu.memory_space<vmem>>, vector<1x16xf32>,
        %swap3A_489 = vector.shape_cast %swap3A_488 : vector<1x16xf32> to vector<16xf32>
        %swap3A_490 = vector.shape_cast %broadcast_in_dim3A_484 : vector<16xf32> to vector<1x16xf32>
        tpu.vector_store %arg9[%swap3A, %swap3A_487], %swap3A_490 {strides = array<i32>} : memref<32x128xf32, #tpu.memory_space<vmem>>, vector<1x16xf32>,
        %scan3A_491 = arith.constant 0 : i32
        scf.yield %scan3A_491 : i32
      }
      %scan3A_481 = arith.constant 8 : i32
      scf.yield %scan3A_480 : i32
    }
    %scan3A_43 = arith.constant 32 : i32
    %mul3A_44 = arith.constant 640 : i32
    %mul3A_45 = arith.muli %arg1, %mul3A_44 : i32
    %add3A_46 = arith.constant 0 : i32
    %add3A_47 = arith.addi %mul3A_45, %add3A_46 : i32
    %dma_start3A_48 = arith.constant 0 : i32
    %dma_start3A_49 = tpu.memref_slice %arg10[%add3A_47, %dma_start3A_48] : memref<10240x128xf32, #tpu.memory_space<vmem_shared>> -> memref<32x128xf32, #tpu.memory_space<vmem_shared>>
    %dma_start3A_50 = arith.constant 0 : i32
    %dma_start3A_51 = tpu.memref_slice %arg10[%add3A_47, %dma_start3A_50] : memref<10240x128xf32, #tpu.memory_space<vmem_shared>> -> memref<32x128xf32, #tpu.memory_space<vmem_shared>>
    tpu.enqueue_dma source(%arg9 : memref<32x128xf32, #tpu.memory_space<vmem>>) target(%dma_start3A_51 : memref<32x128xf32, #tpu.memory_space<vmem_shared>>) target_semaphore(%arg12 : memref<!tpu.dma_semaphore, #tpu.memory_space<semaphore_mem>>)
    %mul3A_52 = arith.constant 640 : i32
    %mul3A_53 = arith.muli %arg1, %mul3A_52 : i32
    %add3A_54 = arith.constant 32 : i32
    %add3A_55 = arith.addi %mul3A_53, %add3A_54 : i32
    %dma_start3A_56 = arith.constant 0 : i32
    %dma_start3A_57 = tpu.memref_slice %arg10[%add3A_55, %dma_start3A_56] : memref<10240x128xf32, #tpu.memory_space<vmem_shared>> -> memref<32x128xf32, #tpu.memory_space<vmem_shared>>
    %dma_start3A_58 = arith.constant 0 : i32
    %dma_start3A_59 = tpu.memref_slice %arg10[%add3A_55, %dma_start3A_58] : memref<10240x128xf32, #tpu.memory_space<vmem_shared>> -> memref<32x128xf32, #tpu.memory_space<vmem_shared>>
    tpu.enqueue_dma source(%arg9 : memref<32x128xf32, #tpu.memory_space<vmem>>) target(%dma_start3A_59 : memref<32x128xf32, #tpu.memory_space<vmem_shared>>) target_semaphore(%arg13 : memref<!tpu.dma_semaphore, #tpu.memory_space<semaphore_mem>>)
    %mul3A_60 = arith.constant 640 : i32
    %mul3A_61 = arith.muli %arg1, %mul3A_60 : i32
    %add3A_62 = arith.constant 64 : i32
    %add3A_63 = arith.addi %mul3A_61, %add3A_62 : i32
    %dma_start3A_64 = arith.constant 0 : i32
    %dma_start3A_65 = tpu.memref_slice %arg10[%add3A_63, %dma_start3A_64] : memref<10240x128xf32, #tpu.memory_space<vmem_shared>> -> memref<32x128xf32, #tpu.memory_space<vmem_shared>>
    %dma_start3A_66 = arith.constant 0 : i32
    %dma_start3A_67 = tpu.memref_slice %arg10[%add3A_63, %dma_start3A_66] : memref<10240x128xf32, #tpu.memory_space<vmem_shared>> -> memref<32x128xf32, #tpu.memory_space<vmem_shared>>
    tpu.enqueue_dma source(%arg9 : memref<32x128xf32, #tpu.memory_space<vmem>>) target(%dma_start3A_67 : memref<32x128xf32, #tpu.memory_space<vmem_shared>>) target_semaphore(%arg12 : memref<!tpu.dma_semaphore, #tpu.memory_space<semaphore_mem>>)
    %mul3A_68 = arith.constant 640 : i32
    %mul3A_69 = arith.muli %arg1, %mul3A_68 : i32
    %add3A_70 = arith.constant 96 : i32
    %add3A_71 = arith.addi %mul3A_69, %add3A_70 : i32
    %dma_start3A_72 = arith.constant 0 : i32
    %dma_start3A_73 = tpu.memref_slice %arg10[%add3A_71, %dma_start3A_72] : memref<10240x128xf32, #tpu.memory_space<vmem_shared>> -> memref<32x128xf32, #tpu.memory_space<vmem_shared>>
    %dma_start3A_74 = arith.constant 0 : i32
    %dma_start3A_75 = tpu.memref_slice %arg10[%add3A_71, %dma_start3A_74] : memref<10240x128xf32, #tpu.memory_space<vmem_shared>> -> memref<32x128xf32, #tpu.memory_space<vmem_shared>>
    tpu.enqueue_dma source(%arg9 : memref<32x128xf32, #tpu.memory_space<vmem>>) target(%dma_start3A_75 : memref<32x128xf32, #tpu.memory_space<vmem_shared>>) target_semaphore(%arg13 : memref<!tpu.dma_semaphore, #tpu.memory_space<semaphore_mem>>)
    %mul3A_76 = arith.constant 640 : i32
    %mul3A_77 = arith.muli %arg1, %mul3A_76 : i32
    %add3A_78 = arith.constant 128 : i32
    %add3A_79 = arith.addi %mul3A_77, %add3A_78 : i32
    %dma_start3A_80 = arith.constant 0 : i32
    %dma_start3A_81 = tpu.memref_slice %arg10[%add3A_79, %dma_start3A_80] : memref<10240x128xf32, #tpu.memory_space<vmem_shared>> -> memref<32x128xf32, #tpu.memory_space<vmem_shared>>
    %dma_start3A_82 = arith.constant 0 : i32
    %dma_start3A_83 = tpu.memref_slice %arg10[%add3A_79, %dma_start3A_82] : memref<10240x128xf32, #tpu.memory_space<vmem_shared>> -> memref<32x128xf32, #tpu.memory_space<vmem_shared>>
    tpu.enqueue_dma source(%arg9 : memref<32x128xf32, #tpu.memory_space<vmem>>) target(%dma_start3A_83 : memref<32x128xf32, #tpu.memory_space<vmem_shared>>) target_semaphore(%arg12 : memref<!tpu.dma_semaphore, #tpu.memory_space<semaphore_mem>>)
    %mul3A_84 = arith.constant 640 : i32
    %mul3A_85 = arith.muli %arg1, %mul3A_84 : i32
    %add3A_86 = arith.constant 160 : i32
    %add3A_87 = arith.addi %mul3A_85, %add3A_86 : i32
    %dma_start3A_88 = arith.constant 0 : i32
    %dma_start3A_89 = tpu.memref_slice %arg10[%add3A_87, %dma_start3A_88] : memref<10240x128xf32, #tpu.memory_space<vmem_shared>> -> memref<32x128xf32, #tpu.memory_space<vmem_shared>>
    %dma_start3A_90 = arith.constant 0 : i32
    %dma_start3A_91 = tpu.memref_slice %arg10[%add3A_87, %dma_start3A_90] : memref<10240x128xf32, #tpu.memory_space<vmem_shared>> -> memref<32x128xf32, #tpu.memory_space<vmem_shared>>
    tpu.enqueue_dma source(%arg9 : memref<32x128xf32, #tpu.memory_space<vmem>>) target(%dma_start3A_91 : memref<32x128xf32, #tpu.memory_space<vmem_shared>>) target_semaphore(%arg13 : memref<!tpu.dma_semaphore, #tpu.memory_space<semaphore_mem>>)
    %mul3A_92 = arith.constant 640 : i32
    %mul3A_93 = arith.muli %arg1, %mul3A_92 : i32
    %add3A_94 = arith.constant 192 : i32
    %add3A_95 = arith.addi %mul3A_93, %add3A_94 : i32
    %dma_start3A_96 = arith.constant 0 : i32
    %dma_start3A_97 = tpu.memref_slice %arg10[%add3A_95, %dma_start3A_96] : memref<10240x128xf32, #tpu.memory_space<vmem_shared>> -> memref<32x128xf32, #tpu.memory_space<vmem_shared>>
    %dma_start3A_98 = arith.constant 0 : i32
    %dma_start3A_99 = tpu.memref_slice %arg10[%add3A_95, %dma_start3A_98] : memref<10240x128xf32, #tpu.memory_space<vmem_shared>> -> memref<32x128xf32, #tpu.memory_space<vmem_shared>>
    tpu.enqueue_dma source(%arg9 : memref<32x128xf32, #tpu.memory_space<vmem>>) target(%dma_start3A_99 : memref<32x128xf32, #tpu.memory_space<vmem_shared>>) target_semaphore(%arg12 : memref<!tpu.dma_semaphore, #tpu.memory_space<semaphore_mem>>)
    %mul3A_100 = arith.constant 640 : i32
    %mul3A_101 = arith.muli %arg1, %mul3A_100 : i32
    %add3A_102 = arith.constant 224 : i32
    %add3A_103 = arith.addi %mul3A_101, %add3A_102 : i32
    %dma_start3A_104 = arith.constant 0 : i32
    %dma_start3A_105 = tpu.memref_slice %arg10[%add3A_103, %dma_start3A_104] : memref<10240x128xf32, #tpu.memory_space<vmem_shared>> -> memref<32x128xf32, #tpu.memory_space<vmem_shared>>
    %dma_start3A_106 = arith.constant 0 : i32
    %dma_start3A_107 = tpu.memref_slice %arg10[%add3A_103, %dma_start3A_106] : memref<10240x128xf32, #tpu.memory_space<vmem_shared>> -> memref<32x128xf32, #tpu.memory_space<vmem_shared>>
    tpu.enqueue_dma source(%arg9 : memref<32x128xf32, #tpu.memory_space<vmem>>) target(%dma_start3A_107 : memref<32x128xf32, #tpu.memory_space<vmem_shared>>) target_semaphore(%arg13 : memref<!tpu.dma_semaphore, #tpu.memory_space<semaphore_mem>>)
    %mul3A_108 = arith.constant 640 : i32
    %mul3A_109 = arith.muli %arg1, %mul3A_108 : i32
    %add3A_110 = arith.constant 256 : i32
    %add3A_111 = arith.addi %mul3A_109, %add3A_110 : i32
    %dma_start3A_112 = arith.constant 0 : i32
    %dma_start3A_113 = tpu.memref_slice %arg10[%add3A_111, %dma_start3A_112] : memref<10240x128xf32, #tpu.memory_space<vmem_shared>> -> memref<32x128xf32, #tpu.memory_space<vmem_shared>>
    %dma_start3A_114 = arith.constant 0 : i32
    %dma_start3A_115 = tpu.memref_slice %arg10[%add3A_111, %dma_start3A_114] : memref<10240x128xf32, #tpu.memory_space<vmem_shared>> -> memref<32x128xf32, #tpu.memory_space<vmem_shared>>
    tpu.enqueue_dma source(%arg9 : memref<32x128xf32, #tpu.memory_space<vmem>>) target(%dma_start3A_115 : memref<32x128xf32, #tpu.memory_space<vmem_shared>>) target_semaphore(%arg12 : memref<!tpu.dma_semaphore, #tpu.memory_space<semaphore_mem>>)
    %mul3A_116 = arith.constant 640 : i32
    %mul3A_117 = arith.muli %arg1, %mul3A_116 : i32
    %add3A_118 = arith.constant 288 : i32
    %add3A_119 = arith.addi %mul3A_117, %add3A_118 : i32
    %dma_start3A_120 = arith.constant 0 : i32
    %dma_start3A_121 = tpu.memref_slice %arg10[%add3A_119, %dma_start3A_120] : memref<10240x128xf32, #tpu.memory_space<vmem_shared>> -> memref<32x128xf32, #tpu.memory_space<vmem_shared>>
    %dma_start3A_122 = arith.constant 0 : i32
    %dma_start3A_123 = tpu.memref_slice %arg10[%add3A_119, %dma_start3A_122] : memref<10240x128xf32, #tpu.memory_space<vmem_shared>> -> memref<32x128xf32, #tpu.memory_space<vmem_shared>>
    tpu.enqueue_dma source(%arg9 : memref<32x128xf32, #tpu.memory_space<vmem>>) target(%dma_start3A_123 : memref<32x128xf32, #tpu.memory_space<vmem_shared>>) target_semaphore(%arg13 : memref<!tpu.dma_semaphore, #tpu.memory_space<semaphore_mem>>)
    %mul3A_124 = arith.constant 640 : i32
    %mul3A_125 = arith.muli %arg1, %mul3A_124 : i32
    %add3A_126 = arith.constant 320 : i32
    %add3A_127 = arith.addi %mul3A_125, %add3A_126 : i32
    %dma_start3A_128 = arith.constant 0 : i32
    %dma_start3A_129 = tpu.memref_slice %arg10[%add3A_127, %dma_start3A_128] : memref<10240x128xf32, #tpu.memory_space<vmem_shared>> -> memref<32x128xf32, #tpu.memory_space<vmem_shared>>
    %dma_start3A_130 = arith.constant 0 : i32
    %dma_start3A_131 = tpu.memref_slice %arg10[%add3A_127, %dma_start3A_130] : memref<10240x128xf32, #tpu.memory_space<vmem_shared>> -> memref<32x128xf32, #tpu.memory_space<vmem_shared>>
    tpu.enqueue_dma source(%arg9 : memref<32x128xf32, #tpu.memory_space<vmem>>) target(%dma_start3A_131 : memref<32x128xf32, #tpu.memory_space<vmem_shared>>) target_semaphore(%arg12 : memref<!tpu.dma_semaphore, #tpu.memory_space<semaphore_mem>>)
    %mul3A_132 = arith.constant 640 : i32
    %mul3A_133 = arith.muli %arg1, %mul3A_132 : i32
    %add3A_134 = arith.constant 352 : i32
    %add3A_135 = arith.addi %mul3A_133, %add3A_134 : i32
    %dma_start3A_136 = arith.constant 0 : i32
    %dma_start3A_137 = tpu.memref_slice %arg10[%add3A_135, %dma_start3A_136] : memref<10240x128xf32, #tpu.memory_space<vmem_shared>> -> memref<32x128xf32, #tpu.memory_space<vmem_shared>>
    %dma_start3A_138 = arith.constant 0 : i32
    %dma_start3A_139 = tpu.memref_slice %arg10[%add3A_135, %dma_start3A_138] : memref<10240x128xf32, #tpu.memory_space<vmem_shared>> -> memref<32x128xf32, #tpu.memory_space<vmem_shared>>
    tpu.enqueue_dma source(%arg9 : memref<32x128xf32, #tpu.memory_space<vmem>>) target(%dma_start3A_139 : memref<32x128xf32, #tpu.memory_space<vmem_shared>>) target_semaphore(%arg13 : memref<!tpu.dma_semaphore, #tpu.memory_space<semaphore_mem>>)
    %mul3A_140 = arith.constant 640 : i32
    %mul3A_141 = arith.muli %arg1, %mul3A_140 : i32
    %add3A_142 = arith.constant 384 : i32
    %add3A_143 = arith.addi %mul3A_141, %add3A_142 : i32
    %dma_start3A_144 = arith.constant 0 : i32
    %dma_start3A_145 = tpu.memref_slice %arg10[%add3A_143, %dma_start3A_144] : memref<10240x128xf32, #tpu.memory_space<vmem_shared>> -> memref<32x128xf32, #tpu.memory_space<vmem_shared>>
    %dma_start3A_146 = arith.constant 0 : i32
    %dma_start3A_147 = tpu.memref_slice %arg10[%add3A_143, %dma_start3A_146] : memref<10240x128xf32, #tpu.memory_space<vmem_shared>> -> memref<32x128xf32, #tpu.memory_space<vmem_shared>>
    tpu.enqueue_dma source(%arg9 : memref<32x128xf32, #tpu.memory_space<vmem>>) target(%dma_start3A_147 : memref<32x128xf32, #tpu.memory_space<vmem_shared>>) target_semaphore(%arg12 : memref<!tpu.dma_semaphore, #tpu.memory_space<semaphore_mem>>)
    %mul3A_148 = arith.constant 640 : i32
    %mul3A_149 = arith.muli %arg1, %mul3A_148 : i32
    %add3A_150 = arith.constant 416 : i32
    %add3A_151 = arith.addi %mul3A_149, %add3A_150 : i32
    %dma_start3A_152 = arith.constant 0 : i32
    %dma_start3A_153 = tpu.memref_slice %arg10[%add3A_151, %dma_start3A_152] : memref<10240x128xf32, #tpu.memory_space<vmem_shared>> -> memref<32x128xf32, #tpu.memory_space<vmem_shared>>
    %dma_start3A_154 = arith.constant 0 : i32
    %dma_start3A_155 = tpu.memref_slice %arg10[%add3A_151, %dma_start3A_154] : memref<10240x128xf32, #tpu.memory_space<vmem_shared>> -> memref<32x128xf32, #tpu.memory_space<vmem_shared>>
    tpu.enqueue_dma source(%arg9 : memref<32x128xf32, #tpu.memory_space<vmem>>) target(%dma_start3A_155 : memref<32x128xf32, #tpu.memory_space<vmem_shared>>) target_semaphore(%arg13 : memref<!tpu.dma_semaphore, #tpu.memory_space<semaphore_mem>>)
    %mul3A_156 = arith.constant 640 : i32
    %mul3A_157 = arith.muli %arg1, %mul3A_156 : i32
    %add3A_158 = arith.constant 448 : i32
    %add3A_159 = arith.addi %mul3A_157, %add3A_158 : i32
    %dma_start3A_160 = arith.constant 0 : i32
    %dma_start3A_161 = tpu.memref_slice %arg10[%add3A_159, %dma_start3A_160] : memref<10240x128xf32, #tpu.memory_space<vmem_shared>> -> memref<32x128xf32, #tpu.memory_space<vmem_shared>>
    %dma_start3A_162 = arith.constant 0 : i32
    %dma_start3A_163 = tpu.memref_slice %arg10[%add3A_159, %dma_start3A_162] : memref<10240x128xf32, #tpu.memory_space<vmem_shared>> -> memref<32x128xf32, #tpu.memory_space<vmem_shared>>
    tpu.enqueue_dma source(%arg9 : memref<32x128xf32, #tpu.memory_space<vmem>>) target(%dma_start3A_163 : memref<32x128xf32, #tpu.memory_space<vmem_shared>>) target_semaphore(%arg12 : memref<!tpu.dma_semaphore, #tpu.memory_space<semaphore_mem>>)
    %mul3A_164 = arith.constant 640 : i32
    %mul3A_165 = arith.muli %arg1, %mul3A_164 : i32
    %add3A_166 = arith.constant 480 : i32
    %add3A_167 = arith.addi %mul3A_165, %add3A_166 : i32
    %dma_start3A_168 = arith.constant 0 : i32
    %dma_start3A_169 = tpu.memref_slice %arg10[%add3A_167, %dma_start3A_168] : memref<10240x128xf32, #tpu.memory_space<vmem_shared>> -> memref<32x128xf32, #tpu.memory_space<vmem_shared>>
    %dma_start3A_170 = arith.constant 0 : i32
    %dma_start3A_171 = tpu.memref_slice %arg10[%add3A_167, %dma_start3A_170] : memref<10240x128xf32, #tpu.memory_space<vmem_shared>> -> memref<32x128xf32, #tpu.memory_space<vmem_shared>>
    tpu.enqueue_dma source(%arg9 : memref<32x128xf32, #tpu.memory_space<vmem>>) target(%dma_start3A_171 : memref<32x128xf32, #tpu.memory_space<vmem_shared>>) target_semaphore(%arg13 : memref<!tpu.dma_semaphore, #tpu.memory_space<semaphore_mem>>)
    %mul3A_172 = arith.constant 640 : i32
    %mul3A_173 = arith.muli %arg1, %mul3A_172 : i32
    %add3A_174 = arith.constant 512 : i32
    %add3A_175 = arith.addi %mul3A_173, %add3A_174 : i32
    %dma_start3A_176 = arith.constant 0 : i32
    %dma_start3A_177 = tpu.memref_slice %arg10[%add3A_175, %dma_start3A_176] : memref<10240x128xf32, #tpu.memory_space<vmem_shared>> -> memref<32x128xf32, #tpu.memory_space<vmem_shared>>
    %dma_start3A_178 = arith.constant 0 : i32
    %dma_start3A_179 = tpu.memref_slice %arg10[%add3A_175, %dma_start3A_178] : memref<10240x128xf32, #tpu.memory_space<vmem_shared>> -> memref<32x128xf32, #tpu.memory_space<vmem_shared>>
    tpu.enqueue_dma source(%arg9 : memref<32x128xf32, #tpu.memory_space<vmem>>) target(%dma_start3A_179 : memref<32x128xf32, #tpu.memory_space<vmem_shared>>) target_semaphore(%arg12 : memref<!tpu.dma_semaphore, #tpu.memory_space<semaphore_mem>>)
    %mul3A_180 = arith.constant 640 : i32
    %mul3A_181 = arith.muli %arg1, %mul3A_180 : i32
    %add3A_182 = arith.constant 544 : i32
    %add3A_183 = arith.addi %mul3A_181, %add3A_182 : i32
    %dma_start3A_184 = arith.constant 0 : i32
    %dma_start3A_185 = tpu.memref_slice %arg10[%add3A_183, %dma_start3A_184] : memref<10240x128xf32, #tpu.memory_space<vmem_shared>> -> memref<32x128xf32, #tpu.memory_space<vmem_shared>>
    %dma_start3A_186 = arith.constant 0 : i32
    %dma_start3A_187 = tpu.memref_slice %arg10[%add3A_183, %dma_start3A_186] : memref<10240x128xf32, #tpu.memory_space<vmem_shared>> -> memref<32x128xf32, #tpu.memory_space<vmem_shared>>
    tpu.enqueue_dma source(%arg9 : memref<32x128xf32, #tpu.memory_space<vmem>>) target(%dma_start3A_187 : memref<32x128xf32, #tpu.memory_space<vmem_shared>>) target_semaphore(%arg13 : memref<!tpu.dma_semaphore, #tpu.memory_space<semaphore_mem>>)
    %mul3A_188 = arith.constant 640 : i32
    %mul3A_189 = arith.muli %arg1, %mul3A_188 : i32
    %add3A_190 = arith.constant 576 : i32
    %add3A_191 = arith.addi %mul3A_189, %add3A_190 : i32
    %dma_start3A_192 = arith.constant 0 : i32
    %dma_start3A_193 = tpu.memref_slice %arg10[%add3A_191, %dma_start3A_192] : memref<10240x128xf32, #tpu.memory_space<vmem_shared>> -> memref<32x128xf32, #tpu.memory_space<vmem_shared>>
    %dma_start3A_194 = arith.constant 0 : i32
    %dma_start3A_195 = tpu.memref_slice %arg10[%add3A_191, %dma_start3A_194] : memref<10240x128xf32, #tpu.memory_space<vmem_shared>> -> memref<32x128xf32, #tpu.memory_space<vmem_shared>>
    tpu.enqueue_dma source(%arg9 : memref<32x128xf32, #tpu.memory_space<vmem>>) target(%dma_start3A_195 : memref<32x128xf32, #tpu.memory_space<vmem_shared>>) target_semaphore(%arg12 : memref<!tpu.dma_semaphore, #tpu.memory_space<semaphore_mem>>)
    %mul3A_196 = arith.constant 640 : i32
    %mul3A_197 = arith.muli %arg1, %mul3A_196 : i32
    %add3A_198 = arith.constant 608 : i32
    %add3A_199 = arith.addi %mul3A_197, %add3A_198 : i32
    %dma_start3A_200 = arith.constant 0 : i32
    %dma_start3A_201 = tpu.memref_slice %arg10[%add3A_199, %dma_start3A_200] : memref<10240x128xf32, #tpu.memory_space<vmem_shared>> -> memref<32x128xf32, #tpu.memory_space<vmem_shared>>
    %dma_start3A_202 = arith.constant 0 : i32
    %dma_start3A_203 = tpu.memref_slice %arg10[%add3A_199, %dma_start3A_202] : memref<10240x128xf32, #tpu.memory_space<vmem_shared>> -> memref<32x128xf32, #tpu.memory_space<vmem_shared>>
    tpu.enqueue_dma source(%arg9 : memref<32x128xf32, #tpu.memory_space<vmem>>) target(%dma_start3A_203 : memref<32x128xf32, #tpu.memory_space<vmem_shared>>) target_semaphore(%arg13 : memref<!tpu.dma_semaphore, #tpu.memory_space<semaphore_mem>>)
    %mul3A_204 = arith.constant 640 : i32
    %mul3A_205 = arith.muli %arg1, %mul3A_204 : i32
    %add3A_206 = arith.constant 0 : i32
    %add3A_207 = arith.addi %mul3A_205, %add3A_206 : i32
    %dma_wait3A = arith.constant 0 : i32
    %dma_wait3A_208 = tpu.memref_slice %arg10[%add3A_207, %dma_wait3A] : memref<10240x128xf32, #tpu.memory_space<vmem_shared>> -> memref<32x128xf32, #tpu.memory_space<vmem_shared>>
    %dma_wait3A_209 = arith.constant 0 : i32
    %dma_wait3A_210 = tpu.memref_slice %arg10[%add3A_207, %dma_wait3A_209] : memref<10240x128xf32, #tpu.memory_space<vmem_shared>> -> memref<32x128xf32, #tpu.memory_space<vmem_shared>>
    tpu.wait_dma2 semaphore(%arg12 : memref<!tpu.dma_semaphore, #tpu.memory_space<semaphore_mem>>) src(%arg9 : memref<32x128xf32, #tpu.memory_space<vmem>>) dst(%dma_wait3A_210 : memref<32x128xf32, #tpu.memory_space<vmem_shared>>)
    %mul3A_211 = arith.constant 640 : i32
    %mul3A_212 = arith.muli %arg1, %mul3A_211 : i32
    %add3A_213 = arith.constant 32 : i32
    %add3A_214 = arith.addi %mul3A_212, %add3A_213 : i32
    %dma_wait3A_215 = arith.constant 0 : i32
    %dma_wait3A_216 = tpu.memref_slice %arg10[%add3A_214, %dma_wait3A_215] : memref<10240x128xf32, #tpu.memory_space<vmem_shared>> -> memref<32x128xf32, #tpu.memory_space<vmem_shared>>
    %dma_wait3A_217 = arith.constant 0 : i32
    %dma_wait3A_218 = tpu.memref_slice %arg10[%add3A_214, %dma_wait3A_217] : memref<10240x128xf32, #tpu.memory_space<vmem_shared>> -> memref<32x128xf32, #tpu.memory_space<vmem_shared>>
    tpu.wait_dma2 semaphore(%arg13 : memref<!tpu.dma_semaphore, #tpu.memory_space<semaphore_mem>>) src(%arg9 : memref<32x128xf32, #tpu.memory_space<vmem>>) dst(%dma_wait3A_218 : memref<32x128xf32, #tpu.memory_space<vmem_shared>>)
    %mul3A_219 = arith.constant 640 : i32
    %mul3A_220 = arith.muli %arg1, %mul3A_219 : i32
    %add3A_221 = arith.constant 64 : i32
    %add3A_222 = arith.addi %mul3A_220, %add3A_221 : i32
    %dma_wait3A_223 = arith.constant 0 : i32
    %dma_wait3A_224 = tpu.memref_slice %arg10[%add3A_222, %dma_wait3A_223] : memref<10240x128xf32, #tpu.memory_space<vmem_shared>> -> memref<32x128xf32, #tpu.memory_space<vmem_shared>>
    %dma_wait3A_225 = arith.constant 0 : i32
    %dma_wait3A_226 = tpu.memref_slice %arg10[%add3A_222, %dma_wait3A_225] : memref<10240x128xf32, #tpu.memory_space<vmem_shared>> -> memref<32x128xf32, #tpu.memory_space<vmem_shared>>
    tpu.wait_dma2 semaphore(%arg12 : memref<!tpu.dma_semaphore, #tpu.memory_space<semaphore_mem>>) src(%arg9 : memref<32x128xf32, #tpu.memory_space<vmem>>) dst(%dma_wait3A_226 : memref<32x128xf32, #tpu.memory_space<vmem_shared>>)
    %mul3A_227 = arith.constant 640 : i32
    %mul3A_228 = arith.muli %arg1, %mul3A_227 : i32
    %add3A_229 = arith.constant 96 : i32
    %add3A_230 = arith.addi %mul3A_228, %add3A_229 : i32
    %dma_wait3A_231 = arith.constant 0 : i32
    %dma_wait3A_232 = tpu.memref_slice %arg10[%add3A_230, %dma_wait3A_231] : memref<10240x128xf32, #tpu.memory_space<vmem_shared>> -> memref<32x128xf32, #tpu.memory_space<vmem_shared>>
    %dma_wait3A_233 = arith.constant 0 : i32
    %dma_wait3A_234 = tpu.memref_slice %arg10[%add3A_230, %dma_wait3A_233] : memref<10240x128xf32, #tpu.memory_space<vmem_shared>> -> memref<32x128xf32, #tpu.memory_space<vmem_shared>>
    tpu.wait_dma2 semaphore(%arg13 : memref<!tpu.dma_semaphore, #tpu.memory_space<semaphore_mem>>) src(%arg9 : memref<32x128xf32, #tpu.memory_space<vmem>>) dst(%dma_wait3A_234 : memref<32x128xf32, #tpu.memory_space<vmem_shared>>)
    %mul3A_235 = arith.constant 640 : i32
    %mul3A_236 = arith.muli %arg1, %mul3A_235 : i32
    %add3A_237 = arith.constant 128 : i32
    %add3A_238 = arith.addi %mul3A_236, %add3A_237 : i32
    %dma_wait3A_239 = arith.constant 0 : i32
    %dma_wait3A_240 = tpu.memref_slice %arg10[%add3A_238, %dma_wait3A_239] : memref<10240x128xf32, #tpu.memory_space<vmem_shared>> -> memref<32x128xf32, #tpu.memory_space<vmem_shared>>
    %dma_wait3A_241 = arith.constant 0 : i32
    %dma_wait3A_242 = tpu.memref_slice %arg10[%add3A_238, %dma_wait3A_241] : memref<10240x128xf32, #tpu.memory_space<vmem_shared>> -> memref<32x128xf32, #tpu.memory_space<vmem_shared>>
    tpu.wait_dma2 semaphore(%arg12 : memref<!tpu.dma_semaphore, #tpu.memory_space<semaphore_mem>>) src(%arg9 : memref<32x128xf32, #tpu.memory_space<vmem>>) dst(%dma_wait3A_242 : memref<32x128xf32, #tpu.memory_space<vmem_shared>>)
    %mul3A_243 = arith.constant 640 : i32
    %mul3A_244 = arith.muli %arg1, %mul3A_243 : i32
    %add3A_245 = arith.constant 160 : i32
    %add3A_246 = arith.addi %mul3A_244, %add3A_245 : i32
    %dma_wait3A_247 = arith.constant 0 : i32
    %dma_wait3A_248 = tpu.memref_slice %arg10[%add3A_246, %dma_wait3A_247] : memref<10240x128xf32, #tpu.memory_space<vmem_shared>> -> memref<32x128xf32, #tpu.memory_space<vmem_shared>>
    %dma_wait3A_249 = arith.constant 0 : i32
    %dma_wait3A_250 = tpu.memref_slice %arg10[%add3A_246, %dma_wait3A_249] : memref<10240x128xf32, #tpu.memory_space<vmem_shared>> -> memref<32x128xf32, #tpu.memory_space<vmem_shared>>
    tpu.wait_dma2 semaphore(%arg13 : memref<!tpu.dma_semaphore, #tpu.memory_space<semaphore_mem>>) src(%arg9 : memref<32x128xf32, #tpu.memory_space<vmem>>) dst(%dma_wait3A_250 : memref<32x128xf32, #tpu.memory_space<vmem_shared>>)
    %mul3A_251 = arith.constant 640 : i32
    %mul3A_252 = arith.muli %arg1, %mul3A_251 : i32
    %add3A_253 = arith.constant 192 : i32
    %add3A_254 = arith.addi %mul3A_252, %add3A_253 : i32
    %dma_wait3A_255 = arith.constant 0 : i32
    %dma_wait3A_256 = tpu.memref_slice %arg10[%add3A_254, %dma_wait3A_255] : memref<10240x128xf32, #tpu.memory_space<vmem_shared>> -> memref<32x128xf32, #tpu.memory_space<vmem_shared>>
    %dma_wait3A_257 = arith.constant 0 : i32
    %dma_wait3A_258 = tpu.memref_slice %arg10[%add3A_254, %dma_wait3A_257] : memref<10240x128xf32, #tpu.memory_space<vmem_shared>> -> memref<32x128xf32, #tpu.memory_space<vmem_shared>>
    tpu.wait_dma2 semaphore(%arg12 : memref<!tpu.dma_semaphore, #tpu.memory_space<semaphore_mem>>) src(%arg9 : memref<32x128xf32, #tpu.memory_space<vmem>>) dst(%dma_wait3A_258 : memref<32x128xf32, #tpu.memory_space<vmem_shared>>)
    %mul3A_259 = arith.constant 640 : i32
    %mul3A_260 = arith.muli %arg1, %mul3A_259 : i32
    %add3A_261 = arith.constant 224 : i32
    %add3A_262 = arith.addi %mul3A_260, %add3A_261 : i32
    %dma_wait3A_263 = arith.constant 0 : i32
    %dma_wait3A_264 = tpu.memref_slice %arg10[%add3A_262, %dma_wait3A_263] : memref<10240x128xf32, #tpu.memory_space<vmem_shared>> -> memref<32x128xf32, #tpu.memory_space<vmem_shared>>
    %dma_wait3A_265 = arith.constant 0 : i32
    %dma_wait3A_266 = tpu.memref_slice %arg10[%add3A_262, %dma_wait3A_265] : memref<10240x128xf32, #tpu.memory_space<vmem_shared>> -> memref<32x128xf32, #tpu.memory_space<vmem_shared>>
    tpu.wait_dma2 semaphore(%arg13 : memref<!tpu.dma_semaphore, #tpu.memory_space<semaphore_mem>>) src(%arg9 : memref<32x128xf32, #tpu.memory_space<vmem>>) dst(%dma_wait3A_266 : memref<32x128xf32, #tpu.memory_space<vmem_shared>>)
    %mul3A_267 = arith.constant 640 : i32
    %mul3A_268 = arith.muli %arg1, %mul3A_267 : i32
    %add3A_269 = arith.constant 256 : i32
    %add3A_270 = arith.addi %mul3A_268, %add3A_269 : i32
    %dma_wait3A_271 = arith.constant 0 : i32
    %dma_wait3A_272 = tpu.memref_slice %arg10[%add3A_270, %dma_wait3A_271] : memref<10240x128xf32, #tpu.memory_space<vmem_shared>> -> memref<32x128xf32, #tpu.memory_space<vmem_shared>>
    %dma_wait3A_273 = arith.constant 0 : i32
    %dma_wait3A_274 = tpu.memref_slice %arg10[%add3A_270, %dma_wait3A_273] : memref<10240x128xf32, #tpu.memory_space<vmem_shared>> -> memref<32x128xf32, #tpu.memory_space<vmem_shared>>
    tpu.wait_dma2 semaphore(%arg12 : memref<!tpu.dma_semaphore, #tpu.memory_space<semaphore_mem>>) src(%arg9 : memref<32x128xf32, #tpu.memory_space<vmem>>) dst(%dma_wait3A_274 : memref<32x128xf32, #tpu.memory_space<vmem_shared>>)
    %mul3A_275 = arith.constant 640 : i32
    %mul3A_276 = arith.muli %arg1, %mul3A_275 : i32
    %add3A_277 = arith.constant 288 : i32
    %add3A_278 = arith.addi %mul3A_276, %add3A_277 : i32
    %dma_wait3A_279 = arith.constant 0 : i32
    %dma_wait3A_280 = tpu.memref_slice %arg10[%add3A_278, %dma_wait3A_279] : memref<10240x128xf32, #tpu.memory_space<vmem_shared>> -> memref<32x128xf32, #tpu.memory_space<vmem_shared>>
    %dma_wait3A_281 = arith.constant 0 : i32
    %dma_wait3A_282 = tpu.memref_slice %arg10[%add3A_278, %dma_wait3A_281] : memref<10240x128xf32, #tpu.memory_space<vmem_shared>> -> memref<32x128xf32, #tpu.memory_space<vmem_shared>>
    tpu.wait_dma2 semaphore(%arg13 : memref<!tpu.dma_semaphore, #tpu.memory_space<semaphore_mem>>) src(%arg9 : memref<32x128xf32, #tpu.memory_space<vmem>>) dst(%dma_wait3A_282 : memref<32x128xf32, #tpu.memory_space<vmem_shared>>)
    %mul3A_283 = arith.constant 640 : i32
    %mul3A_284 = arith.muli %arg1, %mul3A_283 : i32
    %add3A_285 = arith.constant 320 : i32
    %add3A_286 = arith.addi %mul3A_284, %add3A_285 : i32
    %dma_wait3A_287 = arith.constant 0 : i32
    %dma_wait3A_288 = tpu.memref_slice %arg10[%add3A_286, %dma_wait3A_287] : memref<10240x128xf32, #tpu.memory_space<vmem_shared>> -> memref<32x128xf32, #tpu.memory_space<vmem_shared>>
    %dma_wait3A_289 = arith.constant 0 : i32
    %dma_wait3A_290 = tpu.memref_slice %arg10[%add3A_286, %dma_wait3A_289] : memref<10240x128xf32, #tpu.memory_space<vmem_shared>> -> memref<32x128xf32, #tpu.memory_space<vmem_shared>>
    tpu.wait_dma2 semaphore(%arg12 : memref<!tpu.dma_semaphore, #tpu.memory_space<semaphore_mem>>) src(%arg9 : memref<32x128xf32, #tpu.memory_space<vmem>>) dst(%dma_wait3A_290 : memref<32x128xf32, #tpu.memory_space<vmem_shared>>)
    %mul3A_291 = arith.constant 640 : i32
    %mul3A_292 = arith.muli %arg1, %mul3A_291 : i32
    %add3A_293 = arith.constant 352 : i32
    %add3A_294 = arith.addi %mul3A_292, %add3A_293 : i32
    %dma_wait3A_295 = arith.constant 0 : i32
    %dma_wait3A_296 = tpu.memref_slice %arg10[%add3A_294, %dma_wait3A_295] : memref<10240x128xf32, #tpu.memory_space<vmem_shared>> -> memref<32x128xf32, #tpu.memory_space<vmem_shared>>
    %dma_wait3A_297 = arith.constant 0 : i32
    %dma_wait3A_298 = tpu.memref_slice %arg10[%add3A_294, %dma_wait3A_297] : memref<10240x128xf32, #tpu.memory_space<vmem_shared>> -> memref<32x128xf32, #tpu.memory_space<vmem_shared>>
    tpu.wait_dma2 semaphore(%arg13 : memref<!tpu.dma_semaphore, #tpu.memory_space<semaphore_mem>>) src(%arg9 : memref<32x128xf32, #tpu.memory_space<vmem>>) dst(%dma_wait3A_298 : memref<32x128xf32, #tpu.memory_space<vmem_shared>>)
    %mul3A_299 = arith.constant 640 : i32
    %mul3A_300 = arith.muli %arg1, %mul3A_299 : i32
    %add3A_301 = arith.constant 384 : i32
    %add3A_302 = arith.addi %mul3A_300, %add3A_301 : i32
    %dma_wait3A_303 = arith.constant 0 : i32
    %dma_wait3A_304 = tpu.memref_slice %arg10[%add3A_302, %dma_wait3A_303] : memref<10240x128xf32, #tpu.memory_space<vmem_shared>> -> memref<32x128xf32, #tpu.memory_space<vmem_shared>>
    %dma_wait3A_305 = arith.constant 0 : i32
    %dma_wait3A_306 = tpu.memref_slice %arg10[%add3A_302, %dma_wait3A_305] : memref<10240x128xf32, #tpu.memory_space<vmem_shared>> -> memref<32x128xf32, #tpu.memory_space<vmem_shared>>
    tpu.wait_dma2 semaphore(%arg12 : memref<!tpu.dma_semaphore, #tpu.memory_space<semaphore_mem>>) src(%arg9 : memref<32x128xf32, #tpu.memory_space<vmem>>) dst(%dma_wait3A_306 : memref<32x128xf32, #tpu.memory_space<vmem_shared>>)
    %mul3A_307 = arith.constant 640 : i32
    %mul3A_308 = arith.muli %arg1, %mul3A_307 : i32
    %add3A_309 = arith.constant 416 : i32
    %add3A_310 = arith.addi %mul3A_308, %add3A_309 : i32
    %dma_wait3A_311 = arith.constant 0 : i32
    %dma_wait3A_312 = tpu.memref_slice %arg10[%add3A_310, %dma_wait3A_311] : memref<10240x128xf32, #tpu.memory_space<vmem_shared>> -> memref<32x128xf32, #tpu.memory_space<vmem_shared>>
    %dma_wait3A_313 = arith.constant 0 : i32
    %dma_wait3A_314 = tpu.memref_slice %arg10[%add3A_310, %dma_wait3A_313] : memref<10240x128xf32, #tpu.memory_space<vmem_shared>> -> memref<32x128xf32, #tpu.memory_space<vmem_shared>>
    tpu.wait_dma2 semaphore(%arg13 : memref<!tpu.dma_semaphore, #tpu.memory_space<semaphore_mem>>) src(%arg9 : memref<32x128xf32, #tpu.memory_space<vmem>>) dst(%dma_wait3A_314 : memref<32x128xf32, #tpu.memory_space<vmem_shared>>)
    %mul3A_315 = arith.constant 640 : i32
    %mul3A_316 = arith.muli %arg1, %mul3A_315 : i32
    %add3A_317 = arith.constant 448 : i32
    %add3A_318 = arith.addi %mul3A_316, %add3A_317 : i32
    %dma_wait3A_319 = arith.constant 0 : i32
    %dma_wait3A_320 = tpu.memref_slice %arg10[%add3A_318, %dma_wait3A_319] : memref<10240x128xf32, #tpu.memory_space<vmem_shared>> -> memref<32x128xf32, #tpu.memory_space<vmem_shared>>
    %dma_wait3A_321 = arith.constant 0 : i32
    %dma_wait3A_322 = tpu.memref_slice %arg10[%add3A_318, %dma_wait3A_321] : memref<10240x128xf32, #tpu.memory_space<vmem_shared>> -> memref<32x128xf32, #tpu.memory_space<vmem_shared>>
    tpu.wait_dma2 semaphore(%arg12 : memref<!tpu.dma_semaphore, #tpu.memory_space<semaphore_mem>>) src(%arg9 : memref<32x128xf32, #tpu.memory_space<vmem>>) dst(%dma_wait3A_322 : memref<32x128xf32, #tpu.memory_space<vmem_shared>>)
    %mul3A_323 = arith.constant 640 : i32
    %mul3A_324 = arith.muli %arg1, %mul3A_323 : i32
    %add3A_325 = arith.constant 480 : i32
    %add3A_326 = arith.addi %mul3A_324, %add3A_325 : i32
    %dma_wait3A_327 = arith.constant 0 : i32
    %dma_wait3A_328 = tpu.memref_slice %arg10[%add3A_326, %dma_wait3A_327] : memref<10240x128xf32, #tpu.memory_space<vmem_shared>> -> memref<32x128xf32, #tpu.memory_space<vmem_shared>>
    %dma_wait3A_329 = arith.constant 0 : i32
    %dma_wait3A_330 = tpu.memref_slice %arg10[%add3A_326, %dma_wait3A_329] : memref<10240x128xf32, #tpu.memory_space<vmem_shared>> -> memref<32x128xf32, #tpu.memory_space<vmem_shared>>
    tpu.wait_dma2 semaphore(%arg13 : memref<!tpu.dma_semaphore, #tpu.memory_space<semaphore_mem>>) src(%arg9 : memref<32x128xf32, #tpu.memory_space<vmem>>) dst(%dma_wait3A_330 : memref<32x128xf32, #tpu.memory_space<vmem_shared>>)
    %mul3A_331 = arith.constant 640 : i32
    %mul3A_332 = arith.muli %arg1, %mul3A_331 : i32
    %add3A_333 = arith.constant 512 : i32
    %add3A_334 = arith.addi %mul3A_332, %add3A_333 : i32
    %dma_wait3A_335 = arith.constant 0 : i32
    %dma_wait3A_336 = tpu.memref_slice %arg10[%add3A_334, %dma_wait3A_335] : memref<10240x128xf32, #tpu.memory_space<vmem_shared>> -> memref<32x128xf32, #tpu.memory_space<vmem_shared>>
    %dma_wait3A_337 = arith.constant 0 : i32
    %dma_wait3A_338 = tpu.memref_slice %arg10[%add3A_334, %dma_wait3A_337] : memref<10240x128xf32, #tpu.memory_space<vmem_shared>> -> memref<32x128xf32, #tpu.memory_space<vmem_shared>>
    tpu.wait_dma2 semaphore(%arg12 : memref<!tpu.dma_semaphore, #tpu.memory_space<semaphore_mem>>) src(%arg9 : memref<32x128xf32, #tpu.memory_space<vmem>>) dst(%dma_wait3A_338 : memref<32x128xf32, #tpu.memory_space<vmem_shared>>)
    %mul3A_339 = arith.constant 640 : i32
    %mul3A_340 = arith.muli %arg1, %mul3A_339 : i32
    %add3A_341 = arith.constant 544 : i32
    %add3A_342 = arith.addi %mul3A_340, %add3A_341 : i32
    %dma_wait3A_343 = arith.constant 0 : i32
    %dma_wait3A_344 = tpu.memref_slice %arg10[%add3A_342, %dma_wait3A_343] : memref<10240x128xf32, #tpu.memory_space<vmem_shared>> -> memref<32x128xf32, #tpu.memory_space<vmem_shared>>
    %dma_wait3A_345 = arith.constant 0 : i32
    %dma_wait3A_346 = tpu.memref_slice %arg10[%add3A_342, %dma_wait3A_345] : memref<10240x128xf32, #tpu.memory_space<vmem_shared>> -> memref<32x128xf32, #tpu.memory_space<vmem_shared>>
    tpu.wait_dma2 semaphore(%arg13 : memref<!tpu.dma_semaphore, #tpu.memory_space<semaphore_mem>>) src(%arg9 : memref<32x128xf32, #tpu.memory_space<vmem>>) dst(%dma_wait3A_346 : memref<32x128xf32, #tpu.memory_space<vmem_shared>>)
    %mul3A_347 = arith.constant 640 : i32
    %mul3A_348 = arith.muli %arg1, %mul3A_347 : i32
    %add3A_349 = arith.constant 576 : i32
    %add3A_350 = arith.addi %mul3A_348, %add3A_349 : i32
    %dma_wait3A_351 = arith.constant 0 : i32
    %dma_wait3A_352 = tpu.memref_slice %arg10[%add3A_350, %dma_wait3A_351] : memref<10240x128xf32, #tpu.memory_space<vmem_shared>> -> memref<32x128xf32, #tpu.memory_space<vmem_shared>>
    %dma_wait3A_353 = arith.constant 0 : i32
    %dma_wait3A_354 = tpu.memref_slice %arg10[%add3A_350, %dma_wait3A_353] : memref<10240x128xf32, #tpu.memory_space<vmem_shared>> -> memref<32x128xf32, #tpu.memory_space<vmem_shared>>
    tpu.wait_dma2 semaphore(%arg12 : memref<!tpu.dma_semaphore, #tpu.memory_space<semaphore_mem>>) src(%arg9 : memref<32x128xf32, #tpu.memory_space<vmem>>) dst(%dma_wait3A_354 : memref<32x128xf32, #tpu.memory_space<vmem_shared>>)
    %mul3A_355 = arith.constant 640 : i32
    %mul3A_356 = arith.muli %arg1, %mul3A_355 : i32
    %add3A_357 = arith.constant 608 : i32
    %add3A_358 = arith.addi %mul3A_356, %add3A_357 : i32
    %dma_wait3A_359 = arith.constant 0 : i32
    %dma_wait3A_360 = tpu.memref_slice %arg10[%add3A_358, %dma_wait3A_359] : memref<10240x128xf32, #tpu.memory_space<vmem_shared>> -> memref<32x128xf32, #tpu.memory_space<vmem_shared>>
    %dma_wait3A_361 = arith.constant 0 : i32
    %dma_wait3A_362 = tpu.memref_slice %arg10[%add3A_358, %dma_wait3A_361] : memref<10240x128xf32, #tpu.memory_space<vmem_shared>> -> memref<32x128xf32, #tpu.memory_space<vmem_shared>>
    tpu.wait_dma2 semaphore(%arg13 : memref<!tpu.dma_semaphore, #tpu.memory_space<semaphore_mem>>) src(%arg9 : memref<32x128xf32, #tpu.memory_space<vmem>>) dst(%dma_wait3A_362 : memref<32x128xf32, #tpu.memory_space<vmem_shared>>)
    %dma_wait3A_363 = arith.constant 0 : i32
    %dma_wait3A_364 = arith.constant 0 : i32
    %dma_wait3A_365 = arith.constant 0 : i32
    %dma_wait3A_366 = tpu.memref_slice %arg6[%dma_wait3A_363, %dma_wait3A_364, %dma_wait3A_365] : memref<2x2x125xi32, #tpu.memory_space<vmem>> -> memref<1x2x125xi32, #tpu.memory_space<vmem>>
    %dma_wait3A_367 = tpu.memref_squeeze %dma_wait3A_366 : memref<1x2x125xi32, #tpu.memory_space<vmem>> -> memref<2x125xi32, #tpu.memory_space<vmem>>
    %dma_wait3A_368 = arith.constant 0 : i32
    %dma_wait3A_369 = arith.constant 0 : i32
    %dma_wait3A_370 = tpu.memref_slice %arg3[%mul3A_2, %dma_wait3A_368, %dma_wait3A_369] : memref<2560x2x125xi32, #tpu.memory_space<hbm>> -> memref<1x2x125xi32, #tpu.memory_space<hbm>>
    %dma_wait3A_371 = tpu.memref_squeeze %dma_wait3A_370 : memref<1x2x125xi32, #tpu.memory_space<hbm>> -> memref<2x125xi32, #tpu.memory_space<hbm>>
    %dma_wait3A_372 = arith.constant 0 : i32
    %dma_wait3A_373 = arith.constant 0 : i32
    %dma_wait3A_374 = tpu.memref_slice %arg6[%dma_wait3A_363, %dma_wait3A_372, %dma_wait3A_373] : memref<2x2x125xi32, #tpu.memory_space<vmem>> -> memref<1x2x125xi32, #tpu.memory_space<vmem>>
    %dma_wait3A_375 = tpu.memref_squeeze %dma_wait3A_374 : memref<1x2x125xi32, #tpu.memory_space<vmem>> -> memref<2x125xi32, #tpu.memory_space<vmem>>
    %dma_wait3A_376 = arith.constant 0 : i32
    %dma_wait3A_377 = arith.constant 0 : i32
    %dma_wait3A_378 = tpu.memref_slice %arg3[%mul3A_2, %dma_wait3A_376, %dma_wait3A_377] : memref<2560x2x125xi32, #tpu.memory_space<hbm>> -> memref<1x2x125xi32, #tpu.memory_space<hbm>>
    %dma_wait3A_379 = tpu.memref_squeeze %dma_wait3A_378 : memref<1x2x125xi32, #tpu.memory_space<hbm>> -> memref<2x125xi32, #tpu.memory_space<hbm>>
    tpu.wait_dma2 semaphore(%arg11 : memref<!tpu.dma_semaphore, #tpu.memory_space<semaphore_mem>>) src(%dma_wait3A_379 : memref<2x125xi32, #tpu.memory_space<hbm>>) dst(%dma_wait3A_375 : memref<2x125xi32, #tpu.memory_space<vmem>>)
    %dma_wait3A_380 = arith.constant 0 : i32
    %dma_wait3A_381 = arith.constant 0 : i32
    %dma_wait3A_382 = arith.constant 0 : i32
    %dma_wait3A_383 = tpu.memref_slice %arg7[%dma_wait3A_380, %dma_wait3A_381, %dma_wait3A_382] : memref<2x2x125xi32, #tpu.memory_space<vmem>> -> memref<1x2x125xi32, #tpu.memory_space<vmem>>
    %dma_wait3A_384 = tpu.memref_squeeze %dma_wait3A_383 : memref<1x2x125xi32, #tpu.memory_space<vmem>> -> memref<2x125xi32, #tpu.memory_space<vmem>>
    %dma_wait3A_385 = arith.constant 0 : i32
    %dma_wait3A_386 = arith.constant 0 : i32
    %dma_wait3A_387 = tpu.memref_slice %arg4[%mul3A_4, %dma_wait3A_385, %dma_wait3A_386] : memref<1280x2x125xi32, #tpu.memory_space<hbm>> -> memref<1x2x125xi32, #tpu.memory_space<hbm>>
    %dma_wait3A_388 = tpu.memref_squeeze %dma_wait3A_387 : memref<1x2x125xi32, #tpu.memory_space<hbm>> -> memref<2x125xi32, #tpu.memory_space<hbm>>
    %dma_wait3A_389 = arith.constant 0 : i32
    %dma_wait3A_390 = arith.constant 0 : i32
    %dma_wait3A_391 = tpu.memref_slice %arg7[%dma_wait3A_380, %dma_wait3A_389, %dma_wait3A_390] : memref<2x2x125xi32, #tpu.memory_space<vmem>> -> memref<1x2x125xi32, #tpu.memory_space<vmem>>
    %dma_wait3A_392 = tpu.memref_squeeze %dma_wait3A_391 : memref<1x2x125xi32, #tpu.memory_space<vmem>> -> memref<2x125xi32, #tpu.memory_space<vmem>>
    %dma_wait3A_393 = arith.constant 0 : i32
    %dma_wait3A_394 = arith.constant 0 : i32
    %dma_wait3A_395 = tpu.memref_slice %arg4[%mul3A_4, %dma_wait3A_393, %dma_wait3A_394] : memref<1280x2x125xi32, #tpu.memory_space<hbm>> -> memref<1x2x125xi32, #tpu.memory_space<hbm>>
    %dma_wait3A_396 = tpu.memref_squeeze %dma_wait3A_395 : memref<1x2x125xi32, #tpu.memory_space<hbm>> -> memref<2x125xi32, #tpu.memory_space<hbm>>
    tpu.wait_dma2 semaphore(%arg11 : memref<!tpu.dma_semaphore, #tpu.memory_space<semaphore_mem>>) src(%dma_wait3A_396 : memref<2x125xi32, #tpu.memory_space<hbm>>) dst(%dma_wait3A_392 : memref<2x125xi32, #tpu.memory_space<vmem>>)
    %dma_start3A_397 = arith.constant 0 : i32
    %dma_start3A_398 = arith.constant 0 : i32
    %dma_start3A_399 = arith.constant 0 : i32
    %dma_start3A_400 = arith.constant 0 : i32
    %dma_start3A_401 = arith.constant 0 : i32
    %dma_start3A_402 = tpu.memref_slice %arg8[%dma_start3A_399, %dma_start3A_400, %dma_start3A_401] : memref<2x125x128xf32, #tpu.memory_space<vmem>> -> memref<1x125x128xf32, #tpu.memory_space<vmem>>
    %dma_start3A_403 = tpu.memref_squeeze %dma_start3A_402 : memref<1x125x128xf32, #tpu.memory_space<vmem>> -> memref<125x128xf32, #tpu.memory_space<vmem>>
    %dma_start3A_404 = arith.constant 0 : i32
    %dma_start3A_405 = tpu.memref_slice %arg6[%dma_start3A_397, %dma_start3A_398, %dma_start3A_404] : memref<2x2x125xi32, #tpu.memory_space<vmem>> -> memref<1x1x125xi32, #tpu.memory_space<vmem>>
    %dma_start3A_406 = tpu.memref_squeeze %dma_start3A_405 : memref<1x1x125xi32, #tpu.memory_space<vmem>> -> memref<125xi32, #tpu.memory_space<vmem>>
    %dma_start3A_407 = arith.constant 0 : i32
    %dma_start3A_408 = arith.constant 0 : i32
    %dma_start3A_409 = tpu.memref_slice %arg2[%dma_start3A_407, %dma_start3A_408] : memref<20000x128xf32, #tpu.memory_space<hbm>> -> memref<20000x128xf32, #tpu.memory_space<hbm>>
    tpu.enqueue_indirect_dma source(%dma_start3A_409 : memref<20000x128xf32, #tpu.memory_space<hbm>>) target(%dma_start3A_403 : memref<125x128xf32, #tpu.memory_space<vmem>>) offsets(%dma_start3A_406 : memref<125xi32, #tpu.memory_space<vmem>>) semaphore(%arg12 : memref<!tpu.dma_semaphore, #tpu.memory_space<semaphore_mem>>)
    %dma_start3A_410 = arith.constant 0 : i32
    %dma_start3A_411 = arith.constant 1 : i32
    %dma_start3A_412 = arith.constant 1 : i32
    %dma_start3A_413 = arith.constant 0 : i32
    %dma_start3A_414 = arith.constant 0 : i32
    %dma_start3A_415 = tpu.memref_slice %arg8[%dma_start3A_412, %dma_start3A_413, %dma_start3A_414] : memref<2x125x128xf32, #tpu.memory_space<vmem>> -> memref<1x125x128xf32, #tpu.memory_space<vmem>>
    %dma_start3A_416 = tpu.memref_squeeze %dma_start3A_415 : memref<1x125x128xf32, #tpu.memory_space<vmem>> -> memref<125x128xf32, #tpu.memory_space<vmem>>
    %dma_start3A_417 = arith.constant 0 : i32
    %dma_start3A_418 = tpu.memref_slice %arg6[%dma_start3A_410, %dma_start3A_411, %dma_start3A_417] : memref<2x2x125xi32, #tpu.memory_space<vmem>> -> memref<1x1x125xi32, #tpu.memory_space<vmem>>
    %dma_start3A_419 = tpu.memref_squeeze %dma_start3A_418 : memref<1x1x125xi32, #tpu.memory_space<vmem>> -> memref<125xi32, #tpu.memory_space<vmem>>
    %dma_start3A_420 = arith.constant 0 : i32
    %dma_start3A_421 = arith.constant 0 : i32
    %dma_start3A_422 = tpu.memref_slice %arg2[%dma_start3A_420, %dma_start3A_421] : memref<20000x128xf32, #tpu.memory_space<hbm>> -> memref<20000x128xf32, #tpu.memory_space<hbm>>
    tpu.enqueue_indirect_dma source(%dma_start3A_422 : memref<20000x128xf32, #tpu.memory_space<hbm>>) target(%dma_start3A_416 : memref<125x128xf32, #tpu.memory_space<vmem>>) offsets(%dma_start3A_419 : memref<125xi32, #tpu.memory_space<vmem>>) semaphore(%arg13 : memref<!tpu.dma_semaphore, #tpu.memory_space<semaphore_mem>>)
    %add3A_423 = arith.constant 1 : i32
    %add3A_424 = arith.addi %mul3A_2, %add3A_423 : i32
    %dma_start3A_425 = arith.constant 1 : i32
    %dma_start3A_426 = arith.constant 0 : i32
    %dma_start3A_427 = arith.constant 0 : i32
    %dma_start3A_428 = tpu.memref_slice %arg6[%dma_start3A_425, %dma_start3A_426, %dma_start3A_427] : memref<2x2x125xi32, #tpu.memory_space<vmem>> -> memref<1x2x125xi32, #tpu.memory_space<vmem>>
    %dma_start3A_429 = tpu.memref_squeeze %dma_start3A_428 : memref<1x2x125xi32, #tpu.memory_space<vmem>> -> memref<2x125xi32, #tpu.memory_space<vmem>>
    %dma_start3A_430 = arith.constant 0 : i32
    %dma_start3A_431 = arith.constant 0 : i32
    %dma_start3A_432 = tpu.memref_slice %arg3[%add3A_424, %dma_start3A_430, %dma_start3A_431] : memref<2560x2x125xi32, #tpu.memory_space<hbm>> -> memref<1x2x125xi32, #tpu.memory_space<hbm>>
    %dma_start3A_433 = tpu.memref_squeeze %dma_start3A_432 : memref<1x2x125xi32, #tpu.memory_space<hbm>> -> memref<2x125xi32, #tpu.memory_space<hbm>>
    %dma_start3A_434 = arith.constant 0 : i32
    %dma_start3A_435 = arith.constant 0 : i32
    %dma_start3A_436 = tpu.memref_slice %arg6[%dma_start3A_425, %dma_start3A_434, %dma_start3A_435] : memref<2x2x125xi32, #tpu.memory_space<vmem>> -> memref<1x2x125xi32, #tpu.memory_space<vmem>>
    %dma_start3A_437 = tpu.memref_squeeze %dma_start3A_436 : memref<1x2x125xi32, #tpu.memory_space<vmem>> -> memref<2x125xi32, #tpu.memory_space<vmem>>
    %dma_start3A_438 = arith.constant 0 : i32
    %dma_start3A_439 = arith.constant 0 : i32
    %dma_start3A_440 = tpu.memref_slice %arg3[%add3A_424, %dma_start3A_438, %dma_start3A_439] : memref<2560x2x125xi32, #tpu.memory_space<hbm>> -> memref<1x2x125xi32, #tpu.memory_space<hbm>>
    %dma_start3A_441 = tpu.memref_squeeze %dma_start3A_440 : memref<1x2x125xi32, #tpu.memory_space<hbm>> -> memref<2x125xi32, #tpu.memory_space<hbm>>
    tpu.enqueue_dma source(%dma_start3A_441 : memref<2x125xi32, #tpu.memory_space<hbm>>) target(%dma_start3A_437 : memref<2x125xi32, #tpu.memory_space<vmem>>) target_semaphore(%arg11 : memref<!tpu.dma_semaphore, #tpu.memory_space<semaphore_mem>>)
    %add3A_442 = arith.constant 1 : i32
    %add3A_443 = arith.addi %mul3A_4, %add3A_442 : i32
    %dma_start3A_444 = arith.constant 1 : i32
    %dma_start3A_445 = arith.constant 0 : i32
    %dma_start3A_446 = arith.constant 0 : i32
    %dma_start3A_447 = tpu.memref_slice %arg7[%dma_start3A_444, %dma_start3A_445, %dma_start3A_446] : memref<2x2x125xi32, #tpu.memory_space<vmem>> -> memref<1x2x125xi32, #tpu.memory_space<vmem>>
    %dma_start3A_448 = tpu.memref_squeeze %dma_start3A_447 : memref<1x2x125xi32, #tpu.memory_space<vmem>> -> memref<2x125xi32, #tpu.memory_space<vmem>>
    %dma_start3A_449 = arith.constant 0 : i32
    %dma_start3A_450 = arith.constant 0 : i32
    %dma_start3A_451 = tpu.memref_slice %arg4[%add3A_443, %dma_start3A_449, %dma_start3A_450] : memref<1280x2x125xi32, #tpu.memory_space<hbm>> -> memref<1x2x125xi32, #tpu.memory_space<hbm>>
    %dma_start3A_452 = tpu.memref_squeeze %dma_start3A_451 : memref<1x2x125xi32, #tpu.memory_space<hbm>> -> memref<2x125xi32, #tpu.memory_space<hbm>>
    %dma_start3A_453 = arith.constant 0 : i32
    %dma_start3A_454 = arith.constant 0 : i32
    %dma_start3A_455 = tpu.memref_slice %arg7[%dma_start3A_444, %dma_start3A_453, %dma_start3A_454] : memref<2x2x125xi32, #tpu.memory_space<vmem>> -> memref<1x2x125xi32, #tpu.memory_space<vmem>>
    %dma_start3A_456 = tpu.memref_squeeze %dma_start3A_455 : memref<1x2x125xi32, #tpu.memory_space<vmem>> -> memref<2x125xi32, #tpu.memory_space<vmem>>
    %dma_start3A_457 = arith.constant 0 : i32
    %dma_start3A_458 = arith.constant 0 : i32
    %dma_start3A_459 = tpu.memref_slice %arg4[%add3A_443, %dma_start3A_457, %dma_start3A_458] : memref<1280x2x125xi32, #tpu.memory_space<hbm>> -> memref<1x2x125xi32, #tpu.memory_space<hbm>>
    %dma_start3A_460 = tpu.memref_squeeze %dma_start3A_459 : memref<1x2x125xi32, #tpu.memory_space<hbm>> -> memref<2x125xi32, #tpu.memory_space<hbm>>
    tpu.enqueue_dma source(%dma_start3A_460 : memref<2x125xi32, #tpu.memory_space<hbm>>) target(%dma_start3A_456 : memref<2x125xi32, #tpu.memory_space<vmem>>) target_semaphore(%arg11 : memref<!tpu.dma_semaphore, #tpu.memory_space<semaphore_mem>>)
    %barrier3A = arith.constant 0 : index
    tpu.barrier barrier_id(%barrier3A)
    %scan3A_461 = arith.constant 0 : i32
    %scan3A_462 = arith.constant 0 : i32
    %scan3A_463 = arith.constant 80 : i32
    %scan3A_464 = arith.addi %scan3A_462, %scan3A_463 : i32
    %scan3A_465 = arith.constant 1 : i32
    %scan3A_466 = scf.for %scan3A_473 = %scan3A_462 to %scan3A_464 step %scan3A_465 iter_args(%scan3A_474 = %scan3A_461) -> (i32)  : i32 {
      %rem3A = arith.constant 2 : i32
      %rem3A_475 = arith.remsi %scan3A_473, %rem3A : i32
      %sub3A = arith.constant 1 : i32
      %sub3A_476 = arith.subi %sub3A, %rem3A_475 : i32
      %add3A_477 = arith.constant 1 : i32
      %add3A_478 = arith.addi %scan3A_473, %add3A_477 : i32
      %lt3A = arith.constant 80 : i32
      %lt3A_479 = arith.cmpi slt, %add3A_478, %lt3A : i32
      %convert_element_type3A = arith.extui %lt3A_479 : i1 to i32
      %cond3A = arith.constant 0 : i32
      %cond3A_480 = arith.cmpi ne, %convert_element_type3A, %cond3A : i32
      scf.if %cond3A_480 {
        %add3A_530 = arith.addi %mul3A_2, %scan3A_473 : i32
        %add3A_531 = arith.constant 1 : i32
        %add3A_532 = arith.addi %add3A_530, %add3A_531 : i32
        %dma_wait3A_533 = arith.constant 0 : i32
        %dma_wait3A_534 = arith.constant 0 : i32
        %dma_wait3A_535 = tpu.memref_slice %arg6[%sub3A_476, %dma_wait3A_533, %dma_wait3A_534] : memref<2x2x125xi32, #tpu.memory_space<vmem>> -> memref<1x2x125xi32, #tpu.memory_space<vmem>>
        %dma_wait3A_536 = tpu.memref_squeeze %dma_wait3A_535 : memref<1x2x125xi32, #tpu.memory_space<vmem>> -> memref<2x125xi32, #tpu.memory_space<vmem>>
        %dma_wait3A_537 = arith.constant 0 : i32
        %dma_wait3A_538 = arith.constant 0 : i32
        %dma_wait3A_539 = tpu.memref_slice %arg3[%add3A_532, %dma_wait3A_537, %dma_wait3A_538] : memref<2560x2x125xi32, #tpu.memory_space<hbm>> -> memref<1x2x125xi32, #tpu.memory_space<hbm>>
        %dma_wait3A_540 = tpu.memref_squeeze %dma_wait3A_539 : memref<1x2x125xi32, #tpu.memory_space<hbm>> -> memref<2x125xi32, #tpu.memory_space<hbm>>
        %dma_wait3A_541 = arith.constant 0 : i32
        %dma_wait3A_542 = arith.constant 0 : i32
        %dma_wait3A_543 = tpu.memref_slice %arg6[%sub3A_476, %dma_wait3A_541, %dma_wait3A_542] : memref<2x2x125xi32, #tpu.memory_space<vmem>> -> memref<1x2x125xi32, #tpu.memory_space<vmem>>
        %dma_wait3A_544 = tpu.memref_squeeze %dma_wait3A_543 : memref<1x2x125xi32, #tpu.memory_space<vmem>> -> memref<2x125xi32, #tpu.memory_space<vmem>>
        %dma_wait3A_545 = arith.constant 0 : i32
        %dma_wait3A_546 = arith.constant 0 : i32
        %dma_wait3A_547 = tpu.memref_slice %arg3[%add3A_532, %dma_wait3A_545, %dma_wait3A_546] : memref<2560x2x125xi32, #tpu.memory_space<hbm>> -> memref<1x2x125xi32, #tpu.memory_space<hbm>>
        %dma_wait3A_548 = tpu.memref_squeeze %dma_wait3A_547 : memref<1x2x125xi32, #tpu.memory_space<hbm>> -> memref<2x125xi32, #tpu.memory_space<hbm>>
        tpu.wait_dma2 semaphore(%arg11 : memref<!tpu.dma_semaphore, #tpu.memory_space<semaphore_mem>>) src(%dma_wait3A_548 : memref<2x125xi32, #tpu.memory_space<hbm>>) dst(%dma_wait3A_544 : memref<2x125xi32, #tpu.memory_space<vmem>>)
        %add3A_549 = arith.addi %mul3A_4, %scan3A_473 : i32
        %add3A_550 = arith.constant 1 : i32
        %add3A_551 = arith.addi %add3A_549, %add3A_550 : i32
        %dma_wait3A_552 = arith.constant 0 : i32
        %dma_wait3A_553 = arith.constant 0 : i32
        %dma_wait3A_554 = tpu.memref_slice %arg7[%sub3A_476, %dma_wait3A_552, %dma_wait3A_553] : memref<2x2x125xi32, #tpu.memory_space<vmem>> -> memref<1x2x125xi32, #tpu.memory_space<vmem>>
        %dma_wait3A_555 = tpu.memref_squeeze %dma_wait3A_554 : memref<1x2x125xi32, #tpu.memory_space<vmem>> -> memref<2x125xi32, #tpu.memory_space<vmem>>
        %dma_wait3A_556 = arith.constant 0 : i32
        %dma_wait3A_557 = arith.constant 0 : i32
        %dma_wait3A_558 = tpu.memref_slice %arg4[%add3A_551, %dma_wait3A_556, %dma_wait3A_557] : memref<1280x2x125xi32, #tpu.memory_space<hbm>> -> memref<1x2x125xi32, #tpu.memory_space<hbm>>
        %dma_wait3A_559 = tpu.memref_squeeze %dma_wait3A_558 : memref<1x2x125xi32, #tpu.memory_space<hbm>> -> memref<2x125xi32, #tpu.memory_space<hbm>>
        %dma_wait3A_560 = arith.constant 0 : i32
        %dma_wait3A_561 = arith.constant 0 : i32
        %dma_wait3A_562 = tpu.memref_slice %arg7[%sub3A_476, %dma_wait3A_560, %dma_wait3A_561] : memref<2x2x125xi32, #tpu.memory_space<vmem>> -> memref<1x2x125xi32, #tpu.memory_space<vmem>>
        %dma_wait3A_563 = tpu.memref_squeeze %dma_wait3A_562 : memref<1x2x125xi32, #tpu.memory_space<vmem>> -> memref<2x125xi32, #tpu.memory_space<vmem>>
        %dma_wait3A_564 = arith.constant 0 : i32
        %dma_wait3A_565 = arith.constant 0 : i32
        %dma_wait3A_566 = tpu.memref_slice %arg4[%add3A_551, %dma_wait3A_564, %dma_wait3A_565] : memref<1280x2x125xi32, #tpu.memory_space<hbm>> -> memref<1x2x125xi32, #tpu.memory_space<hbm>>
        %dma_wait3A_567 = tpu.memref_squeeze %dma_wait3A_566 : memref<1x2x125xi32, #tpu.memory_space<hbm>> -> memref<2x125xi32, #tpu.memory_space<hbm>>
        tpu.wait_dma2 semaphore(%arg11 : memref<!tpu.dma_semaphore, #tpu.memory_space<semaphore_mem>>) src(%dma_wait3A_567 : memref<2x125xi32, #tpu.memory_space<hbm>>) dst(%dma_wait3A_563 : memref<2x125xi32, #tpu.memory_space<vmem>>)
      } else {
      }
      %dma_wait3A_481 = arith.constant 0 : i32
      %dma_wait3A_482 = arith.constant 0 : i32
      %dma_wait3A_483 = arith.constant 0 : i32
      %dma_wait3A_484 = arith.constant 0 : i32
      %dma_wait3A_485 = tpu.memref_slice %arg8[%dma_wait3A_482, %dma_wait3A_483, %dma_wait3A_484] : memref<2x125x128xf32, #tpu.memory_space<vmem>> -> memref<1x125x128xf32, #tpu.memory_space<vmem>>
      %dma_wait3A_486 = tpu.memref_squeeze %dma_wait3A_485 : memref<1x125x128xf32, #tpu.memory_space<vmem>> -> memref<125x128xf32, #tpu.memory_space<vmem>>
      %dma_wait3A_487 = arith.constant 0 : i32
      %dma_wait3A_488 = tpu.memref_slice %arg6[%rem3A_475, %dma_wait3A_481, %dma_wait3A_487] : memref<2x2x125xi32, #tpu.memory_space<vmem>> -> memref<1x1x125xi32, #tpu.memory_space<vmem>>
      %dma_wait3A_489 = tpu.memref_squeeze %dma_wait3A_488 : memref<1x1x125xi32, #tpu.memory_space<vmem>> -> memref<125xi32, #tpu.memory_space<vmem>>
      %dma_wait3A_490 = arith.constant 0 : i32
      %dma_wait3A_491 = arith.constant 0 : i32
      %dma_wait3A_492 = tpu.memref_slice %arg2[%dma_wait3A_490, %dma_wait3A_491] : memref<20000x128xf32, #tpu.memory_space<hbm>> -> memref<20000x128xf32, #tpu.memory_space<hbm>>
      tpu.wait_indirect_dma semaphore(%arg12 : memref<!tpu.dma_semaphore, #tpu.memory_space<semaphore_mem>>) src(%dma_wait3A_492 : memref<20000x128xf32, #tpu.memory_space<hbm>>) dst(%dma_wait3A_486 : memref<125x128xf32, #tpu.memory_space<vmem>>)
      %run_scoped3A = arith.constant 0 : i32
      %run_scoped3A_493 = arith.constant 0 : i32
      "tpu.region"() ({
        %run_scoped3A_530 = tpu.sem_alloc : memref<!tpu.dma_semaphore, #tpu.memory_space<semaphore_mem>>
        %dma_start3A_531 = arith.constant 0 : i32
        %dma_start3A_532 = arith.constant 0 : i32
        %dma_start3A_533 = tpu.memref_slice %arg8[%run_scoped3A, %dma_start3A_531, %dma_start3A_532] : memref<2x125x128xf32, #tpu.memory_space<vmem>> -> memref<1x125x128xf32, #tpu.memory_space<vmem>>
        %dma_start3A_534 = tpu.memref_squeeze %dma_start3A_533 : memref<1x125x128xf32, #tpu.memory_space<vmem>> -> memref<125x128xf32, #tpu.memory_space<vmem>>
        %dma_start3A_535 = arith.constant 0 : i32
        %dma_start3A_536 = tpu.memref_slice %arg7[%rem3A_475, %run_scoped3A_493, %dma_start3A_535] : memref<2x2x125xi32, #tpu.memory_space<vmem>> -> memref<1x1x125xi32, #tpu.memory_space<vmem>>
        %dma_start3A_537 = tpu.memref_squeeze %dma_start3A_536 : memref<1x1x125xi32, #tpu.memory_space<vmem>> -> memref<125xi32, #tpu.memory_space<vmem>>
        %dma_start3A_538 = arith.constant 0 : i32
        %dma_start3A_539 = arith.constant 0 : i32
        %dma_start3A_540 = tpu.memref_slice %arg10[%dma_start3A_538, %dma_start3A_539] : memref<10240x128xf32, #tpu.memory_space<vmem_shared>> -> memref<10240x128xf32, #tpu.memory_space<vmem_shared>>
        tpu.enqueue_indirect_dma source(%dma_start3A_534 : memref<125x128xf32, #tpu.memory_space<vmem>>) target(%dma_start3A_540 : memref<10240x128xf32, #tpu.memory_space<vmem_shared>>) offsets(%dma_start3A_537 : memref<125xi32, #tpu.memory_space<vmem>>) semaphore(%run_scoped3A_530 : memref<!tpu.dma_semaphore, #tpu.memory_space<semaphore_mem>>) {add = true}
        %dma_wait3A_541 = arith.constant 0 : i32
        %dma_wait3A_542 = arith.constant 0 : i32
        %dma_wait3A_543 = tpu.memref_slice %arg8[%run_scoped3A, %dma_wait3A_541, %dma_wait3A_542] : memref<2x125x128xf32, #tpu.memory_space<vmem>> -> memref<1x125x128xf32, #tpu.memory_space<vmem>>
        %dma_wait3A_544 = tpu.memref_squeeze %dma_wait3A_543 : memref<1x125x128xf32, #tpu.memory_space<vmem>> -> memref<125x128xf32, #tpu.memory_space<vmem>>
        %dma_wait3A_545 = arith.constant 0 : i32
        %dma_wait3A_546 = tpu.memref_slice %arg7[%rem3A_475, %run_scoped3A_493, %dma_wait3A_545] : memref<2x2x125xi32, #tpu.memory_space<vmem>> -> memref<1x1x125xi32, #tpu.memory_space<vmem>>
        %dma_wait3A_547 = tpu.memref_squeeze %dma_wait3A_546 : memref<1x1x125xi32, #tpu.memory_space<vmem>> -> memref<125xi32, #tpu.memory_space<vmem>>
        %dma_wait3A_548 = arith.constant 0 : i32
        %dma_wait3A_549 = arith.constant 0 : i32
        %dma_wait3A_550 = tpu.memref_slice %arg10[%dma_wait3A_548, %dma_wait3A_549] : memref<10240x128xf32, #tpu.memory_space<vmem_shared>> -> memref<10240x128xf32, #tpu.memory_space<vmem_shared>>
        tpu.wait_indirect_dma semaphore(%run_scoped3A_530 : memref<!tpu.dma_semaphore, #tpu.memory_space<semaphore_mem>>) src(%dma_wait3A_544 : memref<125x128xf32, #tpu.memory_space<vmem>>) dst(%dma_wait3A_550 : memref<10240x128xf32, #tpu.memory_space<vmem_shared>>)
        tpu.yield
      }) : () -> ()
      %add3A_494 = arith.constant 1 : i32
      %add3A_495 = arith.addi %scan3A_473, %add3A_494 : i32
      %lt3A_496 = arith.constant 80 : i32
      %lt3A_497 = arith.cmpi slt, %add3A_495, %lt3A_496 : i32
      %convert_element_type3A_498 = arith.extui %lt3A_497 : i1 to i32
      %cond3A_499 = arith.constant 0 : i32
      %cond3A_500 = arith.cmpi ne, %convert_element_type3A_498, %cond3A_499 : i32
      scf.if %cond3A_500 {
        %dma_start3A_530 = arith.constant 0 : i32
        %dma_start3A_531 = arith.constant 0 : i32
        %dma_start3A_532 = arith.constant 0 : i32
        %dma_start3A_533 = arith.constant 0 : i32
        %dma_start3A_534 = tpu.memref_slice %arg8[%dma_start3A_531, %dma_start3A_532, %dma_start3A_533] : memref<2x125x128xf32, #tpu.memory_space<vmem>> -> memref<1x125x128xf32, #tpu.memory_space<vmem>>
        %dma_start3A_535 = tpu.memref_squeeze %dma_start3A_534 : memref<1x125x128xf32, #tpu.memory_space<vmem>> -> memref<125x128xf32, #tpu.memory_space<vmem>>
        %dma_start3A_536 = arith.constant 0 : i32
        %dma_start3A_537 = tpu.memref_slice %arg6[%sub3A_476, %dma_start3A_530, %dma_start3A_536] : memref<2x2x125xi32, #tpu.memory_space<vmem>> -> memref<1x1x125xi32, #tpu.memory_space<vmem>>
        %dma_start3A_538 = tpu.memref_squeeze %dma_start3A_537 : memref<1x1x125xi32, #tpu.memory_space<vmem>> -> memref<125xi32, #tpu.memory_space<vmem>>
        %dma_start3A_539 = arith.constant 0 : i32
        %dma_start3A_540 = arith.constant 0 : i32
        %dma_start3A_541 = tpu.memref_slice %arg2[%dma_start3A_539, %dma_start3A_540] : memref<20000x128xf32, #tpu.memory_space<hbm>> -> memref<20000x128xf32, #tpu.memory_space<hbm>>
        tpu.enqueue_indirect_dma source(%dma_start3A_541 : memref<20000x128xf32, #tpu.memory_space<hbm>>) target(%dma_start3A_535 : memref<125x128xf32, #tpu.memory_space<vmem>>) offsets(%dma_start3A_538 : memref<125xi32, #tpu.memory_space<vmem>>) semaphore(%arg12 : memref<!tpu.dma_semaphore, #tpu.memory_space<semaphore_mem>>)
      } else {
      }
      %dma_wait3A_501 = arith.constant 1 : i32
      %dma_wait3A_502 = arith.constant 1 : i32
      %dma_wait3A_503 = arith.constant 0 : i32
      %dma_wait3A_504 = arith.constant 0 : i32
      %dma_wait3A_505 = tpu.memref_slice %arg8[%dma_wait3A_502, %dma_wait3A_503, %dma_wait3A_504] : memref<2x125x128xf32, #tpu.memory_space<vmem>> -> memref<1x125x128xf32, #tpu.memory_space<vmem>>
      %dma_wait3A_506 = tpu.memref_squeeze %dma_wait3A_505 : memref<1x125x128xf32, #tpu.memory_space<vmem>> -> memref<125x128xf32, #tpu.memory_space<vmem>>
      %dma_wait3A_507 = arith.constant 0 : i32
      %dma_wait3A_508 = tpu.memref_slice %arg6[%rem3A_475, %dma_wait3A_501, %dma_wait3A_507] : memref<2x2x125xi32, #tpu.memory_space<vmem>> -> memref<1x1x125xi32, #tpu.memory_space<vmem>>
      %dma_wait3A_509 = tpu.memref_squeeze %dma_wait3A_508 : memref<1x1x125xi32, #tpu.memory_space<vmem>> -> memref<125xi32, #tpu.memory_space<vmem>>
      %dma_wait3A_510 = arith.constant 0 : i32
      %dma_wait3A_511 = arith.constant 0 : i32
      %dma_wait3A_512 = tpu.memref_slice %arg2[%dma_wait3A_510, %dma_wait3A_511] : memref<20000x128xf32, #tpu.memory_space<hbm>> -> memref<20000x128xf32, #tpu.memory_space<hbm>>
      tpu.wait_indirect_dma semaphore(%arg13 : memref<!tpu.dma_semaphore, #tpu.memory_space<semaphore_mem>>) src(%dma_wait3A_512 : memref<20000x128xf32, #tpu.memory_space<hbm>>) dst(%dma_wait3A_506 : memref<125x128xf32, #tpu.memory_space<vmem>>)
      %run_scoped3A_513 = arith.constant 1 : i32
      %run_scoped3A_514 = arith.constant 1 : i32
      "tpu.region"() ({
        %run_scoped3A_530 = tpu.sem_alloc : memref<!tpu.dma_semaphore, #tpu.memory_space<semaphore_mem>>
        %dma_start3A_531 = arith.constant 0 : i32
        %dma_start3A_532 = arith.constant 0 : i32
        %dma_start3A_533 = tpu.memref_slice %arg8[%run_scoped3A_513, %dma_start3A_531, %dma_start3A_532] : memref<2x125x128xf32, #tpu.memory_space<vmem>> -> memref<1x125x128xf32, #tpu.memory_space<vmem>>
        %dma_start3A_534 = tpu.memref_squeeze %dma_start3A_533 : memref<1x125x128xf32, #tpu.memory_space<vmem>> -> memref<125x128xf32, #tpu.memory_space<vmem>>
        %dma_start3A_535 = arith.constant 0 : i32
        %dma_start3A_536 = tpu.memref_slice %arg7[%rem3A_475, %run_scoped3A_514, %dma_start3A_535] : memref<2x2x125xi32, #tpu.memory_space<vmem>> -> memref<1x1x125xi32, #tpu.memory_space<vmem>>
        %dma_start3A_537 = tpu.memref_squeeze %dma_start3A_536 : memref<1x1x125xi32, #tpu.memory_space<vmem>> -> memref<125xi32, #tpu.memory_space<vmem>>
        %dma_start3A_538 = arith.constant 0 : i32
        %dma_start3A_539 = arith.constant 0 : i32
        %dma_start3A_540 = tpu.memref_slice %arg10[%dma_start3A_538, %dma_start3A_539] : memref<10240x128xf32, #tpu.memory_space<vmem_shared>> -> memref<10240x128xf32, #tpu.memory_space<vmem_shared>>
        tpu.enqueue_indirect_dma source(%dma_start3A_534 : memref<125x128xf32, #tpu.memory_space<vmem>>) target(%dma_start3A_540 : memref<10240x128xf32, #tpu.memory_space<vmem_shared>>) offsets(%dma_start3A_537 : memref<125xi32, #tpu.memory_space<vmem>>) semaphore(%run_scoped3A_530 : memref<!tpu.dma_semaphore, #tpu.memory_space<semaphore_mem>>) {add = true}
        %dma_wait3A_541 = arith.constant 0 : i32
        %dma_wait3A_542 = arith.constant 0 : i32
        %dma_wait3A_543 = tpu.memref_slice %arg8[%run_scoped3A_513, %dma_wait3A_541, %dma_wait3A_542] : memref<2x125x128xf32, #tpu.memory_space<vmem>> -> memref<1x125x128xf32, #tpu.memory_space<vmem>>
        %dma_wait3A_544 = tpu.memref_squeeze %dma_wait3A_543 : memref<1x125x128xf32, #tpu.memory_space<vmem>> -> memref<125x128xf32, #tpu.memory_space<vmem>>
        %dma_wait3A_545 = arith.constant 0 : i32
        %dma_wait3A_546 = tpu.memref_slice %arg7[%rem3A_475, %run_scoped3A_514, %dma_wait3A_545] : memref<2x2x125xi32, #tpu.memory_space<vmem>> -> memref<1x1x125xi32, #tpu.memory_space<vmem>>
        %dma_wait3A_547 = tpu.memref_squeeze %dma_wait3A_546 : memref<1x1x125xi32, #tpu.memory_space<vmem>> -> memref<125xi32, #tpu.memory_space<vmem>>
        %dma_wait3A_548 = arith.constant 0 : i32
        %dma_wait3A_549 = arith.constant 0 : i32
        %dma_wait3A_550 = tpu.memref_slice %arg10[%dma_wait3A_548, %dma_wait3A_549] : memref<10240x128xf32, #tpu.memory_space<vmem_shared>> -> memref<10240x128xf32, #tpu.memory_space<vmem_shared>>
        tpu.wait_indirect_dma semaphore(%run_scoped3A_530 : memref<!tpu.dma_semaphore, #tpu.memory_space<semaphore_mem>>) src(%dma_wait3A_544 : memref<125x128xf32, #tpu.memory_space<vmem>>) dst(%dma_wait3A_550 : memref<10240x128xf32, #tpu.memory_space<vmem_shared>>)
        tpu.yield
      }) : () -> ()
      %add3A_515 = arith.constant 1 : i32
      %add3A_516 = arith.addi %scan3A_473, %add3A_515 : i32
      %lt3A_517 = arith.constant 80 : i32
      %lt3A_518 = arith.cmpi slt, %add3A_516, %lt3A_517 : i32
      %convert_element_type3A_519 = arith.extui %lt3A_518 : i1 to i32
      %cond3A_520 = arith.constant 0 : i32
      %cond3A_521 = arith.cmpi ne, %convert_element_type3A_519, %cond3A_520 : i32
      scf.if %cond3A_521 {
        %dma_start3A_530 = arith.constant 1 : i32
        %dma_start3A_531 = arith.constant 1 : i32
        %dma_start3A_532 = arith.constant 0 : i32
        %dma_start3A_533 = arith.constant 0 : i32
        %dma_start3A_534 = tpu.memref_slice %arg8[%dma_start3A_531, %dma_start3A_532, %dma_start3A_533] : memref<2x125x128xf32, #tpu.memory_space<vmem>> -> memref<1x125x128xf32, #tpu.memory_space<vmem>>
        %dma_start3A_535 = tpu.memref_squeeze %dma_start3A_534 : memref<1x125x128xf32, #tpu.memory_space<vmem>> -> memref<125x128xf32, #tpu.memory_space<vmem>>
        %dma_start3A_536 = arith.constant 0 : i32
        %dma_start3A_537 = tpu.memref_slice %arg6[%sub3A_476, %dma_start3A_530, %dma_start3A_536] : memref<2x2x125xi32, #tpu.memory_space<vmem>> -> memref<1x1x125xi32, #tpu.memory_space<vmem>>
        %dma_start3A_538 = tpu.memref_squeeze %dma_start3A_537 : memref<1x1x125xi32, #tpu.memory_space<vmem>> -> memref<125xi32, #tpu.memory_space<vmem>>
        %dma_start3A_539 = arith.constant 0 : i32
        %dma_start3A_540 = arith.constant 0 : i32
        %dma_start3A_541 = tpu.memref_slice %arg2[%dma_start3A_539, %dma_start3A_540] : memref<20000x128xf32, #tpu.memory_space<hbm>> -> memref<20000x128xf32, #tpu.memory_space<hbm>>
        tpu.enqueue_indirect_dma source(%dma_start3A_541 : memref<20000x128xf32, #tpu.memory_space<hbm>>) target(%dma_start3A_535 : memref<125x128xf32, #tpu.memory_space<vmem>>) offsets(%dma_start3A_538 : memref<125xi32, #tpu.memory_space<vmem>>) semaphore(%arg13 : memref<!tpu.dma_semaphore, #tpu.memory_space<semaphore_mem>>)
      } else {
      }
      %add3A_522 = arith.constant 2 : i32
      %add3A_523 = arith.addi %scan3A_473, %add3A_522 : i32
      %lt3A_524 = arith.constant 80 : i32
      %lt3A_525 = arith.cmpi slt, %add3A_523, %lt3A_524 : i32
      %convert_element_type3A_526 = arith.extui %lt3A_525 : i1 to i32
      %cond3A_527 = arith.constant 0 : i32
      %cond3A_528 = arith.cmpi ne, %convert_element_type3A_526, %cond3A_527 : i32
      scf.if %cond3A_528 {
        %add3A_530 = arith.addi %mul3A_2, %scan3A_473 : i32
        %add3A_531 = arith.constant 2 : i32
        %add3A_532 = arith.addi %add3A_530, %add3A_531 : i32
        %dma_start3A_533 = arith.constant 0 : i32
        %dma_start3A_534 = arith.constant 0 : i32
        %dma_start3A_535 = tpu.memref_slice %arg6[%rem3A_475, %dma_start3A_533, %dma_start3A_534] : memref<2x2x125xi32, #tpu.memory_space<vmem>> -> memref<1x2x125xi32, #tpu.memory_space<vmem>>
        %dma_start3A_536 = tpu.memref_squeeze %dma_start3A_535 : memref<1x2x125xi32, #tpu.memory_space<vmem>> -> memref<2x125xi32, #tpu.memory_space<vmem>>
        %dma_start3A_537 = arith.constant 0 : i32
        %dma_start3A_538 = arith.constant 0 : i32
        %dma_start3A_539 = tpu.memref_slice %arg3[%add3A_532, %dma_start3A_537, %dma_start3A_538] : memref<2560x2x125xi32, #tpu.memory_space<hbm>> -> memref<1x2x125xi32, #tpu.memory_space<hbm>>
        %dma_start3A_540 = tpu.memref_squeeze %dma_start3A_539 : memref<1x2x125xi32, #tpu.memory_space<hbm>> -> memref<2x125xi32, #tpu.memory_space<hbm>>
        %dma_start3A_541 = arith.constant 0 : i32
        %dma_start3A_542 = arith.constant 0 : i32
        %dma_start3A_543 = tpu.memref_slice %arg6[%rem3A_475, %dma_start3A_541, %dma_start3A_542] : memref<2x2x125xi32, #tpu.memory_space<vmem>> -> memref<1x2x125xi32, #tpu.memory_space<vmem>>
        %dma_start3A_544 = tpu.memref_squeeze %dma_start3A_543 : memref<1x2x125xi32, #tpu.memory_space<vmem>> -> memref<2x125xi32, #tpu.memory_space<vmem>>
        %dma_start3A_545 = arith.constant 0 : i32
        %dma_start3A_546 = arith.constant 0 : i32
        %dma_start3A_547 = tpu.memref_slice %arg3[%add3A_532, %dma_start3A_545, %dma_start3A_546] : memref<2560x2x125xi32, #tpu.memory_space<hbm>> -> memref<1x2x125xi32, #tpu.memory_space<hbm>>
        %dma_start3A_548 = tpu.memref_squeeze %dma_start3A_547 : memref<1x2x125xi32, #tpu.memory_space<hbm>> -> memref<2x125xi32, #tpu.memory_space<hbm>>
        tpu.enqueue_dma source(%dma_start3A_548 : memref<2x125xi32, #tpu.memory_space<hbm>>) target(%dma_start3A_544 : memref<2x125xi32, #tpu.memory_space<vmem>>) target_semaphore(%arg11 : memref<!tpu.dma_semaphore, #tpu.memory_space<semaphore_mem>>)
        %add3A_549 = arith.addi %mul3A_4, %scan3A_473 : i32
        %add3A_550 = arith.constant 2 : i32
        %add3A_551 = arith.addi %add3A_549, %add3A_550 : i32
        %dma_start3A_552 = arith.constant 0 : i32
        %dma_start3A_553 = arith.constant 0 : i32
        %dma_start3A_554 = tpu.memref_slice %arg7[%rem3A_475, %dma_start3A_552, %dma_start3A_553] : memref<2x2x125xi32, #tpu.memory_space<vmem>> -> memref<1x2x125xi32, #tpu.memory_space<vmem>>
        %dma_start3A_555 = tpu.memref_squeeze %dma_start3A_554 : memref<1x2x125xi32, #tpu.memory_space<vmem>> -> memref<2x125xi32, #tpu.memory_space<vmem>>
        %dma_start3A_556 = arith.constant 0 : i32
        %dma_start3A_557 = arith.constant 0 : i32
        %dma_start3A_558 = tpu.memref_slice %arg4[%add3A_551, %dma_start3A_556, %dma_start3A_557] : memref<1280x2x125xi32, #tpu.memory_space<hbm>> -> memref<1x2x125xi32, #tpu.memory_space<hbm>>
        %dma_start3A_559 = tpu.memref_squeeze %dma_start3A_558 : memref<1x2x125xi32, #tpu.memory_space<hbm>> -> memref<2x125xi32, #tpu.memory_space<hbm>>
        %dma_start3A_560 = arith.constant 0 : i32
        %dma_start3A_561 = arith.constant 0 : i32
        %dma_start3A_562 = tpu.memref_slice %arg7[%rem3A_475, %dma_start3A_560, %dma_start3A_561] : memref<2x2x125xi32, #tpu.memory_space<vmem>> -> memref<1x2x125xi32, #tpu.memory_space<vmem>>
        %dma_start3A_563 = tpu.memref_squeeze %dma_start3A_562 : memref<1x2x125xi32, #tpu.memory_space<vmem>> -> memref<2x125xi32, #tpu.memory_space<vmem>>
        %dma_start3A_564 = arith.constant 0 : i32
        %dma_start3A_565 = arith.constant 0 : i32
        %dma_start3A_566 = tpu.memref_slice %arg4[%add3A_551, %dma_start3A_564, %dma_start3A_565] : memref<1280x2x125xi32, #tpu.memory_space<hbm>> -> memref<1x2x125xi32, #tpu.memory_space<hbm>>
        %dma_start3A_567 = tpu.memref_squeeze %dma_start3A_566 : memref<1x2x125xi32, #tpu.memory_space<hbm>> -> memref<2x125xi32, #tpu.memory_space<hbm>>
        tpu.enqueue_dma source(%dma_start3A_567 : memref<2x125xi32, #tpu.memory_space<hbm>>) target(%dma_start3A_563 : memref<2x125xi32, #tpu.memory_space<vmem>>) target_semaphore(%arg11 : memref<!tpu.dma_semaphore, #tpu.memory_space<semaphore_mem>>)
      } else {
      }
      %scan3A_529 = arith.constant 0 : i32
      scf.yield %scan3A_529 : i32
    }
    %scan3A_467 = arith.constant 80 : i32
    %barrier3A_468 = arith.constant 0 : index
    tpu.barrier barrier_id(%barrier3A_468)
    %mul3A_469 = arith.constant 640 : i32
    %mul3A_470 = arith.muli %arg1, %mul3A_469 : i32
    %mul3A_471 = arith.constant 640 : i32
    %mul3A_472 = arith.muli %arg1, %mul3A_471 : i32
    "tpu.region"() ({
      %run_scoped3A = tpu.sem_alloc : memref<!tpu.dma_semaphore, #tpu.memory_space<semaphore_mem>>
      %dma_start3A_473 = arith.constant 0 : i32
      %dma_start3A_474 = tpu.memref_slice %arg5[%arg0, %mul3A_472, %dma_start3A_473] : memref<2x10240x128xf32, #tpu.memory_space<hbm>> -> memref<1x640x128xf32, #tpu.memory_space<hbm>>
      %dma_start3A_475 = tpu.memref_squeeze %dma_start3A_474 : memref<1x640x128xf32, #tpu.memory_space<hbm>> -> memref<640x128xf32, #tpu.memory_space<hbm>>
      %dma_start3A_476 = arith.constant 0 : i32
      %dma_start3A_477 = tpu.memref_slice %arg10[%mul3A_470, %dma_start3A_476] : memref<10240x128xf32, #tpu.memory_space<vmem_shared>> -> memref<640x128xf32, #tpu.memory_space<vmem_shared>>
      tpu.enqueue_dma source(%dma_start3A_477 : memref<640x128xf32, #tpu.memory_space<vmem_shared>>) target(%dma_start3A_475 : memref<640x128xf32, #tpu.memory_space<hbm>>) target_semaphore(%run_scoped3A : memref<!tpu.dma_semaphore, #tpu.memory_space<semaphore_mem>>)
      %dma_wait3A_478 = arith.constant 0 : i32
      %dma_wait3A_479 = tpu.memref_slice %arg5[%arg0, %mul3A_472, %dma_wait3A_478] : memref<2x10240x128xf32, #tpu.memory_space<hbm>> -> memref<1x640x128xf32, #tpu.memory_space<hbm>>
      %dma_wait3A_480 = tpu.memref_squeeze %dma_wait3A_479 : memref<1x640x128xf32, #tpu.memory_space<hbm>> -> memref<640x128xf32, #tpu.memory_space<hbm>>
      %dma_wait3A_481 = arith.constant 0 : i32
      %dma_wait3A_482 = tpu.memref_slice %arg10[%mul3A_470, %dma_wait3A_481] : memref<10240x128xf32, #tpu.memory_space<vmem_shared>> -> memref<640x128xf32, #tpu.memory_space<vmem_shared>>
      tpu.wait_dma2 semaphore(%run_scoped3A : memref<!tpu.dma_semaphore, #tpu.memory_space<semaphore_mem>>) src(%dma_wait3A_482 : memref<640x128xf32, #tpu.memory_space<vmem_shared>>) dst(%dma_wait3A_480 : memref<640x128xf32, #tpu.memory_space<hbm>>)
      tpu.yield
    }) : () -> ()
    return
  }
}

#map = affine_map<(d0, d1) -> (0, 0)>
#map1 = affine_map<(d0, d1) -> (0, 0, 0)>
module attributes {stable_mosaic.version = 14 : i64} {
  func.func @agg(%arg0: i32, %arg1: i32, %arg2: memref<20000x128xf32, #tpu.memory_space<hbm>>, %arg3: memref<2560x2x125xi32, #tpu.memory_space<hbm>>, %arg4: memref<1280x2x125xi32, #tpu.memory_space<hbm>>, %arg5: memref<2x10240x128xf32, #tpu.memory_space<hbm>>, %arg6: memref<2x2x125xi32, #tpu.memory_space<vmem>>, %arg7: memref<2x2x125xi32, #tpu.memory_space<vmem>>, %arg8: memref<2x125x128xf32, #tpu.memory_space<vmem>>, %arg9: memref<32x128xf32, #tpu.memory_space<vmem>>, %arg10: memref<10240x128xf32, #tpu.memory_space<vmem_shared>>, %arg11: memref<!tpu.dma_semaphore, #tpu.memory_space<semaphore_mem>>, %arg12: memref<!tpu.dma_semaphore, #tpu.memory_space<semaphore_mem>>, %arg13: memref<!tpu.dma_semaphore, #tpu.memory_space<semaphore_mem>>) attributes {dimension_semantics = [#tpu.dimension_semantics<core_parallel>, #tpu.dimension_semantics<subcore_parallel>], iteration_bounds = array<i64: 2, 16>, scalar_prefetch = 0 : i64, scratch_operands = 8 : i64, tpu.core_type = #tpu.core_type<sc_vector_subcore>, window_params = [{transform_indices = #map}, {transform_indices = #map1}, {transform_indices = #map1}, {transform_indices = #map1}]} {
    %mul3A = arith.constant 16 : i32
    %mul3A_0 = arith.muli %arg0, %mul3A : i32
    %add3A = arith.addi %mul3A_0, %arg1 : i32
    %mul3A_1 = arith.constant 80 : i32
    %mul3A_2 = arith.muli %add3A, %mul3A_1 : i32
    %mul3A_3 = arith.constant 80 : i32
    %mul3A_4 = arith.muli %arg1, %mul3A_3 : i32
    %dma_start3A = arith.constant 0 : i32
    %dma_start3A_5 = arith.constant 0 : i32
    %dma_start3A_6 = arith.constant 0 : i32
    %dma_start3A_7 = tpu.memref_slice %arg6[%dma_start3A, %dma_start3A_5, %dma_start3A_6] : memref<2x2x125xi32, #tpu.memory_space<vmem>> -> memref<1x2x125xi32, #tpu.memory_space<vmem>>
    %dma_start3A_8 = tpu.memref_squeeze %dma_start3A_7 : memref<1x2x125xi32, #tpu.memory_space<vmem>> -> memref<2x125xi32, #tpu.memory_space<vmem>>
    %dma_start3A_9 = arith.constant 0 : i32
    %dma_start3A_10 = arith.constant 0 : i32
    %dma_start3A_11 = tpu.memref_slice %arg3[%mul3A_2, %dma_start3A_9, %dma_start3A_10] : memref<2560x2x125xi32, #tpu.memory_space<hbm>> -> memref<1x2x125xi32, #tpu.memory_space<hbm>>
    %dma_start3A_12 = tpu.memref_squeeze %dma_start3A_11 : memref<1x2x125xi32, #tpu.memory_space<hbm>> -> memref<2x125xi32, #tpu.memory_space<hbm>>
    %dma_start3A_13 = arith.constant 0 : i32
    %dma_start3A_14 = arith.constant 0 : i32
    %dma_start3A_15 = tpu.memref_slice %arg6[%dma_start3A, %dma_start3A_13, %dma_start3A_14] : memref<2x2x125xi32, #tpu.memory_space<vmem>> -> memref<1x2x125xi32, #tpu.memory_space<vmem>>
    %dma_start3A_16 = tpu.memref_squeeze %dma_start3A_15 : memref<1x2x125xi32, #tpu.memory_space<vmem>> -> memref<2x125xi32, #tpu.memory_space<vmem>>
    %dma_start3A_17 = arith.constant 0 : i32
    %dma_start3A_18 = arith.constant 0 : i32
    %dma_start3A_19 = tpu.memref_slice %arg3[%mul3A_2, %dma_start3A_17, %dma_start3A_18] : memref<2560x2x125xi32, #tpu.memory_space<hbm>> -> memref<1x2x125xi32, #tpu.memory_space<hbm>>
    %dma_start3A_20 = tpu.memref_squeeze %dma_start3A_19 : memref<1x2x125xi32, #tpu.memory_space<hbm>> -> memref<2x125xi32, #tpu.memory_space<hbm>>
    tpu.enqueue_dma source(%dma_start3A_20 : memref<2x125xi32, #tpu.memory_space<hbm>>) target(%dma_start3A_16 : memref<2x125xi32, #tpu.memory_space<vmem>>) target_semaphore(%arg11 : memref<!tpu.dma_semaphore, #tpu.memory_space<semaphore_mem>>)
    %dma_start3A_21 = arith.constant 0 : i32
    %dma_start3A_22 = arith.constant 0 : i32
    %dma_start3A_23 = arith.constant 0 : i32
    %dma_start3A_24 = tpu.memref_slice %arg7[%dma_start3A_21, %dma_start3A_22, %dma_start3A_23] : memref<2x2x125xi32, #tpu.memory_space<vmem>> -> memref<1x2x125xi32, #tpu.memory_space<vmem>>
    %dma_start3A_25 = tpu.memref_squeeze %dma_start3A_24 : memref<1x2x125xi32, #tpu.memory_space<vmem>> -> memref<2x125xi32, #tpu.memory_space<vmem>>
    %dma_start3A_26 = arith.constant 0 : i32
    %dma_start3A_27 = arith.constant 0 : i32
    %dma_start3A_28 = tpu.memref_slice %arg4[%mul3A_4, %dma_start3A_26, %dma_start3A_27] : memref<1280x2x125xi32, #tpu.memory_space<hbm>> -> memref<1x2x125xi32, #tpu.memory_space<hbm>>
    %dma_start3A_29 = tpu.memref_squeeze %dma_start3A_28 : memref<1x2x125xi32, #tpu.memory_space<hbm>> -> memref<2x125xi32, #tpu.memory_space<hbm>>
    %dma_start3A_30 = arith.constant 0 : i32
    %dma_start3A_31 = arith.constant 0 : i32
    %dma_start3A_32 = tpu.memref_slice %arg7[%dma_start3A_21, %dma_start3A_30, %dma_start3A_31] : memref<2x2x125xi32, #tpu.memory_space<vmem>> -> memref<1x2x125xi32, #tpu.memory_space<vmem>>
    %dma_start3A_33 = tpu.memref_squeeze %dma_start3A_32 : memref<1x2x125xi32, #tpu.memory_space<vmem>> -> memref<2x125xi32, #tpu.memory_space<vmem>>
    %dma_start3A_34 = arith.constant 0 : i32
    %dma_start3A_35 = arith.constant 0 : i32
    %dma_start3A_36 = tpu.memref_slice %arg4[%mul3A_4, %dma_start3A_34, %dma_start3A_35] : memref<1280x2x125xi32, #tpu.memory_space<hbm>> -> memref<1x2x125xi32, #tpu.memory_space<hbm>>
    %dma_start3A_37 = tpu.memref_squeeze %dma_start3A_36 : memref<1x2x125xi32, #tpu.memory_space<hbm>> -> memref<2x125xi32, #tpu.memory_space<hbm>>
    tpu.enqueue_dma source(%dma_start3A_37 : memref<2x125xi32, #tpu.memory_space<hbm>>) target(%dma_start3A_33 : memref<2x125xi32, #tpu.memory_space<vmem>>) target_semaphore(%arg11 : memref<!tpu.dma_semaphore, #tpu.memory_space<semaphore_mem>>)
    %scan3A = arith.constant 0 : i32
    %scan3A_38 = arith.constant 0 : i32
    %scan3A_39 = arith.constant 32 : i32
    %scan3A_40 = arith.addi %scan3A_38, %scan3A_39 : i32
    %scan3A_41 = arith.constant 1 : i32
    %scan3A_42 = scf.for %scan3A_473 = %scan3A_38 to %scan3A_40 step %scan3A_41 iter_args(%scan3A_474 = %scan3A) -> (i32)  : i32 {
      %scan3A_475 = arith.constant 0 : i32
      %scan3A_476 = arith.constant 0 : i32
      %scan3A_477 = arith.constant 8 : i32
      %scan3A_478 = arith.addi %scan3A_476, %scan3A_477 : i32
      %scan3A_479 = arith.constant 1 : i32
      %scan3A_480 = scf.for %scan3A_482 = %scan3A_476 to %scan3A_478 step %scan3A_479 iter_args(%scan3A_483 = %scan3A_475) -> (i32)  : i32 {
        %broadcast_in_dim3A = arith.constant 0.000000e+00 : f32
        %broadcast_in_dim3A_484 = vector.broadcast %broadcast_in_dim3A : f32 to vector<16xf32>
        %mul3A_485 = arith.constant 16 : i32
        %mul3A_486 = arith.muli %scan3A_482, %mul3A_485 : i32
        %swap3A = arith.index_cast %scan3A_473 : i32 to index
        %swap3A_487 = arith.index_cast %mul3A_486 : i32 to index
        %swap3A_488 = tpu.vector_load %arg9[%swap3A, %swap3A_487] {strides = array<i32>} : memref<32x128xf32, #tpu.memory_space<vmem>>, vector<1x16xf32>,
        %swap3A_489 = vector.shape_cast %swap3A_488 : vector<1x16xf32> to vector<16xf32>
        %swap3A_490 = vector.shape_cast %broadcast_in_dim3A_484 : vector<16xf32> to vector<1x16xf32>
        tpu.vector_store %arg9[%swap3A, %swap3A_487], %swap3A_490 {strides = array<i32>} : memref<32x128xf32, #tpu.memory_space<vmem>>, vector<1x16xf32>,
        %scan3A_491 = arith.constant 0 : i32
        scf.yield %scan3A_491 : i32
      }
      %scan3A_481 = arith.constant 8 : i32
      scf.yield %scan3A_480 : i32
    }
    %scan3A_43 = arith.constant 32 : i32
    %mul3A_44 = arith.constant 640 : i32
    %mul3A_45 = arith.muli %arg1, %mul3A_44 : i32
    %add3A_46 = arith.constant 0 : i32
    %add3A_47 = arith.addi %mul3A_45, %add3A_46 : i32
    %dma_start3A_48 = arith.constant 0 : i32
    %dma_start3A_49 = tpu.memref_slice %arg10[%add3A_47, %dma_start3A_48] : memref<10240x128xf32, #tpu.memory_space<vmem_shared>> -> memref<32x128xf32, #tpu.memory_space<vmem_shared>>
    %dma_start3A_50 = arith.constant 0 : i32
    %dma_start3A_51 = tpu.memref_slice %arg10[%add3A_47, %dma_start3A_50] : memref<10240x128xf32, #tpu.memory_space<vmem_shared>> -> memref<32x128xf32, #tpu.memory_space<vmem_shared>>
    tpu.enqueue_dma source(%arg9 : memref<32x128xf32, #tpu.memory_space<vmem>>) target(%dma_start3A_51 : memref<32x128xf32, #tpu.memory_space<vmem_shared>>) target_semaphore(%arg12 : memref<!tpu.dma_semaphore, #tpu.memory_space<semaphore_mem>>)
    %mul3A_52 = arith.constant 640 : i32
    %mul3A_53 = arith.muli %arg1, %mul3A_52 : i32
    %add3A_54 = arith.constant 32 : i32
    %add3A_55 = arith.addi %mul3A_53, %add3A_54 : i32
    %dma_start3A_56 = arith.constant 0 : i32
    %dma_start3A_57 = tpu.memref_slice %arg10[%add3A_55, %dma_start3A_56] : memref<10240x128xf32, #tpu.memory_space<vmem_shared>> -> memref<32x128xf32, #tpu.memory_space<vmem_shared>>
    %dma_start3A_58 = arith.constant 0 : i32
    %dma_start3A_59 = tpu.memref_slice %arg10[%add3A_55, %dma_start3A_58] : memref<10240x128xf32, #tpu.memory_space<vmem_shared>> -> memref<32x128xf32, #tpu.memory_space<vmem_shared>>
    tpu.enqueue_dma source(%arg9 : memref<32x128xf32, #tpu.memory_space<vmem>>) target(%dma_start3A_59 : memref<32x128xf32, #tpu.memory_space<vmem_shared>>) target_semaphore(%arg13 : memref<!tpu.dma_semaphore, #tpu.memory_space<semaphore_mem>>)
    %mul3A_60 = arith.constant 640 : i32
    %mul3A_61 = arith.muli %arg1, %mul3A_60 : i32
    %add3A_62 = arith.constant 64 : i32
    %add3A_63 = arith.addi %mul3A_61, %add3A_62 : i32
    %dma_start3A_64 = arith.constant 0 : i32
    %dma_start3A_65 = tpu.memref_slice %arg10[%add3A_63, %dma_start3A_64] : memref<10240x128xf32, #tpu.memory_space<vmem_shared>> -> memref<32x128xf32, #tpu.memory_space<vmem_shared>>
    %dma_start3A_66 = arith.constant 0 : i32
    %dma_start3A_67 = tpu.memref_slice %arg10[%add3A_63, %dma_start3A_66] : memref<10240x128xf32, #tpu.memory_space<vmem_shared>> -> memref<32x128xf32, #tpu.memory_space<vmem_shared>>
    tpu.enqueue_dma source(%arg9 : memref<32x128xf32, #tpu.memory_space<vmem>>) target(%dma_start3A_67 : memref<32x128xf32, #tpu.memory_space<vmem_shared>>) target_semaphore(%arg12 : memref<!tpu.dma_semaphore, #tpu.memory_space<semaphore_mem>>)
    %mul3A_68 = arith.constant 640 : i32
    %mul3A_69 = arith.muli %arg1, %mul3A_68 : i32
    %add3A_70 = arith.constant 96 : i32
    %add3A_71 = arith.addi %mul3A_69, %add3A_70 : i32
    %dma_start3A_72 = arith.constant 0 : i32
    %dma_start3A_73 = tpu.memref_slice %arg10[%add3A_71, %dma_start3A_72] : memref<10240x128xf32, #tpu.memory_space<vmem_shared>> -> memref<32x128xf32, #tpu.memory_space<vmem_shared>>
    %dma_start3A_74 = arith.constant 0 : i32
    %dma_start3A_75 = tpu.memref_slice %arg10[%add3A_71, %dma_start3A_74] : memref<10240x128xf32, #tpu.memory_space<vmem_shared>> -> memref<32x128xf32, #tpu.memory_space<vmem_shared>>
    tpu.enqueue_dma source(%arg9 : memref<32x128xf32, #tpu.memory_space<vmem>>) target(%dma_start3A_75 : memref<32x128xf32, #tpu.memory_space<vmem_shared>>) target_semaphore(%arg13 : memref<!tpu.dma_semaphore, #tpu.memory_space<semaphore_mem>>)
    %mul3A_76 = arith.constant 640 : i32
    %mul3A_77 = arith.muli %arg1, %mul3A_76 : i32
    %add3A_78 = arith.constant 128 : i32
    %add3A_79 = arith.addi %mul3A_77, %add3A_78 : i32
    %dma_start3A_80 = arith.constant 0 : i32
    %dma_start3A_81 = tpu.memref_slice %arg10[%add3A_79, %dma_start3A_80] : memref<10240x128xf32, #tpu.memory_space<vmem_shared>> -> memref<32x128xf32, #tpu.memory_space<vmem_shared>>
    %dma_start3A_82 = arith.constant 0 : i32
    %dma_start3A_83 = tpu.memref_slice %arg10[%add3A_79, %dma_start3A_82] : memref<10240x128xf32, #tpu.memory_space<vmem_shared>> -> memref<32x128xf32, #tpu.memory_space<vmem_shared>>
    tpu.enqueue_dma source(%arg9 : memref<32x128xf32, #tpu.memory_space<vmem>>) target(%dma_start3A_83 : memref<32x128xf32, #tpu.memory_space<vmem_shared>>) target_semaphore(%arg12 : memref<!tpu.dma_semaphore, #tpu.memory_space<semaphore_mem>>)
    %mul3A_84 = arith.constant 640 : i32
    %mul3A_85 = arith.muli %arg1, %mul3A_84 : i32
    %add3A_86 = arith.constant 160 : i32
    %add3A_87 = arith.addi %mul3A_85, %add3A_86 : i32
    %dma_start3A_88 = arith.constant 0 : i32
    %dma_start3A_89 = tpu.memref_slice %arg10[%add3A_87, %dma_start3A_88] : memref<10240x128xf32, #tpu.memory_space<vmem_shared>> -> memref<32x128xf32, #tpu.memory_space<vmem_shared>>
    %dma_start3A_90 = arith.constant 0 : i32
    %dma_start3A_91 = tpu.memref_slice %arg10[%add3A_87, %dma_start3A_90] : memref<10240x128xf32, #tpu.memory_space<vmem_shared>> -> memref<32x128xf32, #tpu.memory_space<vmem_shared>>
    tpu.enqueue_dma source(%arg9 : memref<32x128xf32, #tpu.memory_space<vmem>>) target(%dma_start3A_91 : memref<32x128xf32, #tpu.memory_space<vmem_shared>>) target_semaphore(%arg13 : memref<!tpu.dma_semaphore, #tpu.memory_space<semaphore_mem>>)
    %mul3A_92 = arith.constant 640 : i32
    %mul3A_93 = arith.muli %arg1, %mul3A_92 : i32
    %add3A_94 = arith.constant 192 : i32
    %add3A_95 = arith.addi %mul3A_93, %add3A_94 : i32
    %dma_start3A_96 = arith.constant 0 : i32
    %dma_start3A_97 = tpu.memref_slice %arg10[%add3A_95, %dma_start3A_96] : memref<10240x128xf32, #tpu.memory_space<vmem_shared>> -> memref<32x128xf32, #tpu.memory_space<vmem_shared>>
    %dma_start3A_98 = arith.constant 0 : i32
    %dma_start3A_99 = tpu.memref_slice %arg10[%add3A_95, %dma_start3A_98] : memref<10240x128xf32, #tpu.memory_space<vmem_shared>> -> memref<32x128xf32, #tpu.memory_space<vmem_shared>>
    tpu.enqueue_dma source(%arg9 : memref<32x128xf32, #tpu.memory_space<vmem>>) target(%dma_start3A_99 : memref<32x128xf32, #tpu.memory_space<vmem_shared>>) target_semaphore(%arg12 : memref<!tpu.dma_semaphore, #tpu.memory_space<semaphore_mem>>)
    %mul3A_100 = arith.constant 640 : i32
    %mul3A_101 = arith.muli %arg1, %mul3A_100 : i32
    %add3A_102 = arith.constant 224 : i32
    %add3A_103 = arith.addi %mul3A_101, %add3A_102 : i32
    %dma_start3A_104 = arith.constant 0 : i32
    %dma_start3A_105 = tpu.memref_slice %arg10[%add3A_103, %dma_start3A_104] : memref<10240x128xf32, #tpu.memory_space<vmem_shared>> -> memref<32x128xf32, #tpu.memory_space<vmem_shared>>
    %dma_start3A_106 = arith.constant 0 : i32
    %dma_start3A_107 = tpu.memref_slice %arg10[%add3A_103, %dma_start3A_106] : memref<10240x128xf32, #tpu.memory_space<vmem_shared>> -> memref<32x128xf32, #tpu.memory_space<vmem_shared>>
    tpu.enqueue_dma source(%arg9 : memref<32x128xf32, #tpu.memory_space<vmem>>) target(%dma_start3A_107 : memref<32x128xf32, #tpu.memory_space<vmem_shared>>) target_semaphore(%arg13 : memref<!tpu.dma_semaphore, #tpu.memory_space<semaphore_mem>>)
    %mul3A_108 = arith.constant 640 : i32
    %mul3A_109 = arith.muli %arg1, %mul3A_108 : i32
    %add3A_110 = arith.constant 256 : i32
    %add3A_111 = arith.addi %mul3A_109, %add3A_110 : i32
    %dma_start3A_112 = arith.constant 0 : i32
    %dma_start3A_113 = tpu.memref_slice %arg10[%add3A_111, %dma_start3A_112] : memref<10240x128xf32, #tpu.memory_space<vmem_shared>> -> memref<32x128xf32, #tpu.memory_space<vmem_shared>>
    %dma_start3A_114 = arith.constant 0 : i32
    %dma_start3A_115 = tpu.memref_slice %arg10[%add3A_111, %dma_start3A_114] : memref<10240x128xf32, #tpu.memory_space<vmem_shared>> -> memref<32x128xf32, #tpu.memory_space<vmem_shared>>
    tpu.enqueue_dma source(%arg9 : memref<32x128xf32, #tpu.memory_space<vmem>>) target(%dma_start3A_115 : memref<32x128xf32, #tpu.memory_space<vmem_shared>>) target_semaphore(%arg12 : memref<!tpu.dma_semaphore, #tpu.memory_space<semaphore_mem>>)
    %mul3A_116 = arith.constant 640 : i32
    %mul3A_117 = arith.muli %arg1, %mul3A_116 : i32
    %add3A_118 = arith.constant 288 : i32
    %add3A_119 = arith.addi %mul3A_117, %add3A_118 : i32
    %dma_start3A_120 = arith.constant 0 : i32
    %dma_start3A_121 = tpu.memref_slice %arg10[%add3A_119, %dma_start3A_120] : memref<10240x128xf32, #tpu.memory_space<vmem_shared>> -> memref<32x128xf32, #tpu.memory_space<vmem_shared>>
    %dma_start3A_122 = arith.constant 0 : i32
    %dma_start3A_123 = tpu.memref_slice %arg10[%add3A_119, %dma_start3A_122] : memref<10240x128xf32, #tpu.memory_space<vmem_shared>> -> memref<32x128xf32, #tpu.memory_space<vmem_shared>>
    tpu.enqueue_dma source(%arg9 : memref<32x128xf32, #tpu.memory_space<vmem>>) target(%dma_start3A_123 : memref<32x128xf32, #tpu.memory_space<vmem_shared>>) target_semaphore(%arg13 : memref<!tpu.dma_semaphore, #tpu.memory_space<semaphore_mem>>)
    %mul3A_124 = arith.constant 640 : i32
    %mul3A_125 = arith.muli %arg1, %mul3A_124 : i32
    %add3A_126 = arith.constant 320 : i32
    %add3A_127 = arith.addi %mul3A_125, %add3A_126 : i32
    %dma_start3A_128 = arith.constant 0 : i32
    %dma_start3A_129 = tpu.memref_slice %arg10[%add3A_127, %dma_start3A_128] : memref<10240x128xf32, #tpu.memory_space<vmem_shared>> -> memref<32x128xf32, #tpu.memory_space<vmem_shared>>
    %dma_start3A_130 = arith.constant 0 : i32
    %dma_start3A_131 = tpu.memref_slice %arg10[%add3A_127, %dma_start3A_130] : memref<10240x128xf32, #tpu.memory_space<vmem_shared>> -> memref<32x128xf32, #tpu.memory_space<vmem_shared>>
    tpu.enqueue_dma source(%arg9 : memref<32x128xf32, #tpu.memory_space<vmem>>) target(%dma_start3A_131 : memref<32x128xf32, #tpu.memory_space<vmem_shared>>) target_semaphore(%arg12 : memref<!tpu.dma_semaphore, #tpu.memory_space<semaphore_mem>>)
    %mul3A_132 = arith.constant 640 : i32
    %mul3A_133 = arith.muli %arg1, %mul3A_132 : i32
    %add3A_134 = arith.constant 352 : i32
    %add3A_135 = arith.addi %mul3A_133, %add3A_134 : i32
    %dma_start3A_136 = arith.constant 0 : i32
    %dma_start3A_137 = tpu.memref_slice %arg10[%add3A_135, %dma_start3A_136] : memref<10240x128xf32, #tpu.memory_space<vmem_shared>> -> memref<32x128xf32, #tpu.memory_space<vmem_shared>>
    %dma_start3A_138 = arith.constant 0 : i32
    %dma_start3A_139 = tpu.memref_slice %arg10[%add3A_135, %dma_start3A_138] : memref<10240x128xf32, #tpu.memory_space<vmem_shared>> -> memref<32x128xf32, #tpu.memory_space<vmem_shared>>
    tpu.enqueue_dma source(%arg9 : memref<32x128xf32, #tpu.memory_space<vmem>>) target(%dma_start3A_139 : memref<32x128xf32, #tpu.memory_space<vmem_shared>>) target_semaphore(%arg13 : memref<!tpu.dma_semaphore, #tpu.memory_space<semaphore_mem>>)
    %mul3A_140 = arith.constant 640 : i32
    %mul3A_141 = arith.muli %arg1, %mul3A_140 : i32
    %add3A_142 = arith.constant 384 : i32
    %add3A_143 = arith.addi %mul3A_141, %add3A_142 : i32
    %dma_start3A_144 = arith.constant 0 : i32
    %dma_start3A_145 = tpu.memref_slice %arg10[%add3A_143, %dma_start3A_144] : memref<10240x128xf32, #tpu.memory_space<vmem_shared>> -> memref<32x128xf32, #tpu.memory_space<vmem_shared>>
    %dma_start3A_146 = arith.constant 0 : i32
    %dma_start3A_147 = tpu.memref_slice %arg10[%add3A_143, %dma_start3A_146] : memref<10240x128xf32, #tpu.memory_space<vmem_shared>> -> memref<32x128xf32, #tpu.memory_space<vmem_shared>>
    tpu.enqueue_dma source(%arg9 : memref<32x128xf32, #tpu.memory_space<vmem>>) target(%dma_start3A_147 : memref<32x128xf32, #tpu.memory_space<vmem_shared>>) target_semaphore(%arg12 : memref<!tpu.dma_semaphore, #tpu.memory_space<semaphore_mem>>)
    %mul3A_148 = arith.constant 640 : i32
    %mul3A_149 = arith.muli %arg1, %mul3A_148 : i32
    %add3A_150 = arith.constant 416 : i32
    %add3A_151 = arith.addi %mul3A_149, %add3A_150 : i32
    %dma_start3A_152 = arith.constant 0 : i32
    %dma_start3A_153 = tpu.memref_slice %arg10[%add3A_151, %dma_start3A_152] : memref<10240x128xf32, #tpu.memory_space<vmem_shared>> -> memref<32x128xf32, #tpu.memory_space<vmem_shared>>
    %dma_start3A_154 = arith.constant 0 : i32
    %dma_start3A_155 = tpu.memref_slice %arg10[%add3A_151, %dma_start3A_154] : memref<10240x128xf32, #tpu.memory_space<vmem_shared>> -> memref<32x128xf32, #tpu.memory_space<vmem_shared>>
    tpu.enqueue_dma source(%arg9 : memref<32x128xf32, #tpu.memory_space<vmem>>) target(%dma_start3A_155 : memref<32x128xf32, #tpu.memory_space<vmem_shared>>) target_semaphore(%arg13 : memref<!tpu.dma_semaphore, #tpu.memory_space<semaphore_mem>>)
    %mul3A_156 = arith.constant 640 : i32
    %mul3A_157 = arith.muli %arg1, %mul3A_156 : i32
    %add3A_158 = arith.constant 448 : i32
    %add3A_159 = arith.addi %mul3A_157, %add3A_158 : i32
    %dma_start3A_160 = arith.constant 0 : i32
    %dma_start3A_161 = tpu.memref_slice %arg10[%add3A_159, %dma_start3A_160] : memref<10240x128xf32, #tpu.memory_space<vmem_shared>> -> memref<32x128xf32, #tpu.memory_space<vmem_shared>>
    %dma_start3A_162 = arith.constant 0 : i32
    %dma_start3A_163 = tpu.memref_slice %arg10[%add3A_159, %dma_start3A_162] : memref<10240x128xf32, #tpu.memory_space<vmem_shared>> -> memref<32x128xf32, #tpu.memory_space<vmem_shared>>
    tpu.enqueue_dma source(%arg9 : memref<32x128xf32, #tpu.memory_space<vmem>>) target(%dma_start3A_163 : memref<32x128xf32, #tpu.memory_space<vmem_shared>>) target_semaphore(%arg12 : memref<!tpu.dma_semaphore, #tpu.memory_space<semaphore_mem>>)
    %mul3A_164 = arith.constant 640 : i32
    %mul3A_165 = arith.muli %arg1, %mul3A_164 : i32
    %add3A_166 = arith.constant 480 : i32
    %add3A_167 = arith.addi %mul3A_165, %add3A_166 : i32
    %dma_start3A_168 = arith.constant 0 : i32
    %dma_start3A_169 = tpu.memref_slice %arg10[%add3A_167, %dma_start3A_168] : memref<10240x128xf32, #tpu.memory_space<vmem_shared>> -> memref<32x128xf32, #tpu.memory_space<vmem_shared>>
    %dma_start3A_170 = arith.constant 0 : i32
    %dma_start3A_171 = tpu.memref_slice %arg10[%add3A_167, %dma_start3A_170] : memref<10240x128xf32, #tpu.memory_space<vmem_shared>> -> memref<32x128xf32, #tpu.memory_space<vmem_shared>>
    tpu.enqueue_dma source(%arg9 : memref<32x128xf32, #tpu.memory_space<vmem>>) target(%dma_start3A_171 : memref<32x128xf32, #tpu.memory_space<vmem_shared>>) target_semaphore(%arg13 : memref<!tpu.dma_semaphore, #tpu.memory_space<semaphore_mem>>)
    %mul3A_172 = arith.constant 640 : i32
    %mul3A_173 = arith.muli %arg1, %mul3A_172 : i32
    %add3A_174 = arith.constant 512 : i32
    %add3A_175 = arith.addi %mul3A_173, %add3A_174 : i32
    %dma_start3A_176 = arith.constant 0 : i32
    %dma_start3A_177 = tpu.memref_slice %arg10[%add3A_175, %dma_start3A_176] : memref<10240x128xf32, #tpu.memory_space<vmem_shared>> -> memref<32x128xf32, #tpu.memory_space<vmem_shared>>
    %dma_start3A_178 = arith.constant 0 : i32
    %dma_start3A_179 = tpu.memref_slice %arg10[%add3A_175, %dma_start3A_178] : memref<10240x128xf32, #tpu.memory_space<vmem_shared>> -> memref<32x128xf32, #tpu.memory_space<vmem_shared>>
    tpu.enqueue_dma source(%arg9 : memref<32x128xf32, #tpu.memory_space<vmem>>) target(%dma_start3A_179 : memref<32x128xf32, #tpu.memory_space<vmem_shared>>) target_semaphore(%arg12 : memref<!tpu.dma_semaphore, #tpu.memory_space<semaphore_mem>>)
    %mul3A_180 = arith.constant 640 : i32
    %mul3A_181 = arith.muli %arg1, %mul3A_180 : i32
    %add3A_182 = arith.constant 544 : i32
    %add3A_183 = arith.addi %mul3A_181, %add3A_182 : i32
    %dma_start3A_184 = arith.constant 0 : i32
    %dma_start3A_185 = tpu.memref_slice %arg10[%add3A_183, %dma_start3A_184] : memref<10240x128xf32, #tpu.memory_space<vmem_shared>> -> memref<32x128xf32, #tpu.memory_space<vmem_shared>>
    %dma_start3A_186 = arith.constant 0 : i32
    %dma_start3A_187 = tpu.memref_slice %arg10[%add3A_183, %dma_start3A_186] : memref<10240x128xf32, #tpu.memory_space<vmem_shared>> -> memref<32x128xf32, #tpu.memory_space<vmem_shared>>
    tpu.enqueue_dma source(%arg9 : memref<32x128xf32, #tpu.memory_space<vmem>>) target(%dma_start3A_187 : memref<32x128xf32, #tpu.memory_space<vmem_shared>>) target_semaphore(%arg13 : memref<!tpu.dma_semaphore, #tpu.memory_space<semaphore_mem>>)
    %mul3A_188 = arith.constant 640 : i32
    %mul3A_189 = arith.muli %arg1, %mul3A_188 : i32
    %add3A_190 = arith.constant 576 : i32
    %add3A_191 = arith.addi %mul3A_189, %add3A_190 : i32
    %dma_start3A_192 = arith.constant 0 : i32
    %dma_start3A_193 = tpu.memref_slice %arg10[%add3A_191, %dma_start3A_192] : memref<10240x128xf32, #tpu.memory_space<vmem_shared>> -> memref<32x128xf32, #tpu.memory_space<vmem_shared>>
    %dma_start3A_194 = arith.constant 0 : i32
    %dma_start3A_195 = tpu.memref_slice %arg10[%add3A_191, %dma_start3A_194] : memref<10240x128xf32, #tpu.memory_space<vmem_shared>> -> memref<32x128xf32, #tpu.memory_space<vmem_shared>>
    tpu.enqueue_dma source(%arg9 : memref<32x128xf32, #tpu.memory_space<vmem>>) target(%dma_start3A_195 : memref<32x128xf32, #tpu.memory_space<vmem_shared>>) target_semaphore(%arg12 : memref<!tpu.dma_semaphore, #tpu.memory_space<semaphore_mem>>)
    %mul3A_196 = arith.constant 640 : i32
    %mul3A_197 = arith.muli %arg1, %mul3A_196 : i32
    %add3A_198 = arith.constant 608 : i32
    %add3A_199 = arith.addi %mul3A_197, %add3A_198 : i32
    %dma_start3A_200 = arith.constant 0 : i32
    %dma_start3A_201 = tpu.memref_slice %arg10[%add3A_199, %dma_start3A_200] : memref<10240x128xf32, #tpu.memory_space<vmem_shared>> -> memref<32x128xf32, #tpu.memory_space<vmem_shared>>
    %dma_start3A_202 = arith.constant 0 : i32
    %dma_start3A_203 = tpu.memref_slice %arg10[%add3A_199, %dma_start3A_202] : memref<10240x128xf32, #tpu.memory_space<vmem_shared>> -> memref<32x128xf32, #tpu.memory_space<vmem_shared>>
    tpu.enqueue_dma source(%arg9 : memref<32x128xf32, #tpu.memory_space<vmem>>) target(%dma_start3A_203 : memref<32x128xf32, #tpu.memory_space<vmem_shared>>) target_semaphore(%arg13 : memref<!tpu.dma_semaphore, #tpu.memory_space<semaphore_mem>>)
    %mul3A_204 = arith.constant 640 : i32
    %mul3A_205 = arith.muli %arg1, %mul3A_204 : i32
    %add3A_206 = arith.constant 0 : i32
    %add3A_207 = arith.addi %mul3A_205, %add3A_206 : i32
    %dma_wait3A = arith.constant 0 : i32
    %dma_wait3A_208 = tpu.memref_slice %arg10[%add3A_207, %dma_wait3A] : memref<10240x128xf32, #tpu.memory_space<vmem_shared>> -> memref<32x128xf32, #tpu.memory_space<vmem_shared>>
    %dma_wait3A_209 = arith.constant 0 : i32
    %dma_wait3A_210 = tpu.memref_slice %arg10[%add3A_207, %dma_wait3A_209] : memref<10240x128xf32, #tpu.memory_space<vmem_shared>> -> memref<32x128xf32, #tpu.memory_space<vmem_shared>>
    tpu.wait_dma2 semaphore(%arg12 : memref<!tpu.dma_semaphore, #tpu.memory_space<semaphore_mem>>) src(%arg9 : memref<32x128xf32, #tpu.memory_space<vmem>>) dst(%dma_wait3A_210 : memref<32x128xf32, #tpu.memory_space<vmem_shared>>)
    %mul3A_211 = arith.constant 640 : i32
    %mul3A_212 = arith.muli %arg1, %mul3A_211 : i32
    %add3A_213 = arith.constant 32 : i32
    %add3A_214 = arith.addi %mul3A_212, %add3A_213 : i32
    %dma_wait3A_215 = arith.constant 0 : i32
    %dma_wait3A_216 = tpu.memref_slice %arg10[%add3A_214, %dma_wait3A_215] : memref<10240x128xf32, #tpu.memory_space<vmem_shared>> -> memref<32x128xf32, #tpu.memory_space<vmem_shared>>
    %dma_wait3A_217 = arith.constant 0 : i32
    %dma_wait3A_218 = tpu.memref_slice %arg10[%add3A_214, %dma_wait3A_217] : memref<10240x128xf32, #tpu.memory_space<vmem_shared>> -> memref<32x128xf32, #tpu.memory_space<vmem_shared>>
    tpu.wait_dma2 semaphore(%arg13 : memref<!tpu.dma_semaphore, #tpu.memory_space<semaphore_mem>>) src(%arg9 : memref<32x128xf32, #tpu.memory_space<vmem>>) dst(%dma_wait3A_218 : memref<32x128xf32, #tpu.memory_space<vmem_shared>>)
    %mul3A_219 = arith.constant 640 : i32
    %mul3A_220 = arith.muli %arg1, %mul3A_219 : i32
    %add3A_221 = arith.constant 64 : i32
    %add3A_222 = arith.addi %mul3A_220, %add3A_221 : i32
    %dma_wait3A_223 = arith.constant 0 : i32
    %dma_wait3A_224 = tpu.memref_slice %arg10[%add3A_222, %dma_wait3A_223] : memref<10240x128xf32, #tpu.memory_space<vmem_shared>> -> memref<32x128xf32, #tpu.memory_space<vmem_shared>>
    %dma_wait3A_225 = arith.constant 0 : i32
    %dma_wait3A_226 = tpu.memref_slice %arg10[%add3A_222, %dma_wait3A_225] : memref<10240x128xf32, #tpu.memory_space<vmem_shared>> -> memref<32x128xf32, #tpu.memory_space<vmem_shared>>
    tpu.wait_dma2 semaphore(%arg12 : memref<!tpu.dma_semaphore, #tpu.memory_space<semaphore_mem>>) src(%arg9 : memref<32x128xf32, #tpu.memory_space<vmem>>) dst(%dma_wait3A_226 : memref<32x128xf32, #tpu.memory_space<vmem_shared>>)
    %mul3A_227 = arith.constant 640 : i32
    %mul3A_228 = arith.muli %arg1, %mul3A_227 : i32
    %add3A_229 = arith.constant 96 : i32
    %add3A_230 = arith.addi %mul3A_228, %add3A_229 : i32
    %dma_wait3A_231 = arith.constant 0 : i32
    %dma_wait3A_232 = tpu.memref_slice %arg10[%add3A_230, %dma_wait3A_231] : memref<10240x128xf32, #tpu.memory_space<vmem_shared>> -> memref<32x128xf32, #tpu.memory_space<vmem_shared>>
    %dma_wait3A_233 = arith.constant 0 : i32
    %dma_wait3A_234 = tpu.memref_slice %arg10[%add3A_230, %dma_wait3A_233] : memref<10240x128xf32, #tpu.memory_space<vmem_shared>> -> memref<32x128xf32, #tpu.memory_space<vmem_shared>>
    tpu.wait_dma2 semaphore(%arg13 : memref<!tpu.dma_semaphore, #tpu.memory_space<semaphore_mem>>) src(%arg9 : memref<32x128xf32, #tpu.memory_space<vmem>>) dst(%dma_wait3A_234 : memref<32x128xf32, #tpu.memory_space<vmem_shared>>)
    %mul3A_235 = arith.constant 640 : i32
    %mul3A_236 = arith.muli %arg1, %mul3A_235 : i32
    %add3A_237 = arith.constant 128 : i32
    %add3A_238 = arith.addi %mul3A_236, %add3A_237 : i32
    %dma_wait3A_239 = arith.constant 0 : i32
    %dma_wait3A_240 = tpu.memref_slice %arg10[%add3A_238, %dma_wait3A_239] : memref<10240x128xf32, #tpu.memory_space<vmem_shared>> -> memref<32x128xf32, #tpu.memory_space<vmem_shared>>
    %dma_wait3A_241 = arith.constant 0 : i32
    %dma_wait3A_242 = tpu.memref_slice %arg10[%add3A_238, %dma_wait3A_241] : memref<10240x128xf32, #tpu.memory_space<vmem_shared>> -> memref<32x128xf32, #tpu.memory_space<vmem_shared>>
    tpu.wait_dma2 semaphore(%arg12 : memref<!tpu.dma_semaphore, #tpu.memory_space<semaphore_mem>>) src(%arg9 : memref<32x128xf32, #tpu.memory_space<vmem>>) dst(%dma_wait3A_242 : memref<32x128xf32, #tpu.memory_space<vmem_shared>>)
    %mul3A_243 = arith.constant 640 : i32
    %mul3A_244 = arith.muli %arg1, %mul3A_243 : i32
    %add3A_245 = arith.constant 160 : i32
    %add3A_246 = arith.addi %mul3A_244, %add3A_245 : i32
    %dma_wait3A_247 = arith.constant 0 : i32
    %dma_wait3A_248 = tpu.memref_slice %arg10[%add3A_246, %dma_wait3A_247] : memref<10240x128xf32, #tpu.memory_space<vmem_shared>> -> memref<32x128xf32, #tpu.memory_space<vmem_shared>>
    %dma_wait3A_249 = arith.constant 0 : i32
    %dma_wait3A_250 = tpu.memref_slice %arg10[%add3A_246, %dma_wait3A_249] : memref<10240x128xf32, #tpu.memory_space<vmem_shared>> -> memref<32x128xf32, #tpu.memory_space<vmem_shared>>
    tpu.wait_dma2 semaphore(%arg13 : memref<!tpu.dma_semaphore, #tpu.memory_space<semaphore_mem>>) src(%arg9 : memref<32x128xf32, #tpu.memory_space<vmem>>) dst(%dma_wait3A_250 : memref<32x128xf32, #tpu.memory_space<vmem_shared>>)
    %mul3A_251 = arith.constant 640 : i32
    %mul3A_252 = arith.muli %arg1, %mul3A_251 : i32
    %add3A_253 = arith.constant 192 : i32
    %add3A_254 = arith.addi %mul3A_252, %add3A_253 : i32
    %dma_wait3A_255 = arith.constant 0 : i32
    %dma_wait3A_256 = tpu.memref_slice %arg10[%add3A_254, %dma_wait3A_255] : memref<10240x128xf32, #tpu.memory_space<vmem_shared>> -> memref<32x128xf32, #tpu.memory_space<vmem_shared>>
    %dma_wait3A_257 = arith.constant 0 : i32
    %dma_wait3A_258 = tpu.memref_slice %arg10[%add3A_254, %dma_wait3A_257] : memref<10240x128xf32, #tpu.memory_space<vmem_shared>> -> memref<32x128xf32, #tpu.memory_space<vmem_shared>>
    tpu.wait_dma2 semaphore(%arg12 : memref<!tpu.dma_semaphore, #tpu.memory_space<semaphore_mem>>) src(%arg9 : memref<32x128xf32, #tpu.memory_space<vmem>>) dst(%dma_wait3A_258 : memref<32x128xf32, #tpu.memory_space<vmem_shared>>)
    %mul3A_259 = arith.constant 640 : i32
    %mul3A_260 = arith.muli %arg1, %mul3A_259 : i32
    %add3A_261 = arith.constant 224 : i32
    %add3A_262 = arith.addi %mul3A_260, %add3A_261 : i32
    %dma_wait3A_263 = arith.constant 0 : i32
    %dma_wait3A_264 = tpu.memref_slice %arg10[%add3A_262, %dma_wait3A_263] : memref<10240x128xf32, #tpu.memory_space<vmem_shared>> -> memref<32x128xf32, #tpu.memory_space<vmem_shared>>
    %dma_wait3A_265 = arith.constant 0 : i32
    %dma_wait3A_266 = tpu.memref_slice %arg10[%add3A_262, %dma_wait3A_265] : memref<10240x128xf32, #tpu.memory_space<vmem_shared>> -> memref<32x128xf32, #tpu.memory_space<vmem_shared>>
    tpu.wait_dma2 semaphore(%arg13 : memref<!tpu.dma_semaphore, #tpu.memory_space<semaphore_mem>>) src(%arg9 : memref<32x128xf32, #tpu.memory_space<vmem>>) dst(%dma_wait3A_266 : memref<32x128xf32, #tpu.memory_space<vmem_shared>>)
    %mul3A_267 = arith.constant 640 : i32
    %mul3A_268 = arith.muli %arg1, %mul3A_267 : i32
    %add3A_269 = arith.constant 256 : i32
    %add3A_270 = arith.addi %mul3A_268, %add3A_269 : i32
    %dma_wait3A_271 = arith.constant 0 : i32
    %dma_wait3A_272 = tpu.memref_slice %arg10[%add3A_270, %dma_wait3A_271] : memref<10240x128xf32, #tpu.memory_space<vmem_shared>> -> memref<32x128xf32, #tpu.memory_space<vmem_shared>>
    %dma_wait3A_273 = arith.constant 0 : i32
    %dma_wait3A_274 = tpu.memref_slice %arg10[%add3A_270, %dma_wait3A_273] : memref<10240x128xf32, #tpu.memory_space<vmem_shared>> -> memref<32x128xf32, #tpu.memory_space<vmem_shared>>
    tpu.wait_dma2 semaphore(%arg12 : memref<!tpu.dma_semaphore, #tpu.memory_space<semaphore_mem>>) src(%arg9 : memref<32x128xf32, #tpu.memory_space<vmem>>) dst(%dma_wait3A_274 : memref<32x128xf32, #tpu.memory_space<vmem_shared>>)
    %mul3A_275 = arith.constant 640 : i32
    %mul3A_276 = arith.muli %arg1, %mul3A_275 : i32
    %add3A_277 = arith.constant 288 : i32
    %add3A_278 = arith.addi %mul3A_276, %add3A_277 : i32
    %dma_wait3A_279 = arith.constant 0 : i32
    %dma_wait3A_280 = tpu.memref_slice %arg10[%add3A_278, %dma_wait3A_279] : memref<10240x128xf32, #tpu.memory_space<vmem_shared>> -> memref<32x128xf32, #tpu.memory_space<vmem_shared>>
    %dma_wait3A_281 = arith.constant 0 : i32
    %dma_wait3A_282 = tpu.memref_slice %arg10[%add3A_278, %dma_wait3A_281] : memref<10240x128xf32, #tpu.memory_space<vmem_shared>> -> memref<32x128xf32, #tpu.memory_space<vmem_shared>>
    tpu.wait_dma2 semaphore(%arg13 : memref<!tpu.dma_semaphore, #tpu.memory_space<semaphore_mem>>) src(%arg9 : memref<32x128xf32, #tpu.memory_space<vmem>>) dst(%dma_wait3A_282 : memref<32x128xf32, #tpu.memory_space<vmem_shared>>)
    %mul3A_283 = arith.constant 640 : i32
    %mul3A_284 = arith.muli %arg1, %mul3A_283 : i32
    %add3A_285 = arith.constant 320 : i32
    %add3A_286 = arith.addi %mul3A_284, %add3A_285 : i32
    %dma_wait3A_287 = arith.constant 0 : i32
    %dma_wait3A_288 = tpu.memref_slice %arg10[%add3A_286, %dma_wait3A_287] : memref<10240x128xf32, #tpu.memory_space<vmem_shared>> -> memref<32x128xf32, #tpu.memory_space<vmem_shared>>
    %dma_wait3A_289 = arith.constant 0 : i32
    %dma_wait3A_290 = tpu.memref_slice %arg10[%add3A_286, %dma_wait3A_289] : memref<10240x128xf32, #tpu.memory_space<vmem_shared>> -> memref<32x128xf32, #tpu.memory_space<vmem_shared>>
    tpu.wait_dma2 semaphore(%arg12 : memref<!tpu.dma_semaphore, #tpu.memory_space<semaphore_mem>>) src(%arg9 : memref<32x128xf32, #tpu.memory_space<vmem>>) dst(%dma_wait3A_290 : memref<32x128xf32, #tpu.memory_space<vmem_shared>>)
    %mul3A_291 = arith.constant 640 : i32
    %mul3A_292 = arith.muli %arg1, %mul3A_291 : i32
    %add3A_293 = arith.constant 352 : i32
    %add3A_294 = arith.addi %mul3A_292, %add3A_293 : i32
    %dma_wait3A_295 = arith.constant 0 : i32
    %dma_wait3A_296 = tpu.memref_slice %arg10[%add3A_294, %dma_wait3A_295] : memref<10240x128xf32, #tpu.memory_space<vmem_shared>> -> memref<32x128xf32, #tpu.memory_space<vmem_shared>>
    %dma_wait3A_297 = arith.constant 0 : i32
    %dma_wait3A_298 = tpu.memref_slice %arg10[%add3A_294, %dma_wait3A_297] : memref<10240x128xf32, #tpu.memory_space<vmem_shared>> -> memref<32x128xf32, #tpu.memory_space<vmem_shared>>
    tpu.wait_dma2 semaphore(%arg13 : memref<!tpu.dma_semaphore, #tpu.memory_space<semaphore_mem>>) src(%arg9 : memref<32x128xf32, #tpu.memory_space<vmem>>) dst(%dma_wait3A_298 : memref<32x128xf32, #tpu.memory_space<vmem_shared>>)
    %mul3A_299 = arith.constant 640 : i32
    %mul3A_300 = arith.muli %arg1, %mul3A_299 : i32
    %add3A_301 = arith.constant 384 : i32
    %add3A_302 = arith.addi %mul3A_300, %add3A_301 : i32
    %dma_wait3A_303 = arith.constant 0 : i32
    %dma_wait3A_304 = tpu.memref_slice %arg10[%add3A_302, %dma_wait3A_303] : memref<10240x128xf32, #tpu.memory_space<vmem_shared>> -> memref<32x128xf32, #tpu.memory_space<vmem_shared>>
    %dma_wait3A_305 = arith.constant 0 : i32
    %dma_wait3A_306 = tpu.memref_slice %arg10[%add3A_302, %dma_wait3A_305] : memref<10240x128xf32, #tpu.memory_space<vmem_shared>> -> memref<32x128xf32, #tpu.memory_space<vmem_shared>>
    tpu.wait_dma2 semaphore(%arg12 : memref<!tpu.dma_semaphore, #tpu.memory_space<semaphore_mem>>) src(%arg9 : memref<32x128xf32, #tpu.memory_space<vmem>>) dst(%dma_wait3A_306 : memref<32x128xf32, #tpu.memory_space<vmem_shared>>)
    %mul3A_307 = arith.constant 640 : i32
    %mul3A_308 = arith.muli %arg1, %mul3A_307 : i32
    %add3A_309 = arith.constant 416 : i32
    %add3A_310 = arith.addi %mul3A_308, %add3A_309 : i32
    %dma_wait3A_311 = arith.constant 0 : i32
    %dma_wait3A_312 = tpu.memref_slice %arg10[%add3A_310, %dma_wait3A_311] : memref<10240x128xf32, #tpu.memory_space<vmem_shared>> -> memref<32x128xf32, #tpu.memory_space<vmem_shared>>
    %dma_wait3A_313 = arith.constant 0 : i32
    %dma_wait3A_314 = tpu.memref_slice %arg10[%add3A_310, %dma_wait3A_313] : memref<10240x128xf32, #tpu.memory_space<vmem_shared>> -> memref<32x128xf32, #tpu.memory_space<vmem_shared>>
    tpu.wait_dma2 semaphore(%arg13 : memref<!tpu.dma_semaphore, #tpu.memory_space<semaphore_mem>>) src(%arg9 : memref<32x128xf32, #tpu.memory_space<vmem>>) dst(%dma_wait3A_314 : memref<32x128xf32, #tpu.memory_space<vmem_shared>>)
    %mul3A_315 = arith.constant 640 : i32
    %mul3A_316 = arith.muli %arg1, %mul3A_315 : i32
    %add3A_317 = arith.constant 448 : i32
    %add3A_318 = arith.addi %mul3A_316, %add3A_317 : i32
    %dma_wait3A_319 = arith.constant 0 : i32
    %dma_wait3A_320 = tpu.memref_slice %arg10[%add3A_318, %dma_wait3A_319] : memref<10240x128xf32, #tpu.memory_space<vmem_shared>> -> memref<32x128xf32, #tpu.memory_space<vmem_shared>>
    %dma_wait3A_321 = arith.constant 0 : i32
    %dma_wait3A_322 = tpu.memref_slice %arg10[%add3A_318, %dma_wait3A_321] : memref<10240x128xf32, #tpu.memory_space<vmem_shared>> -> memref<32x128xf32, #tpu.memory_space<vmem_shared>>
    tpu.wait_dma2 semaphore(%arg12 : memref<!tpu.dma_semaphore, #tpu.memory_space<semaphore_mem>>) src(%arg9 : memref<32x128xf32, #tpu.memory_space<vmem>>) dst(%dma_wait3A_322 : memref<32x128xf32, #tpu.memory_space<vmem_shared>>)
    %mul3A_323 = arith.constant 640 : i32
    %mul3A_324 = arith.muli %arg1, %mul3A_323 : i32
    %add3A_325 = arith.constant 480 : i32
    %add3A_326 = arith.addi %mul3A_324, %add3A_325 : i32
    %dma_wait3A_327 = arith.constant 0 : i32
    %dma_wait3A_328 = tpu.memref_slice %arg10[%add3A_326, %dma_wait3A_327] : memref<10240x128xf32, #tpu.memory_space<vmem_shared>> -> memref<32x128xf32, #tpu.memory_space<vmem_shared>>
    %dma_wait3A_329 = arith.constant 0 : i32
    %dma_wait3A_330 = tpu.memref_slice %arg10[%add3A_326, %dma_wait3A_329] : memref<10240x128xf32, #tpu.memory_space<vmem_shared>> -> memref<32x128xf32, #tpu.memory_space<vmem_shared>>
    tpu.wait_dma2 semaphore(%arg13 : memref<!tpu.dma_semaphore, #tpu.memory_space<semaphore_mem>>) src(%arg9 : memref<32x128xf32, #tpu.memory_space<vmem>>) dst(%dma_wait3A_330 : memref<32x128xf32, #tpu.memory_space<vmem_shared>>)
    %mul3A_331 = arith.constant 640 : i32
    %mul3A_332 = arith.muli %arg1, %mul3A_331 : i32
    %add3A_333 = arith.constant 512 : i32
    %add3A_334 = arith.addi %mul3A_332, %add3A_333 : i32
    %dma_wait3A_335 = arith.constant 0 : i32
    %dma_wait3A_336 = tpu.memref_slice %arg10[%add3A_334, %dma_wait3A_335] : memref<10240x128xf32, #tpu.memory_space<vmem_shared>> -> memref<32x128xf32, #tpu.memory_space<vmem_shared>>
    %dma_wait3A_337 = arith.constant 0 : i32
    %dma_wait3A_338 = tpu.memref_slice %arg10[%add3A_334, %dma_wait3A_337] : memref<10240x128xf32, #tpu.memory_space<vmem_shared>> -> memref<32x128xf32, #tpu.memory_space<vmem_shared>>
    tpu.wait_dma2 semaphore(%arg12 : memref<!tpu.dma_semaphore, #tpu.memory_space<semaphore_mem>>) src(%arg9 : memref<32x128xf32, #tpu.memory_space<vmem>>) dst(%dma_wait3A_338 : memref<32x128xf32, #tpu.memory_space<vmem_shared>>)
    %mul3A_339 = arith.constant 640 : i32
    %mul3A_340 = arith.muli %arg1, %mul3A_339 : i32
    %add3A_341 = arith.constant 544 : i32
    %add3A_342 = arith.addi %mul3A_340, %add3A_341 : i32
    %dma_wait3A_343 = arith.constant 0 : i32
    %dma_wait3A_344 = tpu.memref_slice %arg10[%add3A_342, %dma_wait3A_343] : memref<10240x128xf32, #tpu.memory_space<vmem_shared>> -> memref<32x128xf32, #tpu.memory_space<vmem_shared>>
    %dma_wait3A_345 = arith.constant 0 : i32
    %dma_wait3A_346 = tpu.memref_slice %arg10[%add3A_342, %dma_wait3A_345] : memref<10240x128xf32, #tpu.memory_space<vmem_shared>> -> memref<32x128xf32, #tpu.memory_space<vmem_shared>>
    tpu.wait_dma2 semaphore(%arg13 : memref<!tpu.dma_semaphore, #tpu.memory_space<semaphore_mem>>) src(%arg9 : memref<32x128xf32, #tpu.memory_space<vmem>>) dst(%dma_wait3A_346 : memref<32x128xf32, #tpu.memory_space<vmem_shared>>)
    %mul3A_347 = arith.constant 640 : i32
    %mul3A_348 = arith.muli %arg1, %mul3A_347 : i32
    %add3A_349 = arith.constant 576 : i32
    %add3A_350 = arith.addi %mul3A_348, %add3A_349 : i32
    %dma_wait3A_351 = arith.constant 0 : i32
    %dma_wait3A_352 = tpu.memref_slice %arg10[%add3A_350, %dma_wait3A_351] : memref<10240x128xf32, #tpu.memory_space<vmem_shared>> -> memref<32x128xf32, #tpu.memory_space<vmem_shared>>
    %dma_wait3A_353 = arith.constant 0 : i32
    %dma_wait3A_354 = tpu.memref_slice %arg10[%add3A_350, %dma_wait3A_353] : memref<10240x128xf32, #tpu.memory_space<vmem_shared>> -> memref<32x128xf32, #tpu.memory_space<vmem_shared>>
    tpu.wait_dma2 semaphore(%arg12 : memref<!tpu.dma_semaphore, #tpu.memory_space<semaphore_mem>>) src(%arg9 : memref<32x128xf32, #tpu.memory_space<vmem>>) dst(%dma_wait3A_354 : memref<32x128xf32, #tpu.memory_space<vmem_shared>>)
    %mul3A_355 = arith.constant 640 : i32
    %mul3A_356 = arith.muli %arg1, %mul3A_355 : i32
    %add3A_357 = arith.constant 608 : i32
    %add3A_358 = arith.addi %mul3A_356, %add3A_357 : i32
    %dma_wait3A_359 = arith.constant 0 : i32
    %dma_wait3A_360 = tpu.memref_slice %arg10[%add3A_358, %dma_wait3A_359] : memref<10240x128xf32, #tpu.memory_space<vmem_shared>> -> memref<32x128xf32, #tpu.memory_space<vmem_shared>>
    %dma_wait3A_361 = arith.constant 0 : i32
    %dma_wait3A_362 = tpu.memref_slice %arg10[%add3A_358, %dma_wait3A_361] : memref<10240x128xf32, #tpu.memory_space<vmem_shared>> -> memref<32x128xf32, #tpu.memory_space<vmem_shared>>
    tpu.wait_dma2 semaphore(%arg13 : memref<!tpu.dma_semaphore, #tpu.memory_space<semaphore_mem>>) src(%arg9 : memref<32x128xf32, #tpu.memory_space<vmem>>) dst(%dma_wait3A_362 : memref<32x128xf32, #tpu.memory_space<vmem_shared>>)
    %dma_wait3A_363 = arith.constant 0 : i32
    %dma_wait3A_364 = arith.constant 0 : i32
    %dma_wait3A_365 = arith.constant 0 : i32
    %dma_wait3A_366 = tpu.memref_slice %arg6[%dma_wait3A_363, %dma_wait3A_364, %dma_wait3A_365] : memref<2x2x125xi32, #tpu.memory_space<vmem>> -> memref<1x2x125xi32, #tpu.memory_space<vmem>>
    %dma_wait3A_367 = tpu.memref_squeeze %dma_wait3A_366 : memref<1x2x125xi32, #tpu.memory_space<vmem>> -> memref<2x125xi32, #tpu.memory_space<vmem>>
    %dma_wait3A_368 = arith.constant 0 : i32
    %dma_wait3A_369 = arith.constant 0 : i32
    %dma_wait3A_370 = tpu.memref_slice %arg3[%mul3A_2, %dma_wait3A_368, %dma_wait3A_369] : memref<2560x2x125xi32, #tpu.memory_space<hbm>> -> memref<1x2x125xi32, #tpu.memory_space<hbm>>
    %dma_wait3A_371 = tpu.memref_squeeze %dma_wait3A_370 : memref<1x2x125xi32, #tpu.memory_space<hbm>> -> memref<2x125xi32, #tpu.memory_space<hbm>>
    %dma_wait3A_372 = arith.constant 0 : i32
    %dma_wait3A_373 = arith.constant 0 : i32
    %dma_wait3A_374 = tpu.memref_slice %arg6[%dma_wait3A_363, %dma_wait3A_372, %dma_wait3A_373] : memref<2x2x125xi32, #tpu.memory_space<vmem>> -> memref<1x2x125xi32, #tpu.memory_space<vmem>>
    %dma_wait3A_375 = tpu.memref_squeeze %dma_wait3A_374 : memref<1x2x125xi32, #tpu.memory_space<vmem>> -> memref<2x125xi32, #tpu.memory_space<vmem>>
    %dma_wait3A_376 = arith.constant 0 : i32
    %dma_wait3A_377 = arith.constant 0 : i32
    %dma_wait3A_378 = tpu.memref_slice %arg3[%mul3A_2, %dma_wait3A_376, %dma_wait3A_377] : memref<2560x2x125xi32, #tpu.memory_space<hbm>> -> memref<1x2x125xi32, #tpu.memory_space<hbm>>
    %dma_wait3A_379 = tpu.memref_squeeze %dma_wait3A_378 : memref<1x2x125xi32, #tpu.memory_space<hbm>> -> memref<2x125xi32, #tpu.memory_space<hbm>>
    tpu.wait_dma2 semaphore(%arg11 : memref<!tpu.dma_semaphore, #tpu.memory_space<semaphore_mem>>) src(%dma_wait3A_379 : memref<2x125xi32, #tpu.memory_space<hbm>>) dst(%dma_wait3A_375 : memref<2x125xi32, #tpu.memory_space<vmem>>)
    %dma_wait3A_380 = arith.constant 0 : i32
    %dma_wait3A_381 = arith.constant 0 : i32
    %dma_wait3A_382 = arith.constant 0 : i32
    %dma_wait3A_383 = tpu.memref_slice %arg7[%dma_wait3A_380, %dma_wait3A_381, %dma_wait3A_382] : memref<2x2x125xi32, #tpu.memory_space<vmem>> -> memref<1x2x125xi32, #tpu.memory_space<vmem>>
    %dma_wait3A_384 = tpu.memref_squeeze %dma_wait3A_383 : memref<1x2x125xi32, #tpu.memory_space<vmem>> -> memref<2x125xi32, #tpu.memory_space<vmem>>
    %dma_wait3A_385 = arith.constant 0 : i32
    %dma_wait3A_386 = arith.constant 0 : i32
    %dma_wait3A_387 = tpu.memref_slice %arg4[%mul3A_4, %dma_wait3A_385, %dma_wait3A_386] : memref<1280x2x125xi32, #tpu.memory_space<hbm>> -> memref<1x2x125xi32, #tpu.memory_space<hbm>>
    %dma_wait3A_388 = tpu.memref_squeeze %dma_wait3A_387 : memref<1x2x125xi32, #tpu.memory_space<hbm>> -> memref<2x125xi32, #tpu.memory_space<hbm>>
    %dma_wait3A_389 = arith.constant 0 : i32
    %dma_wait3A_390 = arith.constant 0 : i32
    %dma_wait3A_391 = tpu.memref_slice %arg7[%dma_wait3A_380, %dma_wait3A_389, %dma_wait3A_390] : memref<2x2x125xi32, #tpu.memory_space<vmem>> -> memref<1x2x125xi32, #tpu.memory_space<vmem>>
    %dma_wait3A_392 = tpu.memref_squeeze %dma_wait3A_391 : memref<1x2x125xi32, #tpu.memory_space<vmem>> -> memref<2x125xi32, #tpu.memory_space<vmem>>
    %dma_wait3A_393 = arith.constant 0 : i32
    %dma_wait3A_394 = arith.constant 0 : i32
    %dma_wait3A_395 = tpu.memref_slice %arg4[%mul3A_4, %dma_wait3A_393, %dma_wait3A_394] : memref<1280x2x125xi32, #tpu.memory_space<hbm>> -> memref<1x2x125xi32, #tpu.memory_space<hbm>>
    %dma_wait3A_396 = tpu.memref_squeeze %dma_wait3A_395 : memref<1x2x125xi32, #tpu.memory_space<hbm>> -> memref<2x125xi32, #tpu.memory_space<hbm>>
    tpu.wait_dma2 semaphore(%arg11 : memref<!tpu.dma_semaphore, #tpu.memory_space<semaphore_mem>>) src(%dma_wait3A_396 : memref<2x125xi32, #tpu.memory_space<hbm>>) dst(%dma_wait3A_392 : memref<2x125xi32, #tpu.memory_space<vmem>>)
    %dma_start3A_397 = arith.constant 0 : i32
    %dma_start3A_398 = arith.constant 0 : i32
    %dma_start3A_399 = arith.constant 0 : i32
    %dma_start3A_400 = arith.constant 0 : i32
    %dma_start3A_401 = arith.constant 0 : i32
    %dma_start3A_402 = tpu.memref_slice %arg8[%dma_start3A_399, %dma_start3A_400, %dma_start3A_401] : memref<2x125x128xf32, #tpu.memory_space<vmem>> -> memref<1x125x128xf32, #tpu.memory_space<vmem>>
    %dma_start3A_403 = tpu.memref_squeeze %dma_start3A_402 : memref<1x125x128xf32, #tpu.memory_space<vmem>> -> memref<125x128xf32, #tpu.memory_space<vmem>>
    %dma_start3A_404 = arith.constant 0 : i32
    %dma_start3A_405 = tpu.memref_slice %arg6[%dma_start3A_397, %dma_start3A_398, %dma_start3A_404] : memref<2x2x125xi32, #tpu.memory_space<vmem>> -> memref<1x1x125xi32, #tpu.memory_space<vmem>>
    %dma_start3A_406 = tpu.memref_squeeze %dma_start3A_405 : memref<1x1x125xi32, #tpu.memory_space<vmem>> -> memref<125xi32, #tpu.memory_space<vmem>>
    %dma_start3A_407 = arith.constant 0 : i32
    %dma_start3A_408 = arith.constant 0 : i32
    %dma_start3A_409 = tpu.memref_slice %arg2[%dma_start3A_407, %dma_start3A_408] : memref<20000x128xf32, #tpu.memory_space<hbm>> -> memref<20000x128xf32, #tpu.memory_space<hbm>>
    tpu.enqueue_indirect_dma source(%dma_start3A_409 : memref<20000x128xf32, #tpu.memory_space<hbm>>) target(%dma_start3A_403 : memref<125x128xf32, #tpu.memory_space<vmem>>) offsets(%dma_start3A_406 : memref<125xi32, #tpu.memory_space<vmem>>) semaphore(%arg12 : memref<!tpu.dma_semaphore, #tpu.memory_space<semaphore_mem>>)
    %dma_start3A_410 = arith.constant 0 : i32
    %dma_start3A_411 = arith.constant 1 : i32
    %dma_start3A_412 = arith.constant 1 : i32
    %dma_start3A_413 = arith.constant 0 : i32
    %dma_start3A_414 = arith.constant 0 : i32
    %dma_start3A_415 = tpu.memref_slice %arg8[%dma_start3A_412, %dma_start3A_413, %dma_start3A_414] : memref<2x125x128xf32, #tpu.memory_space<vmem>> -> memref<1x125x128xf32, #tpu.memory_space<vmem>>
    %dma_start3A_416 = tpu.memref_squeeze %dma_start3A_415 : memref<1x125x128xf32, #tpu.memory_space<vmem>> -> memref<125x128xf32, #tpu.memory_space<vmem>>
    %dma_start3A_417 = arith.constant 0 : i32
    %dma_start3A_418 = tpu.memref_slice %arg6[%dma_start3A_410, %dma_start3A_411, %dma_start3A_417] : memref<2x2x125xi32, #tpu.memory_space<vmem>> -> memref<1x1x125xi32, #tpu.memory_space<vmem>>
    %dma_start3A_419 = tpu.memref_squeeze %dma_start3A_418 : memref<1x1x125xi32, #tpu.memory_space<vmem>> -> memref<125xi32, #tpu.memory_space<vmem>>
    %dma_start3A_420 = arith.constant 0 : i32
    %dma_start3A_421 = arith.constant 0 : i32
    %dma_start3A_422 = tpu.memref_slice %arg2[%dma_start3A_420, %dma_start3A_421] : memref<20000x128xf32, #tpu.memory_space<hbm>> -> memref<20000x128xf32, #tpu.memory_space<hbm>>
    tpu.enqueue_indirect_dma source(%dma_start3A_422 : memref<20000x128xf32, #tpu.memory_space<hbm>>) target(%dma_start3A_416 : memref<125x128xf32, #tpu.memory_space<vmem>>) offsets(%dma_start3A_419 : memref<125xi32, #tpu.memory_space<vmem>>) semaphore(%arg13 : memref<!tpu.dma_semaphore, #tpu.memory_space<semaphore_mem>>)
    %add3A_423 = arith.constant 1 : i32
    %add3A_424 = arith.addi %mul3A_2, %add3A_423 : i32
    %dma_start3A_425 = arith.constant 1 : i32
    %dma_start3A_426 = arith.constant 0 : i32
    %dma_start3A_427 = arith.constant 0 : i32
    %dma_start3A_428 = tpu.memref_slice %arg6[%dma_start3A_425, %dma_start3A_426, %dma_start3A_427] : memref<2x2x125xi32, #tpu.memory_space<vmem>> -> memref<1x2x125xi32, #tpu.memory_space<vmem>>
    %dma_start3A_429 = tpu.memref_squeeze %dma_start3A_428 : memref<1x2x125xi32, #tpu.memory_space<vmem>> -> memref<2x125xi32, #tpu.memory_space<vmem>>
    %dma_start3A_430 = arith.constant 0 : i32
    %dma_start3A_431 = arith.constant 0 : i32
    %dma_start3A_432 = tpu.memref_slice %arg3[%add3A_424, %dma_start3A_430, %dma_start3A_431] : memref<2560x2x125xi32, #tpu.memory_space<hbm>> -> memref<1x2x125xi32, #tpu.memory_space<hbm>>
    %dma_start3A_433 = tpu.memref_squeeze %dma_start3A_432 : memref<1x2x125xi32, #tpu.memory_space<hbm>> -> memref<2x125xi32, #tpu.memory_space<hbm>>
    %dma_start3A_434 = arith.constant 0 : i32
    %dma_start3A_435 = arith.constant 0 : i32
    %dma_start3A_436 = tpu.memref_slice %arg6[%dma_start3A_425, %dma_start3A_434, %dma_start3A_435] : memref<2x2x125xi32, #tpu.memory_space<vmem>> -> memref<1x2x125xi32, #tpu.memory_space<vmem>>
    %dma_start3A_437 = tpu.memref_squeeze %dma_start3A_436 : memref<1x2x125xi32, #tpu.memory_space<vmem>> -> memref<2x125xi32, #tpu.memory_space<vmem>>
    %dma_start3A_438 = arith.constant 0 : i32
    %dma_start3A_439 = arith.constant 0 : i32
    %dma_start3A_440 = tpu.memref_slice %arg3[%add3A_424, %dma_start3A_438, %dma_start3A_439] : memref<2560x2x125xi32, #tpu.memory_space<hbm>> -> memref<1x2x125xi32, #tpu.memory_space<hbm>>
    %dma_start3A_441 = tpu.memref_squeeze %dma_start3A_440 : memref<1x2x125xi32, #tpu.memory_space<hbm>> -> memref<2x125xi32, #tpu.memory_space<hbm>>
    tpu.enqueue_dma source(%dma_start3A_441 : memref<2x125xi32, #tpu.memory_space<hbm>>) target(%dma_start3A_437 : memref<2x125xi32, #tpu.memory_space<vmem>>) target_semaphore(%arg11 : memref<!tpu.dma_semaphore, #tpu.memory_space<semaphore_mem>>)
    %add3A_442 = arith.constant 1 : i32
    %add3A_443 = arith.addi %mul3A_4, %add3A_442 : i32
    %dma_start3A_444 = arith.constant 1 : i32
    %dma_start3A_445 = arith.constant 0 : i32
    %dma_start3A_446 = arith.constant 0 : i32
    %dma_start3A_447 = tpu.memref_slice %arg7[%dma_start3A_444, %dma_start3A_445, %dma_start3A_446] : memref<2x2x125xi32, #tpu.memory_space<vmem>> -> memref<1x2x125xi32, #tpu.memory_space<vmem>>
    %dma_start3A_448 = tpu.memref_squeeze %dma_start3A_447 : memref<1x2x125xi32, #tpu.memory_space<vmem>> -> memref<2x125xi32, #tpu.memory_space<vmem>>
    %dma_start3A_449 = arith.constant 0 : i32
    %dma_start3A_450 = arith.constant 0 : i32
    %dma_start3A_451 = tpu.memref_slice %arg4[%add3A_443, %dma_start3A_449, %dma_start3A_450] : memref<1280x2x125xi32, #tpu.memory_space<hbm>> -> memref<1x2x125xi32, #tpu.memory_space<hbm>>
    %dma_start3A_452 = tpu.memref_squeeze %dma_start3A_451 : memref<1x2x125xi32, #tpu.memory_space<hbm>> -> memref<2x125xi32, #tpu.memory_space<hbm>>
    %dma_start3A_453 = arith.constant 0 : i32
    %dma_start3A_454 = arith.constant 0 : i32
    %dma_start3A_455 = tpu.memref_slice %arg7[%dma_start3A_444, %dma_start3A_453, %dma_start3A_454] : memref<2x2x125xi32, #tpu.memory_space<vmem>> -> memref<1x2x125xi32, #tpu.memory_space<vmem>>
    %dma_start3A_456 = tpu.memref_squeeze %dma_start3A_455 : memref<1x2x125xi32, #tpu.memory_space<vmem>> -> memref<2x125xi32, #tpu.memory_space<vmem>>
    %dma_start3A_457 = arith.constant 0 : i32
    %dma_start3A_458 = arith.constant 0 : i32
    %dma_start3A_459 = tpu.memref_slice %arg4[%add3A_443, %dma_start3A_457, %dma_start3A_458] : memref<1280x2x125xi32, #tpu.memory_space<hbm>> -> memref<1x2x125xi32, #tpu.memory_space<hbm>>
    %dma_start3A_460 = tpu.memref_squeeze %dma_start3A_459 : memref<1x2x125xi32, #tpu.memory_space<hbm>> -> memref<2x125xi32, #tpu.memory_space<hbm>>
    tpu.enqueue_dma source(%dma_start3A_460 : memref<2x125xi32, #tpu.memory_space<hbm>>) target(%dma_start3A_456 : memref<2x125xi32, #tpu.memory_space<vmem>>) target_semaphore(%arg11 : memref<!tpu.dma_semaphore, #tpu.memory_space<semaphore_mem>>)
    %barrier3A = arith.constant 0 : index
    tpu.barrier barrier_id(%barrier3A)
    %scan3A_461 = arith.constant 0 : i32
    %scan3A_462 = arith.constant 0 : i32
    %scan3A_463 = arith.constant 80 : i32
    %scan3A_464 = arith.addi %scan3A_462, %scan3A_463 : i32
    %scan3A_465 = arith.constant 1 : i32
    %scan3A_466 = scf.for %scan3A_473 = %scan3A_462 to %scan3A_464 step %scan3A_465 iter_args(%scan3A_474 = %scan3A_461) -> (i32)  : i32 {
      %rem3A = arith.constant 2 : i32
      %rem3A_475 = arith.remsi %scan3A_473, %rem3A : i32
      %sub3A = arith.constant 1 : i32
      %sub3A_476 = arith.subi %sub3A, %rem3A_475 : i32
      %add3A_477 = arith.constant 1 : i32
      %add3A_478 = arith.addi %scan3A_473, %add3A_477 : i32
      %lt3A = arith.constant 80 : i32
      %lt3A_479 = arith.cmpi slt, %add3A_478, %lt3A : i32
      %convert_element_type3A = arith.extui %lt3A_479 : i1 to i32
      %cond3A = arith.constant 0 : i32
      %cond3A_480 = arith.cmpi ne, %convert_element_type3A, %cond3A : i32
      scf.if %cond3A_480 {
        %add3A_530 = arith.addi %mul3A_2, %scan3A_473 : i32
        %add3A_531 = arith.constant 1 : i32
        %add3A_532 = arith.addi %add3A_530, %add3A_531 : i32
        %dma_wait3A_533 = arith.constant 0 : i32
        %dma_wait3A_534 = arith.constant 0 : i32
        %dma_wait3A_535 = tpu.memref_slice %arg6[%sub3A_476, %dma_wait3A_533, %dma_wait3A_534] : memref<2x2x125xi32, #tpu.memory_space<vmem>> -> memref<1x2x125xi32, #tpu.memory_space<vmem>>
        %dma_wait3A_536 = tpu.memref_squeeze %dma_wait3A_535 : memref<1x2x125xi32, #tpu.memory_space<vmem>> -> memref<2x125xi32, #tpu.memory_space<vmem>>
        %dma_wait3A_537 = arith.constant 0 : i32
        %dma_wait3A_538 = arith.constant 0 : i32
        %dma_wait3A_539 = tpu.memref_slice %arg3[%add3A_532, %dma_wait3A_537, %dma_wait3A_538] : memref<2560x2x125xi32, #tpu.memory_space<hbm>> -> memref<1x2x125xi32, #tpu.memory_space<hbm>>
        %dma_wait3A_540 = tpu.memref_squeeze %dma_wait3A_539 : memref<1x2x125xi32, #tpu.memory_space<hbm>> -> memref<2x125xi32, #tpu.memory_space<hbm>>
        %dma_wait3A_541 = arith.constant 0 : i32
        %dma_wait3A_542 = arith.constant 0 : i32
        %dma_wait3A_543 = tpu.memref_slice %arg6[%sub3A_476, %dma_wait3A_541, %dma_wait3A_542] : memref<2x2x125xi32, #tpu.memory_space<vmem>> -> memref<1x2x125xi32, #tpu.memory_space<vmem>>
        %dma_wait3A_544 = tpu.memref_squeeze %dma_wait3A_543 : memref<1x2x125xi32, #tpu.memory_space<vmem>> -> memref<2x125xi32, #tpu.memory_space<vmem>>
        %dma_wait3A_545 = arith.constant 0 : i32
        %dma_wait3A_546 = arith.constant 0 : i32
        %dma_wait3A_547 = tpu.memref_slice %arg3[%add3A_532, %dma_wait3A_545, %dma_wait3A_546] : memref<2560x2x125xi32, #tpu.memory_space<hbm>> -> memref<1x2x125xi32, #tpu.memory_space<hbm>>
        %dma_wait3A_548 = tpu.memref_squeeze %dma_wait3A_547 : memref<1x2x125xi32, #tpu.memory_space<hbm>> -> memref<2x125xi32, #tpu.memory_space<hbm>>
        tpu.wait_dma2 semaphore(%arg11 : memref<!tpu.dma_semaphore, #tpu.memory_space<semaphore_mem>>) src(%dma_wait3A_548 : memref<2x125xi32, #tpu.memory_space<hbm>>) dst(%dma_wait3A_544 : memref<2x125xi32, #tpu.memory_space<vmem>>)
        %add3A_549 = arith.addi %mul3A_4, %scan3A_473 : i32
        %add3A_550 = arith.constant 1 : i32
        %add3A_551 = arith.addi %add3A_549, %add3A_550 : i32
        %dma_wait3A_552 = arith.constant 0 : i32
        %dma_wait3A_553 = arith.constant 0 : i32
        %dma_wait3A_554 = tpu.memref_slice %arg7[%sub3A_476, %dma_wait3A_552, %dma_wait3A_553] : memref<2x2x125xi32, #tpu.memory_space<vmem>> -> memref<1x2x125xi32, #tpu.memory_space<vmem>>
        %dma_wait3A_555 = tpu.memref_squeeze %dma_wait3A_554 : memref<1x2x125xi32, #tpu.memory_space<vmem>> -> memref<2x125xi32, #tpu.memory_space<vmem>>
        %dma_wait3A_556 = arith.constant 0 : i32
        %dma_wait3A_557 = arith.constant 0 : i32
        %dma_wait3A_558 = tpu.memref_slice %arg4[%add3A_551, %dma_wait3A_556, %dma_wait3A_557] : memref<1280x2x125xi32, #tpu.memory_space<hbm>> -> memref<1x2x125xi32, #tpu.memory_space<hbm>>
        %dma_wait3A_559 = tpu.memref_squeeze %dma_wait3A_558 : memref<1x2x125xi32, #tpu.memory_space<hbm>> -> memref<2x125xi32, #tpu.memory_space<hbm>>
        %dma_wait3A_560 = arith.constant 0 : i32
        %dma_wait3A_561 = arith.constant 0 : i32
        %dma_wait3A_562 = tpu.memref_slice %arg7[%sub3A_476, %dma_wait3A_560, %dma_wait3A_561] : memref<2x2x125xi32, #tpu.memory_space<vmem>> -> memref<1x2x125xi32, #tpu.memory_space<vmem>>
        %dma_wait3A_563 = tpu.memref_squeeze %dma_wait3A_562 : memref<1x2x125xi32, #tpu.memory_space<vmem>> -> memref<2x125xi32, #tpu.memory_space<vmem>>
        %dma_wait3A_564 = arith.constant 0 : i32
        %dma_wait3A_565 = arith.constant 0 : i32
        %dma_wait3A_566 = tpu.memref_slice %arg4[%add3A_551, %dma_wait3A_564, %dma_wait3A_565] : memref<1280x2x125xi32, #tpu.memory_space<hbm>> -> memref<1x2x125xi32, #tpu.memory_space<hbm>>
        %dma_wait3A_567 = tpu.memref_squeeze %dma_wait3A_566 : memref<1x2x125xi32, #tpu.memory_space<hbm>> -> memref<2x125xi32, #tpu.memory_space<hbm>>
        tpu.wait_dma2 semaphore(%arg11 : memref<!tpu.dma_semaphore, #tpu.memory_space<semaphore_mem>>) src(%dma_wait3A_567 : memref<2x125xi32, #tpu.memory_space<hbm>>) dst(%dma_wait3A_563 : memref<2x125xi32, #tpu.memory_space<vmem>>)
      } else {
      }
      %dma_wait3A_481 = arith.constant 0 : i32
      %dma_wait3A_482 = arith.constant 0 : i32
      %dma_wait3A_483 = arith.constant 0 : i32
      %dma_wait3A_484 = arith.constant 0 : i32
      %dma_wait3A_485 = tpu.memref_slice %arg8[%dma_wait3A_482, %dma_wait3A_483, %dma_wait3A_484] : memref<2x125x128xf32, #tpu.memory_space<vmem>> -> memref<1x125x128xf32, #tpu.memory_space<vmem>>
      %dma_wait3A_486 = tpu.memref_squeeze %dma_wait3A_485 : memref<1x125x128xf32, #tpu.memory_space<vmem>> -> memref<125x128xf32, #tpu.memory_space<vmem>>
      %dma_wait3A_487 = arith.constant 0 : i32
      %dma_wait3A_488 = tpu.memref_slice %arg6[%rem3A_475, %dma_wait3A_481, %dma_wait3A_487] : memref<2x2x125xi32, #tpu.memory_space<vmem>> -> memref<1x1x125xi32, #tpu.memory_space<vmem>>
      %dma_wait3A_489 = tpu.memref_squeeze %dma_wait3A_488 : memref<1x1x125xi32, #tpu.memory_space<vmem>> -> memref<125xi32, #tpu.memory_space<vmem>>
      %dma_wait3A_490 = arith.constant 0 : i32
      %dma_wait3A_491 = arith.constant 0 : i32
      %dma_wait3A_492 = tpu.memref_slice %arg2[%dma_wait3A_490, %dma_wait3A_491] : memref<20000x128xf32, #tpu.memory_space<hbm>> -> memref<20000x128xf32, #tpu.memory_space<hbm>>
      tpu.wait_indirect_dma semaphore(%arg12 : memref<!tpu.dma_semaphore, #tpu.memory_space<semaphore_mem>>) src(%dma_wait3A_492 : memref<20000x128xf32, #tpu.memory_space<hbm>>) dst(%dma_wait3A_486 : memref<125x128xf32, #tpu.memory_space<vmem>>)
      %run_scoped3A = arith.constant 0 : i32
      %run_scoped3A_493 = arith.constant 0 : i32
      "tpu.region"() ({
        %run_scoped3A_530 = tpu.sem_alloc : memref<!tpu.dma_semaphore, #tpu.memory_space<semaphore_mem>>
        %dma_start3A_531 = arith.constant 0 : i32
        %dma_start3A_532 = arith.constant 0 : i32
        %dma_start3A_533 = tpu.memref_slice %arg8[%run_scoped3A, %dma_start3A_531, %dma_start3A_532] : memref<2x125x128xf32, #tpu.memory_space<vmem>> -> memref<1x125x128xf32, #tpu.memory_space<vmem>>
        %dma_start3A_534 = tpu.memref_squeeze %dma_start3A_533 : memref<1x125x128xf32, #tpu.memory_space<vmem>> -> memref<125x128xf32, #tpu.memory_space<vmem>>
        %dma_start3A_535 = arith.constant 0 : i32
        %dma_start3A_536 = tpu.memref_slice %arg7[%rem3A_475, %run_scoped3A_493, %dma_start3A_535] : memref<2x2x125xi32, #tpu.memory_space<vmem>> -> memref<1x1x125xi32, #tpu.memory_space<vmem>>
        %dma_start3A_537 = tpu.memref_squeeze %dma_start3A_536 : memref<1x1x125xi32, #tpu.memory_space<vmem>> -> memref<125xi32, #tpu.memory_space<vmem>>
        %dma_start3A_538 = arith.constant 0 : i32
        %dma_start3A_539 = arith.constant 0 : i32
        %dma_start3A_540 = tpu.memref_slice %arg10[%dma_start3A_538, %dma_start3A_539] : memref<10240x128xf32, #tpu.memory_space<vmem_shared>> -> memref<10240x128xf32, #tpu.memory_space<vmem_shared>>
        tpu.enqueue_indirect_dma source(%dma_start3A_534 : memref<125x128xf32, #tpu.memory_space<vmem>>) target(%dma_start3A_540 : memref<10240x128xf32, #tpu.memory_space<vmem_shared>>) offsets(%dma_start3A_537 : memref<125xi32, #tpu.memory_space<vmem>>) semaphore(%run_scoped3A_530 : memref<!tpu.dma_semaphore, #tpu.memory_space<semaphore_mem>>) {add = true}
        %dma_wait3A_541 = arith.constant 0 : i32
        %dma_wait3A_542 = arith.constant 0 : i32
        %dma_wait3A_543 = tpu.memref_slice %arg8[%run_scoped3A, %dma_wait3A_541, %dma_wait3A_542] : memref<2x125x128xf32, #tpu.memory_space<vmem>> -> memref<1x125x128xf32, #tpu.memory_space<vmem>>
        %dma_wait3A_544 = tpu.memref_squeeze %dma_wait3A_543 : memref<1x125x128xf32, #tpu.memory_space<vmem>> -> memref<125x128xf32, #tpu.memory_space<vmem>>
        %dma_wait3A_545 = arith.constant 0 : i32
        %dma_wait3A_546 = tpu.memref_slice %arg7[%rem3A_475, %run_scoped3A_493, %dma_wait3A_545] : memref<2x2x125xi32, #tpu.memory_space<vmem>> -> memref<1x1x125xi32, #tpu.memory_space<vmem>>
        %dma_wait3A_547 = tpu.memref_squeeze %dma_wait3A_546 : memref<1x1x125xi32, #tpu.memory_space<vmem>> -> memref<125xi32, #tpu.memory_space<vmem>>
        %dma_wait3A_548 = arith.constant 0 : i32
        %dma_wait3A_549 = arith.constant 0 : i32
        %dma_wait3A_550 = tpu.memref_slice %arg10[%dma_wait3A_548, %dma_wait3A_549] : memref<10240x128xf32, #tpu.memory_space<vmem_shared>> -> memref<10240x128xf32, #tpu.memory_space<vmem_shared>>
        tpu.wait_indirect_dma semaphore(%run_scoped3A_530 : memref<!tpu.dma_semaphore, #tpu.memory_space<semaphore_mem>>) src(%dma_wait3A_544 : memref<125x128xf32, #tpu.memory_space<vmem>>) dst(%dma_wait3A_550 : memref<10240x128xf32, #tpu.memory_space<vmem_shared>>)
        tpu.yield
      }) : () -> ()
      %add3A_494 = arith.constant 1 : i32
      %add3A_495 = arith.addi %scan3A_473, %add3A_494 : i32
      %lt3A_496 = arith.constant 80 : i32
      %lt3A_497 = arith.cmpi slt, %add3A_495, %lt3A_496 : i32
      %convert_element_type3A_498 = arith.extui %lt3A_497 : i1 to i32
      %cond3A_499 = arith.constant 0 : i32
      %cond3A_500 = arith.cmpi ne, %convert_element_type3A_498, %cond3A_499 : i32
      scf.if %cond3A_500 {
        %dma_start3A_530 = arith.constant 0 : i32
        %dma_start3A_531 = arith.constant 0 : i32
        %dma_start3A_532 = arith.constant 0 : i32
        %dma_start3A_533 = arith.constant 0 : i32
        %dma_start3A_534 = tpu.memref_slice %arg8[%dma_start3A_531, %dma_start3A_532, %dma_start3A_533] : memref<2x125x128xf32, #tpu.memory_space<vmem>> -> memref<1x125x128xf32, #tpu.memory_space<vmem>>
        %dma_start3A_535 = tpu.memref_squeeze %dma_start3A_534 : memref<1x125x128xf32, #tpu.memory_space<vmem>> -> memref<125x128xf32, #tpu.memory_space<vmem>>
        %dma_start3A_536 = arith.constant 0 : i32
        %dma_start3A_537 = tpu.memref_slice %arg6[%sub3A_476, %dma_start3A_530, %dma_start3A_536] : memref<2x2x125xi32, #tpu.memory_space<vmem>> -> memref<1x1x125xi32, #tpu.memory_space<vmem>>
        %dma_start3A_538 = tpu.memref_squeeze %dma_start3A_537 : memref<1x1x125xi32, #tpu.memory_space<vmem>> -> memref<125xi32, #tpu.memory_space<vmem>>
        %dma_start3A_539 = arith.constant 0 : i32
        %dma_start3A_540 = arith.constant 0 : i32
        %dma_start3A_541 = tpu.memref_slice %arg2[%dma_start3A_539, %dma_start3A_540] : memref<20000x128xf32, #tpu.memory_space<hbm>> -> memref<20000x128xf32, #tpu.memory_space<hbm>>
        tpu.enqueue_indirect_dma source(%dma_start3A_541 : memref<20000x128xf32, #tpu.memory_space<hbm>>) target(%dma_start3A_535 : memref<125x128xf32, #tpu.memory_space<vmem>>) offsets(%dma_start3A_538 : memref<125xi32, #tpu.memory_space<vmem>>) semaphore(%arg12 : memref<!tpu.dma_semaphore, #tpu.memory_space<semaphore_mem>>)
      } else {
      }
      %dma_wait3A_501 = arith.constant 1 : i32
      %dma_wait3A_502 = arith.constant 1 : i32
      %dma_wait3A_503 = arith.constant 0 : i32
      %dma_wait3A_504 = arith.constant 0 : i32
      %dma_wait3A_505 = tpu.memref_slice %arg8[%dma_wait3A_502, %dma_wait3A_503, %dma_wait3A_504] : memref<2x125x128xf32, #tpu.memory_space<vmem>> -> memref<1x125x128xf32, #tpu.memory_space<vmem>>
      %dma_wait3A_506 = tpu.memref_squeeze %dma_wait3A_505 : memref<1x125x128xf32, #tpu.memory_space<vmem>> -> memref<125x128xf32, #tpu.memory_space<vmem>>
      %dma_wait3A_507 = arith.constant 0 : i32
      %dma_wait3A_508 = tpu.memref_slice %arg6[%rem3A_475, %dma_wait3A_501, %dma_wait3A_507] : memref<2x2x125xi32, #tpu.memory_space<vmem>> -> memref<1x1x125xi32, #tpu.memory_space<vmem>>
      %dma_wait3A_509 = tpu.memref_squeeze %dma_wait3A_508 : memref<1x1x125xi32, #tpu.memory_space<vmem>> -> memref<125xi32, #tpu.memory_space<vmem>>
      %dma_wait3A_510 = arith.constant 0 : i32
      %dma_wait3A_511 = arith.constant 0 : i32
      %dma_wait3A_512 = tpu.memref_slice %arg2[%dma_wait3A_510, %dma_wait3A_511] : memref<20000x128xf32, #tpu.memory_space<hbm>> -> memref<20000x128xf32, #tpu.memory_space<hbm>>
      tpu.wait_indirect_dma semaphore(%arg13 : memref<!tpu.dma_semaphore, #tpu.memory_space<semaphore_mem>>) src(%dma_wait3A_512 : memref<20000x128xf32, #tpu.memory_space<hbm>>) dst(%dma_wait3A_506 : memref<125x128xf32, #tpu.memory_space<vmem>>)
      %run_scoped3A_513 = arith.constant 1 : i32
      %run_scoped3A_514 = arith.constant 1 : i32
      "tpu.region"() ({
        %run_scoped3A_530 = tpu.sem_alloc : memref<!tpu.dma_semaphore, #tpu.memory_space<semaphore_mem>>
        %dma_start3A_531 = arith.constant 0 : i32
        %dma_start3A_532 = arith.constant 0 : i32
        %dma_start3A_533 = tpu.memref_slice %arg8[%run_scoped3A_513, %dma_start3A_531, %dma_start3A_532] : memref<2x125x128xf32, #tpu.memory_space<vmem>> -> memref<1x125x128xf32, #tpu.memory_space<vmem>>
        %dma_start3A_534 = tpu.memref_squeeze %dma_start3A_533 : memref<1x125x128xf32, #tpu.memory_space<vmem>> -> memref<125x128xf32, #tpu.memory_space<vmem>>
        %dma_start3A_535 = arith.constant 0 : i32
        %dma_start3A_536 = tpu.memref_slice %arg7[%rem3A_475, %run_scoped3A_514, %dma_start3A_535] : memref<2x2x125xi32, #tpu.memory_space<vmem>> -> memref<1x1x125xi32, #tpu.memory_space<vmem>>
        %dma_start3A_537 = tpu.memref_squeeze %dma_start3A_536 : memref<1x1x125xi32, #tpu.memory_space<vmem>> -> memref<125xi32, #tpu.memory_space<vmem>>
        %dma_start3A_538 = arith.constant 0 : i32
        %dma_start3A_539 = arith.constant 0 : i32
        %dma_start3A_540 = tpu.memref_slice %arg10[%dma_start3A_538, %dma_start3A_539] : memref<10240x128xf32, #tpu.memory_space<vmem_shared>> -> memref<10240x128xf32, #tpu.memory_space<vmem_shared>>
        tpu.enqueue_indirect_dma source(%dma_start3A_534 : memref<125x128xf32, #tpu.memory_space<vmem>>) target(%dma_start3A_540 : memref<10240x128xf32, #tpu.memory_space<vmem_shared>>) offsets(%dma_start3A_537 : memref<125xi32, #tpu.memory_space<vmem>>) semaphore(%run_scoped3A_530 : memref<!tpu.dma_semaphore, #tpu.memory_space<semaphore_mem>>) {add = true}
        %dma_wait3A_541 = arith.constant 0 : i32
        %dma_wait3A_542 = arith.constant 0 : i32
        %dma_wait3A_543 = tpu.memref_slice %arg8[%run_scoped3A_513, %dma_wait3A_541, %dma_wait3A_542] : memref<2x125x128xf32, #tpu.memory_space<vmem>> -> memref<1x125x128xf32, #tpu.memory_space<vmem>>
        %dma_wait3A_544 = tpu.memref_squeeze %dma_wait3A_543 : memref<1x125x128xf32, #tpu.memory_space<vmem>> -> memref<125x128xf32, #tpu.memory_space<vmem>>
        %dma_wait3A_545 = arith.constant 0 : i32
        %dma_wait3A_546 = tpu.memref_slice %arg7[%rem3A_475, %run_scoped3A_514, %dma_wait3A_545] : memref<2x2x125xi32, #tpu.memory_space<vmem>> -> memref<1x1x125xi32, #tpu.memory_space<vmem>>
        %dma_wait3A_547 = tpu.memref_squeeze %dma_wait3A_546 : memref<1x1x125xi32, #tpu.memory_space<vmem>> -> memref<125xi32, #tpu.memory_space<vmem>>
        %dma_wait3A_548 = arith.constant 0 : i32
        %dma_wait3A_549 = arith.constant 0 : i32
        %dma_wait3A_550 = tpu.memref_slice %arg10[%dma_wait3A_548, %dma_wait3A_549] : memref<10240x128xf32, #tpu.memory_space<vmem_shared>> -> memref<10240x128xf32, #tpu.memory_space<vmem_shared>>
        tpu.wait_indirect_dma semaphore(%run_scoped3A_530 : memref<!tpu.dma_semaphore, #tpu.memory_space<semaphore_mem>>) src(%dma_wait3A_544 : memref<125x128xf32, #tpu.memory_space<vmem>>) dst(%dma_wait3A_550 : memref<10240x128xf32, #tpu.memory_space<vmem_shared>>)
        tpu.yield
      }) : () -> ()
      %add3A_515 = arith.constant 1 : i32
      %add3A_516 = arith.addi %scan3A_473, %add3A_515 : i32
      %lt3A_517 = arith.constant 80 : i32
      %lt3A_518 = arith.cmpi slt, %add3A_516, %lt3A_517 : i32
      %convert_element_type3A_519 = arith.extui %lt3A_518 : i1 to i32
      %cond3A_520 = arith.constant 0 : i32
      %cond3A_521 = arith.cmpi ne, %convert_element_type3A_519, %cond3A_520 : i32
      scf.if %cond3A_521 {
        %dma_start3A_530 = arith.constant 1 : i32
        %dma_start3A_531 = arith.constant 1 : i32
        %dma_start3A_532 = arith.constant 0 : i32
        %dma_start3A_533 = arith.constant 0 : i32
        %dma_start3A_534 = tpu.memref_slice %arg8[%dma_start3A_531, %dma_start3A_532, %dma_start3A_533] : memref<2x125x128xf32, #tpu.memory_space<vmem>> -> memref<1x125x128xf32, #tpu.memory_space<vmem>>
        %dma_start3A_535 = tpu.memref_squeeze %dma_start3A_534 : memref<1x125x128xf32, #tpu.memory_space<vmem>> -> memref<125x128xf32, #tpu.memory_space<vmem>>
        %dma_start3A_536 = arith.constant 0 : i32
        %dma_start3A_537 = tpu.memref_slice %arg6[%sub3A_476, %dma_start3A_530, %dma_start3A_536] : memref<2x2x125xi32, #tpu.memory_space<vmem>> -> memref<1x1x125xi32, #tpu.memory_space<vmem>>
        %dma_start3A_538 = tpu.memref_squeeze %dma_start3A_537 : memref<1x1x125xi32, #tpu.memory_space<vmem>> -> memref<125xi32, #tpu.memory_space<vmem>>
        %dma_start3A_539 = arith.constant 0 : i32
        %dma_start3A_540 = arith.constant 0 : i32
        %dma_start3A_541 = tpu.memref_slice %arg2[%dma_start3A_539, %dma_start3A_540] : memref<20000x128xf32, #tpu.memory_space<hbm>> -> memref<20000x128xf32, #tpu.memory_space<hbm>>
        tpu.enqueue_indirect_dma source(%dma_start3A_541 : memref<20000x128xf32, #tpu.memory_space<hbm>>) target(%dma_start3A_535 : memref<125x128xf32, #tpu.memory_space<vmem>>) offsets(%dma_start3A_538 : memref<125xi32, #tpu.memory_space<vmem>>) semaphore(%arg13 : memref<!tpu.dma_semaphore, #tpu.memory_space<semaphore_mem>>)
      } else {
      }
      %add3A_522 = arith.constant 2 : i32
      %add3A_523 = arith.addi %scan3A_473, %add3A_522 : i32
      %lt3A_524 = arith.constant 80 : i32
      %lt3A_525 = arith.cmpi slt, %add3A_523, %lt3A_524 : i32
      %convert_element_type3A_526 = arith.extui %lt3A_525 : i1 to i32
      %cond3A_527 = arith.constant 0 : i32
      %cond3A_528 = arith.cmpi ne, %convert_element_type3A_526, %cond3A_527 : i32
      scf.if %cond3A_528 {
        %add3A_530 = arith.addi %mul3A_2, %scan3A_473 : i32
        %add3A_531 = arith.constant 2 : i32
        %add3A_532 = arith.addi %add3A_530, %add3A_531 : i32
        %dma_start3A_533 = arith.constant 0 : i32
        %dma_start3A_534 = arith.constant 0 : i32
        %dma_start3A_535 = tpu.memref_slice %arg6[%rem3A_475, %dma_start3A_533, %dma_start3A_534] : memref<2x2x125xi32, #tpu.memory_space<vmem>> -> memref<1x2x125xi32, #tpu.memory_space<vmem>>
        %dma_start3A_536 = tpu.memref_squeeze %dma_start3A_535 : memref<1x2x125xi32, #tpu.memory_space<vmem>> -> memref<2x125xi32, #tpu.memory_space<vmem>>
        %dma_start3A_537 = arith.constant 0 : i32
        %dma_start3A_538 = arith.constant 0 : i32
        %dma_start3A_539 = tpu.memref_slice %arg3[%add3A_532, %dma_start3A_537, %dma_start3A_538] : memref<2560x2x125xi32, #tpu.memory_space<hbm>> -> memref<1x2x125xi32, #tpu.memory_space<hbm>>
        %dma_start3A_540 = tpu.memref_squeeze %dma_start3A_539 : memref<1x2x125xi32, #tpu.memory_space<hbm>> -> memref<2x125xi32, #tpu.memory_space<hbm>>
        %dma_start3A_541 = arith.constant 0 : i32
        %dma_start3A_542 = arith.constant 0 : i32
        %dma_start3A_543 = tpu.memref_slice %arg6[%rem3A_475, %dma_start3A_541, %dma_start3A_542] : memref<2x2x125xi32, #tpu.memory_space<vmem>> -> memref<1x2x125xi32, #tpu.memory_space<vmem>>
        %dma_start3A_544 = tpu.memref_squeeze %dma_start3A_543 : memref<1x2x125xi32, #tpu.memory_space<vmem>> -> memref<2x125xi32, #tpu.memory_space<vmem>>
        %dma_start3A_545 = arith.constant 0 : i32
        %dma_start3A_546 = arith.constant 0 : i32
        %dma_start3A_547 = tpu.memref_slice %arg3[%add3A_532, %dma_start3A_545, %dma_start3A_546] : memref<2560x2x125xi32, #tpu.memory_space<hbm>> -> memref<1x2x125xi32, #tpu.memory_space<hbm>>
        %dma_start3A_548 = tpu.memref_squeeze %dma_start3A_547 : memref<1x2x125xi32, #tpu.memory_space<hbm>> -> memref<2x125xi32, #tpu.memory_space<hbm>>
        tpu.enqueue_dma source(%dma_start3A_548 : memref<2x125xi32, #tpu.memory_space<hbm>>) target(%dma_start3A_544 : memref<2x125xi32, #tpu.memory_space<vmem>>) target_semaphore(%arg11 : memref<!tpu.dma_semaphore, #tpu.memory_space<semaphore_mem>>)
        %add3A_549 = arith.addi %mul3A_4, %scan3A_473 : i32
        %add3A_550 = arith.constant 2 : i32
        %add3A_551 = arith.addi %add3A_549, %add3A_550 : i32
        %dma_start3A_552 = arith.constant 0 : i32
        %dma_start3A_553 = arith.constant 0 : i32
        %dma_start3A_554 = tpu.memref_slice %arg7[%rem3A_475, %dma_start3A_552, %dma_start3A_553] : memref<2x2x125xi32, #tpu.memory_space<vmem>> -> memref<1x2x125xi32, #tpu.memory_space<vmem>>
        %dma_start3A_555 = tpu.memref_squeeze %dma_start3A_554 : memref<1x2x125xi32, #tpu.memory_space<vmem>> -> memref<2x125xi32, #tpu.memory_space<vmem>>
        %dma_start3A_556 = arith.constant 0 : i32
        %dma_start3A_557 = arith.constant 0 : i32
        %dma_start3A_558 = tpu.memref_slice %arg4[%add3A_551, %dma_start3A_556, %dma_start3A_557] : memref<1280x2x125xi32, #tpu.memory_space<hbm>> -> memref<1x2x125xi32, #tpu.memory_space<hbm>>
        %dma_start3A_559 = tpu.memref_squeeze %dma_start3A_558 : memref<1x2x125xi32, #tpu.memory_space<hbm>> -> memref<2x125xi32, #tpu.memory_space<hbm>>
        %dma_start3A_560 = arith.constant 0 : i32
        %dma_start3A_561 = arith.constant 0 : i32
        %dma_start3A_562 = tpu.memref_slice %arg7[%rem3A_475, %dma_start3A_560, %dma_start3A_561] : memref<2x2x125xi32, #tpu.memory_space<vmem>> -> memref<1x2x125xi32, #tpu.memory_space<vmem>>
        %dma_start3A_563 = tpu.memref_squeeze %dma_start3A_562 : memref<1x2x125xi32, #tpu.memory_space<vmem>> -> memref<2x125xi32, #tpu.memory_space<vmem>>
        %dma_start3A_564 = arith.constant 0 : i32
        %dma_start3A_565 = arith.constant 0 : i32
        %dma_start3A_566 = tpu.memref_slice %arg4[%add3A_551, %dma_start3A_564, %dma_start3A_565] : memref<1280x2x125xi32, #tpu.memory_space<hbm>> -> memref<1x2x125xi32, #tpu.memory_space<hbm>>
        %dma_start3A_567 = tpu.memref_squeeze %dma_start3A_566 : memref<1x2x125xi32, #tpu.memory_space<hbm>> -> memref<2x125xi32, #tpu.memory_space<hbm>>
        tpu.enqueue_dma source(%dma_start3A_567 : memref<2x125xi32, #tpu.memory_space<hbm>>) target(%dma_start3A_563 : memref<2x125xi32, #tpu.memory_space<vmem>>) target_semaphore(%arg11 : memref<!tpu.dma_semaphore, #tpu.memory_space<semaphore_mem>>)
      } else {
      }
      %scan3A_529 = arith.constant 0 : i32
      scf.yield %scan3A_529 : i32
    }
    %scan3A_467 = arith.constant 80 : i32
    %barrier3A_468 = arith.constant 0 : index
    tpu.barrier barrier_id(%barrier3A_468)
    %mul3A_469 = arith.constant 640 : i32
    %mul3A_470 = arith.muli %arg1, %mul3A_469 : i32
    %mul3A_471 = arith.constant 640 : i32
    %mul3A_472 = arith.muli %arg1, %mul3A_471 : i32
    "tpu.region"() ({
      %run_scoped3A = tpu.sem_alloc : memref<!tpu.dma_semaphore, #tpu.memory_space<semaphore_mem>>
      %dma_start3A_473 = arith.constant 0 : i32
      %dma_start3A_474 = tpu.memref_slice %arg5[%arg0, %mul3A_472, %dma_start3A_473] : memref<2x10240x128xf32, #tpu.memory_space<hbm>> -> memref<1x640x128xf32, #tpu.memory_space<hbm>>
      %dma_start3A_475 = tpu.memref_squeeze %dma_start3A_474 : memref<1x640x128xf32, #tpu.memory_space<hbm>> -> memref<640x128xf32, #tpu.memory_space<hbm>>
      %dma_start3A_476 = arith.constant 0 : i32
      %dma_start3A_477 = tpu.memref_slice %arg10[%mul3A_470, %dma_start3A_476] : memref<10240x128xf32, #tpu.memory_space<vmem_shared>> -> memref<640x128xf32, #tpu.memory_space<vmem_shared>>
      tpu.enqueue_dma source(%dma_start3A_477 : memref<640x128xf32, #tpu.memory_space<vmem_shared>>) target(%dma_start3A_475 : memref<640x128xf32, #tpu.memory_space<hbm>>) target_semaphore(%run_scoped3A : memref<!tpu.dma_semaphore, #tpu.memory_space<semaphore_mem>>)
      %dma_wait3A_478 = arith.constant 0 : i32
      %dma_wait3A_479 = tpu.memref_slice %arg5[%arg0, %mul3A_472, %dma_wait3A_478] : memref<2x10240x128xf32, #tpu.memory_space<hbm>> -> memref<1x640x128xf32, #tpu.memory_space<hbm>>
      %dma_wait3A_480 = tpu.memref_squeeze %dma_wait3A_479 : memref<1x640x128xf32, #tpu.memory_space<hbm>> -> memref<640x128xf32, #tpu.memory_space<hbm>>
      %dma_wait3A_481 = arith.constant 0 : i32
      %dma_wait3A_482 = tpu.memref_slice %arg10[%mul3A_470, %dma_wait3A_481] : memref<10240x128xf32, #tpu.memory_space<vmem_shared>> -> memref<640x128xf32, #tpu.memory_space<vmem_shared>>
      tpu.wait_dma2 semaphore(%run_scoped3A : memref<!tpu.dma_semaphore, #tpu.memory_space<semaphore_mem>>) src(%dma_wait3A_482 : memref<640x128xf32, #tpu.memory_space<vmem_shared>>) dst(%dma_wait3A_480 : memref<640x128xf32, #tpu.memory_space<hbm>>)
      tpu.yield
    }) : () -> ()
    return
  }
}

#map = affine_map<(d0, d1) -> (0, 0)>
#map1 = affine_map<(d0, d1) -> (0, 0, 0)>
module attributes {stable_mosaic.version = 14 : i64} {
  func.func @agg(%arg0: i32, %arg1: i32, %arg2: memref<20000x128xf32, #tpu.memory_space<hbm>>, %arg3: memref<2560x2x125xi32, #tpu.memory_space<hbm>>, %arg4: memref<1280x2x125xi32, #tpu.memory_space<hbm>>, %arg5: memref<2x10240x128xf32, #tpu.memory_space<hbm>>, %arg6: memref<2x2x125xi32, #tpu.memory_space<vmem>>, %arg7: memref<2x2x125xi32, #tpu.memory_space<vmem>>, %arg8: memref<2x125x128xf32, #tpu.memory_space<vmem>>, %arg9: memref<32x128xf32, #tpu.memory_space<vmem>>, %arg10: memref<10240x128xf32, #tpu.memory_space<vmem_shared>>, %arg11: memref<!tpu.dma_semaphore, #tpu.memory_space<semaphore_mem>>, %arg12: memref<!tpu.dma_semaphore, #tpu.memory_space<semaphore_mem>>, %arg13: memref<!tpu.dma_semaphore, #tpu.memory_space<semaphore_mem>>) attributes {dimension_semantics = [#tpu.dimension_semantics<core_parallel>, #tpu.dimension_semantics<subcore_parallel>], iteration_bounds = array<i64: 2, 16>, scalar_prefetch = 0 : i64, scratch_operands = 8 : i64, tpu.core_type = #tpu.core_type<sc_vector_subcore>, window_params = [{transform_indices = #map}, {transform_indices = #map1}, {transform_indices = #map1}, {transform_indices = #map1}]} {
    %mul3A = arith.constant 16 : i32
    %mul3A_0 = arith.muli %arg0, %mul3A : i32
    %add3A = arith.addi %mul3A_0, %arg1 : i32
    %mul3A_1 = arith.constant 80 : i32
    %mul3A_2 = arith.muli %add3A, %mul3A_1 : i32
    %mul3A_3 = arith.constant 80 : i32
    %mul3A_4 = arith.muli %arg1, %mul3A_3 : i32
    %dma_start3A = arith.constant 0 : i32
    %dma_start3A_5 = arith.constant 0 : i32
    %dma_start3A_6 = arith.constant 0 : i32
    %dma_start3A_7 = tpu.memref_slice %arg6[%dma_start3A, %dma_start3A_5, %dma_start3A_6] : memref<2x2x125xi32, #tpu.memory_space<vmem>> -> memref<1x2x125xi32, #tpu.memory_space<vmem>>
    %dma_start3A_8 = tpu.memref_squeeze %dma_start3A_7 : memref<1x2x125xi32, #tpu.memory_space<vmem>> -> memref<2x125xi32, #tpu.memory_space<vmem>>
    %dma_start3A_9 = arith.constant 0 : i32
    %dma_start3A_10 = arith.constant 0 : i32
    %dma_start3A_11 = tpu.memref_slice %arg3[%mul3A_2, %dma_start3A_9, %dma_start3A_10] : memref<2560x2x125xi32, #tpu.memory_space<hbm>> -> memref<1x2x125xi32, #tpu.memory_space<hbm>>
    %dma_start3A_12 = tpu.memref_squeeze %dma_start3A_11 : memref<1x2x125xi32, #tpu.memory_space<hbm>> -> memref<2x125xi32, #tpu.memory_space<hbm>>
    %dma_start3A_13 = arith.constant 0 : i32
    %dma_start3A_14 = arith.constant 0 : i32
    %dma_start3A_15 = tpu.memref_slice %arg6[%dma_start3A, %dma_start3A_13, %dma_start3A_14] : memref<2x2x125xi32, #tpu.memory_space<vmem>> -> memref<1x2x125xi32, #tpu.memory_space<vmem>>
    %dma_start3A_16 = tpu.memref_squeeze %dma_start3A_15 : memref<1x2x125xi32, #tpu.memory_space<vmem>> -> memref<2x125xi32, #tpu.memory_space<vmem>>
    %dma_start3A_17 = arith.constant 0 : i32
    %dma_start3A_18 = arith.constant 0 : i32
    %dma_start3A_19 = tpu.memref_slice %arg3[%mul3A_2, %dma_start3A_17, %dma_start3A_18] : memref<2560x2x125xi32, #tpu.memory_space<hbm>> -> memref<1x2x125xi32, #tpu.memory_space<hbm>>
    %dma_start3A_20 = tpu.memref_squeeze %dma_start3A_19 : memref<1x2x125xi32, #tpu.memory_space<hbm>> -> memref<2x125xi32, #tpu.memory_space<hbm>>
    tpu.enqueue_dma source(%dma_start3A_20 : memref<2x125xi32, #tpu.memory_space<hbm>>) target(%dma_start3A_16 : memref<2x125xi32, #tpu.memory_space<vmem>>) target_semaphore(%arg11 : memref<!tpu.dma_semaphore, #tpu.memory_space<semaphore_mem>>)
    %dma_start3A_21 = arith.constant 0 : i32
    %dma_start3A_22 = arith.constant 0 : i32
    %dma_start3A_23 = arith.constant 0 : i32
    %dma_start3A_24 = tpu.memref_slice %arg7[%dma_start3A_21, %dma_start3A_22, %dma_start3A_23] : memref<2x2x125xi32, #tpu.memory_space<vmem>> -> memref<1x2x125xi32, #tpu.memory_space<vmem>>
    %dma_start3A_25 = tpu.memref_squeeze %dma_start3A_24 : memref<1x2x125xi32, #tpu.memory_space<vmem>> -> memref<2x125xi32, #tpu.memory_space<vmem>>
    %dma_start3A_26 = arith.constant 0 : i32
    %dma_start3A_27 = arith.constant 0 : i32
    %dma_start3A_28 = tpu.memref_slice %arg4[%mul3A_4, %dma_start3A_26, %dma_start3A_27] : memref<1280x2x125xi32, #tpu.memory_space<hbm>> -> memref<1x2x125xi32, #tpu.memory_space<hbm>>
    %dma_start3A_29 = tpu.memref_squeeze %dma_start3A_28 : memref<1x2x125xi32, #tpu.memory_space<hbm>> -> memref<2x125xi32, #tpu.memory_space<hbm>>
    %dma_start3A_30 = arith.constant 0 : i32
    %dma_start3A_31 = arith.constant 0 : i32
    %dma_start3A_32 = tpu.memref_slice %arg7[%dma_start3A_21, %dma_start3A_30, %dma_start3A_31] : memref<2x2x125xi32, #tpu.memory_space<vmem>> -> memref<1x2x125xi32, #tpu.memory_space<vmem>>
    %dma_start3A_33 = tpu.memref_squeeze %dma_start3A_32 : memref<1x2x125xi32, #tpu.memory_space<vmem>> -> memref<2x125xi32, #tpu.memory_space<vmem>>
    %dma_start3A_34 = arith.constant 0 : i32
    %dma_start3A_35 = arith.constant 0 : i32
    %dma_start3A_36 = tpu.memref_slice %arg4[%mul3A_4, %dma_start3A_34, %dma_start3A_35] : memref<1280x2x125xi32, #tpu.memory_space<hbm>> -> memref<1x2x125xi32, #tpu.memory_space<hbm>>
    %dma_start3A_37 = tpu.memref_squeeze %dma_start3A_36 : memref<1x2x125xi32, #tpu.memory_space<hbm>> -> memref<2x125xi32, #tpu.memory_space<hbm>>
    tpu.enqueue_dma source(%dma_start3A_37 : memref<2x125xi32, #tpu.memory_space<hbm>>) target(%dma_start3A_33 : memref<2x125xi32, #tpu.memory_space<vmem>>) target_semaphore(%arg11 : memref<!tpu.dma_semaphore, #tpu.memory_space<semaphore_mem>>)
    %scan3A = arith.constant 0 : i32
    %scan3A_38 = arith.constant 0 : i32
    %scan3A_39 = arith.constant 32 : i32
    %scan3A_40 = arith.addi %scan3A_38, %scan3A_39 : i32
    %scan3A_41 = arith.constant 1 : i32
    %scan3A_42 = scf.for %scan3A_473 = %scan3A_38 to %scan3A_40 step %scan3A_41 iter_args(%scan3A_474 = %scan3A) -> (i32)  : i32 {
      %scan3A_475 = arith.constant 0 : i32
      %scan3A_476 = arith.constant 0 : i32
      %scan3A_477 = arith.constant 8 : i32
      %scan3A_478 = arith.addi %scan3A_476, %scan3A_477 : i32
      %scan3A_479 = arith.constant 1 : i32
      %scan3A_480 = scf.for %scan3A_482 = %scan3A_476 to %scan3A_478 step %scan3A_479 iter_args(%scan3A_483 = %scan3A_475) -> (i32)  : i32 {
        %broadcast_in_dim3A = arith.constant 0.000000e+00 : f32
        %broadcast_in_dim3A_484 = vector.broadcast %broadcast_in_dim3A : f32 to vector<16xf32>
        %mul3A_485 = arith.constant 16 : i32
        %mul3A_486 = arith.muli %scan3A_482, %mul3A_485 : i32
        %swap3A = arith.index_cast %scan3A_473 : i32 to index
        %swap3A_487 = arith.index_cast %mul3A_486 : i32 to index
        %swap3A_488 = tpu.vector_load %arg9[%swap3A, %swap3A_487] {strides = array<i32>} : memref<32x128xf32, #tpu.memory_space<vmem>>, vector<1x16xf32>,
        %swap3A_489 = vector.shape_cast %swap3A_488 : vector<1x16xf32> to vector<16xf32>
        %swap3A_490 = vector.shape_cast %broadcast_in_dim3A_484 : vector<16xf32> to vector<1x16xf32>
        tpu.vector_store %arg9[%swap3A, %swap3A_487], %swap3A_490 {strides = array<i32>} : memref<32x128xf32, #tpu.memory_space<vmem>>, vector<1x16xf32>,
        %scan3A_491 = arith.constant 0 : i32
        scf.yield %scan3A_491 : i32
      }
      %scan3A_481 = arith.constant 8 : i32
      scf.yield %scan3A_480 : i32
    }
    %scan3A_43 = arith.constant 32 : i32
    %mul3A_44 = arith.constant 640 : i32
    %mul3A_45 = arith.muli %arg1, %mul3A_44 : i32
    %add3A_46 = arith.constant 0 : i32
    %add3A_47 = arith.addi %mul3A_45, %add3A_46 : i32
    %dma_start3A_48 = arith.constant 0 : i32
    %dma_start3A_49 = tpu.memref_slice %arg10[%add3A_47, %dma_start3A_48] : memref<10240x128xf32, #tpu.memory_space<vmem_shared>> -> memref<32x128xf32, #tpu.memory_space<vmem_shared>>
    %dma_start3A_50 = arith.constant 0 : i32
    %dma_start3A_51 = tpu.memref_slice %arg10[%add3A_47, %dma_start3A_50] : memref<10240x128xf32, #tpu.memory_space<vmem_shared>> -> memref<32x128xf32, #tpu.memory_space<vmem_shared>>
    tpu.enqueue_dma source(%arg9 : memref<32x128xf32, #tpu.memory_space<vmem>>) target(%dma_start3A_51 : memref<32x128xf32, #tpu.memory_space<vmem_shared>>) target_semaphore(%arg12 : memref<!tpu.dma_semaphore, #tpu.memory_space<semaphore_mem>>)
    %mul3A_52 = arith.constant 640 : i32
    %mul3A_53 = arith.muli %arg1, %mul3A_52 : i32
    %add3A_54 = arith.constant 32 : i32
    %add3A_55 = arith.addi %mul3A_53, %add3A_54 : i32
    %dma_start3A_56 = arith.constant 0 : i32
    %dma_start3A_57 = tpu.memref_slice %arg10[%add3A_55, %dma_start3A_56] : memref<10240x128xf32, #tpu.memory_space<vmem_shared>> -> memref<32x128xf32, #tpu.memory_space<vmem_shared>>
    %dma_start3A_58 = arith.constant 0 : i32
    %dma_start3A_59 = tpu.memref_slice %arg10[%add3A_55, %dma_start3A_58] : memref<10240x128xf32, #tpu.memory_space<vmem_shared>> -> memref<32x128xf32, #tpu.memory_space<vmem_shared>>
    tpu.enqueue_dma source(%arg9 : memref<32x128xf32, #tpu.memory_space<vmem>>) target(%dma_start3A_59 : memref<32x128xf32, #tpu.memory_space<vmem_shared>>) target_semaphore(%arg13 : memref<!tpu.dma_semaphore, #tpu.memory_space<semaphore_mem>>)
    %mul3A_60 = arith.constant 640 : i32
    %mul3A_61 = arith.muli %arg1, %mul3A_60 : i32
    %add3A_62 = arith.constant 64 : i32
    %add3A_63 = arith.addi %mul3A_61, %add3A_62 : i32
    %dma_start3A_64 = arith.constant 0 : i32
    %dma_start3A_65 = tpu.memref_slice %arg10[%add3A_63, %dma_start3A_64] : memref<10240x128xf32, #tpu.memory_space<vmem_shared>> -> memref<32x128xf32, #tpu.memory_space<vmem_shared>>
    %dma_start3A_66 = arith.constant 0 : i32
    %dma_start3A_67 = tpu.memref_slice %arg10[%add3A_63, %dma_start3A_66] : memref<10240x128xf32, #tpu.memory_space<vmem_shared>> -> memref<32x128xf32, #tpu.memory_space<vmem_shared>>
    tpu.enqueue_dma source(%arg9 : memref<32x128xf32, #tpu.memory_space<vmem>>) target(%dma_start3A_67 : memref<32x128xf32, #tpu.memory_space<vmem_shared>>) target_semaphore(%arg12 : memref<!tpu.dma_semaphore, #tpu.memory_space<semaphore_mem>>)
    %mul3A_68 = arith.constant 640 : i32
    %mul3A_69 = arith.muli %arg1, %mul3A_68 : i32
    %add3A_70 = arith.constant 96 : i32
    %add3A_71 = arith.addi %mul3A_69, %add3A_70 : i32
    %dma_start3A_72 = arith.constant 0 : i32
    %dma_start3A_73 = tpu.memref_slice %arg10[%add3A_71, %dma_start3A_72] : memref<10240x128xf32, #tpu.memory_space<vmem_shared>> -> memref<32x128xf32, #tpu.memory_space<vmem_shared>>
    %dma_start3A_74 = arith.constant 0 : i32
    %dma_start3A_75 = tpu.memref_slice %arg10[%add3A_71, %dma_start3A_74] : memref<10240x128xf32, #tpu.memory_space<vmem_shared>> -> memref<32x128xf32, #tpu.memory_space<vmem_shared>>
    tpu.enqueue_dma source(%arg9 : memref<32x128xf32, #tpu.memory_space<vmem>>) target(%dma_start3A_75 : memref<32x128xf32, #tpu.memory_space<vmem_shared>>) target_semaphore(%arg13 : memref<!tpu.dma_semaphore, #tpu.memory_space<semaphore_mem>>)
    %mul3A_76 = arith.constant 640 : i32
    %mul3A_77 = arith.muli %arg1, %mul3A_76 : i32
    %add3A_78 = arith.constant 128 : i32
    %add3A_79 = arith.addi %mul3A_77, %add3A_78 : i32
    %dma_start3A_80 = arith.constant 0 : i32
    %dma_start3A_81 = tpu.memref_slice %arg10[%add3A_79, %dma_start3A_80] : memref<10240x128xf32, #tpu.memory_space<vmem_shared>> -> memref<32x128xf32, #tpu.memory_space<vmem_shared>>
    %dma_start3A_82 = arith.constant 0 : i32
    %dma_start3A_83 = tpu.memref_slice %arg10[%add3A_79, %dma_start3A_82] : memref<10240x128xf32, #tpu.memory_space<vmem_shared>> -> memref<32x128xf32, #tpu.memory_space<vmem_shared>>
    tpu.enqueue_dma source(%arg9 : memref<32x128xf32, #tpu.memory_space<vmem>>) target(%dma_start3A_83 : memref<32x128xf32, #tpu.memory_space<vmem_shared>>) target_semaphore(%arg12 : memref<!tpu.dma_semaphore, #tpu.memory_space<semaphore_mem>>)
    %mul3A_84 = arith.constant 640 : i32
    %mul3A_85 = arith.muli %arg1, %mul3A_84 : i32
    %add3A_86 = arith.constant 160 : i32
    %add3A_87 = arith.addi %mul3A_85, %add3A_86 : i32
    %dma_start3A_88 = arith.constant 0 : i32
    %dma_start3A_89 = tpu.memref_slice %arg10[%add3A_87, %dma_start3A_88] : memref<10240x128xf32, #tpu.memory_space<vmem_shared>> -> memref<32x128xf32, #tpu.memory_space<vmem_shared>>
    %dma_start3A_90 = arith.constant 0 : i32
    %dma_start3A_91 = tpu.memref_slice %arg10[%add3A_87, %dma_start3A_90] : memref<10240x128xf32, #tpu.memory_space<vmem_shared>> -> memref<32x128xf32, #tpu.memory_space<vmem_shared>>
    tpu.enqueue_dma source(%arg9 : memref<32x128xf32, #tpu.memory_space<vmem>>) target(%dma_start3A_91 : memref<32x128xf32, #tpu.memory_space<vmem_shared>>) target_semaphore(%arg13 : memref<!tpu.dma_semaphore, #tpu.memory_space<semaphore_mem>>)
    %mul3A_92 = arith.constant 640 : i32
    %mul3A_93 = arith.muli %arg1, %mul3A_92 : i32
    %add3A_94 = arith.constant 192 : i32
    %add3A_95 = arith.addi %mul3A_93, %add3A_94 : i32
    %dma_start3A_96 = arith.constant 0 : i32
    %dma_start3A_97 = tpu.memref_slice %arg10[%add3A_95, %dma_start3A_96] : memref<10240x128xf32, #tpu.memory_space<vmem_shared>> -> memref<32x128xf32, #tpu.memory_space<vmem_shared>>
    %dma_start3A_98 = arith.constant 0 : i32
    %dma_start3A_99 = tpu.memref_slice %arg10[%add3A_95, %dma_start3A_98] : memref<10240x128xf32, #tpu.memory_space<vmem_shared>> -> memref<32x128xf32, #tpu.memory_space<vmem_shared>>
    tpu.enqueue_dma source(%arg9 : memref<32x128xf32, #tpu.memory_space<vmem>>) target(%dma_start3A_99 : memref<32x128xf32, #tpu.memory_space<vmem_shared>>) target_semaphore(%arg12 : memref<!tpu.dma_semaphore, #tpu.memory_space<semaphore_mem>>)
    %mul3A_100 = arith.constant 640 : i32
    %mul3A_101 = arith.muli %arg1, %mul3A_100 : i32
    %add3A_102 = arith.constant 224 : i32
    %add3A_103 = arith.addi %mul3A_101, %add3A_102 : i32
    %dma_start3A_104 = arith.constant 0 : i32
    %dma_start3A_105 = tpu.memref_slice %arg10[%add3A_103, %dma_start3A_104] : memref<10240x128xf32, #tpu.memory_space<vmem_shared>> -> memref<32x128xf32, #tpu.memory_space<vmem_shared>>
    %dma_start3A_106 = arith.constant 0 : i32
    %dma_start3A_107 = tpu.memref_slice %arg10[%add3A_103, %dma_start3A_106] : memref<10240x128xf32, #tpu.memory_space<vmem_shared>> -> memref<32x128xf32, #tpu.memory_space<vmem_shared>>
    tpu.enqueue_dma source(%arg9 : memref<32x128xf32, #tpu.memory_space<vmem>>) target(%dma_start3A_107 : memref<32x128xf32, #tpu.memory_space<vmem_shared>>) target_semaphore(%arg13 : memref<!tpu.dma_semaphore, #tpu.memory_space<semaphore_mem>>)
    %mul3A_108 = arith.constant 640 : i32
    %mul3A_109 = arith.muli %arg1, %mul3A_108 : i32
    %add3A_110 = arith.constant 256 : i32
    %add3A_111 = arith.addi %mul3A_109, %add3A_110 : i32
    %dma_start3A_112 = arith.constant 0 : i32
    %dma_start3A_113 = tpu.memref_slice %arg10[%add3A_111, %dma_start3A_112] : memref<10240x128xf32, #tpu.memory_space<vmem_shared>> -> memref<32x128xf32, #tpu.memory_space<vmem_shared>>
    %dma_start3A_114 = arith.constant 0 : i32
    %dma_start3A_115 = tpu.memref_slice %arg10[%add3A_111, %dma_start3A_114] : memref<10240x128xf32, #tpu.memory_space<vmem_shared>> -> memref<32x128xf32, #tpu.memory_space<vmem_shared>>
    tpu.enqueue_dma source(%arg9 : memref<32x128xf32, #tpu.memory_space<vmem>>) target(%dma_start3A_115 : memref<32x128xf32, #tpu.memory_space<vmem_shared>>) target_semaphore(%arg12 : memref<!tpu.dma_semaphore, #tpu.memory_space<semaphore_mem>>)
    %mul3A_116 = arith.constant 640 : i32
    %mul3A_117 = arith.muli %arg1, %mul3A_116 : i32
    %add3A_118 = arith.constant 288 : i32
    %add3A_119 = arith.addi %mul3A_117, %add3A_118 : i32
    %dma_start3A_120 = arith.constant 0 : i32
    %dma_start3A_121 = tpu.memref_slice %arg10[%add3A_119, %dma_start3A_120] : memref<10240x128xf32, #tpu.memory_space<vmem_shared>> -> memref<32x128xf32, #tpu.memory_space<vmem_shared>>
    %dma_start3A_122 = arith.constant 0 : i32
    %dma_start3A_123 = tpu.memref_slice %arg10[%add3A_119, %dma_start3A_122] : memref<10240x128xf32, #tpu.memory_space<vmem_shared>> -> memref<32x128xf32, #tpu.memory_space<vmem_shared>>
    tpu.enqueue_dma source(%arg9 : memref<32x128xf32, #tpu.memory_space<vmem>>) target(%dma_start3A_123 : memref<32x128xf32, #tpu.memory_space<vmem_shared>>) target_semaphore(%arg13 : memref<!tpu.dma_semaphore, #tpu.memory_space<semaphore_mem>>)
    %mul3A_124 = arith.constant 640 : i32
    %mul3A_125 = arith.muli %arg1, %mul3A_124 : i32
    %add3A_126 = arith.constant 320 : i32
    %add3A_127 = arith.addi %mul3A_125, %add3A_126 : i32
    %dma_start3A_128 = arith.constant 0 : i32
    %dma_start3A_129 = tpu.memref_slice %arg10[%add3A_127, %dma_start3A_128] : memref<10240x128xf32, #tpu.memory_space<vmem_shared>> -> memref<32x128xf32, #tpu.memory_space<vmem_shared>>
    %dma_start3A_130 = arith.constant 0 : i32
    %dma_start3A_131 = tpu.memref_slice %arg10[%add3A_127, %dma_start3A_130] : memref<10240x128xf32, #tpu.memory_space<vmem_shared>> -> memref<32x128xf32, #tpu.memory_space<vmem_shared>>
    tpu.enqueue_dma source(%arg9 : memref<32x128xf32, #tpu.memory_space<vmem>>) target(%dma_start3A_131 : memref<32x128xf32, #tpu.memory_space<vmem_shared>>) target_semaphore(%arg12 : memref<!tpu.dma_semaphore, #tpu.memory_space<semaphore_mem>>)
    %mul3A_132 = arith.constant 640 : i32
    %mul3A_133 = arith.muli %arg1, %mul3A_132 : i32
    %add3A_134 = arith.constant 352 : i32
    %add3A_135 = arith.addi %mul3A_133, %add3A_134 : i32
    %dma_start3A_136 = arith.constant 0 : i32
    %dma_start3A_137 = tpu.memref_slice %arg10[%add3A_135, %dma_start3A_136] : memref<10240x128xf32, #tpu.memory_space<vmem_shared>> -> memref<32x128xf32, #tpu.memory_space<vmem_shared>>
    %dma_start3A_138 = arith.constant 0 : i32
    %dma_start3A_139 = tpu.memref_slice %arg10[%add3A_135, %dma_start3A_138] : memref<10240x128xf32, #tpu.memory_space<vmem_shared>> -> memref<32x128xf32, #tpu.memory_space<vmem_shared>>
    tpu.enqueue_dma source(%arg9 : memref<32x128xf32, #tpu.memory_space<vmem>>) target(%dma_start3A_139 : memref<32x128xf32, #tpu.memory_space<vmem_shared>>) target_semaphore(%arg13 : memref<!tpu.dma_semaphore, #tpu.memory_space<semaphore_mem>>)
    %mul3A_140 = arith.constant 640 : i32
    %mul3A_141 = arith.muli %arg1, %mul3A_140 : i32
    %add3A_142 = arith.constant 384 : i32
    %add3A_143 = arith.addi %mul3A_141, %add3A_142 : i32
    %dma_start3A_144 = arith.constant 0 : i32
    %dma_start3A_145 = tpu.memref_slice %arg10[%add3A_143, %dma_start3A_144] : memref<10240x128xf32, #tpu.memory_space<vmem_shared>> -> memref<32x128xf32, #tpu.memory_space<vmem_shared>>
    %dma_start3A_146 = arith.constant 0 : i32
    %dma_start3A_147 = tpu.memref_slice %arg10[%add3A_143, %dma_start3A_146] : memref<10240x128xf32, #tpu.memory_space<vmem_shared>> -> memref<32x128xf32, #tpu.memory_space<vmem_shared>>
    tpu.enqueue_dma source(%arg9 : memref<32x128xf32, #tpu.memory_space<vmem>>) target(%dma_start3A_147 : memref<32x128xf32, #tpu.memory_space<vmem_shared>>) target_semaphore(%arg12 : memref<!tpu.dma_semaphore, #tpu.memory_space<semaphore_mem>>)
    %mul3A_148 = arith.constant 640 : i32
    %mul3A_149 = arith.muli %arg1, %mul3A_148 : i32
    %add3A_150 = arith.constant 416 : i32
    %add3A_151 = arith.addi %mul3A_149, %add3A_150 : i32
    %dma_start3A_152 = arith.constant 0 : i32
    %dma_start3A_153 = tpu.memref_slice %arg10[%add3A_151, %dma_start3A_152] : memref<10240x128xf32, #tpu.memory_space<vmem_shared>> -> memref<32x128xf32, #tpu.memory_space<vmem_shared>>
    %dma_start3A_154 = arith.constant 0 : i32
    %dma_start3A_155 = tpu.memref_slice %arg10[%add3A_151, %dma_start3A_154] : memref<10240x128xf32, #tpu.memory_space<vmem_shared>> -> memref<32x128xf32, #tpu.memory_space<vmem_shared>>
    tpu.enqueue_dma source(%arg9 : memref<32x128xf32, #tpu.memory_space<vmem>>) target(%dma_start3A_155 : memref<32x128xf32, #tpu.memory_space<vmem_shared>>) target_semaphore(%arg13 : memref<!tpu.dma_semaphore, #tpu.memory_space<semaphore_mem>>)
    %mul3A_156 = arith.constant 640 : i32
    %mul3A_157 = arith.muli %arg1, %mul3A_156 : i32
    %add3A_158 = arith.constant 448 : i32
    %add3A_159 = arith.addi %mul3A_157, %add3A_158 : i32
    %dma_start3A_160 = arith.constant 0 : i32
    %dma_start3A_161 = tpu.memref_slice %arg10[%add3A_159, %dma_start3A_160] : memref<10240x128xf32, #tpu.memory_space<vmem_shared>> -> memref<32x128xf32, #tpu.memory_space<vmem_shared>>
    %dma_start3A_162 = arith.constant 0 : i32
    %dma_start3A_163 = tpu.memref_slice %arg10[%add3A_159, %dma_start3A_162] : memref<10240x128xf32, #tpu.memory_space<vmem_shared>> -> memref<32x128xf32, #tpu.memory_space<vmem_shared>>
    tpu.enqueue_dma source(%arg9 : memref<32x128xf32, #tpu.memory_space<vmem>>) target(%dma_start3A_163 : memref<32x128xf32, #tpu.memory_space<vmem_shared>>) target_semaphore(%arg12 : memref<!tpu.dma_semaphore, #tpu.memory_space<semaphore_mem>>)
    %mul3A_164 = arith.constant 640 : i32
    %mul3A_165 = arith.muli %arg1, %mul3A_164 : i32
    %add3A_166 = arith.constant 480 : i32
    %add3A_167 = arith.addi %mul3A_165, %add3A_166 : i32
    %dma_start3A_168 = arith.constant 0 : i32
    %dma_start3A_169 = tpu.memref_slice %arg10[%add3A_167, %dma_start3A_168] : memref<10240x128xf32, #tpu.memory_space<vmem_shared>> -> memref<32x128xf32, #tpu.memory_space<vmem_shared>>
    %dma_start3A_170 = arith.constant 0 : i32
    %dma_start3A_171 = tpu.memref_slice %arg10[%add3A_167, %dma_start3A_170] : memref<10240x128xf32, #tpu.memory_space<vmem_shared>> -> memref<32x128xf32, #tpu.memory_space<vmem_shared>>
    tpu.enqueue_dma source(%arg9 : memref<32x128xf32, #tpu.memory_space<vmem>>) target(%dma_start3A_171 : memref<32x128xf32, #tpu.memory_space<vmem_shared>>) target_semaphore(%arg13 : memref<!tpu.dma_semaphore, #tpu.memory_space<semaphore_mem>>)
    %mul3A_172 = arith.constant 640 : i32
    %mul3A_173 = arith.muli %arg1, %mul3A_172 : i32
    %add3A_174 = arith.constant 512 : i32
    %add3A_175 = arith.addi %mul3A_173, %add3A_174 : i32
    %dma_start3A_176 = arith.constant 0 : i32
    %dma_start3A_177 = tpu.memref_slice %arg10[%add3A_175, %dma_start3A_176] : memref<10240x128xf32, #tpu.memory_space<vmem_shared>> -> memref<32x128xf32, #tpu.memory_space<vmem_shared>>
    %dma_start3A_178 = arith.constant 0 : i32
    %dma_start3A_179 = tpu.memref_slice %arg10[%add3A_175, %dma_start3A_178] : memref<10240x128xf32, #tpu.memory_space<vmem_shared>> -> memref<32x128xf32, #tpu.memory_space<vmem_shared>>
    tpu.enqueue_dma source(%arg9 : memref<32x128xf32, #tpu.memory_space<vmem>>) target(%dma_start3A_179 : memref<32x128xf32, #tpu.memory_space<vmem_shared>>) target_semaphore(%arg12 : memref<!tpu.dma_semaphore, #tpu.memory_space<semaphore_mem>>)
    %mul3A_180 = arith.constant 640 : i32
    %mul3A_181 = arith.muli %arg1, %mul3A_180 : i32
    %add3A_182 = arith.constant 544 : i32
    %add3A_183 = arith.addi %mul3A_181, %add3A_182 : i32
    %dma_start3A_184 = arith.constant 0 : i32
    %dma_start3A_185 = tpu.memref_slice %arg10[%add3A_183, %dma_start3A_184] : memref<10240x128xf32, #tpu.memory_space<vmem_shared>> -> memref<32x128xf32, #tpu.memory_space<vmem_shared>>
    %dma_start3A_186 = arith.constant 0 : i32
    %dma_start3A_187 = tpu.memref_slice %arg10[%add3A_183, %dma_start3A_186] : memref<10240x128xf32, #tpu.memory_space<vmem_shared>> -> memref<32x128xf32, #tpu.memory_space<vmem_shared>>
    tpu.enqueue_dma source(%arg9 : memref<32x128xf32, #tpu.memory_space<vmem>>) target(%dma_start3A_187 : memref<32x128xf32, #tpu.memory_space<vmem_shared>>) target_semaphore(%arg13 : memref<!tpu.dma_semaphore, #tpu.memory_space<semaphore_mem>>)
    %mul3A_188 = arith.constant 640 : i32
    %mul3A_189 = arith.muli %arg1, %mul3A_188 : i32
    %add3A_190 = arith.constant 576 : i32
    %add3A_191 = arith.addi %mul3A_189, %add3A_190 : i32
    %dma_start3A_192 = arith.constant 0 : i32
    %dma_start3A_193 = tpu.memref_slice %arg10[%add3A_191, %dma_start3A_192] : memref<10240x128xf32, #tpu.memory_space<vmem_shared>> -> memref<32x128xf32, #tpu.memory_space<vmem_shared>>
    %dma_start3A_194 = arith.constant 0 : i32
    %dma_start3A_195 = tpu.memref_slice %arg10[%add3A_191, %dma_start3A_194] : memref<10240x128xf32, #tpu.memory_space<vmem_shared>> -> memref<32x128xf32, #tpu.memory_space<vmem_shared>>
    tpu.enqueue_dma source(%arg9 : memref<32x128xf32, #tpu.memory_space<vmem>>) target(%dma_start3A_195 : memref<32x128xf32, #tpu.memory_space<vmem_shared>>) target_semaphore(%arg12 : memref<!tpu.dma_semaphore, #tpu.memory_space<semaphore_mem>>)
    %mul3A_196 = arith.constant 640 : i32
    %mul3A_197 = arith.muli %arg1, %mul3A_196 : i32
    %add3A_198 = arith.constant 608 : i32
    %add3A_199 = arith.addi %mul3A_197, %add3A_198 : i32
    %dma_start3A_200 = arith.constant 0 : i32
    %dma_start3A_201 = tpu.memref_slice %arg10[%add3A_199, %dma_start3A_200] : memref<10240x128xf32, #tpu.memory_space<vmem_shared>> -> memref<32x128xf32, #tpu.memory_space<vmem_shared>>
    %dma_start3A_202 = arith.constant 0 : i32
    %dma_start3A_203 = tpu.memref_slice %arg10[%add3A_199, %dma_start3A_202] : memref<10240x128xf32, #tpu.memory_space<vmem_shared>> -> memref<32x128xf32, #tpu.memory_space<vmem_shared>>
    tpu.enqueue_dma source(%arg9 : memref<32x128xf32, #tpu.memory_space<vmem>>) target(%dma_start3A_203 : memref<32x128xf32, #tpu.memory_space<vmem_shared>>) target_semaphore(%arg13 : memref<!tpu.dma_semaphore, #tpu.memory_space<semaphore_mem>>)
    %mul3A_204 = arith.constant 640 : i32
    %mul3A_205 = arith.muli %arg1, %mul3A_204 : i32
    %add3A_206 = arith.constant 0 : i32
    %add3A_207 = arith.addi %mul3A_205, %add3A_206 : i32
    %dma_wait3A = arith.constant 0 : i32
    %dma_wait3A_208 = tpu.memref_slice %arg10[%add3A_207, %dma_wait3A] : memref<10240x128xf32, #tpu.memory_space<vmem_shared>> -> memref<32x128xf32, #tpu.memory_space<vmem_shared>>
    %dma_wait3A_209 = arith.constant 0 : i32
    %dma_wait3A_210 = tpu.memref_slice %arg10[%add3A_207, %dma_wait3A_209] : memref<10240x128xf32, #tpu.memory_space<vmem_shared>> -> memref<32x128xf32, #tpu.memory_space<vmem_shared>>
    tpu.wait_dma2 semaphore(%arg12 : memref<!tpu.dma_semaphore, #tpu.memory_space<semaphore_mem>>) src(%arg9 : memref<32x128xf32, #tpu.memory_space<vmem>>) dst(%dma_wait3A_210 : memref<32x128xf32, #tpu.memory_space<vmem_shared>>)
    %mul3A_211 = arith.constant 640 : i32
    %mul3A_212 = arith.muli %arg1, %mul3A_211 : i32
    %add3A_213 = arith.constant 32 : i32
    %add3A_214 = arith.addi %mul3A_212, %add3A_213 : i32
    %dma_wait3A_215 = arith.constant 0 : i32
    %dma_wait3A_216 = tpu.memref_slice %arg10[%add3A_214, %dma_wait3A_215] : memref<10240x128xf32, #tpu.memory_space<vmem_shared>> -> memref<32x128xf32, #tpu.memory_space<vmem_shared>>
    %dma_wait3A_217 = arith.constant 0 : i32
    %dma_wait3A_218 = tpu.memref_slice %arg10[%add3A_214, %dma_wait3A_217] : memref<10240x128xf32, #tpu.memory_space<vmem_shared>> -> memref<32x128xf32, #tpu.memory_space<vmem_shared>>
    tpu.wait_dma2 semaphore(%arg13 : memref<!tpu.dma_semaphore, #tpu.memory_space<semaphore_mem>>) src(%arg9 : memref<32x128xf32, #tpu.memory_space<vmem>>) dst(%dma_wait3A_218 : memref<32x128xf32, #tpu.memory_space<vmem_shared>>)
    %mul3A_219 = arith.constant 640 : i32
    %mul3A_220 = arith.muli %arg1, %mul3A_219 : i32
    %add3A_221 = arith.constant 64 : i32
    %add3A_222 = arith.addi %mul3A_220, %add3A_221 : i32
    %dma_wait3A_223 = arith.constant 0 : i32
    %dma_wait3A_224 = tpu.memref_slice %arg10[%add3A_222, %dma_wait3A_223] : memref<10240x128xf32, #tpu.memory_space<vmem_shared>> -> memref<32x128xf32, #tpu.memory_space<vmem_shared>>
    %dma_wait3A_225 = arith.constant 0 : i32
    %dma_wait3A_226 = tpu.memref_slice %arg10[%add3A_222, %dma_wait3A_225] : memref<10240x128xf32, #tpu.memory_space<vmem_shared>> -> memref<32x128xf32, #tpu.memory_space<vmem_shared>>
    tpu.wait_dma2 semaphore(%arg12 : memref<!tpu.dma_semaphore, #tpu.memory_space<semaphore_mem>>) src(%arg9 : memref<32x128xf32, #tpu.memory_space<vmem>>) dst(%dma_wait3A_226 : memref<32x128xf32, #tpu.memory_space<vmem_shared>>)
    %mul3A_227 = arith.constant 640 : i32
    %mul3A_228 = arith.muli %arg1, %mul3A_227 : i32
    %add3A_229 = arith.constant 96 : i32
    %add3A_230 = arith.addi %mul3A_228, %add3A_229 : i32
    %dma_wait3A_231 = arith.constant 0 : i32
    %dma_wait3A_232 = tpu.memref_slice %arg10[%add3A_230, %dma_wait3A_231] : memref<10240x128xf32, #tpu.memory_space<vmem_shared>> -> memref<32x128xf32, #tpu.memory_space<vmem_shared>>
    %dma_wait3A_233 = arith.constant 0 : i32
    %dma_wait3A_234 = tpu.memref_slice %arg10[%add3A_230, %dma_wait3A_233] : memref<10240x128xf32, #tpu.memory_space<vmem_shared>> -> memref<32x128xf32, #tpu.memory_space<vmem_shared>>
    tpu.wait_dma2 semaphore(%arg13 : memref<!tpu.dma_semaphore, #tpu.memory_space<semaphore_mem>>) src(%arg9 : memref<32x128xf32, #tpu.memory_space<vmem>>) dst(%dma_wait3A_234 : memref<32x128xf32, #tpu.memory_space<vmem_shared>>)
    %mul3A_235 = arith.constant 640 : i32
    %mul3A_236 = arith.muli %arg1, %mul3A_235 : i32
    %add3A_237 = arith.constant 128 : i32
    %add3A_238 = arith.addi %mul3A_236, %add3A_237 : i32
    %dma_wait3A_239 = arith.constant 0 : i32
    %dma_wait3A_240 = tpu.memref_slice %arg10[%add3A_238, %dma_wait3A_239] : memref<10240x128xf32, #tpu.memory_space<vmem_shared>> -> memref<32x128xf32, #tpu.memory_space<vmem_shared>>
    %dma_wait3A_241 = arith.constant 0 : i32
    %dma_wait3A_242 = tpu.memref_slice %arg10[%add3A_238, %dma_wait3A_241] : memref<10240x128xf32, #tpu.memory_space<vmem_shared>> -> memref<32x128xf32, #tpu.memory_space<vmem_shared>>
    tpu.wait_dma2 semaphore(%arg12 : memref<!tpu.dma_semaphore, #tpu.memory_space<semaphore_mem>>) src(%arg9 : memref<32x128xf32, #tpu.memory_space<vmem>>) dst(%dma_wait3A_242 : memref<32x128xf32, #tpu.memory_space<vmem_shared>>)
    %mul3A_243 = arith.constant 640 : i32
    %mul3A_244 = arith.muli %arg1, %mul3A_243 : i32
    %add3A_245 = arith.constant 160 : i32
    %add3A_246 = arith.addi %mul3A_244, %add3A_245 : i32
    %dma_wait3A_247 = arith.constant 0 : i32
    %dma_wait3A_248 = tpu.memref_slice %arg10[%add3A_246, %dma_wait3A_247] : memref<10240x128xf32, #tpu.memory_space<vmem_shared>> -> memref<32x128xf32, #tpu.memory_space<vmem_shared>>
    %dma_wait3A_249 = arith.constant 0 : i32
    %dma_wait3A_250 = tpu.memref_slice %arg10[%add3A_246, %dma_wait3A_249] : memref<10240x128xf32, #tpu.memory_space<vmem_shared>> -> memref<32x128xf32, #tpu.memory_space<vmem_shared>>
    tpu.wait_dma2 semaphore(%arg13 : memref<!tpu.dma_semaphore, #tpu.memory_space<semaphore_mem>>) src(%arg9 : memref<32x128xf32, #tpu.memory_space<vmem>>) dst(%dma_wait3A_250 : memref<32x128xf32, #tpu.memory_space<vmem_shared>>)
    %mul3A_251 = arith.constant 640 : i32
    %mul3A_252 = arith.muli %arg1, %mul3A_251 : i32
    %add3A_253 = arith.constant 192 : i32
    %add3A_254 = arith.addi %mul3A_252, %add3A_253 : i32
    %dma_wait3A_255 = arith.constant 0 : i32
    %dma_wait3A_256 = tpu.memref_slice %arg10[%add3A_254, %dma_wait3A_255] : memref<10240x128xf32, #tpu.memory_space<vmem_shared>> -> memref<32x128xf32, #tpu.memory_space<vmem_shared>>
    %dma_wait3A_257 = arith.constant 0 : i32
    %dma_wait3A_258 = tpu.memref_slice %arg10[%add3A_254, %dma_wait3A_257] : memref<10240x128xf32, #tpu.memory_space<vmem_shared>> -> memref<32x128xf32, #tpu.memory_space<vmem_shared>>
    tpu.wait_dma2 semaphore(%arg12 : memref<!tpu.dma_semaphore, #tpu.memory_space<semaphore_mem>>) src(%arg9 : memref<32x128xf32, #tpu.memory_space<vmem>>) dst(%dma_wait3A_258 : memref<32x128xf32, #tpu.memory_space<vmem_shared>>)
    %mul3A_259 = arith.constant 640 : i32
    %mul3A_260 = arith.muli %arg1, %mul3A_259 : i32
    %add3A_261 = arith.constant 224 : i32
    %add3A_262 = arith.addi %mul3A_260, %add3A_261 : i32
    %dma_wait3A_263 = arith.constant 0 : i32
    %dma_wait3A_264 = tpu.memref_slice %arg10[%add3A_262, %dma_wait3A_263] : memref<10240x128xf32, #tpu.memory_space<vmem_shared>> -> memref<32x128xf32, #tpu.memory_space<vmem_shared>>
    %dma_wait3A_265 = arith.constant 0 : i32
    %dma_wait3A_266 = tpu.memref_slice %arg10[%add3A_262, %dma_wait3A_265] : memref<10240x128xf32, #tpu.memory_space<vmem_shared>> -> memref<32x128xf32, #tpu.memory_space<vmem_shared>>
    tpu.wait_dma2 semaphore(%arg13 : memref<!tpu.dma_semaphore, #tpu.memory_space<semaphore_mem>>) src(%arg9 : memref<32x128xf32, #tpu.memory_space<vmem>>) dst(%dma_wait3A_266 : memref<32x128xf32, #tpu.memory_space<vmem_shared>>)
    %mul3A_267 = arith.constant 640 : i32
    %mul3A_268 = arith.muli %arg1, %mul3A_267 : i32
    %add3A_269 = arith.constant 256 : i32
    %add3A_270 = arith.addi %mul3A_268, %add3A_269 : i32
    %dma_wait3A_271 = arith.constant 0 : i32
    %dma_wait3A_272 = tpu.memref_slice %arg10[%add3A_270, %dma_wait3A_271] : memref<10240x128xf32, #tpu.memory_space<vmem_shared>> -> memref<32x128xf32, #tpu.memory_space<vmem_shared>>
    %dma_wait3A_273 = arith.constant 0 : i32
    %dma_wait3A_274 = tpu.memref_slice %arg10[%add3A_270, %dma_wait3A_273] : memref<10240x128xf32, #tpu.memory_space<vmem_shared>> -> memref<32x128xf32, #tpu.memory_space<vmem_shared>>
    tpu.wait_dma2 semaphore(%arg12 : memref<!tpu.dma_semaphore, #tpu.memory_space<semaphore_mem>>) src(%arg9 : memref<32x128xf32, #tpu.memory_space<vmem>>) dst(%dma_wait3A_274 : memref<32x128xf32, #tpu.memory_space<vmem_shared>>)
    %mul3A_275 = arith.constant 640 : i32
    %mul3A_276 = arith.muli %arg1, %mul3A_275 : i32
    %add3A_277 = arith.constant 288 : i32
    %add3A_278 = arith.addi %mul3A_276, %add3A_277 : i32
    %dma_wait3A_279 = arith.constant 0 : i32
    %dma_wait3A_280 = tpu.memref_slice %arg10[%add3A_278, %dma_wait3A_279] : memref<10240x128xf32, #tpu.memory_space<vmem_shared>> -> memref<32x128xf32, #tpu.memory_space<vmem_shared>>
    %dma_wait3A_281 = arith.constant 0 : i32
    %dma_wait3A_282 = tpu.memref_slice %arg10[%add3A_278, %dma_wait3A_281] : memref<10240x128xf32, #tpu.memory_space<vmem_shared>> -> memref<32x128xf32, #tpu.memory_space<vmem_shared>>
    tpu.wait_dma2 semaphore(%arg13 : memref<!tpu.dma_semaphore, #tpu.memory_space<semaphore_mem>>) src(%arg9 : memref<32x128xf32, #tpu.memory_space<vmem>>) dst(%dma_wait3A_282 : memref<32x128xf32, #tpu.memory_space<vmem_shared>>)
    %mul3A_283 = arith.constant 640 : i32
    %mul3A_284 = arith.muli %arg1, %mul3A_283 : i32
    %add3A_285 = arith.constant 320 : i32
    %add3A_286 = arith.addi %mul3A_284, %add3A_285 : i32
    %dma_wait3A_287 = arith.constant 0 : i32
    %dma_wait3A_288 = tpu.memref_slice %arg10[%add3A_286, %dma_wait3A_287] : memref<10240x128xf32, #tpu.memory_space<vmem_shared>> -> memref<32x128xf32, #tpu.memory_space<vmem_shared>>
    %dma_wait3A_289 = arith.constant 0 : i32
    %dma_wait3A_290 = tpu.memref_slice %arg10[%add3A_286, %dma_wait3A_289] : memref<10240x128xf32, #tpu.memory_space<vmem_shared>> -> memref<32x128xf32, #tpu.memory_space<vmem_shared>>
    tpu.wait_dma2 semaphore(%arg12 : memref<!tpu.dma_semaphore, #tpu.memory_space<semaphore_mem>>) src(%arg9 : memref<32x128xf32, #tpu.memory_space<vmem>>) dst(%dma_wait3A_290 : memref<32x128xf32, #tpu.memory_space<vmem_shared>>)
    %mul3A_291 = arith.constant 640 : i32
    %mul3A_292 = arith.muli %arg1, %mul3A_291 : i32
    %add3A_293 = arith.constant 352 : i32
    %add3A_294 = arith.addi %mul3A_292, %add3A_293 : i32
    %dma_wait3A_295 = arith.constant 0 : i32
    %dma_wait3A_296 = tpu.memref_slice %arg10[%add3A_294, %dma_wait3A_295] : memref<10240x128xf32, #tpu.memory_space<vmem_shared>> -> memref<32x128xf32, #tpu.memory_space<vmem_shared>>
    %dma_wait3A_297 = arith.constant 0 : i32
    %dma_wait3A_298 = tpu.memref_slice %arg10[%add3A_294, %dma_wait3A_297] : memref<10240x128xf32, #tpu.memory_space<vmem_shared>> -> memref<32x128xf32, #tpu.memory_space<vmem_shared>>
    tpu.wait_dma2 semaphore(%arg13 : memref<!tpu.dma_semaphore, #tpu.memory_space<semaphore_mem>>) src(%arg9 : memref<32x128xf32, #tpu.memory_space<vmem>>) dst(%dma_wait3A_298 : memref<32x128xf32, #tpu.memory_space<vmem_shared>>)
    %mul3A_299 = arith.constant 640 : i32
    %mul3A_300 = arith.muli %arg1, %mul3A_299 : i32
    %add3A_301 = arith.constant 384 : i32
    %add3A_302 = arith.addi %mul3A_300, %add3A_301 : i32
    %dma_wait3A_303 = arith.constant 0 : i32
    %dma_wait3A_304 = tpu.memref_slice %arg10[%add3A_302, %dma_wait3A_303] : memref<10240x128xf32, #tpu.memory_space<vmem_shared>> -> memref<32x128xf32, #tpu.memory_space<vmem_shared>>
    %dma_wait3A_305 = arith.constant 0 : i32
    %dma_wait3A_306 = tpu.memref_slice %arg10[%add3A_302, %dma_wait3A_305] : memref<10240x128xf32, #tpu.memory_space<vmem_shared>> -> memref<32x128xf32, #tpu.memory_space<vmem_shared>>
    tpu.wait_dma2 semaphore(%arg12 : memref<!tpu.dma_semaphore, #tpu.memory_space<semaphore_mem>>) src(%arg9 : memref<32x128xf32, #tpu.memory_space<vmem>>) dst(%dma_wait3A_306 : memref<32x128xf32, #tpu.memory_space<vmem_shared>>)
    %mul3A_307 = arith.constant 640 : i32
    %mul3A_308 = arith.muli %arg1, %mul3A_307 : i32
    %add3A_309 = arith.constant 416 : i32
    %add3A_310 = arith.addi %mul3A_308, %add3A_309 : i32
    %dma_wait3A_311 = arith.constant 0 : i32
    %dma_wait3A_312 = tpu.memref_slice %arg10[%add3A_310, %dma_wait3A_311] : memref<10240x128xf32, #tpu.memory_space<vmem_shared>> -> memref<32x128xf32, #tpu.memory_space<vmem_shared>>
    %dma_wait3A_313 = arith.constant 0 : i32
    %dma_wait3A_314 = tpu.memref_slice %arg10[%add3A_310, %dma_wait3A_313] : memref<10240x128xf32, #tpu.memory_space<vmem_shared>> -> memref<32x128xf32, #tpu.memory_space<vmem_shared>>
    tpu.wait_dma2 semaphore(%arg13 : memref<!tpu.dma_semaphore, #tpu.memory_space<semaphore_mem>>) src(%arg9 : memref<32x128xf32, #tpu.memory_space<vmem>>) dst(%dma_wait3A_314 : memref<32x128xf32, #tpu.memory_space<vmem_shared>>)
    %mul3A_315 = arith.constant 640 : i32
    %mul3A_316 = arith.muli %arg1, %mul3A_315 : i32
    %add3A_317 = arith.constant 448 : i32
    %add3A_318 = arith.addi %mul3A_316, %add3A_317 : i32
    %dma_wait3A_319 = arith.constant 0 : i32
    %dma_wait3A_320 = tpu.memref_slice %arg10[%add3A_318, %dma_wait3A_319] : memref<10240x128xf32, #tpu.memory_space<vmem_shared>> -> memref<32x128xf32, #tpu.memory_space<vmem_shared>>
    %dma_wait3A_321 = arith.constant 0 : i32
    %dma_wait3A_322 = tpu.memref_slice %arg10[%add3A_318, %dma_wait3A_321] : memref<10240x128xf32, #tpu.memory_space<vmem_shared>> -> memref<32x128xf32, #tpu.memory_space<vmem_shared>>
    tpu.wait_dma2 semaphore(%arg12 : memref<!tpu.dma_semaphore, #tpu.memory_space<semaphore_mem>>) src(%arg9 : memref<32x128xf32, #tpu.memory_space<vmem>>) dst(%dma_wait3A_322 : memref<32x128xf32, #tpu.memory_space<vmem_shared>>)
    %mul3A_323 = arith.constant 640 : i32
    %mul3A_324 = arith.muli %arg1, %mul3A_323 : i32
    %add3A_325 = arith.constant 480 : i32
    %add3A_326 = arith.addi %mul3A_324, %add3A_325 : i32
    %dma_wait3A_327 = arith.constant 0 : i32
    %dma_wait3A_328 = tpu.memref_slice %arg10[%add3A_326, %dma_wait3A_327] : memref<10240x128xf32, #tpu.memory_space<vmem_shared>> -> memref<32x128xf32, #tpu.memory_space<vmem_shared>>
    %dma_wait3A_329 = arith.constant 0 : i32
    %dma_wait3A_330 = tpu.memref_slice %arg10[%add3A_326, %dma_wait3A_329] : memref<10240x128xf32, #tpu.memory_space<vmem_shared>> -> memref<32x128xf32, #tpu.memory_space<vmem_shared>>
    tpu.wait_dma2 semaphore(%arg13 : memref<!tpu.dma_semaphore, #tpu.memory_space<semaphore_mem>>) src(%arg9 : memref<32x128xf32, #tpu.memory_space<vmem>>) dst(%dma_wait3A_330 : memref<32x128xf32, #tpu.memory_space<vmem_shared>>)
    %mul3A_331 = arith.constant 640 : i32
    %mul3A_332 = arith.muli %arg1, %mul3A_331 : i32
    %add3A_333 = arith.constant 512 : i32
    %add3A_334 = arith.addi %mul3A_332, %add3A_333 : i32
    %dma_wait3A_335 = arith.constant 0 : i32
    %dma_wait3A_336 = tpu.memref_slice %arg10[%add3A_334, %dma_wait3A_335] : memref<10240x128xf32, #tpu.memory_space<vmem_shared>> -> memref<32x128xf32, #tpu.memory_space<vmem_shared>>
    %dma_wait3A_337 = arith.constant 0 : i32
    %dma_wait3A_338 = tpu.memref_slice %arg10[%add3A_334, %dma_wait3A_337] : memref<10240x128xf32, #tpu.memory_space<vmem_shared>> -> memref<32x128xf32, #tpu.memory_space<vmem_shared>>
    tpu.wait_dma2 semaphore(%arg12 : memref<!tpu.dma_semaphore, #tpu.memory_space<semaphore_mem>>) src(%arg9 : memref<32x128xf32, #tpu.memory_space<vmem>>) dst(%dma_wait3A_338 : memref<32x128xf32, #tpu.memory_space<vmem_shared>>)
    %mul3A_339 = arith.constant 640 : i32
    %mul3A_340 = arith.muli %arg1, %mul3A_339 : i32
    %add3A_341 = arith.constant 544 : i32
    %add3A_342 = arith.addi %mul3A_340, %add3A_341 : i32
    %dma_wait3A_343 = arith.constant 0 : i32
    %dma_wait3A_344 = tpu.memref_slice %arg10[%add3A_342, %dma_wait3A_343] : memref<10240x128xf32, #tpu.memory_space<vmem_shared>> -> memref<32x128xf32, #tpu.memory_space<vmem_shared>>
    %dma_wait3A_345 = arith.constant 0 : i32
    %dma_wait3A_346 = tpu.memref_slice %arg10[%add3A_342, %dma_wait3A_345] : memref<10240x128xf32, #tpu.memory_space<vmem_shared>> -> memref<32x128xf32, #tpu.memory_space<vmem_shared>>
    tpu.wait_dma2 semaphore(%arg13 : memref<!tpu.dma_semaphore, #tpu.memory_space<semaphore_mem>>) src(%arg9 : memref<32x128xf32, #tpu.memory_space<vmem>>) dst(%dma_wait3A_346 : memref<32x128xf32, #tpu.memory_space<vmem_shared>>)
    %mul3A_347 = arith.constant 640 : i32
    %mul3A_348 = arith.muli %arg1, %mul3A_347 : i32
    %add3A_349 = arith.constant 576 : i32
    %add3A_350 = arith.addi %mul3A_348, %add3A_349 : i32
    %dma_wait3A_351 = arith.constant 0 : i32
    %dma_wait3A_352 = tpu.memref_slice %arg10[%add3A_350, %dma_wait3A_351] : memref<10240x128xf32, #tpu.memory_space<vmem_shared>> -> memref<32x128xf32, #tpu.memory_space<vmem_shared>>
    %dma_wait3A_353 = arith.constant 0 : i32
    %dma_wait3A_354 = tpu.memref_slice %arg10[%add3A_350, %dma_wait3A_353] : memref<10240x128xf32, #tpu.memory_space<vmem_shared>> -> memref<32x128xf32, #tpu.memory_space<vmem_shared>>
    tpu.wait_dma2 semaphore(%arg12 : memref<!tpu.dma_semaphore, #tpu.memory_space<semaphore_mem>>) src(%arg9 : memref<32x128xf32, #tpu.memory_space<vmem>>) dst(%dma_wait3A_354 : memref<32x128xf32, #tpu.memory_space<vmem_shared>>)
    %mul3A_355 = arith.constant 640 : i32
    %mul3A_356 = arith.muli %arg1, %mul3A_355 : i32
    %add3A_357 = arith.constant 608 : i32
    %add3A_358 = arith.addi %mul3A_356, %add3A_357 : i32
    %dma_wait3A_359 = arith.constant 0 : i32
    %dma_wait3A_360 = tpu.memref_slice %arg10[%add3A_358, %dma_wait3A_359] : memref<10240x128xf32, #tpu.memory_space<vmem_shared>> -> memref<32x128xf32, #tpu.memory_space<vmem_shared>>
    %dma_wait3A_361 = arith.constant 0 : i32
    %dma_wait3A_362 = tpu.memref_slice %arg10[%add3A_358, %dma_wait3A_361] : memref<10240x128xf32, #tpu.memory_space<vmem_shared>> -> memref<32x128xf32, #tpu.memory_space<vmem_shared>>
    tpu.wait_dma2 semaphore(%arg13 : memref<!tpu.dma_semaphore, #tpu.memory_space<semaphore_mem>>) src(%arg9 : memref<32x128xf32, #tpu.memory_space<vmem>>) dst(%dma_wait3A_362 : memref<32x128xf32, #tpu.memory_space<vmem_shared>>)
    %dma_wait3A_363 = arith.constant 0 : i32
    %dma_wait3A_364 = arith.constant 0 : i32
    %dma_wait3A_365 = arith.constant 0 : i32
    %dma_wait3A_366 = tpu.memref_slice %arg6[%dma_wait3A_363, %dma_wait3A_364, %dma_wait3A_365] : memref<2x2x125xi32, #tpu.memory_space<vmem>> -> memref<1x2x125xi32, #tpu.memory_space<vmem>>
    %dma_wait3A_367 = tpu.memref_squeeze %dma_wait3A_366 : memref<1x2x125xi32, #tpu.memory_space<vmem>> -> memref<2x125xi32, #tpu.memory_space<vmem>>
    %dma_wait3A_368 = arith.constant 0 : i32
    %dma_wait3A_369 = arith.constant 0 : i32
    %dma_wait3A_370 = tpu.memref_slice %arg3[%mul3A_2, %dma_wait3A_368, %dma_wait3A_369] : memref<2560x2x125xi32, #tpu.memory_space<hbm>> -> memref<1x2x125xi32, #tpu.memory_space<hbm>>
    %dma_wait3A_371 = tpu.memref_squeeze %dma_wait3A_370 : memref<1x2x125xi32, #tpu.memory_space<hbm>> -> memref<2x125xi32, #tpu.memory_space<hbm>>
    %dma_wait3A_372 = arith.constant 0 : i32
    %dma_wait3A_373 = arith.constant 0 : i32
    %dma_wait3A_374 = tpu.memref_slice %arg6[%dma_wait3A_363, %dma_wait3A_372, %dma_wait3A_373] : memref<2x2x125xi32, #tpu.memory_space<vmem>> -> memref<1x2x125xi32, #tpu.memory_space<vmem>>
    %dma_wait3A_375 = tpu.memref_squeeze %dma_wait3A_374 : memref<1x2x125xi32, #tpu.memory_space<vmem>> -> memref<2x125xi32, #tpu.memory_space<vmem>>
    %dma_wait3A_376 = arith.constant 0 : i32
    %dma_wait3A_377 = arith.constant 0 : i32
    %dma_wait3A_378 = tpu.memref_slice %arg3[%mul3A_2, %dma_wait3A_376, %dma_wait3A_377] : memref<2560x2x125xi32, #tpu.memory_space<hbm>> -> memref<1x2x125xi32, #tpu.memory_space<hbm>>
    %dma_wait3A_379 = tpu.memref_squeeze %dma_wait3A_378 : memref<1x2x125xi32, #tpu.memory_space<hbm>> -> memref<2x125xi32, #tpu.memory_space<hbm>>
    tpu.wait_dma2 semaphore(%arg11 : memref<!tpu.dma_semaphore, #tpu.memory_space<semaphore_mem>>) src(%dma_wait3A_379 : memref<2x125xi32, #tpu.memory_space<hbm>>) dst(%dma_wait3A_375 : memref<2x125xi32, #tpu.memory_space<vmem>>)
    %dma_wait3A_380 = arith.constant 0 : i32
    %dma_wait3A_381 = arith.constant 0 : i32
    %dma_wait3A_382 = arith.constant 0 : i32
    %dma_wait3A_383 = tpu.memref_slice %arg7[%dma_wait3A_380, %dma_wait3A_381, %dma_wait3A_382] : memref<2x2x125xi32, #tpu.memory_space<vmem>> -> memref<1x2x125xi32, #tpu.memory_space<vmem>>
    %dma_wait3A_384 = tpu.memref_squeeze %dma_wait3A_383 : memref<1x2x125xi32, #tpu.memory_space<vmem>> -> memref<2x125xi32, #tpu.memory_space<vmem>>
    %dma_wait3A_385 = arith.constant 0 : i32
    %dma_wait3A_386 = arith.constant 0 : i32
    %dma_wait3A_387 = tpu.memref_slice %arg4[%mul3A_4, %dma_wait3A_385, %dma_wait3A_386] : memref<1280x2x125xi32, #tpu.memory_space<hbm>> -> memref<1x2x125xi32, #tpu.memory_space<hbm>>
    %dma_wait3A_388 = tpu.memref_squeeze %dma_wait3A_387 : memref<1x2x125xi32, #tpu.memory_space<hbm>> -> memref<2x125xi32, #tpu.memory_space<hbm>>
    %dma_wait3A_389 = arith.constant 0 : i32
    %dma_wait3A_390 = arith.constant 0 : i32
    %dma_wait3A_391 = tpu.memref_slice %arg7[%dma_wait3A_380, %dma_wait3A_389, %dma_wait3A_390] : memref<2x2x125xi32, #tpu.memory_space<vmem>> -> memref<1x2x125xi32, #tpu.memory_space<vmem>>
    %dma_wait3A_392 = tpu.memref_squeeze %dma_wait3A_391 : memref<1x2x125xi32, #tpu.memory_space<vmem>> -> memref<2x125xi32, #tpu.memory_space<vmem>>
    %dma_wait3A_393 = arith.constant 0 : i32
    %dma_wait3A_394 = arith.constant 0 : i32
    %dma_wait3A_395 = tpu.memref_slice %arg4[%mul3A_4, %dma_wait3A_393, %dma_wait3A_394] : memref<1280x2x125xi32, #tpu.memory_space<hbm>> -> memref<1x2x125xi32, #tpu.memory_space<hbm>>
    %dma_wait3A_396 = tpu.memref_squeeze %dma_wait3A_395 : memref<1x2x125xi32, #tpu.memory_space<hbm>> -> memref<2x125xi32, #tpu.memory_space<hbm>>
    tpu.wait_dma2 semaphore(%arg11 : memref<!tpu.dma_semaphore, #tpu.memory_space<semaphore_mem>>) src(%dma_wait3A_396 : memref<2x125xi32, #tpu.memory_space<hbm>>) dst(%dma_wait3A_392 : memref<2x125xi32, #tpu.memory_space<vmem>>)
    %dma_start3A_397 = arith.constant 0 : i32
    %dma_start3A_398 = arith.constant 0 : i32
    %dma_start3A_399 = arith.constant 0 : i32
    %dma_start3A_400 = arith.constant 0 : i32
    %dma_start3A_401 = arith.constant 0 : i32
    %dma_start3A_402 = tpu.memref_slice %arg8[%dma_start3A_399, %dma_start3A_400, %dma_start3A_401] : memref<2x125x128xf32, #tpu.memory_space<vmem>> -> memref<1x125x128xf32, #tpu.memory_space<vmem>>
    %dma_start3A_403 = tpu.memref_squeeze %dma_start3A_402 : memref<1x125x128xf32, #tpu.memory_space<vmem>> -> memref<125x128xf32, #tpu.memory_space<vmem>>
    %dma_start3A_404 = arith.constant 0 : i32
    %dma_start3A_405 = tpu.memref_slice %arg6[%dma_start3A_397, %dma_start3A_398, %dma_start3A_404] : memref<2x2x125xi32, #tpu.memory_space<vmem>> -> memref<1x1x125xi32, #tpu.memory_space<vmem>>
    %dma_start3A_406 = tpu.memref_squeeze %dma_start3A_405 : memref<1x1x125xi32, #tpu.memory_space<vmem>> -> memref<125xi32, #tpu.memory_space<vmem>>
    %dma_start3A_407 = arith.constant 0 : i32
    %dma_start3A_408 = arith.constant 0 : i32
    %dma_start3A_409 = tpu.memref_slice %arg2[%dma_start3A_407, %dma_start3A_408] : memref<20000x128xf32, #tpu.memory_space<hbm>> -> memref<20000x128xf32, #tpu.memory_space<hbm>>
    tpu.enqueue_indirect_dma source(%dma_start3A_409 : memref<20000x128xf32, #tpu.memory_space<hbm>>) target(%dma_start3A_403 : memref<125x128xf32, #tpu.memory_space<vmem>>) offsets(%dma_start3A_406 : memref<125xi32, #tpu.memory_space<vmem>>) semaphore(%arg12 : memref<!tpu.dma_semaphore, #tpu.memory_space<semaphore_mem>>)
    %dma_start3A_410 = arith.constant 0 : i32
    %dma_start3A_411 = arith.constant 1 : i32
    %dma_start3A_412 = arith.constant 1 : i32
    %dma_start3A_413 = arith.constant 0 : i32
    %dma_start3A_414 = arith.constant 0 : i32
    %dma_start3A_415 = tpu.memref_slice %arg8[%dma_start3A_412, %dma_start3A_413, %dma_start3A_414] : memref<2x125x128xf32, #tpu.memory_space<vmem>> -> memref<1x125x128xf32, #tpu.memory_space<vmem>>
    %dma_start3A_416 = tpu.memref_squeeze %dma_start3A_415 : memref<1x125x128xf32, #tpu.memory_space<vmem>> -> memref<125x128xf32, #tpu.memory_space<vmem>>
    %dma_start3A_417 = arith.constant 0 : i32
    %dma_start3A_418 = tpu.memref_slice %arg6[%dma_start3A_410, %dma_start3A_411, %dma_start3A_417] : memref<2x2x125xi32, #tpu.memory_space<vmem>> -> memref<1x1x125xi32, #tpu.memory_space<vmem>>
    %dma_start3A_419 = tpu.memref_squeeze %dma_start3A_418 : memref<1x1x125xi32, #tpu.memory_space<vmem>> -> memref<125xi32, #tpu.memory_space<vmem>>
    %dma_start3A_420 = arith.constant 0 : i32
    %dma_start3A_421 = arith.constant 0 : i32
    %dma_start3A_422 = tpu.memref_slice %arg2[%dma_start3A_420, %dma_start3A_421] : memref<20000x128xf32, #tpu.memory_space<hbm>> -> memref<20000x128xf32, #tpu.memory_space<hbm>>
    tpu.enqueue_indirect_dma source(%dma_start3A_422 : memref<20000x128xf32, #tpu.memory_space<hbm>>) target(%dma_start3A_416 : memref<125x128xf32, #tpu.memory_space<vmem>>) offsets(%dma_start3A_419 : memref<125xi32, #tpu.memory_space<vmem>>) semaphore(%arg13 : memref<!tpu.dma_semaphore, #tpu.memory_space<semaphore_mem>>)
    %add3A_423 = arith.constant 1 : i32
    %add3A_424 = arith.addi %mul3A_2, %add3A_423 : i32
    %dma_start3A_425 = arith.constant 1 : i32
    %dma_start3A_426 = arith.constant 0 : i32
    %dma_start3A_427 = arith.constant 0 : i32
    %dma_start3A_428 = tpu.memref_slice %arg6[%dma_start3A_425, %dma_start3A_426, %dma_start3A_427] : memref<2x2x125xi32, #tpu.memory_space<vmem>> -> memref<1x2x125xi32, #tpu.memory_space<vmem>>
    %dma_start3A_429 = tpu.memref_squeeze %dma_start3A_428 : memref<1x2x125xi32, #tpu.memory_space<vmem>> -> memref<2x125xi32, #tpu.memory_space<vmem>>
    %dma_start3A_430 = arith.constant 0 : i32
    %dma_start3A_431 = arith.constant 0 : i32
    %dma_start3A_432 = tpu.memref_slice %arg3[%add3A_424, %dma_start3A_430, %dma_start3A_431] : memref<2560x2x125xi32, #tpu.memory_space<hbm>> -> memref<1x2x125xi32, #tpu.memory_space<hbm>>
    %dma_start3A_433 = tpu.memref_squeeze %dma_start3A_432 : memref<1x2x125xi32, #tpu.memory_space<hbm>> -> memref<2x125xi32, #tpu.memory_space<hbm>>
    %dma_start3A_434 = arith.constant 0 : i32
    %dma_start3A_435 = arith.constant 0 : i32
    %dma_start3A_436 = tpu.memref_slice %arg6[%dma_start3A_425, %dma_start3A_434, %dma_start3A_435] : memref<2x2x125xi32, #tpu.memory_space<vmem>> -> memref<1x2x125xi32, #tpu.memory_space<vmem>>
    %dma_start3A_437 = tpu.memref_squeeze %dma_start3A_436 : memref<1x2x125xi32, #tpu.memory_space<vmem>> -> memref<2x125xi32, #tpu.memory_space<vmem>>
    %dma_start3A_438 = arith.constant 0 : i32
    %dma_start3A_439 = arith.constant 0 : i32
    %dma_start3A_440 = tpu.memref_slice %arg3[%add3A_424, %dma_start3A_438, %dma_start3A_439] : memref<2560x2x125xi32, #tpu.memory_space<hbm>> -> memref<1x2x125xi32, #tpu.memory_space<hbm>>
    %dma_start3A_441 = tpu.memref_squeeze %dma_start3A_440 : memref<1x2x125xi32, #tpu.memory_space<hbm>> -> memref<2x125xi32, #tpu.memory_space<hbm>>
    tpu.enqueue_dma source(%dma_start3A_441 : memref<2x125xi32, #tpu.memory_space<hbm>>) target(%dma_start3A_437 : memref<2x125xi32, #tpu.memory_space<vmem>>) target_semaphore(%arg11 : memref<!tpu.dma_semaphore, #tpu.memory_space<semaphore_mem>>)
    %add3A_442 = arith.constant 1 : i32
    %add3A_443 = arith.addi %mul3A_4, %add3A_442 : i32
    %dma_start3A_444 = arith.constant 1 : i32
    %dma_start3A_445 = arith.constant 0 : i32
    %dma_start3A_446 = arith.constant 0 : i32
    %dma_start3A_447 = tpu.memref_slice %arg7[%dma_start3A_444, %dma_start3A_445, %dma_start3A_446] : memref<2x2x125xi32, #tpu.memory_space<vmem>> -> memref<1x2x125xi32, #tpu.memory_space<vmem>>
    %dma_start3A_448 = tpu.memref_squeeze %dma_start3A_447 : memref<1x2x125xi32, #tpu.memory_space<vmem>> -> memref<2x125xi32, #tpu.memory_space<vmem>>
    %dma_start3A_449 = arith.constant 0 : i32
    %dma_start3A_450 = arith.constant 0 : i32
    %dma_start3A_451 = tpu.memref_slice %arg4[%add3A_443, %dma_start3A_449, %dma_start3A_450] : memref<1280x2x125xi32, #tpu.memory_space<hbm>> -> memref<1x2x125xi32, #tpu.memory_space<hbm>>
    %dma_start3A_452 = tpu.memref_squeeze %dma_start3A_451 : memref<1x2x125xi32, #tpu.memory_space<hbm>> -> memref<2x125xi32, #tpu.memory_space<hbm>>
    %dma_start3A_453 = arith.constant 0 : i32
    %dma_start3A_454 = arith.constant 0 : i32
    %dma_start3A_455 = tpu.memref_slice %arg7[%dma_start3A_444, %dma_start3A_453, %dma_start3A_454] : memref<2x2x125xi32, #tpu.memory_space<vmem>> -> memref<1x2x125xi32, #tpu.memory_space<vmem>>
    %dma_start3A_456 = tpu.memref_squeeze %dma_start3A_455 : memref<1x2x125xi32, #tpu.memory_space<vmem>> -> memref<2x125xi32, #tpu.memory_space<vmem>>
    %dma_start3A_457 = arith.constant 0 : i32
    %dma_start3A_458 = arith.constant 0 : i32
    %dma_start3A_459 = tpu.memref_slice %arg4[%add3A_443, %dma_start3A_457, %dma_start3A_458] : memref<1280x2x125xi32, #tpu.memory_space<hbm>> -> memref<1x2x125xi32, #tpu.memory_space<hbm>>
    %dma_start3A_460 = tpu.memref_squeeze %dma_start3A_459 : memref<1x2x125xi32, #tpu.memory_space<hbm>> -> memref<2x125xi32, #tpu.memory_space<hbm>>
    tpu.enqueue_dma source(%dma_start3A_460 : memref<2x125xi32, #tpu.memory_space<hbm>>) target(%dma_start3A_456 : memref<2x125xi32, #tpu.memory_space<vmem>>) target_semaphore(%arg11 : memref<!tpu.dma_semaphore, #tpu.memory_space<semaphore_mem>>)
    %barrier3A = arith.constant 0 : index
    tpu.barrier barrier_id(%barrier3A)
    %scan3A_461 = arith.constant 0 : i32
    %scan3A_462 = arith.constant 0 : i32
    %scan3A_463 = arith.constant 80 : i32
    %scan3A_464 = arith.addi %scan3A_462, %scan3A_463 : i32
    %scan3A_465 = arith.constant 1 : i32
    %scan3A_466 = scf.for %scan3A_473 = %scan3A_462 to %scan3A_464 step %scan3A_465 iter_args(%scan3A_474 = %scan3A_461) -> (i32)  : i32 {
      %rem3A = arith.constant 2 : i32
      %rem3A_475 = arith.remsi %scan3A_473, %rem3A : i32
      %sub3A = arith.constant 1 : i32
      %sub3A_476 = arith.subi %sub3A, %rem3A_475 : i32
      %add3A_477 = arith.constant 1 : i32
      %add3A_478 = arith.addi %scan3A_473, %add3A_477 : i32
      %lt3A = arith.constant 80 : i32
      %lt3A_479 = arith.cmpi slt, %add3A_478, %lt3A : i32
      %convert_element_type3A = arith.extui %lt3A_479 : i1 to i32
      %cond3A = arith.constant 0 : i32
      %cond3A_480 = arith.cmpi ne, %convert_element_type3A, %cond3A : i32
      scf.if %cond3A_480 {
        %add3A_530 = arith.addi %mul3A_2, %scan3A_473 : i32
        %add3A_531 = arith.constant 1 : i32
        %add3A_532 = arith.addi %add3A_530, %add3A_531 : i32
        %dma_wait3A_533 = arith.constant 0 : i32
        %dma_wait3A_534 = arith.constant 0 : i32
        %dma_wait3A_535 = tpu.memref_slice %arg6[%sub3A_476, %dma_wait3A_533, %dma_wait3A_534] : memref<2x2x125xi32, #tpu.memory_space<vmem>> -> memref<1x2x125xi32, #tpu.memory_space<vmem>>
        %dma_wait3A_536 = tpu.memref_squeeze %dma_wait3A_535 : memref<1x2x125xi32, #tpu.memory_space<vmem>> -> memref<2x125xi32, #tpu.memory_space<vmem>>
        %dma_wait3A_537 = arith.constant 0 : i32
        %dma_wait3A_538 = arith.constant 0 : i32
        %dma_wait3A_539 = tpu.memref_slice %arg3[%add3A_532, %dma_wait3A_537, %dma_wait3A_538] : memref<2560x2x125xi32, #tpu.memory_space<hbm>> -> memref<1x2x125xi32, #tpu.memory_space<hbm>>
        %dma_wait3A_540 = tpu.memref_squeeze %dma_wait3A_539 : memref<1x2x125xi32, #tpu.memory_space<hbm>> -> memref<2x125xi32, #tpu.memory_space<hbm>>
        %dma_wait3A_541 = arith.constant 0 : i32
        %dma_wait3A_542 = arith.constant 0 : i32
        %dma_wait3A_543 = tpu.memref_slice %arg6[%sub3A_476, %dma_wait3A_541, %dma_wait3A_542] : memref<2x2x125xi32, #tpu.memory_space<vmem>> -> memref<1x2x125xi32, #tpu.memory_space<vmem>>
        %dma_wait3A_544 = tpu.memref_squeeze %dma_wait3A_543 : memref<1x2x125xi32, #tpu.memory_space<vmem>> -> memref<2x125xi32, #tpu.memory_space<vmem>>
        %dma_wait3A_545 = arith.constant 0 : i32
        %dma_wait3A_546 = arith.constant 0 : i32
        %dma_wait3A_547 = tpu.memref_slice %arg3[%add3A_532, %dma_wait3A_545, %dma_wait3A_546] : memref<2560x2x125xi32, #tpu.memory_space<hbm>> -> memref<1x2x125xi32, #tpu.memory_space<hbm>>
        %dma_wait3A_548 = tpu.memref_squeeze %dma_wait3A_547 : memref<1x2x125xi32, #tpu.memory_space<hbm>> -> memref<2x125xi32, #tpu.memory_space<hbm>>
        tpu.wait_dma2 semaphore(%arg11 : memref<!tpu.dma_semaphore, #tpu.memory_space<semaphore_mem>>) src(%dma_wait3A_548 : memref<2x125xi32, #tpu.memory_space<hbm>>) dst(%dma_wait3A_544 : memref<2x125xi32, #tpu.memory_space<vmem>>)
        %add3A_549 = arith.addi %mul3A_4, %scan3A_473 : i32
        %add3A_550 = arith.constant 1 : i32
        %add3A_551 = arith.addi %add3A_549, %add3A_550 : i32
        %dma_wait3A_552 = arith.constant 0 : i32
        %dma_wait3A_553 = arith.constant 0 : i32
        %dma_wait3A_554 = tpu.memref_slice %arg7[%sub3A_476, %dma_wait3A_552, %dma_wait3A_553] : memref<2x2x125xi32, #tpu.memory_space<vmem>> -> memref<1x2x125xi32, #tpu.memory_space<vmem>>
        %dma_wait3A_555 = tpu.memref_squeeze %dma_wait3A_554 : memref<1x2x125xi32, #tpu.memory_space<vmem>> -> memref<2x125xi32, #tpu.memory_space<vmem>>
        %dma_wait3A_556 = arith.constant 0 : i32
        %dma_wait3A_557 = arith.constant 0 : i32
        %dma_wait3A_558 = tpu.memref_slice %arg4[%add3A_551, %dma_wait3A_556, %dma_wait3A_557] : memref<1280x2x125xi32, #tpu.memory_space<hbm>> -> memref<1x2x125xi32, #tpu.memory_space<hbm>>
        %dma_wait3A_559 = tpu.memref_squeeze %dma_wait3A_558 : memref<1x2x125xi32, #tpu.memory_space<hbm>> -> memref<2x125xi32, #tpu.memory_space<hbm>>
        %dma_wait3A_560 = arith.constant 0 : i32
        %dma_wait3A_561 = arith.constant 0 : i32
        %dma_wait3A_562 = tpu.memref_slice %arg7[%sub3A_476, %dma_wait3A_560, %dma_wait3A_561] : memref<2x2x125xi32, #tpu.memory_space<vmem>> -> memref<1x2x125xi32, #tpu.memory_space<vmem>>
        %dma_wait3A_563 = tpu.memref_squeeze %dma_wait3A_562 : memref<1x2x125xi32, #tpu.memory_space<vmem>> -> memref<2x125xi32, #tpu.memory_space<vmem>>
        %dma_wait3A_564 = arith.constant 0 : i32
        %dma_wait3A_565 = arith.constant 0 : i32
        %dma_wait3A_566 = tpu.memref_slice %arg4[%add3A_551, %dma_wait3A_564, %dma_wait3A_565] : memref<1280x2x125xi32, #tpu.memory_space<hbm>> -> memref<1x2x125xi32, #tpu.memory_space<hbm>>
        %dma_wait3A_567 = tpu.memref_squeeze %dma_wait3A_566 : memref<1x2x125xi32, #tpu.memory_space<hbm>> -> memref<2x125xi32, #tpu.memory_space<hbm>>
        tpu.wait_dma2 semaphore(%arg11 : memref<!tpu.dma_semaphore, #tpu.memory_space<semaphore_mem>>) src(%dma_wait3A_567 : memref<2x125xi32, #tpu.memory_space<hbm>>) dst(%dma_wait3A_563 : memref<2x125xi32, #tpu.memory_space<vmem>>)
      } else {
      }
      %dma_wait3A_481 = arith.constant 0 : i32
      %dma_wait3A_482 = arith.constant 0 : i32
      %dma_wait3A_483 = arith.constant 0 : i32
      %dma_wait3A_484 = arith.constant 0 : i32
      %dma_wait3A_485 = tpu.memref_slice %arg8[%dma_wait3A_482, %dma_wait3A_483, %dma_wait3A_484] : memref<2x125x128xf32, #tpu.memory_space<vmem>> -> memref<1x125x128xf32, #tpu.memory_space<vmem>>
      %dma_wait3A_486 = tpu.memref_squeeze %dma_wait3A_485 : memref<1x125x128xf32, #tpu.memory_space<vmem>> -> memref<125x128xf32, #tpu.memory_space<vmem>>
      %dma_wait3A_487 = arith.constant 0 : i32
      %dma_wait3A_488 = tpu.memref_slice %arg6[%rem3A_475, %dma_wait3A_481, %dma_wait3A_487] : memref<2x2x125xi32, #tpu.memory_space<vmem>> -> memref<1x1x125xi32, #tpu.memory_space<vmem>>
      %dma_wait3A_489 = tpu.memref_squeeze %dma_wait3A_488 : memref<1x1x125xi32, #tpu.memory_space<vmem>> -> memref<125xi32, #tpu.memory_space<vmem>>
      %dma_wait3A_490 = arith.constant 0 : i32
      %dma_wait3A_491 = arith.constant 0 : i32
      %dma_wait3A_492 = tpu.memref_slice %arg2[%dma_wait3A_490, %dma_wait3A_491] : memref<20000x128xf32, #tpu.memory_space<hbm>> -> memref<20000x128xf32, #tpu.memory_space<hbm>>
      tpu.wait_indirect_dma semaphore(%arg12 : memref<!tpu.dma_semaphore, #tpu.memory_space<semaphore_mem>>) src(%dma_wait3A_492 : memref<20000x128xf32, #tpu.memory_space<hbm>>) dst(%dma_wait3A_486 : memref<125x128xf32, #tpu.memory_space<vmem>>)
      %run_scoped3A = arith.constant 0 : i32
      %run_scoped3A_493 = arith.constant 0 : i32
      "tpu.region"() ({
        %run_scoped3A_530 = tpu.sem_alloc : memref<!tpu.dma_semaphore, #tpu.memory_space<semaphore_mem>>
        %dma_start3A_531 = arith.constant 0 : i32
        %dma_start3A_532 = arith.constant 0 : i32
        %dma_start3A_533 = tpu.memref_slice %arg8[%run_scoped3A, %dma_start3A_531, %dma_start3A_532] : memref<2x125x128xf32, #tpu.memory_space<vmem>> -> memref<1x125x128xf32, #tpu.memory_space<vmem>>
        %dma_start3A_534 = tpu.memref_squeeze %dma_start3A_533 : memref<1x125x128xf32, #tpu.memory_space<vmem>> -> memref<125x128xf32, #tpu.memory_space<vmem>>
        %dma_start3A_535 = arith.constant 0 : i32
        %dma_start3A_536 = tpu.memref_slice %arg7[%rem3A_475, %run_scoped3A_493, %dma_start3A_535] : memref<2x2x125xi32, #tpu.memory_space<vmem>> -> memref<1x1x125xi32, #tpu.memory_space<vmem>>
        %dma_start3A_537 = tpu.memref_squeeze %dma_start3A_536 : memref<1x1x125xi32, #tpu.memory_space<vmem>> -> memref<125xi32, #tpu.memory_space<vmem>>
        %dma_start3A_538 = arith.constant 0 : i32
        %dma_start3A_539 = arith.constant 0 : i32
        %dma_start3A_540 = tpu.memref_slice %arg10[%dma_start3A_538, %dma_start3A_539] : memref<10240x128xf32, #tpu.memory_space<vmem_shared>> -> memref<10240x128xf32, #tpu.memory_space<vmem_shared>>
        tpu.enqueue_indirect_dma source(%dma_start3A_534 : memref<125x128xf32, #tpu.memory_space<vmem>>) target(%dma_start3A_540 : memref<10240x128xf32, #tpu.memory_space<vmem_shared>>) offsets(%dma_start3A_537 : memref<125xi32, #tpu.memory_space<vmem>>) semaphore(%run_scoped3A_530 : memref<!tpu.dma_semaphore, #tpu.memory_space<semaphore_mem>>) {add = true}
        %dma_wait3A_541 = arith.constant 0 : i32
        %dma_wait3A_542 = arith.constant 0 : i32
        %dma_wait3A_543 = tpu.memref_slice %arg8[%run_scoped3A, %dma_wait3A_541, %dma_wait3A_542] : memref<2x125x128xf32, #tpu.memory_space<vmem>> -> memref<1x125x128xf32, #tpu.memory_space<vmem>>
        %dma_wait3A_544 = tpu.memref_squeeze %dma_wait3A_543 : memref<1x125x128xf32, #tpu.memory_space<vmem>> -> memref<125x128xf32, #tpu.memory_space<vmem>>
        %dma_wait3A_545 = arith.constant 0 : i32
        %dma_wait3A_546 = tpu.memref_slice %arg7[%rem3A_475, %run_scoped3A_493, %dma_wait3A_545] : memref<2x2x125xi32, #tpu.memory_space<vmem>> -> memref<1x1x125xi32, #tpu.memory_space<vmem>>
        %dma_wait3A_547 = tpu.memref_squeeze %dma_wait3A_546 : memref<1x1x125xi32, #tpu.memory_space<vmem>> -> memref<125xi32, #tpu.memory_space<vmem>>
        %dma_wait3A_548 = arith.constant 0 : i32
        %dma_wait3A_549 = arith.constant 0 : i32
        %dma_wait3A_550 = tpu.memref_slice %arg10[%dma_wait3A_548, %dma_wait3A_549] : memref<10240x128xf32, #tpu.memory_space<vmem_shared>> -> memref<10240x128xf32, #tpu.memory_space<vmem_shared>>
        tpu.wait_indirect_dma semaphore(%run_scoped3A_530 : memref<!tpu.dma_semaphore, #tpu.memory_space<semaphore_mem>>) src(%dma_wait3A_544 : memref<125x128xf32, #tpu.memory_space<vmem>>) dst(%dma_wait3A_550 : memref<10240x128xf32, #tpu.memory_space<vmem_shared>>)
        tpu.yield
      }) : () -> ()
      %add3A_494 = arith.constant 1 : i32
      %add3A_495 = arith.addi %scan3A_473, %add3A_494 : i32
      %lt3A_496 = arith.constant 80 : i32
      %lt3A_497 = arith.cmpi slt, %add3A_495, %lt3A_496 : i32
      %convert_element_type3A_498 = arith.extui %lt3A_497 : i1 to i32
      %cond3A_499 = arith.constant 0 : i32
      %cond3A_500 = arith.cmpi ne, %convert_element_type3A_498, %cond3A_499 : i32
      scf.if %cond3A_500 {
        %dma_start3A_530 = arith.constant 0 : i32
        %dma_start3A_531 = arith.constant 0 : i32
        %dma_start3A_532 = arith.constant 0 : i32
        %dma_start3A_533 = arith.constant 0 : i32
        %dma_start3A_534 = tpu.memref_slice %arg8[%dma_start3A_531, %dma_start3A_532, %dma_start3A_533] : memref<2x125x128xf32, #tpu.memory_space<vmem>> -> memref<1x125x128xf32, #tpu.memory_space<vmem>>
        %dma_start3A_535 = tpu.memref_squeeze %dma_start3A_534 : memref<1x125x128xf32, #tpu.memory_space<vmem>> -> memref<125x128xf32, #tpu.memory_space<vmem>>
        %dma_start3A_536 = arith.constant 0 : i32
        %dma_start3A_537 = tpu.memref_slice %arg6[%sub3A_476, %dma_start3A_530, %dma_start3A_536] : memref<2x2x125xi32, #tpu.memory_space<vmem>> -> memref<1x1x125xi32, #tpu.memory_space<vmem>>
        %dma_start3A_538 = tpu.memref_squeeze %dma_start3A_537 : memref<1x1x125xi32, #tpu.memory_space<vmem>> -> memref<125xi32, #tpu.memory_space<vmem>>
        %dma_start3A_539 = arith.constant 0 : i32
        %dma_start3A_540 = arith.constant 0 : i32
        %dma_start3A_541 = tpu.memref_slice %arg2[%dma_start3A_539, %dma_start3A_540] : memref<20000x128xf32, #tpu.memory_space<hbm>> -> memref<20000x128xf32, #tpu.memory_space<hbm>>
        tpu.enqueue_indirect_dma source(%dma_start3A_541 : memref<20000x128xf32, #tpu.memory_space<hbm>>) target(%dma_start3A_535 : memref<125x128xf32, #tpu.memory_space<vmem>>) offsets(%dma_start3A_538 : memref<125xi32, #tpu.memory_space<vmem>>) semaphore(%arg12 : memref<!tpu.dma_semaphore, #tpu.memory_space<semaphore_mem>>)
      } else {
      }
      %dma_wait3A_501 = arith.constant 1 : i32
      %dma_wait3A_502 = arith.constant 1 : i32
      %dma_wait3A_503 = arith.constant 0 : i32
      %dma_wait3A_504 = arith.constant 0 : i32
      %dma_wait3A_505 = tpu.memref_slice %arg8[%dma_wait3A_502, %dma_wait3A_503, %dma_wait3A_504] : memref<2x125x128xf32, #tpu.memory_space<vmem>> -> memref<1x125x128xf32, #tpu.memory_space<vmem>>
      %dma_wait3A_506 = tpu.memref_squeeze %dma_wait3A_505 : memref<1x125x128xf32, #tpu.memory_space<vmem>> -> memref<125x128xf32, #tpu.memory_space<vmem>>
      %dma_wait3A_507 = arith.constant 0 : i32
      %dma_wait3A_508 = tpu.memref_slice %arg6[%rem3A_475, %dma_wait3A_501, %dma_wait3A_507] : memref<2x2x125xi32, #tpu.memory_space<vmem>> -> memref<1x1x125xi32, #tpu.memory_space<vmem>>
      %dma_wait3A_509 = tpu.memref_squeeze %dma_wait3A_508 : memref<1x1x125xi32, #tpu.memory_space<vmem>> -> memref<125xi32, #tpu.memory_space<vmem>>
      %dma_wait3A_510 = arith.constant 0 : i32
      %dma_wait3A_511 = arith.constant 0 : i32
      %dma_wait3A_512 = tpu.memref_slice %arg2[%dma_wait3A_510, %dma_wait3A_511] : memref<20000x128xf32, #tpu.memory_space<hbm>> -> memref<20000x128xf32, #tpu.memory_space<hbm>>
      tpu.wait_indirect_dma semaphore(%arg13 : memref<!tpu.dma_semaphore, #tpu.memory_space<semaphore_mem>>) src(%dma_wait3A_512 : memref<20000x128xf32, #tpu.memory_space<hbm>>) dst(%dma_wait3A_506 : memref<125x128xf32, #tpu.memory_space<vmem>>)
      %run_scoped3A_513 = arith.constant 1 : i32
      %run_scoped3A_514 = arith.constant 1 : i32
      "tpu.region"() ({
        %run_scoped3A_530 = tpu.sem_alloc : memref<!tpu.dma_semaphore, #tpu.memory_space<semaphore_mem>>
        %dma_start3A_531 = arith.constant 0 : i32
        %dma_start3A_532 = arith.constant 0 : i32
        %dma_start3A_533 = tpu.memref_slice %arg8[%run_scoped3A_513, %dma_start3A_531, %dma_start3A_532] : memref<2x125x128xf32, #tpu.memory_space<vmem>> -> memref<1x125x128xf32, #tpu.memory_space<vmem>>
        %dma_start3A_534 = tpu.memref_squeeze %dma_start3A_533 : memref<1x125x128xf32, #tpu.memory_space<vmem>> -> memref<125x128xf32, #tpu.memory_space<vmem>>
        %dma_start3A_535 = arith.constant 0 : i32
        %dma_start3A_536 = tpu.memref_slice %arg7[%rem3A_475, %run_scoped3A_514, %dma_start3A_535] : memref<2x2x125xi32, #tpu.memory_space<vmem>> -> memref<1x1x125xi32, #tpu.memory_space<vmem>>
        %dma_start3A_537 = tpu.memref_squeeze %dma_start3A_536 : memref<1x1x125xi32, #tpu.memory_space<vmem>> -> memref<125xi32, #tpu.memory_space<vmem>>
        %dma_start3A_538 = arith.constant 0 : i32
        %dma_start3A_539 = arith.constant 0 : i32
        %dma_start3A_540 = tpu.memref_slice %arg10[%dma_start3A_538, %dma_start3A_539] : memref<10240x128xf32, #tpu.memory_space<vmem_shared>> -> memref<10240x128xf32, #tpu.memory_space<vmem_shared>>
        tpu.enqueue_indirect_dma source(%dma_start3A_534 : memref<125x128xf32, #tpu.memory_space<vmem>>) target(%dma_start3A_540 : memref<10240x128xf32, #tpu.memory_space<vmem_shared>>) offsets(%dma_start3A_537 : memref<125xi32, #tpu.memory_space<vmem>>) semaphore(%run_scoped3A_530 : memref<!tpu.dma_semaphore, #tpu.memory_space<semaphore_mem>>) {add = true}
        %dma_wait3A_541 = arith.constant 0 : i32
        %dma_wait3A_542 = arith.constant 0 : i32
        %dma_wait3A_543 = tpu.memref_slice %arg8[%run_scoped3A_513, %dma_wait3A_541, %dma_wait3A_542] : memref<2x125x128xf32, #tpu.memory_space<vmem>> -> memref<1x125x128xf32, #tpu.memory_space<vmem>>
        %dma_wait3A_544 = tpu.memref_squeeze %dma_wait3A_543 : memref<1x125x128xf32, #tpu.memory_space<vmem>> -> memref<125x128xf32, #tpu.memory_space<vmem>>
        %dma_wait3A_545 = arith.constant 0 : i32
        %dma_wait3A_546 = tpu.memref_slice %arg7[%rem3A_475, %run_scoped3A_514, %dma_wait3A_545] : memref<2x2x125xi32, #tpu.memory_space<vmem>> -> memref<1x1x125xi32, #tpu.memory_space<vmem>>
        %dma_wait3A_547 = tpu.memref_squeeze %dma_wait3A_546 : memref<1x1x125xi32, #tpu.memory_space<vmem>> -> memref<125xi32, #tpu.memory_space<vmem>>
        %dma_wait3A_548 = arith.constant 0 : i32
        %dma_wait3A_549 = arith.constant 0 : i32
        %dma_wait3A_550 = tpu.memref_slice %arg10[%dma_wait3A_548, %dma_wait3A_549] : memref<10240x128xf32, #tpu.memory_space<vmem_shared>> -> memref<10240x128xf32, #tpu.memory_space<vmem_shared>>
        tpu.wait_indirect_dma semaphore(%run_scoped3A_530 : memref<!tpu.dma_semaphore, #tpu.memory_space<semaphore_mem>>) src(%dma_wait3A_544 : memref<125x128xf32, #tpu.memory_space<vmem>>) dst(%dma_wait3A_550 : memref<10240x128xf32, #tpu.memory_space<vmem_shared>>)
        tpu.yield
      }) : () -> ()
      %add3A_515 = arith.constant 1 : i32
      %add3A_516 = arith.addi %scan3A_473, %add3A_515 : i32
      %lt3A_517 = arith.constant 80 : i32
      %lt3A_518 = arith.cmpi slt, %add3A_516, %lt3A_517 : i32
      %convert_element_type3A_519 = arith.extui %lt3A_518 : i1 to i32
      %cond3A_520 = arith.constant 0 : i32
      %cond3A_521 = arith.cmpi ne, %convert_element_type3A_519, %cond3A_520 : i32
      scf.if %cond3A_521 {
        %dma_start3A_530 = arith.constant 1 : i32
        %dma_start3A_531 = arith.constant 1 : i32
        %dma_start3A_532 = arith.constant 0 : i32
        %dma_start3A_533 = arith.constant 0 : i32
        %dma_start3A_534 = tpu.memref_slice %arg8[%dma_start3A_531, %dma_start3A_532, %dma_start3A_533] : memref<2x125x128xf32, #tpu.memory_space<vmem>> -> memref<1x125x128xf32, #tpu.memory_space<vmem>>
        %dma_start3A_535 = tpu.memref_squeeze %dma_start3A_534 : memref<1x125x128xf32, #tpu.memory_space<vmem>> -> memref<125x128xf32, #tpu.memory_space<vmem>>
        %dma_start3A_536 = arith.constant 0 : i32
        %dma_start3A_537 = tpu.memref_slice %arg6[%sub3A_476, %dma_start3A_530, %dma_start3A_536] : memref<2x2x125xi32, #tpu.memory_space<vmem>> -> memref<1x1x125xi32, #tpu.memory_space<vmem>>
        %dma_start3A_538 = tpu.memref_squeeze %dma_start3A_537 : memref<1x1x125xi32, #tpu.memory_space<vmem>> -> memref<125xi32, #tpu.memory_space<vmem>>
        %dma_start3A_539 = arith.constant 0 : i32
        %dma_start3A_540 = arith.constant 0 : i32
        %dma_start3A_541 = tpu.memref_slice %arg2[%dma_start3A_539, %dma_start3A_540] : memref<20000x128xf32, #tpu.memory_space<hbm>> -> memref<20000x128xf32, #tpu.memory_space<hbm>>
        tpu.enqueue_indirect_dma source(%dma_start3A_541 : memref<20000x128xf32, #tpu.memory_space<hbm>>) target(%dma_start3A_535 : memref<125x128xf32, #tpu.memory_space<vmem>>) offsets(%dma_start3A_538 : memref<125xi32, #tpu.memory_space<vmem>>) semaphore(%arg13 : memref<!tpu.dma_semaphore, #tpu.memory_space<semaphore_mem>>)
      } else {
      }
      %add3A_522 = arith.constant 2 : i32
      %add3A_523 = arith.addi %scan3A_473, %add3A_522 : i32
      %lt3A_524 = arith.constant 80 : i32
      %lt3A_525 = arith.cmpi slt, %add3A_523, %lt3A_524 : i32
      %convert_element_type3A_526 = arith.extui %lt3A_525 : i1 to i32
      %cond3A_527 = arith.constant 0 : i32
      %cond3A_528 = arith.cmpi ne, %convert_element_type3A_526, %cond3A_527 : i32
      scf.if %cond3A_528 {
        %add3A_530 = arith.addi %mul3A_2, %scan3A_473 : i32
        %add3A_531 = arith.constant 2 : i32
        %add3A_532 = arith.addi %add3A_530, %add3A_531 : i32
        %dma_start3A_533 = arith.constant 0 : i32
        %dma_start3A_534 = arith.constant 0 : i32
        %dma_start3A_535 = tpu.memref_slice %arg6[%rem3A_475, %dma_start3A_533, %dma_start3A_534] : memref<2x2x125xi32, #tpu.memory_space<vmem>> -> memref<1x2x125xi32, #tpu.memory_space<vmem>>
        %dma_start3A_536 = tpu.memref_squeeze %dma_start3A_535 : memref<1x2x125xi32, #tpu.memory_space<vmem>> -> memref<2x125xi32, #tpu.memory_space<vmem>>
        %dma_start3A_537 = arith.constant 0 : i32
        %dma_start3A_538 = arith.constant 0 : i32
        %dma_start3A_539 = tpu.memref_slice %arg3[%add3A_532, %dma_start3A_537, %dma_start3A_538] : memref<2560x2x125xi32, #tpu.memory_space<hbm>> -> memref<1x2x125xi32, #tpu.memory_space<hbm>>
        %dma_start3A_540 = tpu.memref_squeeze %dma_start3A_539 : memref<1x2x125xi32, #tpu.memory_space<hbm>> -> memref<2x125xi32, #tpu.memory_space<hbm>>
        %dma_start3A_541 = arith.constant 0 : i32
        %dma_start3A_542 = arith.constant 0 : i32
        %dma_start3A_543 = tpu.memref_slice %arg6[%rem3A_475, %dma_start3A_541, %dma_start3A_542] : memref<2x2x125xi32, #tpu.memory_space<vmem>> -> memref<1x2x125xi32, #tpu.memory_space<vmem>>
        %dma_start3A_544 = tpu.memref_squeeze %dma_start3A_543 : memref<1x2x125xi32, #tpu.memory_space<vmem>> -> memref<2x125xi32, #tpu.memory_space<vmem>>
        %dma_start3A_545 = arith.constant 0 : i32
        %dma_start3A_546 = arith.constant 0 : i32
        %dma_start3A_547 = tpu.memref_slice %arg3[%add3A_532, %dma_start3A_545, %dma_start3A_546] : memref<2560x2x125xi32, #tpu.memory_space<hbm>> -> memref<1x2x125xi32, #tpu.memory_space<hbm>>
        %dma_start3A_548 = tpu.memref_squeeze %dma_start3A_547 : memref<1x2x125xi32, #tpu.memory_space<hbm>> -> memref<2x125xi32, #tpu.memory_space<hbm>>
        tpu.enqueue_dma source(%dma_start3A_548 : memref<2x125xi32, #tpu.memory_space<hbm>>) target(%dma_start3A_544 : memref<2x125xi32, #tpu.memory_space<vmem>>) target_semaphore(%arg11 : memref<!tpu.dma_semaphore, #tpu.memory_space<semaphore_mem>>)
        %add3A_549 = arith.addi %mul3A_4, %scan3A_473 : i32
        %add3A_550 = arith.constant 2 : i32
        %add3A_551 = arith.addi %add3A_549, %add3A_550 : i32
        %dma_start3A_552 = arith.constant 0 : i32
        %dma_start3A_553 = arith.constant 0 : i32
        %dma_start3A_554 = tpu.memref_slice %arg7[%rem3A_475, %dma_start3A_552, %dma_start3A_553] : memref<2x2x125xi32, #tpu.memory_space<vmem>> -> memref<1x2x125xi32, #tpu.memory_space<vmem>>
        %dma_start3A_555 = tpu.memref_squeeze %dma_start3A_554 : memref<1x2x125xi32, #tpu.memory_space<vmem>> -> memref<2x125xi32, #tpu.memory_space<vmem>>
        %dma_start3A_556 = arith.constant 0 : i32
        %dma_start3A_557 = arith.constant 0 : i32
        %dma_start3A_558 = tpu.memref_slice %arg4[%add3A_551, %dma_start3A_556, %dma_start3A_557] : memref<1280x2x125xi32, #tpu.memory_space<hbm>> -> memref<1x2x125xi32, #tpu.memory_space<hbm>>
        %dma_start3A_559 = tpu.memref_squeeze %dma_start3A_558 : memref<1x2x125xi32, #tpu.memory_space<hbm>> -> memref<2x125xi32, #tpu.memory_space<hbm>>
        %dma_start3A_560 = arith.constant 0 : i32
        %dma_start3A_561 = arith.constant 0 : i32
        %dma_start3A_562 = tpu.memref_slice %arg7[%rem3A_475, %dma_start3A_560, %dma_start3A_561] : memref<2x2x125xi32, #tpu.memory_space<vmem>> -> memref<1x2x125xi32, #tpu.memory_space<vmem>>
        %dma_start3A_563 = tpu.memref_squeeze %dma_start3A_562 : memref<1x2x125xi32, #tpu.memory_space<vmem>> -> memref<2x125xi32, #tpu.memory_space<vmem>>
        %dma_start3A_564 = arith.constant 0 : i32
        %dma_start3A_565 = arith.constant 0 : i32
        %dma_start3A_566 = tpu.memref_slice %arg4[%add3A_551, %dma_start3A_564, %dma_start3A_565] : memref<1280x2x125xi32, #tpu.memory_space<hbm>> -> memref<1x2x125xi32, #tpu.memory_space<hbm>>
        %dma_start3A_567 = tpu.memref_squeeze %dma_start3A_566 : memref<1x2x125xi32, #tpu.memory_space<hbm>> -> memref<2x125xi32, #tpu.memory_space<hbm>>
        tpu.enqueue_dma source(%dma_start3A_567 : memref<2x125xi32, #tpu.memory_space<hbm>>) target(%dma_start3A_563 : memref<2x125xi32, #tpu.memory_space<vmem>>) target_semaphore(%arg11 : memref<!tpu.dma_semaphore, #tpu.memory_space<semaphore_mem>>)
      } else {
      }
      %scan3A_529 = arith.constant 0 : i32
      scf.yield %scan3A_529 : i32
    }
    %scan3A_467 = arith.constant 80 : i32
    %barrier3A_468 = arith.constant 0 : index
    tpu.barrier barrier_id(%barrier3A_468)
    %mul3A_469 = arith.constant 640 : i32
    %mul3A_470 = arith.muli %arg1, %mul3A_469 : i32
    %mul3A_471 = arith.constant 640 : i32
    %mul3A_472 = arith.muli %arg1, %mul3A_471 : i32
    "tpu.region"() ({
      %run_scoped3A = tpu.sem_alloc : memref<!tpu.dma_semaphore, #tpu.memory_space<semaphore_mem>>
      %dma_start3A_473 = arith.constant 0 : i32
      %dma_start3A_474 = tpu.memref_slice %arg5[%arg0, %mul3A_472, %dma_start3A_473] : memref<2x10240x128xf32, #tpu.memory_space<hbm>> -> memref<1x640x128xf32, #tpu.memory_space<hbm>>
      %dma_start3A_475 = tpu.memref_squeeze %dma_start3A_474 : memref<1x640x128xf32, #tpu.memory_space<hbm>> -> memref<640x128xf32, #tpu.memory_space<hbm>>
      %dma_start3A_476 = arith.constant 0 : i32
      %dma_start3A_477 = tpu.memref_slice %arg10[%mul3A_470, %dma_start3A_476] : memref<10240x128xf32, #tpu.memory_space<vmem_shared>> -> memref<640x128xf32, #tpu.memory_space<vmem_shared>>
      tpu.enqueue_dma source(%dma_start3A_477 : memref<640x128xf32, #tpu.memory_space<vmem_shared>>) target(%dma_start3A_475 : memref<640x128xf32, #tpu.memory_space<hbm>>) target_semaphore(%run_scoped3A : memref<!tpu.dma_semaphore, #tpu.memory_space<semaphore_mem>>)
      %dma_wait3A_478 = arith.constant 0 : i32
      %dma_wait3A_479 = tpu.memref_slice %arg5[%arg0, %mul3A_472, %dma_wait3A_478] : memref<2x10240x128xf32, #tpu.memory_space<hbm>> -> memref<1x640x128xf32, #tpu.memory_space<hbm>>
      %dma_wait3A_480 = tpu.memref_squeeze %dma_wait3A_479 : memref<1x640x128xf32, #tpu.memory_space<hbm>> -> memref<640x128xf32, #tpu.memory_space<hbm>>
      %dma_wait3A_481 = arith.constant 0 : i32
      %dma_wait3A_482 = tpu.memref_slice %arg10[%mul3A_470, %dma_wait3A_481] : memref<10240x128xf32, #tpu.memory_space<vmem_shared>> -> memref<640x128xf32, #tpu.memory_space<vmem_shared>>
      tpu.wait_dma2 semaphore(%run_scoped3A : memref<!tpu.dma_semaphore, #tpu.memory_space<semaphore_mem>>) src(%dma_wait3A_482 : memref<640x128xf32, #tpu.memory_space<vmem_shared>>) dst(%dma_wait3A_480 : memref<640x128xf32, #tpu.memory_space<hbm>>)
      tpu.yield
    }) : () -> ()
    return
  }
}

module attributes {stable_mosaic.version = 14 : i64} {
  func.func @_mm_stack_body(%arg0: i32, %arg1: memref<2000x128xf32, #tpu.memory_space<vmem>>, %arg2: memref<256x128xf32, #tpu.memory_space<vmem>>, %arg3: memref<2x2000x128xf32, #tpu.memory_space<vmem>>) attributes {dimension_semantics = [#tpu.dimension_semantics<arbitrary>], iteration_bounds = array<i64: 5>, scalar_prefetch = 0 : i64, scratch_operands = 0 : i64, tpu.core_type = #tpu.core_type<tc>, window_params = [{transform_indices = @transform_0, window_bounds = array<i64: 2000, 128>}, {pipeline_mode = #tpu.pipeline_mode<synchronous>, transform_indices = @transform_1, window_bounds = array<i64: 256, 128>}, {transform_indices = @transform_2, window_bounds = array<i64: 2, 2000, 128>}]} {
    %get3A = arith.constant 0 : index
    %get3A_0 = arith.constant 0 : index
    %get3A_1 = vector.load %arg1[%get3A, %get3A_0] : memref<2000x128xf32, #tpu.memory_space<vmem>>, vector<2000x128xf32>
    %get3A_2 = arith.constant 0 : index
    %get3A_3 = arith.constant 0 : index
    %get3A_4 = vector.load %arg2[%get3A_2, %get3A_3] : memref<256x128xf32, #tpu.memory_space<vmem>>, vector<256x128xf32>
    %dot_general3A = arith.constant dense<0.000000e+00> : vector<2000x256xf32>
    %dot_general3A_5 = tpu.matmul %get3A_1, %get3A_4, %dot_general3A {dimension_numbers = #tpu.dot_dimension_numbers<[1], [1], [0], [0], [0, 0, 1, 0], [], []>, transpose_lhs_hint = false} : vector<2000x128xf32>, vector<256x128xf32>, vector<2000x256xf32> -> vector<2000x256xf32>
    %slice3A = vector.extract_strided_slice %dot_general3A_5 {offsets = [0, 0], sizes = [2000, 128], strides = [1, 1]} : vector<2000x256xf32> to vector<2000x128xf32>
    %swap3A = arith.constant 0 : index
    %swap3A_6 = arith.constant 0 : index
    %swap3A_7 = arith.constant 0 : index
    %swap3A_8 = vector.load %arg3[%swap3A, %swap3A_6, %swap3A_7] : memref<2x2000x128xf32, #tpu.memory_space<vmem>>, vector<1x2000x128xf32>
    %swap3A_9 = vector.shape_cast %swap3A_8 : vector<1x2000x128xf32> to vector<2000x128xf32>
    %swap3A_10 = vector.shape_cast %slice3A : vector<2000x128xf32> to vector<1x2000x128xf32>
    tpu.vector_store %arg3[%swap3A, %swap3A_6, %swap3A_7], %swap3A_10 {strides = array<i32>} : memref<2x2000x128xf32, #tpu.memory_space<vmem>>, vector<1x2000x128xf32>,
    %slice3A_11 = vector.extract_strided_slice %dot_general3A_5 {offsets = [0, 128], sizes = [2000, 128], strides = [1, 1]} : vector<2000x256xf32> to vector<2000x128xf32>
    %swap3A_12 = arith.constant 1 : index
    %swap3A_13 = arith.constant 0 : index
    %swap3A_14 = arith.constant 0 : index
    %swap3A_15 = vector.load %arg3[%swap3A_12, %swap3A_13, %swap3A_14] : memref<2x2000x128xf32, #tpu.memory_space<vmem>>, vector<1x2000x128xf32>
    %swap3A_16 = vector.shape_cast %swap3A_15 : vector<1x2000x128xf32> to vector<2000x128xf32>
    %swap3A_17 = vector.shape_cast %slice3A_11 : vector<2000x128xf32> to vector<1x2000x128xf32>
    tpu.vector_store %arg3[%swap3A_12, %swap3A_13, %swap3A_14], %swap3A_17 {strides = array<i32>} : memref<2x2000x128xf32, #tpu.memory_space<vmem>>, vector<1x2000x128xf32>,
    return
  }
  func.func @transform_0(%arg0: i32) -> (i32, i32) {
    %c0_i32 = arith.constant 0 : i32
    %c0_i32_0 = arith.constant 0 : i32
    return %arg0, %c0_i32 : i32, i32
  }
  func.func @transform_1(%arg0: i32) -> (i32, i32) {
    %c0_i32 = arith.constant 0 : i32
    %c0_i32_0 = arith.constant 0 : i32
    %c0_i32_1 = arith.constant 0 : i32
    return %c0_i32, %c0_i32_0 : i32, i32
  }
  func.func @transform_2(%arg0: i32) -> (i32, i32, i32) {
    %c0_i32 = arith.constant 0 : i32
    %c0_i32_0 = arith.constant 0 : i32
    %c0_i32_1 = arith.constant 0 : i32
    return %c0_i32, %arg0, %c0_i32_0 : i32, i32, i32
  }
}

module attributes {stable_mosaic.version = 14 : i64} {
  func.func @_ln_mm_stack_body(%arg0: i32, %arg1: memref<2x2000x128xf32, #tpu.memory_space<vmem>>, %arg2: memref<1x256xf32, #tpu.memory_space<vmem>>, %arg3: memref<1x256xf32, #tpu.memory_space<vmem>>, %arg4: memref<256x256xf32, #tpu.memory_space<vmem>>, %arg5: memref<2x2000x128xf32, #tpu.memory_space<vmem>>) attributes {dimension_semantics = [#tpu.dimension_semantics<arbitrary>], iteration_bounds = array<i64: 5>, scalar_prefetch = 0 : i64, scratch_operands = 0 : i64, tpu.core_type = #tpu.core_type<tc>, window_params = [{transform_indices = @transform_0, window_bounds = array<i64: 2, 2000, 128>}, {pipeline_mode = #tpu.pipeline_mode<synchronous>, transform_indices = @transform_1, window_bounds = array<i64: 1, 256>}, {pipeline_mode = #tpu.pipeline_mode<synchronous>, transform_indices = @transform_2, window_bounds = array<i64: 1, 256>}, {pipeline_mode = #tpu.pipeline_mode<synchronous>, transform_indices = @transform_3, window_bounds = array<i64: 256, 256>}, {transform_indices = @transform_4, window_bounds = array<i64: 2, 2000, 128>}]} {
    %get3A = arith.constant 0 : index
    %get3A_0 = arith.constant 0 : index
    %get3A_1 = arith.constant 0 : index
    %get3A_2 = vector.load %arg1[%get3A, %get3A_0, %get3A_1] : memref<2x2000x128xf32, #tpu.memory_space<vmem>>, vector<1x2000x128xf32>
    %get3A_3 = vector.shape_cast %get3A_2 : vector<1x2000x128xf32> to vector<2000x128xf32>
    %get3A_4 = arith.constant 1 : index
    %get3A_5 = arith.constant 0 : index
    %get3A_6 = arith.constant 0 : index
    %get3A_7 = vector.load %arg1[%get3A_4, %get3A_5, %get3A_6] : memref<2x2000x128xf32, #tpu.memory_space<vmem>>, vector<1x2000x128xf32>
    %get3A_8 = vector.shape_cast %get3A_7 : vector<1x2000x128xf32> to vector<2000x128xf32>
    %concatenate3A = tpu.concatenate %get3A_3, %get3A_8 in 1 : vector<2000x128xf32>, vector<2000x128xf32> -> vector<2000x256xf32>
    %reduce_sum3A = arith.constant dense<0.000000e+00> : vector<2000xf32>
    %reduce_sum3A_9 = vector.multi_reduction <add>, %concatenate3A, %reduce_sum3A [1] : vector<2000x256xf32> to vector<2000xf32>
    %broadcast_in_dim3A = vector.shape_cast %reduce_sum3A_9 : vector<2000xf32> to vector<2000x1xf32>
    %div3A = arith.constant 2.560000e+02 : f32
    %div3A_10 = vector.broadcast %div3A : f32 to vector<2000x1xf32>
    %div3A_11 = arith.divf %broadcast_in_dim3A, %div3A_10 : vector<2000x1xf32>
    %sub3A = vector.broadcast %div3A_11 : vector<2000x1xf32> to vector<2000x256xf32>
    %sub3A_12 = arith.subf %concatenate3A, %sub3A : vector<2000x256xf32>
    %square3A = arith.mulf %sub3A_12, %sub3A_12 : vector<2000x256xf32>
    %reduce_sum3A_13 = arith.constant dense<0.000000e+00> : vector<2000xf32>
    %reduce_sum3A_14 = vector.multi_reduction <add>, %square3A, %reduce_sum3A_13 [1] : vector<2000x256xf32> to vector<2000xf32>
    %broadcast_in_dim3A_15 = vector.shape_cast %reduce_sum3A_14 : vector<2000xf32> to vector<2000x1xf32>
    %div3A_16 = arith.constant 2.560000e+02 : f32
    %div3A_17 = vector.broadcast %div3A_16 : f32 to vector<2000x1xf32>
    %div3A_18 = arith.divf %broadcast_in_dim3A_15, %div3A_17 : vector<2000x1xf32>
    %sub3A_19 = vector.broadcast %div3A_11 : vector<2000x1xf32> to vector<2000x256xf32>
    %sub3A_20 = arith.subf %concatenate3A, %sub3A_19 : vector<2000x256xf32>
    %add3A = arith.constant 9.99999974E-6 : f32
    %add3A_21 = vector.broadcast %add3A : f32 to vector<2000x1xf32>
    %add3A_22 = arith.addf %div3A_18, %add3A_21 : vector<2000x1xf32>
    %rsqrt3A = math.rsqrt %add3A_22 : vector<2000x1xf32>
    %mul3A = vector.broadcast %rsqrt3A : vector<2000x1xf32> to vector<2000x256xf32>
    %mul3A_23 = arith.mulf %sub3A_20, %mul3A : vector<2000x256xf32>
    %get3A_24 = arith.constant 0 : index
    %get3A_25 = arith.constant 0 : index
    %get3A_26 = vector.load %arg2[%get3A_24, %get3A_25] : memref<1x256xf32, #tpu.memory_space<vmem>>, vector<1x256xf32>
    %mul3A_27 = vector.broadcast %get3A_26 : vector<1x256xf32> to vector<2000x256xf32>
    %mul3A_28 = arith.mulf %mul3A_23, %mul3A_27 : vector<2000x256xf32>
    %get3A_29 = arith.constant 0 : index
    %get3A_30 = arith.constant 0 : index
    %get3A_31 = vector.load %arg3[%get3A_29, %get3A_30] : memref<1x256xf32, #tpu.memory_space<vmem>>, vector<1x256xf32>
    %add3A_32 = vector.broadcast %get3A_31 : vector<1x256xf32> to vector<2000x256xf32>
    %add3A_33 = arith.addf %mul3A_28, %add3A_32 : vector<2000x256xf32>
    %max3A = arith.constant 0.000000e+00 : f32
    %max3A_34 = vector.broadcast %max3A : f32 to vector<2000x256xf32>
    %max3A_35 = arith.maximumf %add3A_33, %max3A_34 : vector<2000x256xf32>
    %get3A_36 = arith.constant 0 : index
    %get3A_37 = arith.constant 0 : index
    %get3A_38 = vector.load %arg4[%get3A_36, %get3A_37] : memref<256x256xf32, #tpu.memory_space<vmem>>, vector<256x256xf32>
    %dot_general3A = arith.constant dense<0.000000e+00> : vector<2000x256xf32>
    %dot_general3A_39 = tpu.matmul %max3A_35, %get3A_38, %dot_general3A {dimension_numbers = #tpu.dot_dimension_numbers<[1], [1], [0], [0], [0, 0, 1, 0], [], []>, transpose_lhs_hint = false} : vector<2000x256xf32>, vector<256x256xf32>, vector<2000x256xf32> -> vector<2000x256xf32>
    %slice3A = vector.extract_strided_slice %dot_general3A_39 {offsets = [0, 0], sizes = [2000, 128], strides = [1, 1]} : vector<2000x256xf32> to vector<2000x128xf32>
    %swap3A = arith.constant 0 : index
    %swap3A_40 = arith.constant 0 : index
    %swap3A_41 = arith.constant 0 : index
    %swap3A_42 = vector.load %arg5[%swap3A, %swap3A_40, %swap3A_41] : memref<2x2000x128xf32, #tpu.memory_space<vmem>>, vector<1x2000x128xf32>
    %swap3A_43 = vector.shape_cast %swap3A_42 : vector<1x2000x128xf32> to vector<2000x128xf32>
    %swap3A_44 = vector.shape_cast %slice3A : vector<2000x128xf32> to vector<1x2000x128xf32>
    tpu.vector_store %arg5[%swap3A, %swap3A_40, %swap3A_41], %swap3A_44 {strides = array<i32>} : memref<2x2000x128xf32, #tpu.memory_space<vmem>>, vector<1x2000x128xf32>,
    %slice3A_45 = vector.extract_strided_slice %dot_general3A_39 {offsets = [0, 128], sizes = [2000, 128], strides = [1, 1]} : vector<2000x256xf32> to vector<2000x128xf32>
    %swap3A_46 = arith.constant 1 : index
    %swap3A_47 = arith.constant 0 : index
    %swap3A_48 = arith.constant 0 : index
    %swap3A_49 = vector.load %arg5[%swap3A_46, %swap3A_47, %swap3A_48] : memref<2x2000x128xf32, #tpu.memory_space<vmem>>, vector<1x2000x128xf32>
    %swap3A_50 = vector.shape_cast %swap3A_49 : vector<1x2000x128xf32> to vector<2000x128xf32>
    %swap3A_51 = vector.shape_cast %slice3A_45 : vector<2000x128xf32> to vector<1x2000x128xf32>
    tpu.vector_store %arg5[%swap3A_46, %swap3A_47, %swap3A_48], %swap3A_51 {strides = array<i32>} : memref<2x2000x128xf32, #tpu.memory_space<vmem>>, vector<1x2000x128xf32>,
    return
  }
  func.func @transform_0(%arg0: i32) -> (i32, i32, i32) {
    %c0_i32 = arith.constant 0 : i32
    %c0_i32_0 = arith.constant 0 : i32
    %c0_i32_1 = arith.constant 0 : i32
    return %c0_i32, %arg0, %c0_i32_0 : i32, i32, i32
  }
  func.func @transform_1(%arg0: i32) -> (i32, i32) {
    %c0_i32 = arith.constant 0 : i32
    %c0_i32_0 = arith.constant 0 : i32
    %c0_i32_1 = arith.constant 0 : i32
    return %c0_i32, %c0_i32_0 : i32, i32
  }
  func.func @transform_2(%arg0: i32) -> (i32, i32) {
    %c0_i32 = arith.constant 0 : i32
    %c0_i32_0 = arith.constant 0 : i32
    %c0_i32_1 = arith.constant 0 : i32
    return %c0_i32, %c0_i32_0 : i32, i32
  }
  func.func @transform_3(%arg0: i32) -> (i32, i32) {
    %c0_i32 = arith.constant 0 : i32
    %c0_i32_0 = arith.constant 0 : i32
    %c0_i32_1 = arith.constant 0 : i32
    return %c0_i32, %c0_i32_0 : i32, i32
  }
  func.func @transform_4(%arg0: i32) -> (i32, i32, i32) {
    %c0_i32 = arith.constant 0 : i32
    %c0_i32_0 = arith.constant 0 : i32
    %c0_i32_1 = arith.constant 0 : i32
    return %c0_i32, %arg0, %c0_i32_0 : i32, i32, i32
  }
}

module attributes {stable_mosaic.version = 14 : i64} {
  func.func @_final_body(%arg0: i32, %arg1: memref<2x2000x128xf32, #tpu.memory_space<vmem>>, %arg2: memref<1x256xf32, #tpu.memory_space<vmem>>, %arg3: memref<1x256xf32, #tpu.memory_space<vmem>>, %arg4: memref<40x256xf32, #tpu.memory_space<vmem>>, %arg5: memref<1x40xf32, #tpu.memory_space<vmem>>, %arg6: memref<2000x40xf32, #tpu.memory_space<vmem>>) attributes {dimension_semantics = [#tpu.dimension_semantics<arbitrary>], iteration_bounds = array<i64: 5>, scalar_prefetch = 0 : i64, scratch_operands = 0 : i64, tpu.core_type = #tpu.core_type<tc>, window_params = [{transform_indices = @transform_0, window_bounds = array<i64: 2, 2000, 128>}, {pipeline_mode = #tpu.pipeline_mode<synchronous>, transform_indices = @transform_1, window_bounds = array<i64: 1, 256>}, {pipeline_mode = #tpu.pipeline_mode<synchronous>, transform_indices = @transform_2, window_bounds = array<i64: 1, 256>}, {pipeline_mode = #tpu.pipeline_mode<synchronous>, transform_indices = @transform_3, window_bounds = array<i64: 40, 256>}, {pipeline_mode = #tpu.pipeline_mode<synchronous>, transform_indices = @transform_4, window_bounds = array<i64: 1, 40>}, {transform_indices = @transform_5, window_bounds = array<i64: 2000, 40>}]} {
    %get3A = arith.constant 0 : index
    %get3A_0 = arith.constant 0 : index
    %get3A_1 = arith.constant 0 : index
    %get3A_2 = vector.load %arg1[%get3A, %get3A_0, %get3A_1] : memref<2x2000x128xf32, #tpu.memory_space<vmem>>, vector<1x2000x128xf32>
    %get3A_3 = vector.shape_cast %get3A_2 : vector<1x2000x128xf32> to vector<2000x128xf32>
    %get3A_4 = arith.constant 1 : index
    %get3A_5 = arith.constant 0 : index
    %get3A_6 = arith.constant 0 : index
    %get3A_7 = vector.load %arg1[%get3A_4, %get3A_5, %get3A_6] : memref<2x2000x128xf32, #tpu.memory_space<vmem>>, vector<1x2000x128xf32>
    %get3A_8 = vector.shape_cast %get3A_7 : vector<1x2000x128xf32> to vector<2000x128xf32>
    %concatenate3A = tpu.concatenate %get3A_3, %get3A_8 in 1 : vector<2000x128xf32>, vector<2000x128xf32> -> vector<2000x256xf32>
    %reduce_sum3A = arith.constant dense<0.000000e+00> : vector<2000xf32>
    %reduce_sum3A_9 = vector.multi_reduction <add>, %concatenate3A, %reduce_sum3A [1] : vector<2000x256xf32> to vector<2000xf32>
    %broadcast_in_dim3A = vector.shape_cast %reduce_sum3A_9 : vector<2000xf32> to vector<2000x1xf32>
    %div3A = arith.constant 2.560000e+02 : f32
    %div3A_10 = vector.broadcast %div3A : f32 to vector<2000x1xf32>
    %div3A_11 = arith.divf %broadcast_in_dim3A, %div3A_10 : vector<2000x1xf32>
    %sub3A = vector.broadcast %div3A_11 : vector<2000x1xf32> to vector<2000x256xf32>
    %sub3A_12 = arith.subf %concatenate3A, %sub3A : vector<2000x256xf32>
    %square3A = arith.mulf %sub3A_12, %sub3A_12 : vector<2000x256xf32>
    %reduce_sum3A_13 = arith.constant dense<0.000000e+00> : vector<2000xf32>
    %reduce_sum3A_14 = vector.multi_reduction <add>, %square3A, %reduce_sum3A_13 [1] : vector<2000x256xf32> to vector<2000xf32>
    %broadcast_in_dim3A_15 = vector.shape_cast %reduce_sum3A_14 : vector<2000xf32> to vector<2000x1xf32>
    %div3A_16 = arith.constant 2.560000e+02 : f32
    %div3A_17 = vector.broadcast %div3A_16 : f32 to vector<2000x1xf32>
    %div3A_18 = arith.divf %broadcast_in_dim3A_15, %div3A_17 : vector<2000x1xf32>
    %sub3A_19 = vector.broadcast %div3A_11 : vector<2000x1xf32> to vector<2000x256xf32>
    %sub3A_20 = arith.subf %concatenate3A, %sub3A_19 : vector<2000x256xf32>
    %add3A = arith.constant 9.99999974E-6 : f32
    %add3A_21 = vector.broadcast %add3A : f32 to vector<2000x1xf32>
    %add3A_22 = arith.addf %div3A_18, %add3A_21 : vector<2000x1xf32>
    %rsqrt3A = math.rsqrt %add3A_22 : vector<2000x1xf32>
    %mul3A = vector.broadcast %rsqrt3A : vector<2000x1xf32> to vector<2000x256xf32>
    %mul3A_23 = arith.mulf %sub3A_20, %mul3A : vector<2000x256xf32>
    %get3A_24 = arith.constant 0 : index
    %get3A_25 = arith.constant 0 : index
    %get3A_26 = vector.load %arg2[%get3A_24, %get3A_25] : memref<1x256xf32, #tpu.memory_space<vmem>>, vector<1x256xf32>
    %mul3A_27 = vector.broadcast %get3A_26 : vector<1x256xf32> to vector<2000x256xf32>
    %mul3A_28 = arith.mulf %mul3A_23, %mul3A_27 : vector<2000x256xf32>
    %get3A_29 = arith.constant 0 : index
    %get3A_30 = arith.constant 0 : index
    %get3A_31 = vector.load %arg3[%get3A_29, %get3A_30] : memref<1x256xf32, #tpu.memory_space<vmem>>, vector<1x256xf32>
    %add3A_32 = vector.broadcast %get3A_31 : vector<1x256xf32> to vector<2000x256xf32>
    %add3A_33 = arith.addf %mul3A_28, %add3A_32 : vector<2000x256xf32>
    %max3A = arith.constant 0.000000e+00 : f32
    %max3A_34 = vector.broadcast %max3A : f32 to vector<2000x256xf32>
    %max3A_35 = arith.maximumf %add3A_33, %max3A_34 : vector<2000x256xf32>
    %get3A_36 = arith.constant 0 : index
    %get3A_37 = arith.constant 0 : index
    %get3A_38 = vector.load %arg4[%get3A_36, %get3A_37] : memref<40x256xf32, #tpu.memory_space<vmem>>, vector<40x256xf32>
    %dot_general3A = arith.constant dense<0.000000e+00> : vector<2000x40xf32>
    %dot_general3A_39 = tpu.matmul %max3A_35, %get3A_38, %dot_general3A {dimension_numbers = #tpu.dot_dimension_numbers<[1], [1], [0], [0], [0, 0, 1, 0], [], []>, transpose_lhs_hint = false} : vector<2000x256xf32>, vector<40x256xf32>, vector<2000x40xf32> -> vector<2000x40xf32>
    %get3A_40 = arith.constant 0 : index
    %get3A_41 = arith.constant 0 : index
    %get3A_42 = vector.load %arg5[%get3A_40, %get3A_41] : memref<1x40xf32, #tpu.memory_space<vmem>>, vector<1x40xf32>
    %add3A_43 = vector.broadcast %get3A_42 : vector<1x40xf32> to vector<2000x40xf32>
    %add3A_44 = arith.addf %dot_general3A_39, %add3A_43 : vector<2000x40xf32>
    %reduce_max3A = arith.constant dense<0xFF800000> : vector<2000xf32>
    %reduce_max3A_45 = vector.multi_reduction <maximumf>, %add3A_44, %reduce_max3A [1] : vector<2000x40xf32> to vector<2000xf32>
    %broadcast_in_dim3A_46 = vector.shape_cast %reduce_max3A_45 : vector<2000xf32> to vector<2000x1xf32>
    %sub3A_47 = vector.broadcast %broadcast_in_dim3A_46 : vector<2000x1xf32> to vector<2000x40xf32>
    %sub3A_48 = arith.subf %add3A_44, %sub3A_47 : vector<2000x40xf32>
    %exp3A = math.exp %sub3A_48 : vector<2000x40xf32>
    %reduce_sum3A_49 = arith.constant dense<0.000000e+00> : vector<2000xf32>
    %reduce_sum3A_50 = vector.multi_reduction <add>, %exp3A, %reduce_sum3A_49 [1] : vector<2000x40xf32> to vector<2000xf32>
    %broadcast_in_dim3A_51 = vector.shape_cast %reduce_sum3A_50 : vector<2000xf32> to vector<2000x1xf32>
    %log3A = math.log %broadcast_in_dim3A_51 : vector<2000x1xf32>
    %add3A_52 = arith.addf %log3A, %broadcast_in_dim3A_46 : vector<2000x1xf32>
    %sub3A_53 = vector.broadcast %add3A_52 : vector<2000x1xf32> to vector<2000x40xf32>
    %sub3A_54 = arith.subf %add3A_44, %sub3A_53 : vector<2000x40xf32>
    %swap3A = arith.constant 0 : index
    %swap3A_55 = arith.constant 0 : index
    %swap3A_56 = vector.load %arg6[%swap3A, %swap3A_55] : memref<2000x40xf32, #tpu.memory_space<vmem>>, vector<2000x40xf32>
    tpu.vector_store %arg6[%swap3A, %swap3A_55], %sub3A_54 {strides = array<i32>} : memref<2000x40xf32, #tpu.memory_space<vmem>>, vector<2000x40xf32>,
    return
  }
  func.func @transform_0(%arg0: i32) -> (i32, i32, i32) {
    %c0_i32 = arith.constant 0 : i32
    %c0_i32_0 = arith.constant 0 : i32
    %c0_i32_1 = arith.constant 0 : i32
    return %c0_i32, %arg0, %c0_i32_0 : i32, i32, i32
  }
  func.func @transform_1(%arg0: i32) -> (i32, i32) {
    %c0_i32 = arith.constant 0 : i32
    %c0_i32_0 = arith.constant 0 : i32
    %c0_i32_1 = arith.constant 0 : i32
    return %c0_i32, %c0_i32_0 : i32, i32
  }
  func.func @transform_2(%arg0: i32) -> (i32, i32) {
    %c0_i32 = arith.constant 0 : i32
    %c0_i32_0 = arith.constant 0 : i32
    %c0_i32_1 = arith.constant 0 : i32
    return %c0_i32, %c0_i32_0 : i32, i32
  }
  func.func @transform_3(%arg0: i32) -> (i32, i32) {
    %c0_i32 = arith.constant 0 : i32
    %c0_i32_0 = arith.constant 0 : i32
    %c0_i32_1 = arith.constant 0 : i32
    return %c0_i32, %c0_i32_0 : i32, i32
  }
  func.func @transform_4(%arg0: i32) -> (i32, i32) {
    %c0_i32 = arith.constant 0 : i32
    %c0_i32_0 = arith.constant 0 : i32
    %c0_i32_1 = arith.constant 0 : i32
    return %c0_i32, %c0_i32_0 : i32, i32
  }
  func.func @transform_5(%arg0: i32) -> (i32, i32) {
    %c0_i32 = arith.constant 0 : i32
    %c0_i32_0 = arith.constant 0 : i32
    return %arg0, %c0_i32 : i32, i32
  }
}

</mosaic_0001>

<sc_bundles>
// kernel: kernel.12.cloned.1.call-start
scs
__scs_entry_jumppad:
0x0: {  	(pc) =	sbr.rel $0x88, $3  }
0x1: {  	(tag) =	ssettag $0x0;
	lr =	simm.s32 $0x1  }
0x2: {  	[smem:$0x3F94] =	sst lr;
	_ =	strace $0xD0000000  }
0x3: {  	_ = 	snop  }
0x4: {  	_ = 	snop  }
0x5: {  	_ = 	snop  }
0x6: {  	_ = 	snop  }
0x7: {  	_ = 	snop  }
__scs_overlays_trampoline_lowered:
0x8: {  	[smem:$0x3FA3] =	sst s0  }
0x9: {  	[smem:$0x3FA4] =	sst s1  }
0xa: {  	[smem:$0x3FA5] =	sst s2  }
0xb: {  	[smem:$0x3FA6] =	sst s3  }
0xc: {  	[smem:$0x3FA7] =	sst s4  }
0xd: {  	[smem:$0x3FA8] =	sst s5  }
0xe: {  	[smem:$0x3FA9] =	sst s6  }
0xf: {  	[smem:$0x3FAA] =	sst s7  }
0x10: {  	[smem:$0x3FAB] =	sst s8  }
0x11: {  	[smem:$0x3FAC] =	sst s9;
	s0 =	simm.s32 @!p0 $0x0  }
0x12: {  	s1 =	sld [smem:$0x3F92];
	s0 =	simm.s32 @p0 $0x1  }
0x13: {  	[smem:$0x3FAD] =	sst s0;
	s0 =	simm.s32 @!p1 $0x0  }
0x14: {  	s2 =	sld [smem:$0x3F91];
	s0 =	simm.s32 @p1 $0x1  }
0x15: {  	[smem:$0x3FAE] =	sst s0;
	s0 =	simm.s32 @!p2 $0x0  }
0x16: {  	s3 =	sld [smem:$0x3FDB];
	s0 =	simm.s32 @p2 $0x1  }
0x17: {  	s4 =	simm.s32 $0x1BF5;
	[smem:$0x3FB0] =	sst s0  }
0x18: {  	s0 =	sld [smem:$0x3F93];
	_ =	swait.ge [sflag:s4], $0x0  }
0x19: {  	s7 =	sld [smem:$0x3F94]  }
0x1a: {  	s8 =	sadd.s32 $0xFFFFE003, lr  }
0x1b: {  	s9 =	sadd.s32 $0xFFFFFEF7, lr;
	s5 =	simm.s32 $0xFFFFFFFF;
	p2 =	slt.u32 s8, $0xFFFFF086  }
0x1c: {  	p1 =	slt.u32 s9, $0xF7A;
	s5 =	simm.s32 @!p2 $0x0  }
0x1d: {  	s5 =	simm.s32 @p1 $0x1;
	p0 =	seq.s32 s7, s2  }
0x1e: {  	s7 =	smul.u32 @!p0 $0xF7A, s2;
	p2 =	seq.s32 @!p0 s5, $0x0  }
0x1f: {  	s9 =	smul.u32 $0xF7A, s1;
	s8 =	simm.s32 @!p0 $0x1BF5;
	p2 =	por !p2, p0  }
0x20: {  	[sflag:s8] =	ssyncset.s32 @!p0 $0xFFFFF086;
	s6 =	sadd.s32 @!p0 s3, s7;
	s7 =	simm.s32 @!p0 $0x108  }
0x21: {  	s3 =	sadd.s32 s3, s9;
	s6 =	sadd.s32 @!p0 $0x88, s6;
	s7 =	simm.s32 @p2 $0x1082  }
0x22: {  	[simem:s7], [sflag:s8] =	dma.local @!p0 [hbm:s6], $0xF7A  }
0x23: {  	s9 =	sor.u32 $0xD0000000, s2;
	s6 =	simm.s32 $0x108;
	_ =	swait.ge @!p0 [sflag:s8], $0x0  }
0x24: {  	s3 =	sadd.s32 $0x88, s3;
	s6 =	simm.s32 @!p1 $0x1082;
	[sflag:s4] =	ssyncset.s32 $0xFFFFF086  }
0x25: {  	[simem:s6], [sflag:s4] =	dma.local [hbm:s3], $0xF7A  }
0x26: {  	[smem:$0x3F94] =	sst s1;
	(tag) =	ssettag s2;
	_ =	strace s9  }
0x27: {  	s1 =	sld [smem:$0x3FA4]  }
0x28: {  	s2 =	sld [smem:$0x3FA5]  }
0x29: {  	s4 =	sld [smem:$0x3FA7]  }
0x2a: {  	p0 =	seq.s32 s5, $0x0;
	s5 =	sld [smem:$0x3FA8]  }
0x2b: {  	s6 =	sld [smem:$0x3FA9]  }
0x2c: {  	s7 =	sld [smem:$0x3FAA]  }
0x2d: {  	s3 =	simm.s32 $0x108;
	s8 =	sld [smem:$0x3FAB]  }
0x2e: {  	s3 =	simm.s32 @!p0 $0x1082;
	s9 =	sld [smem:$0x3FAC]  }
0x2f: {  	lr =	sadd.s32 s0, s3;
	s0 =	sld [smem:$0x3FA3]  }
0x30: {  	s3 =	sld [smem:$0x3FA6]  }
0x31: {  	[smem:$0x3FAF] =	sst s10  }
0x32: {  	s10 =	sld [smem:$0x3FAD];
	_ =	sdelay $0x3  }
0x33: {  	p0 =	seq.s32 s10, $0x1;
	s10 =	sld [smem:$0x3FAF];
	_ =	sdelay $0x3  }
0x34: {  	[smem:$0x3FAF] =	sst s10  }
0x35: {  	s10 =	sld [smem:$0x3FAE];
	_ =	sdelay $0x3  }
0x36: {  	p1 =	seq.s32 s10, $0x1;
	s10 =	sld [smem:$0x3FAF];
	_ =	sdelay $0x3  }
0x37: {  	[smem:$0x3FAF] =	sst s10  }
0x38: {  	s10 =	sld [smem:$0x3FB0]  }
0x39: {  	_ = 	snop;
	(pc) =	sbr.ind lr, $3  }
0x3a: {  	_ = 	snop  }
0x3b: {  	_ = 	snop  }
0x3c: {  	p2 =	seq.s32 s10, $0x1;
	s10 =	sld [smem:$0x3FAF]  }
0x3d: {  	_ =	shalt  }
0x3e: {  	_ =	shalt  }
0x3f: {  	_ =	shalt  }
0x40: {  	_ =	shalt  }
0x41: {  	_ =	shalt  }
0x42: {  	_ =	shalt  }
0x43: {  	_ =	shalt  }
0x44: {  	_ =	shalt  }
0x45: {  	_ =	shalt  }
0x46: {  	_ =	shalt  }
0x47: {  	_ =	shalt  }
0x48: {  	_ =	shalt  }
0x49: {  	_ =	shalt  }
0x4a: {  	_ =	shalt  }
0x4b: {  	_ =	shalt  }
0x4c: {  	_ =	shalt  }
0x4d: {  	_ =	shalt  }
0x4e: {  	_ =	shalt  }
0x4f: {  	_ =	shalt  }
0x50: {  	_ =	shalt  }
0x51: {  	_ =	shalt  }
0x52: {  	_ =	shalt  }
0x53: {  	_ =	shalt  }
0x54: {  	_ =	shalt  }
0x55: {  	_ =	shalt  }
0x56: {  	_ =	shalt  }
0x57: {  	_ =	shalt  }
0x58: {  	_ =	shalt  }
0x59: {  	_ =	shalt  }
0x5a: {  	_ =	shalt  }
0x5b: {  	_ =	shalt  }
0x5c: {  	_ =	shalt  }
0x5d: {  	_ =	shalt  }
0x5e: {  	_ =	shalt  }
0x5f: {  	_ =	shalt  }
0x60: {  	_ =	shalt  }
0x61: {  	_ =	shalt  }
0x62: {  	_ =	shalt  }
0x63: {  	_ =	shalt  }
0x64: {  	_ =	shalt  }
0x65: {  	_ =	shalt  }
0x66: {  	_ =	shalt  }
0x67: {  	_ =	shalt  }
0x68: {  	_ =	shalt  }
0x69: {  	_ =	shalt  }
0x6a: {  	_ =	shalt  }
0x6b: {  	_ =	shalt  }
0x6c: {  	_ =	shalt  }
0x6d: {  	_ =	shalt  }
0x6e: {  	_ =	shalt  }
0x6f: {  	_ =	shalt  }
0x70: {  	_ =	shalt  }
0x71: {  	_ =	shalt  }
0x72: {  	_ =	shalt  }
0x73: {  	_ =	shalt  }
0x74: {  	_ =	shalt  }
0x75: {  	_ =	shalt  }
0x76: {  	_ =	shalt  }
0x77: {  	_ =	shalt  }
0x78: {  	_ =	shalt  }
0x79: {  	_ =	shalt  }
0x7a: {  	_ =	shalt  }
0x7b: {  	_ =	shalt  }
0x7c: {  	_ =	shalt  }
0x7d: {  	_ =	shalt  }
0x7e: {  	_ =	shalt  }
0x7f: {  	_ =	shalt  }
0x80: {  	_ =	shalt  }
0x81: {  	_ =	shalt  }
0x82: {  	_ =	shalt  }
0x83: {  	_ =	shalt  }
0x84: {  	_ =	shalt  }
0x85: {  	_ =	shalt  }
0x86: {  	_ =	shalt  }
0x87: {  	_ =	shalt  }
.Lfunc_end0:
.L_simem_size_0:
called_computation.1_lowered:
.L_overlay_start_0:
0x88: {  	s2 =	sld [smem:$0x3FD9]  }
0x89: {  	s3 =	sld [smem:$0x3FFE];
	_ =	sdelay $0x1  }
0x8a: {  	s1 =	srdreg.scid  }
0x8b: {  	s0 =	sand.u32 $0x1, s1  }
0x8c: {  	s17 =	sshll.u32 s0, $0xA;
	s2 =	sadd.s32 s3, s2  }
0x8d: {  	s2 =	sadd.s32 s2, s17  }
0x8e: {  	[smem:$0x3FBB] =	sst s2  }
0x8f: {  	_ = 	snop  }
0x90: {  	s2 =	sld [smem:$0x3FD0];
	(tm) =	ssettm $0x1  }
0x91: {  	s18 =	sld [smem:$0x3FFB];
	_ =	sdelay $0x3  }
0x92: {  	_ =	strace s18  }
0x93: {  	s3 =	sld [smem:$0x3FFC];
	_ =	sdelay $0x3  }
0x94: {  	_ =	strace s3  }
0x95: {  	s3 =	sld [smem:$0x3FFD];
	_ =	sdelay $0x3  }
0x96: {  	_ =	strace s3  }
0x97: {  	_ =	strace $0x8FFFFFFF  }
0x98: {  	s19 =	sld [smem:$0x3FDB];
	_ =	sdelay $0x1  }
0x99: {  	s4 =	simm.s32 $_scs_section_size  }
0x9a: {  	s5 =	simm.s32 $_size__tile_overlayer_lowered;
	s6 =	simm.s32 $_tile_overlayer_lowered  }
0x9b: {  	s22 =	simm.s32 $0x1BFF;
	s21 =	sshll.u32 s6, $0x1;
	s3 =	sadd.s32 s4, s19  }
0x9c: {  	s7 =	simm.s32 $0x0;
	s20 =	sshll.u32 s5, $0x1;
	s5 =	sadd.s32 s21, s3  }
0x9d: {  	[timem:s7], [sflag:s22] =	dma.local [hbm:s5], s20  }
0x9e: {  	_ =	swait.ge [sflag:s22], s20  }
0x9f: {  	s4 =	ssub.s32 $0x0, s20;
	[sflag:s22] =	ssyncset.done $0x0  }
0xa0: {  	[sflag:s22] =	ssyncadd.s32 s4;
	_ =	sdelay $0x1  }
0xa1: {  	s23 =	simm.s32 $0x1B8B  }
0xa2: {  	_ =	swait.ge [sflag:s23], $0x1  }
0xa3: {  	[sflag:s23] =	ssyncset.done $0x0  }
0xa4: {  	s25 =	simm.s32 $0x1B8E;
	s24 =	sld [smem:$0x3FFE];
	[sflag:s23] =	ssyncadd.s32 $0xFFFFFFFF  }
0xa5: {  	s26 =	simm.s32 $execute0_lowered;
	[smem:$0x3FD2] =	sst s25  }
0xa6: {  	s5 =	sshll.u32 s26, $0x1;
	_ =	strace $0x80000049;
	[dreg:$0x1] =	wrdreg $0xFFFFFFFF  }
0xa7: {  	s28 =	simm.s32 $_size_execute0_lowered;
	s3 =	sadd.s32 s3, s5;
	[dreg:$0x0] =	wrdreg $0x0  }
0xa8: {  	s5 =	sshll.u32 s28, $0x1;
	[dreg:$0x2] =	wrdreg s3  }
0xa9: {  	[dreg:$0x3] =	wrdreg s5  }
0xaa: {  	[dreg:$0x4] =	wrdreg $0xC0  }
0xab: {  	_ =	task [dreg:s7], $0x5FFFF  }
0xac: {  	[dreg:$0x1] =	wrdreg $0xFFFFFFFF  }
0xad: {  	[dreg:$0x0] =	wrdreg $0x60  }
0xae: {  	[dreg:$0x2] =	wrdreg s24  }
0xaf: {  	[dreg:$0x3] =	wrdreg s2  }
0xb0: {  	[dreg:$0x4] =	wrdreg $0x94000  }
0xb1: {  	[dreg:$0x5] =	wrdreg $0x9  }
0xb2: {  	_ =	task.clear_ibuf [dreg:s7], $0x6FFFF;
	_ =	strace $0x90000049  }
0xb3: {  	s29 =	simm.s32 $0x9;
	_ =	strace $0x8000004B  }
0xb4: {  	_ =	swait.ge [sflag:s29], $0x1  }
0xb5: {  	[sflag:s29] =	ssyncadd.s32 $0xFFFFFFFF  }
0xb6: {  	_ =	strace $0x9000004B  }
0xb7: {  	_ =	sfence  }
0xb8: {  	s30 =	sld [smem:$0x0];
	_ =	sdelay $0x2  }
0xb9: {  	s31 =	sshll.u32 s1, $0xD;
	s1 =	sshrl.u32 s1, $0x2  }
0xba: {  	s3 =	sand.u32 $0x4000, s31;
	s1 =	sadd.s32 s1, s30  }
0xbb: {  	s0 =	sor.u32 s3, s0;
	s1 =	sshll.u32 s1, $0x11  }
0xbc: {  	s0 =	sor.u32 s1, s0  }
0xbd: {  	s0 =	sadd.s32 $0x8F2B, s0  }
0xbe: {  	[sflag:s0] =	ssyncadd.remote.s32 $0x1  }
0xbf: {  	_ =	sfence.sel $0xFFFF  }
0xc0: {  	[dreg:$0x0] =	wrdreg $0xFFFFFFFF;
	(pc) =	sbr.abs _section_cstart, $3  }
0xc1: {  	[dreg:$0x1] =	wrdreg $0xFFFFFFFF  }
0xc2: {  	_ =	task.clear_ibuf [dreg:s7], $0x2FFFF;
	_ =	strace $0x9FFFFFFF  }
0xc3: {  	(tm) =	ssettm $0x7FFFFFFF  }
tec
execute0_lowered:
.L_overlay_start_1:
0x0: {  	(tag) =	ssettag $0x1  }
0x1: {  	s0 =	rddreg [dreg:$0x0]  }
0x2: {  	s3 =	srdreg.scid;
	s11 =	stileid.u32  }
0x3: {  	s2 =	rddreg [dreg:$0x1];
	s5 =	sand.u32 $0x1, s3;
	s7 =	smul.u32 $0x14000, s11  }
0x4: {  	s1 =	rddreg [dreg:$0x2];
	s3 =	simm.s32 $0x0;
	s6 =	smul.u32 $0x140000, s5  }
0x5: {  	s4 =	sadd.s32 $0x16E00, s0;
	s8 =	sadd.s32 $0x2E00, s0;
	s9 =	smul.u32 $0x50000, s11  }
0x6: {  	[smem:$0x7FF] =	sst s3;
	s19 =	sshll.u32 s5, $0x4;
	s6 =	sadd.s32 s7, s6  }
0x7: {  	s20 =	ssub.s32 $0x2, s5;
	s9 =	sshrl.u32 s9, $0x2;
	s6 =	sshrl.u32 s6, $0x3  }
0x8: {  	s13 =	smul.u32 $0xA000, s5;
	s0 =	sadd.s32 s6, s0;
	s6 =	sadd.s32 s9, s1  }
0x9: {  	s5 =	simm.s32 $0x4400;
	_ =	strace $0x8000004A;
	s21 =	sadd.s32 $0x1000, s6  }
0xa: {  	s10 =	sshrl.u32 s20, $0x1;
	s22 =	sadd.s32 $0x2000, s6;
	[dreg:$0x4] =	wrdreg s21  }
0xb: {  	s7 =	sor.u32 s11, s19;
	s23 =	sadd.s32 $0x3000, s6;
	[dreg:$0x5] =	wrdreg s22  }
0xc: {  	s11 =	smul.u32 $0xA00, s11;
	s24 =	sadd.s32 $0x4000, s6;
	[dreg:$0x6] =	wrdreg s23  }
0xd: {  	s10 =	ssub.s32 s20, s10;
	s25 =	sadd.s32 $0x5000, s6;
	[dreg:$0x7] =	wrdreg s24  }
0xe: {  	s7 =	smul.u32 $0xA00, s7;
	s26 =	sadd.s32 $0x6000, s6;
	[dreg:$0x8] =	wrdreg s25  }
0xf: {  	s9 =	sadd.s32 s2, s11;
	s12 =	sadd.s32 $0x7000, s6;
	[dreg:$0x9] =	wrdreg s26  }
0x10: {  	s2 =	sadd.s32 s13, s8;
	s14 =	sadd.s32 $0x8000, s6;
	[dreg:$0xa] =	wrdreg s12  }
0x11: {  	s13 =	simm.s32 $0x7D;
	s15 =	sadd.s32 $0x9000, s6;
	[dreg:$0xb] =	wrdreg s14  }
0x12: {  	s7 =	sadd.s32 s8, s7;
	s16 =	sadd.s32 $0xA000, s6;
	[dreg:$0xc] =	wrdreg s15  }
0x13: {  	s17 =	sadd.s32 $0xB000, s6;
	s18 =	sadd.s32 $0xC000, s6;
	[dreg:$0xd] =	wrdreg s16  }
0x14: {  	s19 =	sadd.s32 $0xD000, s6;
	s20 =	sadd.s32 $0xE000, s6;
	[dreg:$0xe] =	wrdreg s17  }
0x15: {  	s2 =	sadd.s32 s11, s2;
	s0 =	sadd.s32 $0x65000, s0;
	[dreg:$0xf] =	wrdreg s18  }
0x16: {  	s30 =	sadd.s32 $0x13000, s6;
	s29 =	smov.u32 s9;
	[dreg:$0x10] =	wrdreg s19  }
0x17: {  	s8 =	simm.s32 $0x200;
	s11 =	simm.s32 $0x3;
	[dreg:$0x11] =	wrdreg s20  }
0x18: {  	s21 =	sadd.s32 $0xF000, s6;
	[dreg:$0x13] =	wrdreg s0;
	s22 =	smax.u32 s10, $0x1  }
0x19: {  	s25 =	sadd.s32 $0x40, s2;
	s23 =	sadd.s32 $0x10000, s6;
	s24 =	sadd.s32 $0x11000, s6  }
0x1a: {  	s26 =	sadd.s32 $0x12000, s6;
	s28 =	smov.u32 s7;
	s31 =	sadd.s32 $0x20, s7  }
0x1b: {  	s0 =	sadd.s32 $0x20, s9;
	s10 =	simm.s32 $0x2;
	[dreg:$0x12] =	wrdreg s21  }
0x1c: {  	s12 =	simm.s32 $0x1;
	s14 =	simm.s32 $0x400;
	[dreg:$0x14] =	wrdreg s22  }
0x1d: {  	s15 =	simm.s32 $0x100;
	s16 =	simm.s32 $0x300;
	[dreg:$0x15] =	wrdreg s23  }
0x1e: {  	s17 =	simm.s32 $0x4;
	s18 =	simm.s32 $0x0;
	[dreg:$0x16] =	wrdreg s24  }
0x1f: {  	v0 =	vimm.f32 $0.0e+00;
	[dreg:$0x17] =	wrdreg s26;
	s22 =	sadd.s32 $0x40, s9;
	s9 =	simm.s32 $0x8400  }
.LBB2_1:
0x20: {  	[tilespmem:s3], [sflag:$0x1] =	stream.linear.gather [hbm4b:s28+s3], $0x100, $0x38;
	[tilespmem:$0x1D400] =	vst v63  }
0x21: {  	s2 =	simm.s32 $0x0;
	s19 =	simm.s32 $0x200  }
0x22: {  	[tilespmem:s8], [sflag:$0x1] =	stream.linear.gather [hbm4b:s29+s3], $0x100, $0x38;
	[tilespmem:$0x1D400] =	vst v63  }
.LBB2_2:
0x23: {  	p0 =	sne.s32 s19, $0x3E00;
	[tilespmem:s2+$0x8470] =	vst v0  }
0x24: {  	[tilespmem:s2+$0x8400] =	vst v0  }
0x25: {  	[tilespmem:s2+$0x8410] =	vst v0  }
.Ltmp0:
0x26: {  	[tilespmem:s2+$0x8420] =	vst v0;
	(pc) =	sbr.rel @p0 .LBB2_2-.Ltmp0, $4  }
0x27: {  	[tilespmem:s2+$0x8430] =	vst v0  }
0x28: {  	[tilespmem:s2+$0x8440] =	vst v0  }
0x29: {  	[tilespmem:s2+$0x8450] =	vst v0  }
0x2a: {  	[tilespmem:s2+$0x8460] =	vst v0;
	s2 =	sshra.s32 s19, $0x2;
	s19 =	sadd.s32 $0x200, s19  }
0x2b: {  	[tilespmem:s2+$0x8470] =	vst v0  }
0x2c: {  	[tilespmem:s2+$0x8400] =	vst v0  }
0x2d: {  	[tilespmem:s2+$0x8410] =	vst v0  }
0x2e: {  	[tilespmem:s2+$0x8420] =	vst v0  }
0x2f: {  	[tilespmem:s2+$0x8430] =	vst v0  }
0x30: {  	[tilespmem:s2+$0x8440] =	vst v0  }
0x31: {  	[tilespmem:s2+$0x8450] =	vst v0  }
0x32: {  	[tilespmem:s2+$0x8460] =	vst v0  }
0x33: {  	[spmem:s6] =	stream.linear.scatter [tilespmem:s9], [sflag:$0x2], $0x1000, $0x38;
	[tilespmem:$0x1D400] =	vst v63  }
0x34: {  	s19 =	rddreg [dreg:$0x4]  }
0x35: {  	[spmem:s19] =	stream.linear.scatter [tilespmem:s9], [sflag:$0x3], $0x1000, $0x38;
	[tilespmem:$0x1D400] =	vst v63  }
0x36: {  	s20 =	rddreg [dreg:$0x5]  }
0x37: {  	[spmem:s20] =	stream.linear.scatter [tilespmem:s9], [sflag:$0x2], $0x1000, $0x38;
	[tilespmem:$0x1D400] =	vst v63  }
0x38: {  	s21 =	rddreg [dreg:$0x6]  }
0x39: {  	[spmem:s21] =	stream.linear.scatter [tilespmem:s9], [sflag:$0x3], $0x1000, $0x38;
	[tilespmem:$0x1D400] =	vst v63  }
0x3a: {  	s23 =	rddreg [dreg:$0x7]  }
0x3b: {  	[spmem:s23] =	stream.linear.scatter [tilespmem:s9], [sflag:$0x2], $0x1000, $0x38;
	[tilespmem:$0x1D400] =	vst v63  }
0x3c: {  	s24 =	rddreg [dreg:$0x8]  }
0x3d: {  	[spmem:s24] =	stream.linear.scatter [tilespmem:s9], [sflag:$0x3], $0x1000, $0x38;
	[tilespmem:$0x1D400] =	vst v63  }
0x3e: {  	s26 =	rddreg [dreg:$0x9]  }
0x3f: {  	[spmem:s26] =	stream.linear.scatter [tilespmem:s9], [sflag:$0x2], $0x1000, $0x38;
	[tilespmem:$0x1D400] =	vst v63  }
0x40: {  	s7 =	rddreg [dreg:$0xa]  }
0x41: {  	[spmem:s7] =	stream.linear.scatter [tilespmem:s9], [sflag:$0x3], $0x1000, $0x38;
	[tilespmem:$0x1D400] =	vst v63  }
0x42: {  	s19 =	rddreg [dreg:$0xb]  }
0x43: {  	[spmem:s19] =	stream.linear.scatter [tilespmem:s9], [sflag:$0x2], $0x1000, $0x38;
	[tilespmem:$0x1D400] =	vst v63  }
0x44: {  	s20 =	rddreg [dreg:$0xc]  }
0x45: {  	[spmem:s20] =	stream.linear.scatter [tilespmem:s9], [sflag:$0x3], $0x1000, $0x38;
	[tilespmem:$0x1D400] =	vst v63  }
0x46: {  	s21 =	rddreg [dreg:$0xd]  }
0x47: {  	[spmem:s21] =	stream.linear.scatter [tilespmem:s9], [sflag:$0x2], $0x1000, $0x38;
	[tilespmem:$0x1D400] =	vst v63  }
0x48: {  	s23 =	rddreg [dreg:$0xe]  }
0x49: {  	[spmem:s23] =	stream.linear.scatter [tilespmem:s9], [sflag:$0x3], $0x1000, $0x38;
	[tilespmem:$0x1D400] =	vst v63  }
0x4a: {  	s24 =	rddreg [dreg:$0xf]  }
0x4b: {  	[spmem:s24] =	stream.linear.scatter [tilespmem:s9], [sflag:$0x2], $0x1000, $0x38;
	[tilespmem:$0x1D400] =	vst v63  }
0x4c: {  	s26 =	rddreg [dreg:$0x10]  }
0x4d: {  	[spmem:s26] =	stream.linear.scatter [tilespmem:s9], [sflag:$0x3], $0x1000, $0x38;
	[tilespmem:$0x1D400] =	vst v63  }
0x4e: {  	s7 =	rddreg [dreg:$0x11]  }
0x4f: {  	[spmem:s7] =	stream.linear.scatter [tilespmem:s9], [sflag:$0x2], $0x1000, $0x38;
	[tilespmem:$0x1D400] =	vst v63  }
0x50: {  	s19 =	rddreg [dreg:$0x12]  }
0x51: {  	[spmem:s19] =	stream.linear.scatter [tilespmem:s9], [sflag:$0x3], $0x1000, $0x38;
	[tilespmem:$0x1D400] =	vst v63  }
0x52: {  	s20 =	rddreg [dreg:$0x15]  }
0x53: {  	[spmem:s20] =	stream.linear.scatter [tilespmem:s9], [sflag:$0x2], $0x1000, $0x38;
	[tilespmem:$0x1D400] =	vst v63  }
0x54: {  	s21 =	rddreg [dreg:$0x16]  }
0x55: {  	[spmem:s21] =	stream.linear.scatter [tilespmem:s9], [sflag:$0x3], $0x1000, $0x38;
	[tilespmem:$0x1D400] =	vst v63  }
0x56: {  	s23 =	rddreg [dreg:$0x17]  }
0x57: {  	[spmem:s23] =	stream.linear.scatter [tilespmem:s9], [sflag:$0x2], $0x1000, $0x38;
	[tilespmem:$0x1D400] =	vst v63  }
0x58: {  	_ = 	snop  }
0x59: {  	[spmem:s30] =	stream.linear.scatter [tilespmem:s9], [sflag:$0x3], $0x1000, $0x38;
	[tilespmem:$0x1D400] =	vst v63  }
0x5a: {  	_ =	swait.ge [sflag:s10], $0x1000  }
0x5b: {  	[sflag:s10] =	ssyncset.done $0x0  }
0x5c: {  	[sflag:s10] =	ssyncadd.s32 $0xFFFFF000  }
0x5d: {  	_ =	swait.ge [sflag:s11], $0x1000  }
0x5e: {  	[sflag:s11] =	ssyncset.done $0x0  }
0x5f: {  	[sflag:s11] =	ssyncadd.s32 $0xFFFFF000  }
0x60: {  	_ =	swait.ge [sflag:s10], $0x1000  }
0x61: {  	[sflag:s10] =	ssyncset.done $0x0  }
0x62: {  	[sflag:s10] =	ssyncadd.s32 $0xFFFFF000  }
0x63: {  	_ =	swait.ge [sflag:s11], $0x1000  }
0x64: {  	[sflag:s11] =	ssyncset.done $0x0  }
0x65: {  	[sflag:s11] =	ssyncadd.s32 $0xFFFFF000  }
0x66: {  	_ =	swait.ge [sflag:s10], $0x1000  }
0x67: {  	[sflag:s10] =	ssyncset.done $0x0  }
0x68: {  	[sflag:s10] =	ssyncadd.s32 $0xFFFFF000  }
0x69: {  	_ =	swait.ge [sflag:s11], $0x1000  }
0x6a: {  	[sflag:s11] =	ssyncset.done $0x0  }
0x6b: {  	[sflag:s11] =	ssyncadd.s32 $0xFFFFF000  }
0x6c: {  	_ =	swait.ge [sflag:s10], $0x1000  }
0x6d: {  	[sflag:s10] =	ssyncset.done $0x0  }
0x6e: {  	[sflag:s10] =	ssyncadd.s32 $0xFFFFF000  }
0x6f: {  	_ =	swait.ge [sflag:s11], $0x1000  }
0x70: {  	[sflag:s11] =	ssyncset.done $0x0  }
0x71: {  	[sflag:s11] =	ssyncadd.s32 $0xFFFFF000  }
0x72: {  	_ =	swait.ge [sflag:s10], $0x1000  }
0x73: {  	[sflag:s10] =	ssyncset.done $0x0  }
0x74: {  	[sflag:s10] =	ssyncadd.s32 $0xFFFFF000  }
0x75: {  	_ =	swait.ge [sflag:s11], $0x1000  }
0x76: {  	[sflag:s11] =	ssyncset.done $0x0  }
0x77: {  	[sflag:s11] =	ssyncadd.s32 $0xFFFFF000  }
0x78: {  	_ =	swait.ge [sflag:s10], $0x1000  }
0x79: {  	[sflag:s10] =	ssyncset.done $0x0  }
0x7a: {  	[sflag:s10] =	ssyncadd.s32 $0xFFFFF000  }
0x7b: {  	_ =	swait.ge [sflag:s11], $0x1000  }
0x7c: {  	[sflag:s11] =	ssyncset.done $0x0  }
0x7d: {  	[sflag:s11] =	ssyncadd.s32 $0xFFFFF000  }
0x7e: {  	_ =	swait.ge [sflag:s10], $0x1000  }
0x7f: {  	[sflag:s10] =	ssyncset.done $0x0  }
0x80: {  	[sflag:s10] =	ssyncadd.s32 $0xFFFFF000  }
0x81: {  	_ =	swait.ge [sflag:s11], $0x1000  }
0x82: {  	[sflag:s11] =	ssyncset.done $0x0  }
0x83: {  	[sflag:s11] =	ssyncadd.s32 $0xFFFFF000  }
0x84: {  	_ =	swait.ge [sflag:s10], $0x1000  }
0x85: {  	[sflag:s10] =	ssyncset.done $0x0  }
0x86: {  	[sflag:s10] =	ssyncadd.s32 $0xFFFFF000  }
0x87: {  	_ =	swait.ge [sflag:s11], $0x1000  }
0x88: {  	[sflag:s11] =	ssyncset.done $0x0  }
0x89: {  	[sflag:s11] =	ssyncadd.s32 $0xFFFFF000  }
0x8a: {  	_ =	swait.ge [sflag:s10], $0x1000  }
0x8b: {  	[sflag:s10] =	ssyncset.done $0x0  }
0x8c: {  	[sflag:s10] =	ssyncadd.s32 $0xFFFFF000  }
0x8d: {  	_ =	swait.ge [sflag:s11], $0x1000  }
0x8e: {  	[sflag:s11] =	ssyncset.done $0x0  }
0x8f: {  	[sflag:s11] =	ssyncadd.s32 $0xFFFFF000  }
0x90: {  	_ =	swait.ge [sflag:s10], $0x1000  }
0x91: {  	[sflag:s10] =	ssyncset.done $0x0  }
0x92: {  	[sflag:s10] =	ssyncadd.s32 $0xFFFFF000  }
0x93: {  	_ =	swait.ge [sflag:s11], $0x1000  }
0x94: {  	[sflag:s11] =	ssyncset.done $0x0  }
0x95: {  	[sflag:s11] =	ssyncadd.s32 $0xFFFFF000  }
0x96: {  	_ =	swait.ge [sflag:s12], $0x100  }
0x97: {  	[sflag:s12] =	ssyncset.done $0x0  }
0x98: {  	[sflag:s12] =	ssyncadd.s32 $0xFFFFFF00  }
0x99: {  	_ =	swait.ge [sflag:s12], $0x100  }
0x9a: {  	[sflag:s12] =	ssyncset.done $0x0  }
0x9b: {  	s24 =	simm.s32 $0x0;
	[sflag:s12] =	ssyncadd.s32 $0xFFFFFF00  }
0x9c: {  	[tilespmem:s14], [sflag:$0x2] =	stream.indirect.gather [hbm4b:s4+s13], $0x80, s24, s13, $0xb8;
	[tilespmem:$0x1D400] =	vst v63  }
0x9d: {  	s7 =	simm.s32 $0x80  }
0x9e: {  	[tilespmem:s5], [sflag:$0x3] =	stream.indirect.gather [hbm4b:s4+s13], $0x80, s7, s13, $0xb8;
	[tilespmem:$0x1D400] =	vst v63  }
0x9f: {  	_ = 	snop  }
0xa0: {  	[tilespmem:s15], [sflag:$0x1] =	stream.linear.gather [hbm4b:s31+s24], $0x100, $0x38;
	[tilespmem:$0x1D400] =	vst v63  }
0xa1: {  	_ = 	snop  }
0xa2: {  	[tilespmem:s16], [sflag:$0x1] =	stream.linear.gather [hbm4b:s0+s24], $0x100, $0x38;
	[tilespmem:$0x1D400] =	vst v63  }
0xa3: {  	[bflag:$0x0] =	sbarrier.arrive $0xFFFF  }
0xa4: {  	_ =	swait.ge [sflag:s12], $0x100  }
0xa5: {  	[sflag:s12] =	ssyncset.done $0x0  }
0xa6: {  	[sflag:s12] =	ssyncadd.s32 $0xFFFFFF00  }
0xa7: {  	_ =	swait.ge [sflag:s12], $0x100  }
0xa8: {  	[sflag:s12] =	ssyncset.done $0x0  }
0xa9: {  	[sflag:s12] =	ssyncadd.s32 $0xFFFFFF00  }
0xaa: {  	s26 =	simm.s32 $0x0;
	_ =	swait.ge [sflag:s10], $0x3E80  }
0xab: {  	s2 =	sand.u32 $0x100, s26;
	[sflag:s10] =	ssyncset.done $0x0  }
0xac: {  	s23 =	sor.u32 $0x200, s2;
	[sflag:s10] =	ssyncadd.s32 $0xFFFFC180  }
0xad: {  	[spmem:s1] =	stream.indirect.scatter.add.f32 [tilespmem:s14], [sflag:$0x4], $0x80, s23, s13, $0xb8;
	[tilespmem:$0x1D400] =	vst v63  }
0xae: {  	_ =	swait.ge [sflag:s17], $0x3E80  }
0xaf: {  	[sflag:s17] =	ssyncset.done $0x0  }
0xb0: {  	s19 =	sxor.u32 $0x100, s2;
	[sflag:s17] =	ssyncadd.s32 $0xFFFFC180  }
0xb1: {  	[tilespmem:s14], [sflag:$0x2] =	stream.indirect.gather [hbm4b:s4+s13], $0x80, s19, s13, $0xb8;
	[tilespmem:$0x1D400] =	vst v63  }
0xb2: {  	_ =	swait.ge [sflag:s11], $0x3E80  }
0xb3: {  	[sflag:s11] =	ssyncset.done $0x0  }
0xb4: {  	s20 =	sor.u32 $0x280, s2;
	[sflag:s11] =	ssyncadd.s32 $0xFFFFC180  }
0xb5: {  	[spmem:s1] =	stream.indirect.scatter.add.f32 [tilespmem:s5], [sflag:$0x4], $0x80, s20, s13, $0xb8;
	[tilespmem:$0x1D400] =	vst v63  }
0xb6: {  	_ =	swait.ge [sflag:s17], $0x3E80  }
0xb7: {  	[sflag:s17] =	ssyncset.done $0x0  }
0xb8: {  	s19 =	sor.u32 $0x80, s19;
	[sflag:s17] =	ssyncadd.s32 $0xFFFFC180  }
0xb9: {  	[tilespmem:s5], [sflag:$0x3] =	stream.indirect.gather [hbm4b:s4+s13], $0x80, s19, s13, $0xb8;
	[tilespmem:$0x1D400] =	vst v63  }
0xba: {  	s21 =	sadd.s32 $0x20, s22  }
0xbb: {  	[tilespmem:s2], [sflag:$0x1] =	stream.linear.gather [hbm4b:s25+s3], $0x100, $0x38;
	[tilespmem:$0x1D400] =	vst v63  }
0xbc: {  	s20 =	sadd.s32 $0x20, s25;
	s19 =	simm.s32 $0x1;
	s2 =	smov.u32 s22  }
.LBB2_4:
0xbd: {  	[tilespmem:s23], [sflag:$0x1] =	stream.linear.gather [hbm4b:s2+s3], $0x100, $0x38;
	[tilespmem:$0x1D400] =	vst v63  }
0xbe: {  	s23 =	smov.u32 s19;
	s2 =	smov.u32 s21  }
0xbf: {  	p0 =	sne.s32 s19, $0x4D;
	s19 =	sadd.s32 $0x1, s19;
	_ =	swait.ge [sflag:s12], $0x100  }
0xc0: {  	[sflag:s12] =	ssyncset.done $0x0  }
0xc1: {  	[sflag:s12] =	ssyncadd.s32 $0xFFFFFF00  }
0xc2: {  	_ =	swait.ge [sflag:s12], $0x100  }
0xc3: {  	[sflag:s12] =	ssyncset.done $0x0  }
0xc4: {  	[sflag:s12] =	ssyncadd.s32 $0xFFFFFF00  }
0xc5: {  	s23 =	sshll.u32 s23, $0x8;
	_ =	swait.ge [sflag:s10], $0x3E80  }
0xc6: {  	s7 =	sand.u32 $0x100, s23;
	[sflag:s10] =	ssyncset.done $0x0  }
0xc7: {  	s23 =	sor.u32 $0x200, s7;
	[sflag:s10] =	ssyncadd.s32 $0xFFFFC180  }
0xc8: {  	[spmem:s1] =	stream.indirect.scatter.add.f32 [tilespmem:s14], [sflag:$0x4], $0x80, s23, s13, $0xb8;
	[tilespmem:$0x1D400] =	vst v63  }
0xc9: {  	_ =	swait.ge [sflag:s17], $0x3E80  }
0xca: {  	[sflag:s17] =	ssyncset.done $0x0  }
0xcb: {  	s24 =	sxor.u32 $0x100, s7;
	[sflag:s17] =	ssyncadd.s32 $0xFFFFC180  }
0xcc: {  	[tilespmem:s14], [sflag:$0x2] =	stream.indirect.gather [hbm4b:s4+s13], $0x80, s24, s13, $0xb8;
	[tilespmem:$0x1D400] =	vst v63  }
0xcd: {  	_ =	swait.ge [sflag:s11], $0x3E80  }
0xce: {  	[sflag:s11] =	ssyncset.done $0x0  }
0xcf: {  	s26 =	sor.u32 $0x280, s7;
	[sflag:s11] =	ssyncadd.s32 $0xFFFFC180  }
0xd0: {  	[spmem:s1] =	stream.indirect.scatter.add.f32 [tilespmem:s5], [sflag:$0x4], $0x80, s26, s13, $0xb8;
	[tilespmem:$0x1D400] =	vst v63  }
0xd1: {  	_ =	swait.ge [sflag:s17], $0x3E80  }
0xd2: {  	[sflag:s17] =	ssyncset.done $0x0  }
.Ltmp1:
0xd3: {  	s24 =	sor.u32 $0x80, s24;
	[sflag:s17] =	ssyncadd.s32 $0xFFFFC180;
	(pc) =	sbr.rel @p0 .LBB2_4-.Ltmp1, $4  }
0xd4: {  	[tilespmem:s5], [sflag:$0x3] =	stream.indirect.gather [hbm4b:s4+s13], $0x80, s24, s13, $0xb8;
	[tilespmem:$0x1D400] =	vst v63  }
0xd5: {  	_ = 	snop  }
0xd6: {  	[tilespmem:s7], [sflag:$0x1] =	stream.linear.gather [hbm4b:s20+s3], $0x100, $0x38;
	[tilespmem:$0x1D400] =	vst v63  }
0xd7: {  	s21 =	sadd.s32 $0x20, s21;
	s20 =	sadd.s32 $0x20, s20  }
0xd8: {  	[tilespmem:s23], [sflag:$0x1] =	stream.linear.gather [hbm4b:s2+s3], $0x100, $0x38;
	[tilespmem:$0x1D400] =	vst v63  }
0xd9: {  	_ =	swait.ge [sflag:s12], $0x100  }
0xda: {  	[sflag:s12] =	ssyncset.done $0x0  }
0xdb: {  	[sflag:s12] =	ssyncadd.s32 $0xFFFFFF00  }
0xdc: {  	_ =	swait.ge [sflag:s12], $0x100  }
0xdd: {  	[sflag:s12] =	ssyncset.done $0x0  }
0xde: {  	[sflag:s12] =	ssyncadd.s32 $0xFFFFFF00  }
0xdf: {  	_ =	swait.ge [sflag:s10], $0x3E80  }
0xe0: {  	[sflag:s10] =	ssyncset.done $0x0  }
0xe1: {  	[sflag:s10] =	ssyncadd.s32 $0xFFFFC180  }
0xe2: {  	[spmem:s1] =	stream.indirect.scatter.add.f32 [tilespmem:s14], [sflag:$0x4], $0x80, s8, s13, $0xb8;
	[tilespmem:$0x1D400] =	vst v63  }
0xe3: {  	_ =	swait.ge [sflag:s17], $0x3E80  }
0xe4: {  	[sflag:s17] =	ssyncset.done $0x0  }
0xe5: {  	[sflag:s17] =	ssyncadd.s32 $0xFFFFC180  }
0xe6: {  	[tilespmem:s14], [sflag:$0x2] =	stream.indirect.gather [hbm4b:s4+s13], $0x80, s15, s13, $0xb8;
	[tilespmem:$0x1D400] =	vst v63  }
0xe7: {  	_ =	swait.ge [sflag:s11], $0x3E80  }
0xe8: {  	[sflag:s11] =	ssyncset.done $0x0  }
0xe9: {  	s20 =	simm.s32 $0x280;
	[sflag:s11] =	ssyncadd.s32 $0xFFFFC180  }
0xea: {  	[spmem:s1] =	stream.indirect.scatter.add.f32 [tilespmem:s5], [sflag:$0x4], $0x80, s20, s13, $0xb8;
	[tilespmem:$0x1D400] =	vst v63  }
0xeb: {  	_ =	swait.ge [sflag:s17], $0x3E80  }
0xec: {  	[sflag:s17] =	ssyncset.done $0x0  }
0xed: {  	s21 =	simm.s32 $0x180;
	[sflag:s17] =	ssyncadd.s32 $0xFFFFC180  }
0xee: {  	[tilespmem:s5], [sflag:$0x3] =	stream.indirect.gather [hbm4b:s4+s13], $0x80, s21, s13, $0xb8;
	[tilespmem:$0x1D400] =	vst v63  }
0xef: {  	_ =	swait.ge [sflag:s10], $0x3E80  }
0xf0: {  	[sflag:s10] =	ssyncset.done $0x0  }
0xf1: {  	[sflag:s10] =	ssyncadd.s32 $0xFFFFC180  }
0xf2: {  	[spmem:s1] =	stream.indirect.scatter.add.f32 [tilespmem:s14], [sflag:$0x4], $0x80, s16, s13, $0xb8;
	[tilespmem:$0x1D400] =	vst v63  }
0xf3: {  	_ =	swait.ge [sflag:s17], $0x3E80  }
0xf4: {  	[sflag:s17] =	ssyncset.done $0x0  }
0xf5: {  	[sflag:s17] =	ssyncadd.s32 $0xFFFFC180  }
0xf6: {  	_ =	swait.ge [sflag:s11], $0x3E80  }
0xf7: {  	[sflag:s11] =	ssyncset.done $0x0  }
0xf8: {  	s23 =	simm.s32 $0x380;
	[sflag:s11] =	ssyncadd.s32 $0xFFFFC180  }
0xf9: {  	[spmem:s1] =	stream.indirect.scatter.add.f32 [tilespmem:s5], [sflag:$0x4], $0x80, s23, s13, $0xb8;
	[tilespmem:$0x1D400] =	vst v63  }
0xfa: {  	_ =	swait.ge [sflag:s17], $0x3E80  }
0xfb: {  	[sflag:s17] =	ssyncset.done $0x0  }
0xfc: {  	s24 =	stileid.u32;
	[sflag:s17] =	ssyncadd.s32 $0xFFFFC180  }
0xfd: {  	s2 =	sshll.u32 s24, $0x6;
	[bflag:$0x0] =	sbarrier.arrive $0xFFFF  }
0xfe: {  	s7 =	sshrl.u32 s6, $0x3;
	s2 =	sor.u32 $0x1C04, s2;
	s19 =	rddreg [dreg:$0x13]  }
0xff: {  	[hbm:s19], [sflag:s2] =	dma.local [spmem:s7], $0x2800  }
0x100: {  	_ =	swait.ge [sflag:s17], $0x2800  }
0x101: {  	s18 =	sadd.s32 $0x1, s18;
	s26 =	rddreg [dreg:$0x14]  }
0x102: {  	p0 =	sne.s32 s18, s26  }
.Ltmp2:
0x103: {  	_ = 	snop;
	(pc) =	sbr.rel @p0 .LBB2_1-.Ltmp2, $3  }
0x104: {  	_ =	sdelay $0x1  }
0x105: {  	[sflag:s17] =	ssyncset.done $0x0  }
0x106: {  	[sflag:s17] =	ssyncadd.s32 $0xFFFFD800  }
0x107: {  	_ =	sfence.sel $0x180000  }
0x108: {  	[bflag:$0x0] =	sbarrier.arrive $0xFFFF  }
0x109: {  	_ =	strace $0x9000004A  }
0x10a: {  	s0 =	stileid.u32;
	[bflag:$0x2] =	sbarrier.arrive $0xFFFF  }
0x10b: {  	p0 =	sne.s32 s0, $0x0;
	s0 =	rddreg [dreg:$0x3]  }
0x10c: {  	s0 =	sadd.s32 @!p0 $0x100000, s0  }
0x10d: {  	[sflag:s0] =	ssyncadd.tile.s32 @!p0 $0x1;
	_ =	shalt  }
.Lfunc_end2:
_tile_overlayer_lowered:
.L_overlay_start_2:
0x10e: {  	(tag) =	ssettag $0x2  }
0x10f: {  	s0 =	rddreg [dreg:$0x0];
	s2 =	stileid.u32  }
0x110: {  	s1 =	rddreg [dreg:$0x1];
	p0 =	sne.s32 s2, $0x0  }
0x111: {  	s3 =	rddreg [dreg:$0x2];
	[bflag:$0x3] =	sbarrier.arrive $0xFFFF;
	s2 =	simm.s32 @!p0 $0x1C04  }
0x112: {  	[timem:s3], [sflag:s2] =	dma.local @!p0 [hbm:s0], s1  }
0x113: {  	s0 =	simm.s32 @!p0 $0x4  }
0x114: {  	_ =	swait.ge @!p0 [sflag:s0], s1  }
0x115: {  	s1 =	ssub.s32 @!p0 $0x0, s1;
	[sflag:s0] =	ssyncset.done @!p0 $0x0  }
0x116: {  	[sflag:s0] =	ssyncadd.s32 @!p0 s1  }
0x117: {  	[bflag:$0x3] =	sbarrier.arrive $0xFFFF  }
0x118: {  	_ =	shalt  }

// kernel: kernel.15.cloned.1.call-start
scs
__scs_entry_jumppad:
0x0: {  	(pc) =	sbr.rel $0x88, $3  }
0x1: {  	(tag) =	ssettag $0x0;
	lr =	simm.s32 $0x1  }
0x2: {  	[smem:$0x3F94] =	sst lr;
	_ =	strace $0xD0000000  }
0x3: {  	_ = 	snop  }
0x4: {  	_ = 	snop  }
0x5: {  	_ = 	snop  }
0x6: {  	_ = 	snop  }
0x7: {  	_ = 	snop  }
__scs_overlays_trampoline_lowered:
0x8: {  	[smem:$0x3FA3] =	sst s0  }
0x9: {  	[smem:$0x3FA4] =	sst s1  }
0xa: {  	[smem:$0x3FA5] =	sst s2  }
0xb: {  	[smem:$0x3FA6] =	sst s3  }
0xc: {  	[smem:$0x3FA7] =	sst s4  }
0xd: {  	[smem:$0x3FA8] =	sst s5  }
0xe: {  	[smem:$0x3FA9] =	sst s6  }
0xf: {  	[smem:$0x3FAA] =	sst s7  }
0x10: {  	[smem:$0x3FAB] =	sst s8  }
0x11: {  	[smem:$0x3FAC] =	sst s9;
	s0 =	simm.s32 @!p0 $0x0  }
0x12: {  	s1 =	sld [smem:$0x3F92];
	s0 =	simm.s32 @p0 $0x1  }
0x13: {  	[smem:$0x3FAD] =	sst s0;
	s0 =	simm.s32 @!p1 $0x0  }
0x14: {  	s2 =	sld [smem:$0x3F91];
	s0 =	simm.s32 @p1 $0x1  }
0x15: {  	[smem:$0x3FAE] =	sst s0;
	s0 =	simm.s32 @!p2 $0x0  }
0x16: {  	s3 =	sld [smem:$0x3FDB];
	s0 =	simm.s32 @p2 $0x1  }
0x17: {  	s4 =	simm.s32 $0x1BF5;
	[smem:$0x3FB0] =	sst s0  }
0x18: {  	s0 =	sld [smem:$0x3F93];
	_ =	swait.ge [sflag:s4], $0x0  }
0x19: {  	s7 =	sld [smem:$0x3F94]  }
0x1a: {  	s8 =	sadd.s32 $0xFFFFE003, lr  }
0x1b: {  	s9 =	sadd.s32 $0xFFFFFEF7, lr;
	s5 =	simm.s32 $0xFFFFFFFF;
	p2 =	slt.u32 s8, $0xFFFFF086  }
0x1c: {  	p1 =	slt.u32 s9, $0xF7A;
	s5 =	simm.s32 @!p2 $0x0  }
0x1d: {  	s5 =	simm.s32 @p1 $0x1;
	p0 =	seq.s32 s7, s2  }
0x1e: {  	s7 =	smul.u32 @!p0 $0xF7A, s2;
	p2 =	seq.s32 @!p0 s5, $0x0  }
0x1f: {  	s9 =	smul.u32 $0xF7A, s1;
	s8 =	simm.s32 @!p0 $0x1BF5;
	p2 =	por !p2, p0  }
0x20: {  	[sflag:s8] =	ssyncset.s32 @!p0 $0xFFFFF086;
	s6 =	sadd.s32 @!p0 s3, s7;
	s7 =	simm.s32 @!p0 $0x108  }
0x21: {  	s3 =	sadd.s32 s3, s9;
	s6 =	sadd.s32 @!p0 $0x88, s6;
	s7 =	simm.s32 @p2 $0x1082  }
0x22: {  	[simem:s7], [sflag:s8] =	dma.local @!p0 [hbm:s6], $0xF7A  }
0x23: {  	s9 =	sor.u32 $0xD0000000, s2;
	s6 =	simm.s32 $0x108;
	_ =	swait.ge @!p0 [sflag:s8], $0x0  }
0x24: {  	s3 =	sadd.s32 $0x88, s3;
	s6 =	simm.s32 @!p1 $0x1082;
	[sflag:s4] =	ssyncset.s32 $0xFFFFF086  }
0x25: {  	[simem:s6], [sflag:s4] =	dma.local [hbm:s3], $0xF7A  }
0x26: {  	[smem:$0x3F94] =	sst s1;
	(tag) =	ssettag s2;
	_ =	strace s9  }
0x27: {  	s1 =	sld [smem:$0x3FA4]  }
0x28: {  	s2 =	sld [smem:$0x3FA5]  }
0x29: {  	s4 =	sld [smem:$0x3FA7]  }
0x2a: {  	p0 =	seq.s32 s5, $0x0;
	s5 =	sld [smem:$0x3FA8]  }
0x2b: {  	s6 =	sld [smem:$0x3FA9]  }
0x2c: {  	s7 =	sld [smem:$0x3FAA]  }
0x2d: {  	s3 =	simm.s32 $0x108;
	s8 =	sld [smem:$0x3FAB]  }
0x2e: {  	s3 =	simm.s32 @!p0 $0x1082;
	s9 =	sld [smem:$0x3FAC]  }
0x2f: {  	lr =	sadd.s32 s0, s3;
	s0 =	sld [smem:$0x3FA3]  }
0x30: {  	s3 =	sld [smem:$0x3FA6]  }
0x31: {  	[smem:$0x3FAF] =	sst s10  }
0x32: {  	s10 =	sld [smem:$0x3FAD];
	_ =	sdelay $0x3  }
0x33: {  	p0 =	seq.s32 s10, $0x1;
	s10 =	sld [smem:$0x3FAF];
	_ =	sdelay $0x3  }
0x34: {  	[smem:$0x3FAF] =	sst s10  }
0x35: {  	s10 =	sld [smem:$0x3FAE];
	_ =	sdelay $0x3  }
0x36: {  	p1 =	seq.s32 s10, $0x1;
	s10 =	sld [smem:$0x3FAF];
	_ =	sdelay $0x3  }
0x37: {  	[smem:$0x3FAF] =	sst s10  }
0x38: {  	s10 =	sld [smem:$0x3FB0]  }
0x39: {  	_ = 	snop;
	(pc) =	sbr.ind lr, $3  }
0x3a: {  	_ = 	snop  }
0x3b: {  	_ = 	snop  }
0x3c: {  	p2 =	seq.s32 s10, $0x1;
	s10 =	sld [smem:$0x3FAF]  }
0x3d: {  	_ =	shalt  }
0x3e: {  	_ =	shalt  }
0x3f: {  	_ =	shalt  }
0x40: {  	_ =	shalt  }
0x41: {  	_ =	shalt  }
0x42: {  	_ =	shalt  }
0x43: {  	_ =	shalt  }
0x44: {  	_ =	shalt  }
0x45: {  	_ =	shalt  }
0x46: {  	_ =	shalt  }
0x47: {  	_ =	shalt  }
0x48: {  	_ =	shalt  }
0x49: {  	_ =	shalt  }
0x4a: {  	_ =	shalt  }
0x4b: {  	_ =	shalt  }
0x4c: {  	_ =	shalt  }
0x4d: {  	_ =	shalt  }
0x4e: {  	_ =	shalt  }
0x4f: {  	_ =	shalt  }
0x50: {  	_ =	shalt  }
0x51: {  	_ =	shalt  }
0x52: {  	_ =	shalt  }
0x53: {  	_ =	shalt  }
0x54: {  	_ =	shalt  }
0x55: {  	_ =	shalt  }
0x56: {  	_ =	shalt  }
0x57: {  	_ =	shalt  }
0x58: {  	_ =	shalt  }
0x59: {  	_ =	shalt  }
0x5a: {  	_ =	shalt  }
0x5b: {  	_ =	shalt  }
0x5c: {  	_ =	shalt  }
0x5d: {  	_ =	shalt  }
0x5e: {  	_ =	shalt  }
0x5f: {  	_ =	shalt  }
0x60: {  	_ =	shalt  }
0x61: {  	_ =	shalt  }
0x62: {  	_ =	shalt  }
0x63: {  	_ =	shalt  }
0x64: {  	_ =	shalt  }
0x65: {  	_ =	shalt  }
0x66: {  	_ =	shalt  }
0x67: {  	_ =	shalt  }
0x68: {  	_ =	shalt  }
0x69: {  	_ =	shalt  }
0x6a: {  	_ =	shalt  }
0x6b: {  	_ =	shalt  }
0x6c: {  	_ =	shalt  }
0x6d: {  	_ =	shalt  }
0x6e: {  	_ =	shalt  }
0x6f: {  	_ =	shalt  }
0x70: {  	_ =	shalt  }
0x71: {  	_ =	shalt  }
0x72: {  	_ =	shalt  }
0x73: {  	_ =	shalt  }
0x74: {  	_ =	shalt  }
0x75: {  	_ =	shalt  }
0x76: {  	_ =	shalt  }
0x77: {  	_ =	shalt  }
0x78: {  	_ =	shalt  }
0x79: {  	_ =	shalt  }
0x7a: {  	_ =	shalt  }
0x7b: {  	_ =	shalt  }
0x7c: {  	_ =	shalt  }
0x7d: {  	_ =	shalt  }
0x7e: {  	_ =	shalt  }
0x7f: {  	_ =	shalt  }
0x80: {  	_ =	shalt  }
0x81: {  	_ =	shalt  }
0x82: {  	_ =	shalt  }
0x83: {  	_ =	shalt  }
0x84: {  	_ =	shalt  }
0x85: {  	_ =	shalt  }
0x86: {  	_ =	shalt  }
0x87: {  	_ =	shalt  }
.Lfunc_end0:
.L_simem_size_0:
called_computation.2_lowered:
.L_overlay_start_0:
0x88: {  	s2 =	sld [smem:$0x3FD9]  }
0x89: {  	s3 =	sld [smem:$0x3FFE];
	_ =	sdelay $0x1  }
0x8a: {  	s1 =	srdreg.scid  }
0x8b: {  	s0 =	sand.u32 $0x1, s1  }
0x8c: {  	s17 =	sshll.u32 s0, $0xA;
	s2 =	sadd.s32 s3, s2  }
0x8d: {  	s2 =	sadd.s32 s2, s17  }
0x8e: {  	[smem:$0x3FBB] =	sst s2  }
0x8f: {  	_ = 	snop  }
0x90: {  	s2 =	sld [smem:$0x3FD0];
	(tm) =	ssettm $0x1  }
0x91: {  	s18 =	sld [smem:$0x3FFB];
	_ =	sdelay $0x3  }
0x92: {  	_ =	strace s18  }
0x93: {  	s3 =	sld [smem:$0x3FFC];
	_ =	sdelay $0x3  }
0x94: {  	_ =	strace s3  }
0x95: {  	s3 =	sld [smem:$0x3FFD];
	_ =	sdelay $0x3  }
0x96: {  	_ =	strace s3  }
0x97: {  	_ =	strace $0x8FFFFFFF  }
0x98: {  	s19 =	sld [smem:$0x3FDB];
	_ =	sdelay $0x1  }
0x99: {  	s4 =	simm.s32 $_scs_section_size  }
0x9a: {  	s5 =	simm.s32 $_size__tile_overlayer_lowered;
	s6 =	simm.s32 $_tile_overlayer_lowered  }
0x9b: {  	s22 =	simm.s32 $0x1BFF;
	s21 =	sshll.u32 s6, $0x1;
	s3 =	sadd.s32 s4, s19  }
0x9c: {  	s7 =	simm.s32 $0x0;
	s20 =	sshll.u32 s5, $0x1;
	s5 =	sadd.s32 s21, s3  }
0x9d: {  	[timem:s7], [sflag:s22] =	dma.local [hbm:s5], s20  }
0x9e: {  	_ =	swait.ge [sflag:s22], s20  }
0x9f: {  	s4 =	ssub.s32 $0x0, s20;
	[sflag:s22] =	ssyncset.done $0x0  }
0xa0: {  	[sflag:s22] =	ssyncadd.s32 s4;
	_ =	sdelay $0x1  }
0xa1: {  	s23 =	simm.s32 $0x1B8B  }
0xa2: {  	_ =	swait.ge [sflag:s23], $0x1  }
0xa3: {  	[sflag:s23] =	ssyncset.done $0x0  }
0xa4: {  	s25 =	simm.s32 $0x1B8E;
	s24 =	sld [smem:$0x3FFE];
	[sflag:s23] =	ssyncadd.s32 $0xFFFFFFFF  }
0xa5: {  	s26 =	simm.s32 $execute0_lowered;
	[smem:$0x3FD2] =	sst s25  }
0xa6: {  	s5 =	sshll.u32 s26, $0x1;
	_ =	strace $0x8000004C;
	[dreg:$0x1] =	wrdreg $0xFFFFFFFF  }
0xa7: {  	s28 =	simm.s32 $_size_execute0_lowered;
	s3 =	sadd.s32 s3, s5;
	[dreg:$0x0] =	wrdreg $0x0  }
0xa8: {  	s5 =	sshll.u32 s28, $0x1;
	[dreg:$0x2] =	wrdreg s3  }
0xa9: {  	[dreg:$0x3] =	wrdreg s5  }
0xaa: {  	[dreg:$0x4] =	wrdreg $0xC0  }
0xab: {  	_ =	task [dreg:s7], $0x5FFFF  }
0xac: {  	[dreg:$0x1] =	wrdreg $0xFFFFFFFF  }
0xad: {  	[dreg:$0x0] =	wrdreg $0x60  }
0xae: {  	[dreg:$0x2] =	wrdreg s24  }
0xaf: {  	[dreg:$0x3] =	wrdreg s2  }
0xb0: {  	[dreg:$0x4] =	wrdreg $0x94000  }
0xb1: {  	[dreg:$0x5] =	wrdreg $0x9  }
0xb2: {  	_ =	task.clear_ibuf [dreg:s7], $0x6FFFF;
	_ =	strace $0x9000004C  }
0xb3: {  	s29 =	simm.s32 $0x9;
	_ =	strace $0x8000004E  }
0xb4: {  	_ =	swait.ge [sflag:s29], $0x1  }
0xb5: {  	[sflag:s29] =	ssyncadd.s32 $0xFFFFFFFF  }
0xb6: {  	_ =	strace $0x9000004E  }
0xb7: {  	_ =	sfence  }
0xb8: {  	s30 =	sld [smem:$0x0];
	_ =	sdelay $0x2  }
0xb9: {  	s31 =	sshll.u32 s1, $0xD;
	s1 =	sshrl.u32 s1, $0x2  }
0xba: {  	s3 =	sand.u32 $0x4000, s31;
	s1 =	sadd.s32 s1, s30  }
0xbb: {  	s0 =	sor.u32 s3, s0;
	s1 =	sshll.u32 s1, $0x11  }
0xbc: {  	s0 =	sor.u32 s1, s0  }
0xbd: {  	s0 =	sadd.s32 $0x8F2B, s0  }
0xbe: {  	[sflag:s0] =	ssyncadd.remote.s32 $0x1  }
0xbf: {  	_ =	sfence.sel $0xFFFF  }
0xc0: {  	[dreg:$0x0] =	wrdreg $0xFFFFFFFF;
	(pc) =	sbr.abs _section_cstart, $3  }
0xc1: {  	[dreg:$0x1] =	wrdreg $0xFFFFFFFF  }
0xc2: {  	_ =	task.clear_ibuf [dreg:s7], $0x2FFFF;
	_ =	strace $0x9FFFFFFF  }
0xc3: {  	(tm) =	ssettm $0x7FFFFFFF  }
tec
execute0_lowered:
.L_overlay_start_1:
0x0: {  	(tag) =	ssettag $0x1  }
0x1: {  	s0 =	rddreg [dreg:$0x0]  }
0x2: {  	s3 =	srdreg.scid;
	s11 =	stileid.u32  }
0x3: {  	s2 =	rddreg [dreg:$0x1];
	s5 =	sand.u32 $0x1, s3;
	s7 =	smul.u32 $0x14000, s11  }
0x4: {  	s1 =	rddreg [dreg:$0x2];
	s3 =	simm.s32 $0x0;
	s6 =	smul.u32 $0x140000, s5  }
0x5: {  	s4 =	sadd.s32 $0x16E00, s0;
	s8 =	sadd.s32 $0x2E00, s0;
	s9 =	smul.u32 $0x50000, s11  }
0x6: {  	[smem:$0x7FF] =	sst s3;
	s19 =	sshll.u32 s5, $0x4;
	s6 =	sadd.s32 s7, s6  }
0x7: {  	s20 =	ssub.s32 $0x2, s5;
	s9 =	sshrl.u32 s9, $0x2;
	s6 =	sshrl.u32 s6, $0x3  }
0x8: {  	s13 =	smul.u32 $0xA000, s5;
	s0 =	sadd.s32 s6, s0;
	s6 =	sadd.s32 s9, s1  }
0x9: {  	s5 =	simm.s32 $0x4400;
	_ =	strace $0x8000004D;
	s21 =	sadd.s32 $0x1000, s6  }
0xa: {  	s10 =	sshrl.u32 s20, $0x1;
	s22 =	sadd.s32 $0x2000, s6;
	[dreg:$0x4] =	wrdreg s21  }
0xb: {  	s7 =	sor.u32 s11, s19;
	s23 =	sadd.s32 $0x3000, s6;
	[dreg:$0x5] =	wrdreg s22  }
0xc: {  	s11 =	smul.u32 $0xA00, s11;
	s24 =	sadd.s32 $0x4000, s6;
	[dreg:$0x6] =	wrdreg s23  }
0xd: {  	s10 =	ssub.s32 s20, s10;
	s25 =	sadd.s32 $0x5000, s6;
	[dreg:$0x7] =	wrdreg s24  }
0xe: {  	s7 =	smul.u32 $0xA00, s7;
	s26 =	sadd.s32 $0x6000, s6;
	[dreg:$0x8] =	wrdreg s25  }
0xf: {  	s9 =	sadd.s32 s2, s11;
	s12 =	sadd.s32 $0x7000, s6;
	[dreg:$0x9] =	wrdreg s26  }
0x10: {  	s2 =	sadd.s32 s13, s8;
	s14 =	sadd.s32 $0x8000, s6;
	[dreg:$0xa] =	wrdreg s12  }
0x11: {  	s13 =	simm.s32 $0x7D;
	s15 =	sadd.s32 $0x9000, s6;
	[dreg:$0xb] =	wrdreg s14  }
0x12: {  	s7 =	sadd.s32 s8, s7;
	s16 =	sadd.s32 $0xA000, s6;
	[dreg:$0xc] =	wrdreg s15  }
0x13: {  	s17 =	sadd.s32 $0xB000, s6;
	s18 =	sadd.s32 $0xC000, s6;
	[dreg:$0xd] =	wrdreg s16  }
0x14: {  	s19 =	sadd.s32 $0xD000, s6;
	s20 =	sadd.s32 $0xE000, s6;
	[dreg:$0xe] =	wrdreg s17  }
0x15: {  	s2 =	sadd.s32 s11, s2;
	s0 =	sadd.s32 $0x65000, s0;
	[dreg:$0xf] =	wrdreg s18  }
0x16: {  	s30 =	sadd.s32 $0x13000, s6;
	s29 =	smov.u32 s9;
	[dreg:$0x10] =	wrdreg s19  }
0x17: {  	s8 =	simm.s32 $0x200;
	s11 =	simm.s32 $0x3;
	[dreg:$0x11] =	wrdreg s20  }
0x18: {  	s21 =	sadd.s32 $0xF000, s6;
	[dreg:$0x13] =	wrdreg s0;
	s22 =	smax.u32 s10, $0x1  }
0x19: {  	s25 =	sadd.s32 $0x40, s2;
	s23 =	sadd.s32 $0x10000, s6;
	s24 =	sadd.s32 $0x11000, s6  }
0x1a: {  	s26 =	sadd.s32 $0x12000, s6;
	s28 =	smov.u32 s7;
	s31 =	sadd.s32 $0x20, s7  }
0x1b: {  	s0 =	sadd.s32 $0x20, s9;
	s10 =	simm.s32 $0x2;
	[dreg:$0x12] =	wrdreg s21  }
0x1c: {  	s12 =	simm.s32 $0x1;
	s14 =	simm.s32 $0x400;
	[dreg:$0x14] =	wrdreg s22  }
0x1d: {  	s15 =	simm.s32 $0x100;
	s16 =	simm.s32 $0x300;
	[dreg:$0x15] =	wrdreg s23  }
0x1e: {  	s17 =	simm.s32 $0x4;
	s18 =	simm.s32 $0x0;
	[dreg:$0x16] =	wrdreg s24  }
0x1f: {  	v0 =	vimm.f32 $0.0e+00;
	[dreg:$0x17] =	wrdreg s26;
	s22 =	sadd.s32 $0x40, s9;
	s9 =	simm.s32 $0x8400  }
.LBB2_1:
0x20: {  	[tilespmem:s3], [sflag:$0x1] =	stream.linear.gather [hbm4b:s28+s3], $0x100, $0x38;
	[tilespmem:$0x1D400] =	vst v63  }
0x21: {  	s2 =	simm.s32 $0x0;
	s19 =	simm.s32 $0x200  }
0x22: {  	[tilespmem:s8], [sflag:$0x1] =	stream.linear.gather [hbm4b:s29+s3], $0x100, $0x38;
	[tilespmem:$0x1D400] =	vst v63  }
.LBB2_2:
0x23: {  	p0 =	sne.s32 s19, $0x3E00;
	[tilespmem:s2+$0x8470] =	vst v0  }
0x24: {  	[tilespmem:s2+$0x8400] =	vst v0  }
0x25: {  	[tilespmem:s2+$0x8410] =	vst v0  }
.Ltmp0:
0x26: {  	[tilespmem:s2+$0x8420] =	vst v0;
	(pc) =	sbr.rel @p0 .LBB2_2-.Ltmp0, $4  }
0x27: {  	[tilespmem:s2+$0x8430] =	vst v0  }
0x28: {  	[tilespmem:s2+$0x8440] =	vst v0  }
0x29: {  	[tilespmem:s2+$0x8450] =	vst v0  }
0x2a: {  	[tilespmem:s2+$0x8460] =	vst v0;
	s2 =	sshra.s32 s19, $0x2;
	s19 =	sadd.s32 $0x200, s19  }
0x2b: {  	[tilespmem:s2+$0x8470] =	vst v0  }
0x2c: {  	[tilespmem:s2+$0x8400] =	vst v0  }
0x2d: {  	[tilespmem:s2+$0x8410] =	vst v0  }
0x2e: {  	[tilespmem:s2+$0x8420] =	vst v0  }
0x2f: {  	[tilespmem:s2+$0x8430] =	vst v0  }
0x30: {  	[tilespmem:s2+$0x8440] =	vst v0  }
0x31: {  	[tilespmem:s2+$0x8450] =	vst v0  }
0x32: {  	[tilespmem:s2+$0x8460] =	vst v0  }
0x33: {  	[spmem:s6] =	stream.linear.scatter [tilespmem:s9], [sflag:$0x2], $0x1000, $0x38;
	[tilespmem:$0x1D400] =	vst v63  }
0x34: {  	s19 =	rddreg [dreg:$0x4]  }
0x35: {  	[spmem:s19] =	stream.linear.scatter [tilespmem:s9], [sflag:$0x3], $0x1000, $0x38;
	[tilespmem:$0x1D400] =	vst v63  }
0x36: {  	s20 =	rddreg [dreg:$0x5]  }
0x37: {  	[spmem:s20] =	stream.linear.scatter [tilespmem:s9], [sflag:$0x2], $0x1000, $0x38;
	[tilespmem:$0x1D400] =	vst v63  }
0x38: {  	s21 =	rddreg [dreg:$0x6]  }
0x39: {  	[spmem:s21] =	stream.linear.scatter [tilespmem:s9], [sflag:$0x3], $0x1000, $0x38;
	[tilespmem:$0x1D400] =	vst v63  }
0x3a: {  	s23 =	rddreg [dreg:$0x7]  }
0x3b: {  	[spmem:s23] =	stream.linear.scatter [tilespmem:s9], [sflag:$0x2], $0x1000, $0x38;
	[tilespmem:$0x1D400] =	vst v63  }
0x3c: {  	s24 =	rddreg [dreg:$0x8]  }
0x3d: {  	[spmem:s24] =	stream.linear.scatter [tilespmem:s9], [sflag:$0x3], $0x1000, $0x38;
	[tilespmem:$0x1D400] =	vst v63  }
0x3e: {  	s26 =	rddreg [dreg:$0x9]  }
0x3f: {  	[spmem:s26] =	stream.linear.scatter [tilespmem:s9], [sflag:$0x2], $0x1000, $0x38;
	[tilespmem:$0x1D400] =	vst v63  }
0x40: {  	s7 =	rddreg [dreg:$0xa]  }
0x41: {  	[spmem:s7] =	stream.linear.scatter [tilespmem:s9], [sflag:$0x3], $0x1000, $0x38;
	[tilespmem:$0x1D400] =	vst v63  }
0x42: {  	s19 =	rddreg [dreg:$0xb]  }
0x43: {  	[spmem:s19] =	stream.linear.scatter [tilespmem:s9], [sflag:$0x2], $0x1000, $0x38;
	[tilespmem:$0x1D400] =	vst v63  }
0x44: {  	s20 =	rddreg [dreg:$0xc]  }
0x45: {  	[spmem:s20] =	stream.linear.scatter [tilespmem:s9], [sflag:$0x3], $0x1000, $0x38;
	[tilespmem:$0x1D400] =	vst v63  }
0x46: {  	s21 =	rddreg [dreg:$0xd]  }
0x47: {  	[spmem:s21] =	stream.linear.scatter [tilespmem:s9], [sflag:$0x2], $0x1000, $0x38;
	[tilespmem:$0x1D400] =	vst v63  }
0x48: {  	s23 =	rddreg [dreg:$0xe]  }
0x49: {  	[spmem:s23] =	stream.linear.scatter [tilespmem:s9], [sflag:$0x3], $0x1000, $0x38;
	[tilespmem:$0x1D400] =	vst v63  }
0x4a: {  	s24 =	rddreg [dreg:$0xf]  }
0x4b: {  	[spmem:s24] =	stream.linear.scatter [tilespmem:s9], [sflag:$0x2], $0x1000, $0x38;
	[tilespmem:$0x1D400] =	vst v63  }
0x4c: {  	s26 =	rddreg [dreg:$0x10]  }
0x4d: {  	[spmem:s26] =	stream.linear.scatter [tilespmem:s9], [sflag:$0x3], $0x1000, $0x38;
	[tilespmem:$0x1D400] =	vst v63  }
0x4e: {  	s7 =	rddreg [dreg:$0x11]  }
0x4f: {  	[spmem:s7] =	stream.linear.scatter [tilespmem:s9], [sflag:$0x2], $0x1000, $0x38;
	[tilespmem:$0x1D400] =	vst v63  }
0x50: {  	s19 =	rddreg [dreg:$0x12]  }
0x51: {  	[spmem:s19] =	stream.linear.scatter [tilespmem:s9], [sflag:$0x3], $0x1000, $0x38;
	[tilespmem:$0x1D400] =	vst v63  }
0x52: {  	s20 =	rddreg [dreg:$0x15]  }
0x53: {  	[spmem:s20] =	stream.linear.scatter [tilespmem:s9], [sflag:$0x2], $0x1000, $0x38;
	[tilespmem:$0x1D400] =	vst v63  }
0x54: {  	s21 =	rddreg [dreg:$0x16]  }
0x55: {  	[spmem:s21] =	stream.linear.scatter [tilespmem:s9], [sflag:$0x3], $0x1000, $0x38;
	[tilespmem:$0x1D400] =	vst v63  }
0x56: {  	s23 =	rddreg [dreg:$0x17]  }
0x57: {  	[spmem:s23] =	stream.linear.scatter [tilespmem:s9], [sflag:$0x2], $0x1000, $0x38;
	[tilespmem:$0x1D400] =	vst v63  }
0x58: {  	_ = 	snop  }
0x59: {  	[spmem:s30] =	stream.linear.scatter [tilespmem:s9], [sflag:$0x3], $0x1000, $0x38;
	[tilespmem:$0x1D400] =	vst v63  }
0x5a: {  	_ =	swait.ge [sflag:s10], $0x1000  }
0x5b: {  	[sflag:s10] =	ssyncset.done $0x0  }
0x5c: {  	[sflag:s10] =	ssyncadd.s32 $0xFFFFF000  }
0x5d: {  	_ =	swait.ge [sflag:s11], $0x1000  }
0x5e: {  	[sflag:s11] =	ssyncset.done $0x0  }
0x5f: {  	[sflag:s11] =	ssyncadd.s32 $0xFFFFF000  }
0x60: {  	_ =	swait.ge [sflag:s10], $0x1000  }
0x61: {  	[sflag:s10] =	ssyncset.done $0x0  }
0x62: {  	[sflag:s10] =	ssyncadd.s32 $0xFFFFF000  }
0x63: {  	_ =	swait.ge [sflag:s11], $0x1000  }
0x64: {  	[sflag:s11] =	ssyncset.done $0x0  }
0x65: {  	[sflag:s11] =	ssyncadd.s32 $0xFFFFF000  }
0x66: {  	_ =	swait.ge [sflag:s10], $0x1000  }
0x67: {  	[sflag:s10] =	ssyncset.done $0x0  }
0x68: {  	[sflag:s10] =	ssyncadd.s32 $0xFFFFF000  }
0x69: {  	_ =	swait.ge [sflag:s11], $0x1000  }
0x6a: {  	[sflag:s11] =	ssyncset.done $0x0  }
0x6b: {  	[sflag:s11] =	ssyncadd.s32 $0xFFFFF000  }
0x6c: {  	_ =	swait.ge [sflag:s10], $0x1000  }
0x6d: {  	[sflag:s10] =	ssyncset.done $0x0  }
0x6e: {  	[sflag:s10] =	ssyncadd.s32 $0xFFFFF000  }
0x6f: {  	_ =	swait.ge [sflag:s11], $0x1000  }
0x70: {  	[sflag:s11] =	ssyncset.done $0x0  }
0x71: {  	[sflag:s11] =	ssyncadd.s32 $0xFFFFF000  }
0x72: {  	_ =	swait.ge [sflag:s10], $0x1000  }
0x73: {  	[sflag:s10] =	ssyncset.done $0x0  }
0x74: {  	[sflag:s10] =	ssyncadd.s32 $0xFFFFF000  }
0x75: {  	_ =	swait.ge [sflag:s11], $0x1000  }
0x76: {  	[sflag:s11] =	ssyncset.done $0x0  }
0x77: {  	[sflag:s11] =	ssyncadd.s32 $0xFFFFF000  }
0x78: {  	_ =	swait.ge [sflag:s10], $0x1000  }
0x79: {  	[sflag:s10] =	ssyncset.done $0x0  }
0x7a: {  	[sflag:s10] =	ssyncadd.s32 $0xFFFFF000  }
0x7b: {  	_ =	swait.ge [sflag:s11], $0x1000  }
0x7c: {  	[sflag:s11] =	ssyncset.done $0x0  }
0x7d: {  	[sflag:s11] =	ssyncadd.s32 $0xFFFFF000  }
0x7e: {  	_ =	swait.ge [sflag:s10], $0x1000  }
0x7f: {  	[sflag:s10] =	ssyncset.done $0x0  }
0x80: {  	[sflag:s10] =	ssyncadd.s32 $0xFFFFF000  }
0x81: {  	_ =	swait.ge [sflag:s11], $0x1000  }
0x82: {  	[sflag:s11] =	ssyncset.done $0x0  }
0x83: {  	[sflag:s11] =	ssyncadd.s32 $0xFFFFF000  }
0x84: {  	_ =	swait.ge [sflag:s10], $0x1000  }
0x85: {  	[sflag:s10] =	ssyncset.done $0x0  }
0x86: {  	[sflag:s10] =	ssyncadd.s32 $0xFFFFF000  }
0x87: {  	_ =	swait.ge [sflag:s11], $0x1000  }
0x88: {  	[sflag:s11] =	ssyncset.done $0x0  }
0x89: {  	[sflag:s11] =	ssyncadd.s32 $0xFFFFF000  }
0x8a: {  	_ =	swait.ge [sflag:s10], $0x1000  }
0x8b: {  	[sflag:s10] =	ssyncset.done $0x0  }
0x8c: {  	[sflag:s10] =	ssyncadd.s32 $0xFFFFF000  }
0x8d: {  	_ =	swait.ge [sflag:s11], $0x1000  }
0x8e: {  	[sflag:s11] =	ssyncset.done $0x0  }
0x8f: {  	[sflag:s11] =	ssyncadd.s32 $0xFFFFF000  }
0x90: {  	_ =	swait.ge [sflag:s10], $0x1000  }
0x91: {  	[sflag:s10] =	ssyncset.done $0x0  }
0x92: {  	[sflag:s10] =	ssyncadd.s32 $0xFFFFF000  }
0x93: {  	_ =	swait.ge [sflag:s11], $0x1000  }
0x94: {  	[sflag:s11] =	ssyncset.done $0x0  }
0x95: {  	[sflag:s11] =	ssyncadd.s32 $0xFFFFF000  }
0x96: {  	_ =	swait.ge [sflag:s12], $0x100  }
0x97: {  	[sflag:s12] =	ssyncset.done $0x0  }
0x98: {  	[sflag:s12] =	ssyncadd.s32 $0xFFFFFF00  }
0x99: {  	_ =	swait.ge [sflag:s12], $0x100  }
0x9a: {  	[sflag:s12] =	ssyncset.done $0x0  }
0x9b: {  	s24 =	simm.s32 $0x0;
	[sflag:s12] =	ssyncadd.s32 $0xFFFFFF00  }
0x9c: {  	[tilespmem:s14], [sflag:$0x2] =	stream.indirect.gather [hbm4b:s4+s13], $0x80, s24, s13, $0xb8;
	[tilespmem:$0x1D400] =	vst v63  }
0x9d: {  	s7 =	simm.s32 $0x80  }
0x9e: {  	[tilespmem:s5], [sflag:$0x3] =	stream.indirect.gather [hbm4b:s4+s13], $0x80, s7, s13, $0xb8;
	[tilespmem:$0x1D400] =	vst v63  }
0x9f: {  	_ = 	snop  }
0xa0: {  	[tilespmem:s15], [sflag:$0x1] =	stream.linear.gather [hbm4b:s31+s24], $0x100, $0x38;
	[tilespmem:$0x1D400] =	vst v63  }
0xa1: {  	_ = 	snop  }
0xa2: {  	[tilespmem:s16], [sflag:$0x1] =	stream.linear.gather [hbm4b:s0+s24], $0x100, $0x38;
	[tilespmem:$0x1D400] =	vst v63  }
0xa3: {  	[bflag:$0x0] =	sbarrier.arrive $0xFFFF  }
0xa4: {  	_ =	swait.ge [sflag:s12], $0x100  }
0xa5: {  	[sflag:s12] =	ssyncset.done $0x0  }
0xa6: {  	[sflag:s12] =	ssyncadd.s32 $0xFFFFFF00  }
0xa7: {  	_ =	swait.ge [sflag:s12], $0x100  }
0xa8: {  	[sflag:s12] =	ssyncset.done $0x0  }
0xa9: {  	[sflag:s12] =	ssyncadd.s32 $0xFFFFFF00  }
0xaa: {  	s26 =	simm.s32 $0x0;
	_ =	swait.ge [sflag:s10], $0x3E80  }
0xab: {  	s2 =	sand.u32 $0x100, s26;
	[sflag:s10] =	ssyncset.done $0x0  }
0xac: {  	s23 =	sor.u32 $0x200, s2;
	[sflag:s10] =	ssyncadd.s32 $0xFFFFC180  }
0xad: {  	[spmem:s1] =	stream.indirect.scatter.add.f32 [tilespmem:s14], [sflag:$0x4], $0x80, s23, s13, $0xb8;
	[tilespmem:$0x1D400] =	vst v63  }
0xae: {  	_ =	swait.ge [sflag:s17], $0x3E80  }
0xaf: {  	[sflag:s17] =	ssyncset.done $0x0  }
0xb0: {  	s19 =	sxor.u32 $0x100, s2;
	[sflag:s17] =	ssyncadd.s32 $0xFFFFC180  }
0xb1: {  	[tilespmem:s14], [sflag:$0x2] =	stream.indirect.gather [hbm4b:s4+s13], $0x80, s19, s13, $0xb8;
	[tilespmem:$0x1D400] =	vst v63  }
0xb2: {  	_ =	swait.ge [sflag:s11], $0x3E80  }
0xb3: {  	[sflag:s11] =	ssyncset.done $0x0  }
0xb4: {  	s20 =	sor.u32 $0x280, s2;
	[sflag:s11] =	ssyncadd.s32 $0xFFFFC180  }
0xb5: {  	[spmem:s1] =	stream.indirect.scatter.add.f32 [tilespmem:s5], [sflag:$0x4], $0x80, s20, s13, $0xb8;
	[tilespmem:$0x1D400] =	vst v63  }
0xb6: {  	_ =	swait.ge [sflag:s17], $0x3E80  }
0xb7: {  	[sflag:s17] =	ssyncset.done $0x0  }
0xb8: {  	s19 =	sor.u32 $0x80, s19;
	[sflag:s17] =	ssyncadd.s32 $0xFFFFC180  }
0xb9: {  	[tilespmem:s5], [sflag:$0x3] =	stream.indirect.gather [hbm4b:s4+s13], $0x80, s19, s13, $0xb8;
	[tilespmem:$0x1D400] =	vst v63  }
0xba: {  	s21 =	sadd.s32 $0x20, s22  }
0xbb: {  	[tilespmem:s2], [sflag:$0x1] =	stream.linear.gather [hbm4b:s25+s3], $0x100, $0x38;
	[tilespmem:$0x1D400] =	vst v63  }
0xbc: {  	s20 =	sadd.s32 $0x20, s25;
	s19 =	simm.s32 $0x1;
	s2 =	smov.u32 s22  }
.LBB2_4:
0xbd: {  	[tilespmem:s23], [sflag:$0x1] =	stream.linear.gather [hbm4b:s2+s3], $0x100, $0x38;
	[tilespmem:$0x1D400] =	vst v63  }
0xbe: {  	s23 =	smov.u32 s19;
	s2 =	smov.u32 s21  }
0xbf: {  	p0 =	sne.s32 s19, $0x4D;
	s19 =	sadd.s32 $0x1, s19;
	_ =	swait.ge [sflag:s12], $0x100  }
0xc0: {  	[sflag:s12] =	ssyncset.done $0x0  }
0xc1: {  	[sflag:s12] =	ssyncadd.s32 $0xFFFFFF00  }
0xc2: {  	_ =	swait.ge [sflag:s12], $0x100  }
0xc3: {  	[sflag:s12] =	ssyncset.done $0x0  }
0xc4: {  	[sflag:s12] =	ssyncadd.s32 $0xFFFFFF00  }
0xc5: {  	s23 =	sshll.u32 s23, $0x8;
	_ =	swait.ge [sflag:s10], $0x3E80  }
0xc6: {  	s7 =	sand.u32 $0x100, s23;
	[sflag:s10] =	ssyncset.done $0x0  }
0xc7: {  	s23 =	sor.u32 $0x200, s7;
	[sflag:s10] =	ssyncadd.s32 $0xFFFFC180  }
0xc8: {  	[spmem:s1] =	stream.indirect.scatter.add.f32 [tilespmem:s14], [sflag:$0x4], $0x80, s23, s13, $0xb8;
	[tilespmem:$0x1D400] =	vst v63  }
0xc9: {  	_ =	swait.ge [sflag:s17], $0x3E80  }
0xca: {  	[sflag:s17] =	ssyncset.done $0x0  }
0xcb: {  	s24 =	sxor.u32 $0x100, s7;
	[sflag:s17] =	ssyncadd.s32 $0xFFFFC180  }
0xcc: {  	[tilespmem:s14], [sflag:$0x2] =	stream.indirect.gather [hbm4b:s4+s13], $0x80, s24, s13, $0xb8;
	[tilespmem:$0x1D400] =	vst v63  }
0xcd: {  	_ =	swait.ge [sflag:s11], $0x3E80  }
0xce: {  	[sflag:s11] =	ssyncset.done $0x0  }
0xcf: {  	s26 =	sor.u32 $0x280, s7;
	[sflag:s11] =	ssyncadd.s32 $0xFFFFC180  }
0xd0: {  	[spmem:s1] =	stream.indirect.scatter.add.f32 [tilespmem:s5], [sflag:$0x4], $0x80, s26, s13, $0xb8;
	[tilespmem:$0x1D400] =	vst v63  }
0xd1: {  	_ =	swait.ge [sflag:s17], $0x3E80  }
0xd2: {  	[sflag:s17] =	ssyncset.done $0x0  }
.Ltmp1:
0xd3: {  	s24 =	sor.u32 $0x80, s24;
	[sflag:s17] =	ssyncadd.s32 $0xFFFFC180;
	(pc) =	sbr.rel @p0 .LBB2_4-.Ltmp1, $4  }
0xd4: {  	[tilespmem:s5], [sflag:$0x3] =	stream.indirect.gather [hbm4b:s4+s13], $0x80, s24, s13, $0xb8;
	[tilespmem:$0x1D400] =	vst v63  }
0xd5: {  	_ = 	snop  }
0xd6: {  	[tilespmem:s7], [sflag:$0x1] =	stream.linear.gather [hbm4b:s20+s3], $0x100, $0x38;
	[tilespmem:$0x1D400] =	vst v63  }
0xd7: {  	s21 =	sadd.s32 $0x20, s21;
	s20 =	sadd.s32 $0x20, s20  }
0xd8: {  	[tilespmem:s23], [sflag:$0x1] =	stream.linear.gather [hbm4b:s2+s3], $0x100, $0x38;
	[tilespmem:$0x1D400] =	vst v63  }
0xd9: {  	_ =	swait.ge [sflag:s12], $0x100  }
0xda: {  	[sflag:s12] =	ssyncset.done $0x0  }
0xdb: {  	[sflag:s12] =	ssyncadd.s32 $0xFFFFFF00  }
0xdc: {  	_ =	swait.ge [sflag:s12], $0x100  }
0xdd: {  	[sflag:s12] =	ssyncset.done $0x0  }
0xde: {  	[sflag:s12] =	ssyncadd.s32 $0xFFFFFF00  }
0xdf: {  	_ =	swait.ge [sflag:s10], $0x3E80  }
0xe0: {  	[sflag:s10] =	ssyncset.done $0x0  }
0xe1: {  	[sflag:s10] =	ssyncadd.s32 $0xFFFFC180  }
0xe2: {  	[spmem:s1] =	stream.indirect.scatter.add.f32 [tilespmem:s14], [sflag:$0x4], $0x80, s8, s13, $0xb8;
	[tilespmem:$0x1D400] =	vst v63  }
0xe3: {  	_ =	swait.ge [sflag:s17], $0x3E80  }
0xe4: {  	[sflag:s17] =	ssyncset.done $0x0  }
0xe5: {  	[sflag:s17] =	ssyncadd.s32 $0xFFFFC180  }
0xe6: {  	[tilespmem:s14], [sflag:$0x2] =	stream.indirect.gather [hbm4b:s4+s13], $0x80, s15, s13, $0xb8;
	[tilespmem:$0x1D400] =	vst v63  }
0xe7: {  	_ =	swait.ge [sflag:s11], $0x3E80  }
0xe8: {  	[sflag:s11] =	ssyncset.done $0x0  }
0xe9: {  	s20 =	simm.s32 $0x280;
	[sflag:s11] =	ssyncadd.s32 $0xFFFFC180  }
0xea: {  	[spmem:s1] =	stream.indirect.scatter.add.f32 [tilespmem:s5], [sflag:$0x4], $0x80, s20, s13, $0xb8;
	[tilespmem:$0x1D400] =	vst v63  }
0xeb: {  	_ =	swait.ge [sflag:s17], $0x3E80  }
0xec: {  	[sflag:s17] =	ssyncset.done $0x0  }
0xed: {  	s21 =	simm.s32 $0x180;
	[sflag:s17] =	ssyncadd.s32 $0xFFFFC180  }
0xee: {  	[tilespmem:s5], [sflag:$0x3] =	stream.indirect.gather [hbm4b:s4+s13], $0x80, s21, s13, $0xb8;
	[tilespmem:$0x1D400] =	vst v63  }
0xef: {  	_ =	swait.ge [sflag:s10], $0x3E80  }
0xf0: {  	[sflag:s10] =	ssyncset.done $0x0  }
0xf1: {  	[sflag:s10] =	ssyncadd.s32 $0xFFFFC180  }
0xf2: {  	[spmem:s1] =	stream.indirect.scatter.add.f32 [tilespmem:s14], [sflag:$0x4], $0x80, s16, s13, $0xb8;
	[tilespmem:$0x1D400] =	vst v63  }
0xf3: {  	_ =	swait.ge [sflag:s17], $0x3E80  }
0xf4: {  	[sflag:s17] =	ssyncset.done $0x0  }
0xf5: {  	[sflag:s17] =	ssyncadd.s32 $0xFFFFC180  }
0xf6: {  	_ =	swait.ge [sflag:s11], $0x3E80  }
0xf7: {  	[sflag:s11] =	ssyncset.done $0x0  }
0xf8: {  	s23 =	simm.s32 $0x380;
	[sflag:s11] =	ssyncadd.s32 $0xFFFFC180  }
0xf9: {  	[spmem:s1] =	stream.indirect.scatter.add.f32 [tilespmem:s5], [sflag:$0x4], $0x80, s23, s13, $0xb8;
	[tilespmem:$0x1D400] =	vst v63  }
0xfa: {  	_ =	swait.ge [sflag:s17], $0x3E80  }
0xfb: {  	[sflag:s17] =	ssyncset.done $0x0  }
0xfc: {  	s24 =	stileid.u32;
	[sflag:s17] =	ssyncadd.s32 $0xFFFFC180  }
0xfd: {  	s2 =	sshll.u32 s24, $0x6;
	[bflag:$0x0] =	sbarrier.arrive $0xFFFF  }
0xfe: {  	s7 =	sshrl.u32 s6, $0x3;
	s2 =	sor.u32 $0x1C04, s2;
	s19 =	rddreg [dreg:$0x13]  }
0xff: {  	[hbm:s19], [sflag:s2] =	dma.local [spmem:s7], $0x2800  }
0x100: {  	_ =	swait.ge [sflag:s17], $0x2800  }
0x101: {  	s18 =	sadd.s32 $0x1, s18;
	s26 =	rddreg [dreg:$0x14]  }
0x102: {  	p0 =	sne.s32 s18, s26  }
.Ltmp2:
0x103: {  	_ = 	snop;
	(pc) =	sbr.rel @p0 .LBB2_1-.Ltmp2, $3  }
0x104: {  	_ =	sdelay $0x1  }
0x105: {  	[sflag:s17] =	ssyncset.done $0x0  }
0x106: {  	[sflag:s17] =	ssyncadd.s32 $0xFFFFD800  }
0x107: {  	_ =	sfence.sel $0x180000  }
0x108: {  	[bflag:$0x0] =	sbarrier.arrive $0xFFFF  }
0x109: {  	_ =	strace $0x9000004D  }
0x10a: {  	s0 =	stileid.u32;
	[bflag:$0x2] =	sbarrier.arrive $0xFFFF  }
0x10b: {  	p0 =	sne.s32 s0, $0x0;
	s0 =	rddreg [dreg:$0x3]  }
0x10c: {  	s0 =	sadd.s32 @!p0 $0x100000, s0  }
0x10d: {  	[sflag:s0] =	ssyncadd.tile.s32 @!p0 $0x1;
	_ =	shalt  }
.Lfunc_end2:
_tile_overlayer_lowered:
.L_overlay_start_2:
0x10e: {  	(tag) =	ssettag $0x2  }
0x10f: {  	s0 =	rddreg [dreg:$0x0];
	s2 =	stileid.u32  }
0x110: {  	s1 =	rddreg [dreg:$0x1];
	p0 =	sne.s32 s2, $0x0  }
0x111: {  	s3 =	rddreg [dreg:$0x2];
	[bflag:$0x3] =	sbarrier.arrive $0xFFFF;
	s2 =	simm.s32 @!p0 $0x1C04  }
0x112: {  	[timem:s3], [sflag:s2] =	dma.local @!p0 [hbm:s0], s1  }
0x113: {  	s0 =	simm.s32 @!p0 $0x4  }
0x114: {  	_ =	swait.ge @!p0 [sflag:s0], s1  }
0x115: {  	s1 =	ssub.s32 @!p0 $0x0, s1;
	[sflag:s0] =	ssyncset.done @!p0 $0x0  }
0x116: {  	[sflag:s0] =	ssyncadd.s32 @!p0 s1  }
0x117: {  	[bflag:$0x3] =	sbarrier.arrive $0xFFFF  }
0x118: {  	_ =	shalt  }

// kernel: kernel.9.cloned.1.call-start
scs
__scs_entry_jumppad:
0x0: {  	(pc) =	sbr.rel $0x88, $3  }
0x1: {  	(tag) =	ssettag $0x0;
	lr =	simm.s32 $0x1  }
0x2: {  	[smem:$0x3F94] =	sst lr;
	_ =	strace $0xD0000000  }
0x3: {  	_ = 	snop  }
0x4: {  	_ = 	snop  }
0x5: {  	_ = 	snop  }
0x6: {  	_ = 	snop  }
0x7: {  	_ = 	snop  }
__scs_overlays_trampoline_lowered:
0x8: {  	[smem:$0x3FA3] =	sst s0  }
0x9: {  	[smem:$0x3FA4] =	sst s1  }
0xa: {  	[smem:$0x3FA5] =	sst s2  }
0xb: {  	[smem:$0x3FA6] =	sst s3  }
0xc: {  	[smem:$0x3FA7] =	sst s4  }
0xd: {  	[smem:$0x3FA8] =	sst s5  }
0xe: {  	[smem:$0x3FA9] =	sst s6  }
0xf: {  	[smem:$0x3FAA] =	sst s7  }
0x10: {  	[smem:$0x3FAB] =	sst s8  }
0x11: {  	[smem:$0x3FAC] =	sst s9;
	s0 =	simm.s32 @!p0 $0x0  }
0x12: {  	s1 =	sld [smem:$0x3F92];
	s0 =	simm.s32 @p0 $0x1  }
0x13: {  	[smem:$0x3FAD] =	sst s0;
	s0 =	simm.s32 @!p1 $0x0  }
0x14: {  	s2 =	sld [smem:$0x3F91];
	s0 =	simm.s32 @p1 $0x1  }
0x15: {  	[smem:$0x3FAE] =	sst s0;
	s0 =	simm.s32 @!p2 $0x0  }
0x16: {  	s3 =	sld [smem:$0x3FDB];
	s0 =	simm.s32 @p2 $0x1  }
0x17: {  	s4 =	simm.s32 $0x1BF5;
	[smem:$0x3FB0] =	sst s0  }
0x18: {  	s0 =	sld [smem:$0x3F93];
	_ =	swait.ge [sflag:s4], $0x0  }
0x19: {  	s7 =	sld [smem:$0x3F94]  }
0x1a: {  	s8 =	sadd.s32 $0xFFFFE003, lr  }
0x1b: {  	s9 =	sadd.s32 $0xFFFFFEF7, lr;
	s5 =	simm.s32 $0xFFFFFFFF;
	p2 =	slt.u32 s8, $0xFFFFF086  }
0x1c: {  	p1 =	slt.u32 s9, $0xF7A;
	s5 =	simm.s32 @!p2 $0x0  }
0x1d: {  	s5 =	simm.s32 @p1 $0x1;
	p0 =	seq.s32 s7, s2  }
0x1e: {  	s7 =	smul.u32 @!p0 $0xF7A, s2;
	p2 =	seq.s32 @!p0 s5, $0x0  }
0x1f: {  	s9 =	smul.u32 $0xF7A, s1;
	s8 =	simm.s32 @!p0 $0x1BF5;
	p2 =	por !p2, p0  }
0x20: {  	[sflag:s8] =	ssyncset.s32 @!p0 $0xFFFFF086;
	s6 =	sadd.s32 @!p0 s3, s7;
	s7 =	simm.s32 @!p0 $0x108  }
0x21: {  	s3 =	sadd.s32 s3, s9;
	s6 =	sadd.s32 @!p0 $0x88, s6;
	s7 =	simm.s32 @p2 $0x1082  }
0x22: {  	[simem:s7], [sflag:s8] =	dma.local @!p0 [hbm:s6], $0xF7A  }
0x23: {  	s9 =	sor.u32 $0xD0000000, s2;
	s6 =	simm.s32 $0x108;
	_ =	swait.ge @!p0 [sflag:s8], $0x0  }
0x24: {  	s3 =	sadd.s32 $0x88, s3;
	s6 =	simm.s32 @!p1 $0x1082;
	[sflag:s4] =	ssyncset.s32 $0xFFFFF086  }
0x25: {  	[simem:s6], [sflag:s4] =	dma.local [hbm:s3], $0xF7A  }
0x26: {  	[smem:$0x3F94] =	sst s1;
	(tag) =	ssettag s2;
	_ =	strace s9  }
0x27: {  	s1 =	sld [smem:$0x3FA4]  }
0x28: {  	s2 =	sld [smem:$0x3FA5]  }
0x29: {  	s4 =	sld [smem:$0x3FA7]  }
0x2a: {  	p0 =	seq.s32 s5, $0x0;
	s5 =	sld [smem:$0x3FA8]  }
0x2b: {  	s6 =	sld [smem:$0x3FA9]  }
0x2c: {  	s7 =	sld [smem:$0x3FAA]  }
0x2d: {  	s3 =	simm.s32 $0x108;
	s8 =	sld [smem:$0x3FAB]  }
0x2e: {  	s3 =	simm.s32 @!p0 $0x1082;
	s9 =	sld [smem:$0x3FAC]  }
0x2f: {  	lr =	sadd.s32 s0, s3;
	s0 =	sld [smem:$0x3FA3]  }
0x30: {  	s3 =	sld [smem:$0x3FA6]  }
0x31: {  	[smem:$0x3FAF] =	sst s10  }
0x32: {  	s10 =	sld [smem:$0x3FAD];
	_ =	sdelay $0x3  }
0x33: {  	p0 =	seq.s32 s10, $0x1;
	s10 =	sld [smem:$0x3FAF];
	_ =	sdelay $0x3  }
0x34: {  	[smem:$0x3FAF] =	sst s10  }
0x35: {  	s10 =	sld [smem:$0x3FAE];
	_ =	sdelay $0x3  }
0x36: {  	p1 =	seq.s32 s10, $0x1;
	s10 =	sld [smem:$0x3FAF];
	_ =	sdelay $0x3  }
0x37: {  	[smem:$0x3FAF] =	sst s10  }
0x38: {  	s10 =	sld [smem:$0x3FB0]  }
0x39: {  	_ = 	snop;
	(pc) =	sbr.ind lr, $3  }
0x3a: {  	_ = 	snop  }
0x3b: {  	_ = 	snop  }
0x3c: {  	p2 =	seq.s32 s10, $0x1;
	s10 =	sld [smem:$0x3FAF]  }
0x3d: {  	_ =	shalt  }
0x3e: {  	_ =	shalt  }
0x3f: {  	_ =	shalt  }
0x40: {  	_ =	shalt  }
0x41: {  	_ =	shalt  }
0x42: {  	_ =	shalt  }
0x43: {  	_ =	shalt  }
0x44: {  	_ =	shalt  }
0x45: {  	_ =	shalt  }
0x46: {  	_ =	shalt  }
0x47: {  	_ =	shalt  }
0x48: {  	_ =	shalt  }
0x49: {  	_ =	shalt  }
0x4a: {  	_ =	shalt  }
0x4b: {  	_ =	shalt  }
0x4c: {  	_ =	shalt  }
0x4d: {  	_ =	shalt  }
0x4e: {  	_ =	shalt  }
0x4f: {  	_ =	shalt  }
0x50: {  	_ =	shalt  }
0x51: {  	_ =	shalt  }
0x52: {  	_ =	shalt  }
0x53: {  	_ =	shalt  }
0x54: {  	_ =	shalt  }
0x55: {  	_ =	shalt  }
0x56: {  	_ =	shalt  }
0x57: {  	_ =	shalt  }
0x58: {  	_ =	shalt  }
0x59: {  	_ =	shalt  }
0x5a: {  	_ =	shalt  }
0x5b: {  	_ =	shalt  }
0x5c: {  	_ =	shalt  }
0x5d: {  	_ =	shalt  }
0x5e: {  	_ =	shalt  }
0x5f: {  	_ =	shalt  }
0x60: {  	_ =	shalt  }
0x61: {  	_ =	shalt  }
0x62: {  	_ =	shalt  }
0x63: {  	_ =	shalt  }
0x64: {  	_ =	shalt  }
0x65: {  	_ =	shalt  }
0x66: {  	_ =	shalt  }
0x67: {  	_ =	shalt  }
0x68: {  	_ =	shalt  }
0x69: {  	_ =	shalt  }
0x6a: {  	_ =	shalt  }
0x6b: {  	_ =	shalt  }
0x6c: {  	_ =	shalt  }
0x6d: {  	_ =	shalt  }
0x6e: {  	_ =	shalt  }
0x6f: {  	_ =	shalt  }
0x70: {  	_ =	shalt  }
0x71: {  	_ =	shalt  }
0x72: {  	_ =	shalt  }
0x73: {  	_ =	shalt  }
0x74: {  	_ =	shalt  }
0x75: {  	_ =	shalt  }
0x76: {  	_ =	shalt  }
0x77: {  	_ =	shalt  }
0x78: {  	_ =	shalt  }
0x79: {  	_ =	shalt  }
0x7a: {  	_ =	shalt  }
0x7b: {  	_ =	shalt  }
0x7c: {  	_ =	shalt  }
0x7d: {  	_ =	shalt  }
0x7e: {  	_ =	shalt  }
0x7f: {  	_ =	shalt  }
0x80: {  	_ =	shalt  }
0x81: {  	_ =	shalt  }
0x82: {  	_ =	shalt  }
0x83: {  	_ =	shalt  }
0x84: {  	_ =	shalt  }
0x85: {  	_ =	shalt  }
0x86: {  	_ =	shalt  }
0x87: {  	_ =	shalt  }
.Lfunc_end0:
.L_simem_size_0:
called_computation_lowered:
.L_overlay_start_0:
0x88: {  	s2 =	sld [smem:$0x3FD9]  }
0x89: {  	s3 =	sld [smem:$0x3FFE];
	_ =	sdelay $0x1  }
0x8a: {  	s1 =	srdreg.scid  }
0x8b: {  	s0 =	sand.u32 $0x1, s1  }
0x8c: {  	s17 =	sshll.u32 s0, $0xA;
	s2 =	sadd.s32 s3, s2  }
0x8d: {  	s2 =	sadd.s32 s2, s17  }
0x8e: {  	[smem:$0x3FBB] =	sst s2  }
0x8f: {  	_ = 	snop  }
0x90: {  	s2 =	sld [smem:$0x3FD0];
	(tm) =	ssettm $0x1  }
0x91: {  	s18 =	sld [smem:$0x3FFB];
	_ =	sdelay $0x3  }
0x92: {  	_ =	strace s18  }
0x93: {  	s3 =	sld [smem:$0x3FFC];
	_ =	sdelay $0x3  }
0x94: {  	_ =	strace s3  }
0x95: {  	s3 =	sld [smem:$0x3FFD];
	_ =	sdelay $0x3  }
0x96: {  	_ =	strace s3  }
0x97: {  	_ =	strace $0x8FFFFFFF  }
0x98: {  	s19 =	sld [smem:$0x3FDB];
	_ =	sdelay $0x1  }
0x99: {  	s4 =	simm.s32 $_scs_section_size  }
0x9a: {  	s5 =	simm.s32 $_size__tile_overlayer_lowered;
	s6 =	simm.s32 $_tile_overlayer_lowered  }
0x9b: {  	s22 =	simm.s32 $0x1BFF;
	s21 =	sshll.u32 s6, $0x1;
	s3 =	sadd.s32 s4, s19  }
0x9c: {  	s7 =	simm.s32 $0x0;
	s20 =	sshll.u32 s5, $0x1;
	s5 =	sadd.s32 s21, s3  }
0x9d: {  	[timem:s7], [sflag:s22] =	dma.local [hbm:s5], s20  }
0x9e: {  	_ =	swait.ge [sflag:s22], s20  }
0x9f: {  	s4 =	ssub.s32 $0x0, s20;
	[sflag:s22] =	ssyncset.done $0x0  }
0xa0: {  	[sflag:s22] =	ssyncadd.s32 s4;
	_ =	sdelay $0x1  }
0xa1: {  	s23 =	simm.s32 $0x1B8B  }
0xa2: {  	_ =	swait.ge [sflag:s23], $0x1  }
0xa3: {  	[sflag:s23] =	ssyncset.done $0x0  }
0xa4: {  	s25 =	simm.s32 $0x1B8E;
	s24 =	sld [smem:$0x3FFE];
	[sflag:s23] =	ssyncadd.s32 $0xFFFFFFFF  }
0xa5: {  	s26 =	simm.s32 $execute0_lowered;
	[smem:$0x3FD2] =	sst s25  }
0xa6: {  	s5 =	sshll.u32 s26, $0x1;
	_ =	strace $0x80000046;
	[dreg:$0x1] =	wrdreg $0xFFFFFFFF  }
0xa7: {  	s28 =	simm.s32 $_size_execute0_lowered;
	s3 =	sadd.s32 s3, s5;
	[dreg:$0x0] =	wrdreg $0x0  }
0xa8: {  	s5 =	sshll.u32 s28, $0x1;
	[dreg:$0x2] =	wrdreg s3  }
0xa9: {  	[dreg:$0x3] =	wrdreg s5  }
0xaa: {  	[dreg:$0x4] =	wrdreg $0xC0  }
0xab: {  	_ =	task [dreg:s7], $0x5FFFF  }
0xac: {  	[dreg:$0x1] =	wrdreg $0xFFFFFFFF  }
0xad: {  	[dreg:$0x0] =	wrdreg $0x60  }
0xae: {  	[dreg:$0x2] =	wrdreg s24  }
0xaf: {  	[dreg:$0x3] =	wrdreg s2  }
0xb0: {  	[dreg:$0x4] =	wrdreg $0x94000  }
0xb1: {  	[dreg:$0x5] =	wrdreg $0x9  }
0xb2: {  	_ =	task.clear_ibuf [dreg:s7], $0x6FFFF;
	_ =	strace $0x90000046  }
0xb3: {  	s29 =	simm.s32 $0x9;
	_ =	strace $0x80000048  }
0xb4: {  	_ =	swait.ge [sflag:s29], $0x1  }
0xb5: {  	[sflag:s29] =	ssyncadd.s32 $0xFFFFFFFF  }
0xb6: {  	_ =	strace $0x90000048  }
0xb7: {  	_ =	sfence  }
0xb8: {  	s30 =	sld [smem:$0x0];
	_ =	sdelay $0x2  }
0xb9: {  	s31 =	sshll.u32 s1, $0xD;
	s1 =	sshrl.u32 s1, $0x2  }
0xba: {  	s3 =	sand.u32 $0x4000, s31;
	s1 =	sadd.s32 s1, s30  }
0xbb: {  	s0 =	sor.u32 s3, s0;
	s1 =	sshll.u32 s1, $0x11  }
0xbc: {  	s0 =	sor.u32 s1, s0  }
0xbd: {  	s0 =	sadd.s32 $0x8F2B, s0  }
0xbe: {  	[sflag:s0] =	ssyncadd.remote.s32 $0x1  }
0xbf: {  	_ =	sfence.sel $0xFFFF  }
0xc0: {  	[dreg:$0x0] =	wrdreg $0xFFFFFFFF;
	(pc) =	sbr.abs _section_cstart, $3  }
0xc1: {  	[dreg:$0x1] =	wrdreg $0xFFFFFFFF  }
0xc2: {  	_ =	task.clear_ibuf [dreg:s7], $0x2FFFF;
	_ =	strace $0x9FFFFFFF  }
0xc3: {  	(tm) =	ssettm $0x7FFFFFFF  }
tec
execute0_lowered:
.L_overlay_start_1:
0x0: {  	(tag) =	ssettag $0x1  }
0x1: {  	s0 =	rddreg [dreg:$0x0]  }
0x2: {  	s3 =	srdreg.scid;
	s11 =	stileid.u32  }
0x3: {  	s2 =	rddreg [dreg:$0x1];
	s5 =	sand.u32 $0x1, s3;
	s7 =	smul.u32 $0x14000, s11  }
0x4: {  	s1 =	rddreg [dreg:$0x2];
	s3 =	simm.s32 $0x0;
	s6 =	smul.u32 $0x140000, s5  }
0x5: {  	s4 =	sadd.s32 $0x16E00, s0;
	s8 =	sadd.s32 $0x2E00, s0;
	s9 =	smul.u32 $0x50000, s11  }
0x6: {  	[smem:$0x7FF] =	sst s3;
	s19 =	sshll.u32 s5, $0x4;
	s6 =	sadd.s32 s7, s6  }
0x7: {  	s20 =	ssub.s32 $0x2, s5;
	s9 =	sshrl.u32 s9, $0x2;
	s6 =	sshrl.u32 s6, $0x3  }
0x8: {  	s13 =	smul.u32 $0xA000, s5;
	s0 =	sadd.s32 s6, s0;
	s6 =	sadd.s32 s9, s1  }
0x9: {  	s5 =	simm.s32 $0x4400;
	_ =	strace $0x80000047;
	s21 =	sadd.s32 $0x1000, s6  }
0xa: {  	s10 =	sshrl.u32 s20, $0x1;
	s22 =	sadd.s32 $0x2000, s6;
	[dreg:$0x4] =	wrdreg s21  }
0xb: {  	s7 =	sor.u32 s11, s19;
	s23 =	sadd.s32 $0x3000, s6;
	[dreg:$0x5] =	wrdreg s22  }
0xc: {  	s11 =	smul.u32 $0xA00, s11;
	s24 =	sadd.s32 $0x4000, s6;
	[dreg:$0x6] =	wrdreg s23  }
0xd: {  	s10 =	ssub.s32 s20, s10;
	s25 =	sadd.s32 $0x5000, s6;
	[dreg:$0x7] =	wrdreg s24  }
0xe: {  	s7 =	smul.u32 $0xA00, s7;
	s26 =	sadd.s32 $0x6000, s6;
	[dreg:$0x8] =	wrdreg s25  }
0xf: {  	s9 =	sadd.s32 s2, s11;
	s12 =	sadd.s32 $0x7000, s6;
	[dreg:$0x9] =	wrdreg s26  }
0x10: {  	s2 =	sadd.s32 s13, s8;
	s14 =	sadd.s32 $0x8000, s6;
	[dreg:$0xa] =	wrdreg s12  }
0x11: {  	s13 =	simm.s32 $0x7D;
	s15 =	sadd.s32 $0x9000, s6;
	[dreg:$0xb] =	wrdreg s14  }
0x12: {  	s7 =	sadd.s32 s8, s7;
	s16 =	sadd.s32 $0xA000, s6;
	[dreg:$0xc] =	wrdreg s15  }
0x13: {  	s17 =	sadd.s32 $0xB000, s6;
	s18 =	sadd.s32 $0xC000, s6;
	[dreg:$0xd] =	wrdreg s16  }
0x14: {  	s19 =	sadd.s32 $0xD000, s6;
	s20 =	sadd.s32 $0xE000, s6;
	[dreg:$0xe] =	wrdreg s17  }
0x15: {  	s2 =	sadd.s32 s11, s2;
	s0 =	sadd.s32 $0x65000, s0;
	[dreg:$0xf] =	wrdreg s18  }
0x16: {  	s30 =	sadd.s32 $0x13000, s6;
	s29 =	smov.u32 s9;
	[dreg:$0x10] =	wrdreg s19  }
0x17: {  	s8 =	simm.s32 $0x200;
	s11 =	simm.s32 $0x3;
	[dreg:$0x11] =	wrdreg s20  }
0x18: {  	s21 =	sadd.s32 $0xF000, s6;
	[dreg:$0x13] =	wrdreg s0;
	s22 =	smax.u32 s10, $0x1  }
0x19: {  	s25 =	sadd.s32 $0x40, s2;
	s23 =	sadd.s32 $0x10000, s6;
	s24 =	sadd.s32 $0x11000, s6  }
0x1a: {  	s26 =	sadd.s32 $0x12000, s6;
	s28 =	smov.u32 s7;
	s31 =	sadd.s32 $0x20, s7  }
0x1b: {  	s0 =	sadd.s32 $0x20, s9;
	s10 =	simm.s32 $0x2;
	[dreg:$0x12] =	wrdreg s21  }
0x1c: {  	s12 =	simm.s32 $0x1;
	s14 =	simm.s32 $0x400;
	[dreg:$0x14] =	wrdreg s22  }
0x1d: {  	s15 =	simm.s32 $0x100;
	s16 =	simm.s32 $0x300;
	[dreg:$0x15] =	wrdreg s23  }
0x1e: {  	s17 =	simm.s32 $0x4;
	s18 =	simm.s32 $0x0;
	[dreg:$0x16] =	wrdreg s24  }
0x1f: {  	v0 =	vimm.f32 $0.0e+00;
	[dreg:$0x17] =	wrdreg s26;
	s22 =	sadd.s32 $0x40, s9;
	s9 =	simm.s32 $0x8400  }
.LBB2_1:
0x20: {  	[tilespmem:s3], [sflag:$0x1] =	stream.linear.gather [hbm4b:s28+s3], $0x100, $0x38;
	[tilespmem:$0x1D400] =	vst v63  }
0x21: {  	s2 =	simm.s32 $0x0;
	s19 =	simm.s32 $0x200  }
0x22: {  	[tilespmem:s8], [sflag:$0x1] =	stream.linear.gather [hbm4b:s29+s3], $0x100, $0x38;
	[tilespmem:$0x1D400] =	vst v63  }
.LBB2_2:
0x23: {  	p0 =	sne.s32 s19, $0x3E00;
	[tilespmem:s2+$0x8470] =	vst v0  }
0x24: {  	[tilespmem:s2+$0x8400] =	vst v0  }
0x25: {  	[tilespmem:s2+$0x8410] =	vst v0  }
.Ltmp0:
0x26: {  	[tilespmem:s2+$0x8420] =	vst v0;
	(pc) =	sbr.rel @p0 .LBB2_2-.Ltmp0, $4  }
0x27: {  	[tilespmem:s2+$0x8430] =	vst v0  }
0x28: {  	[tilespmem:s2+$0x8440] =	vst v0  }
0x29: {  	[tilespmem:s2+$0x8450] =	vst v0  }
0x2a: {  	[tilespmem:s2+$0x8460] =	vst v0;
	s2 =	sshra.s32 s19, $0x2;
	s19 =	sadd.s32 $0x200, s19  }
0x2b: {  	[tilespmem:s2+$0x8470] =	vst v0  }
0x2c: {  	[tilespmem:s2+$0x8400] =	vst v0  }
0x2d: {  	[tilespmem:s2+$0x8410] =	vst v0  }
0x2e: {  	[tilespmem:s2+$0x8420] =	vst v0  }
0x2f: {  	[tilespmem:s2+$0x8430] =	vst v0  }
0x30: {  	[tilespmem:s2+$0x8440] =	vst v0  }
0x31: {  	[tilespmem:s2+$0x8450] =	vst v0  }
0x32: {  	[tilespmem:s2+$0x8460] =	vst v0  }
0x33: {  	[spmem:s6] =	stream.linear.scatter [tilespmem:s9], [sflag:$0x2], $0x1000, $0x38;
	[tilespmem:$0x1D400] =	vst v63  }
0x34: {  	s19 =	rddreg [dreg:$0x4]  }
0x35: {  	[spmem:s19] =	stream.linear.scatter [tilespmem:s9], [sflag:$0x3], $0x1000, $0x38;
	[tilespmem:$0x1D400] =	vst v63  }
0x36: {  	s20 =	rddreg [dreg:$0x5]  }
0x37: {  	[spmem:s20] =	stream.linear.scatter [tilespmem:s9], [sflag:$0x2], $0x1000, $0x38;
	[tilespmem:$0x1D400] =	vst v63  }
0x38: {  	s21 =	rddreg [dreg:$0x6]  }
0x39: {  	[spmem:s21] =	stream.linear.scatter [tilespmem:s9], [sflag:$0x3], $0x1000, $0x38;
	[tilespmem:$0x1D400] =	vst v63  }
0x3a: {  	s23 =	rddreg [dreg:$0x7]  }
0x3b: {  	[spmem:s23] =	stream.linear.scatter [tilespmem:s9], [sflag:$0x2], $0x1000, $0x38;
	[tilespmem:$0x1D400] =	vst v63  }
0x3c: {  	s24 =	rddreg [dreg:$0x8]  }
0x3d: {  	[spmem:s24] =	stream.linear.scatter [tilespmem:s9], [sflag:$0x3], $0x1000, $0x38;
	[tilespmem:$0x1D400] =	vst v63  }
0x3e: {  	s26 =	rddreg [dreg:$0x9]  }
0x3f: {  	[spmem:s26] =	stream.linear.scatter [tilespmem:s9], [sflag:$0x2], $0x1000, $0x38;
	[tilespmem:$0x1D400] =	vst v63  }
0x40: {  	s7 =	rddreg [dreg:$0xa]  }
0x41: {  	[spmem:s7] =	stream.linear.scatter [tilespmem:s9], [sflag:$0x3], $0x1000, $0x38;
	[tilespmem:$0x1D400] =	vst v63  }
0x42: {  	s19 =	rddreg [dreg:$0xb]  }
0x43: {  	[spmem:s19] =	stream.linear.scatter [tilespmem:s9], [sflag:$0x2], $0x1000, $0x38;
	[tilespmem:$0x1D400] =	vst v63  }
0x44: {  	s20 =	rddreg [dreg:$0xc]  }
0x45: {  	[spmem:s20] =	stream.linear.scatter [tilespmem:s9], [sflag:$0x3], $0x1000, $0x38;
	[tilespmem:$0x1D400] =	vst v63  }
0x46: {  	s21 =	rddreg [dreg:$0xd]  }
0x47: {  	[spmem:s21] =	stream.linear.scatter [tilespmem:s9], [sflag:$0x2], $0x1000, $0x38;
	[tilespmem:$0x1D400] =	vst v63  }
0x48: {  	s23 =	rddreg [dreg:$0xe]  }
0x49: {  	[spmem:s23] =	stream.linear.scatter [tilespmem:s9], [sflag:$0x3], $0x1000, $0x38;
	[tilespmem:$0x1D400] =	vst v63  }
0x4a: {  	s24 =	rddreg [dreg:$0xf]  }
0x4b: {  	[spmem:s24] =	stream.linear.scatter [tilespmem:s9], [sflag:$0x2], $0x1000, $0x38;
	[tilespmem:$0x1D400] =	vst v63  }
0x4c: {  	s26 =	rddreg [dreg:$0x10]  }
0x4d: {  	[spmem:s26] =	stream.linear.scatter [tilespmem:s9], [sflag:$0x3], $0x1000, $0x38;
	[tilespmem:$0x1D400] =	vst v63  }
0x4e: {  	s7 =	rddreg [dreg:$0x11]  }
0x4f: {  	[spmem:s7] =	stream.linear.scatter [tilespmem:s9], [sflag:$0x2], $0x1000, $0x38;
	[tilespmem:$0x1D400] =	vst v63  }
0x50: {  	s19 =	rddreg [dreg:$0x12]  }
0x51: {  	[spmem:s19] =	stream.linear.scatter [tilespmem:s9], [sflag:$0x3], $0x1000, $0x38;
	[tilespmem:$0x1D400] =	vst v63  }
0x52: {  	s20 =	rddreg [dreg:$0x15]  }
0x53: {  	[spmem:s20] =	stream.linear.scatter [tilespmem:s9], [sflag:$0x2], $0x1000, $0x38;
	[tilespmem:$0x1D400] =	vst v63  }
0x54: {  	s21 =	rddreg [dreg:$0x16]  }
0x55: {  	[spmem:s21] =	stream.linear.scatter [tilespmem:s9], [sflag:$0x3], $0x1000, $0x38;
	[tilespmem:$0x1D400] =	vst v63  }
0x56: {  	s23 =	rddreg [dreg:$0x17]  }
0x57: {  	[spmem:s23] =	stream.linear.scatter [tilespmem:s9], [sflag:$0x2], $0x1000, $0x38;
	[tilespmem:$0x1D400] =	vst v63  }
0x58: {  	_ = 	snop  }
0x59: {  	[spmem:s30] =	stream.linear.scatter [tilespmem:s9], [sflag:$0x3], $0x1000, $0x38;
	[tilespmem:$0x1D400] =	vst v63  }
0x5a: {  	_ =	swait.ge [sflag:s10], $0x1000  }
0x5b: {  	[sflag:s10] =	ssyncset.done $0x0  }
0x5c: {  	[sflag:s10] =	ssyncadd.s32 $0xFFFFF000  }
0x5d: {  	_ =	swait.ge [sflag:s11], $0x1000  }
0x5e: {  	[sflag:s11] =	ssyncset.done $0x0  }
0x5f: {  	[sflag:s11] =	ssyncadd.s32 $0xFFFFF000  }
0x60: {  	_ =	swait.ge [sflag:s10], $0x1000  }
0x61: {  	[sflag:s10] =	ssyncset.done $0x0  }
0x62: {  	[sflag:s10] =	ssyncadd.s32 $0xFFFFF000  }
0x63: {  	_ =	swait.ge [sflag:s11], $0x1000  }
0x64: {  	[sflag:s11] =	ssyncset.done $0x0  }
0x65: {  	[sflag:s11] =	ssyncadd.s32 $0xFFFFF000  }
0x66: {  	_ =	swait.ge [sflag:s10], $0x1000  }
0x67: {  	[sflag:s10] =	ssyncset.done $0x0  }
0x68: {  	[sflag:s10] =	ssyncadd.s32 $0xFFFFF000  }
0x69: {  	_ =	swait.ge [sflag:s11], $0x1000  }
0x6a: {  	[sflag:s11] =	ssyncset.done $0x0  }
0x6b: {  	[sflag:s11] =	ssyncadd.s32 $0xFFFFF000  }
0x6c: {  	_ =	swait.ge [sflag:s10], $0x1000  }
0x6d: {  	[sflag:s10] =	ssyncset.done $0x0  }
0x6e: {  	[sflag:s10] =	ssyncadd.s32 $0xFFFFF000  }
0x6f: {  	_ =	swait.ge [sflag:s11], $0x1000  }
0x70: {  	[sflag:s11] =	ssyncset.done $0x0  }
0x71: {  	[sflag:s11] =	ssyncadd.s32 $0xFFFFF000  }
0x72: {  	_ =	swait.ge [sflag:s10], $0x1000  }
0x73: {  	[sflag:s10] =	ssyncset.done $0x0  }
0x74: {  	[sflag:s10] =	ssyncadd.s32 $0xFFFFF000  }
0x75: {  	_ =	swait.ge [sflag:s11], $0x1000  }
0x76: {  	[sflag:s11] =	ssyncset.done $0x0  }
0x77: {  	[sflag:s11] =	ssyncadd.s32 $0xFFFFF000  }
0x78: {  	_ =	swait.ge [sflag:s10], $0x1000  }
0x79: {  	[sflag:s10] =	ssyncset.done $0x0  }
0x7a: {  	[sflag:s10] =	ssyncadd.s32 $0xFFFFF000  }
0x7b: {  	_ =	swait.ge [sflag:s11], $0x1000  }
0x7c: {  	[sflag:s11] =	ssyncset.done $0x0  }
0x7d: {  	[sflag:s11] =	ssyncadd.s32 $0xFFFFF000  }
0x7e: {  	_ =	swait.ge [sflag:s10], $0x1000  }
0x7f: {  	[sflag:s10] =	ssyncset.done $0x0  }
0x80: {  	[sflag:s10] =	ssyncadd.s32 $0xFFFFF000  }
0x81: {  	_ =	swait.ge [sflag:s11], $0x1000  }
0x82: {  	[sflag:s11] =	ssyncset.done $0x0  }
0x83: {  	[sflag:s11] =	ssyncadd.s32 $0xFFFFF000  }
0x84: {  	_ =	swait.ge [sflag:s10], $0x1000  }
0x85: {  	[sflag:s10] =	ssyncset.done $0x0  }
0x86: {  	[sflag:s10] =	ssyncadd.s32 $0xFFFFF000  }
0x87: {  	_ =	swait.ge [sflag:s11], $0x1000  }
0x88: {  	[sflag:s11] =	ssyncset.done $0x0  }
0x89: {  	[sflag:s11] =	ssyncadd.s32 $0xFFFFF000  }
0x8a: {  	_ =	swait.ge [sflag:s10], $0x1000  }
0x8b: {  	[sflag:s10] =	ssyncset.done $0x0  }
0x8c: {  	[sflag:s10] =	ssyncadd.s32 $0xFFFFF000  }
0x8d: {  	_ =	swait.ge [sflag:s11], $0x1000  }
0x8e: {  	[sflag:s11] =	ssyncset.done $0x0  }
0x8f: {  	[sflag:s11] =	ssyncadd.s32 $0xFFFFF000  }
0x90: {  	_ =	swait.ge [sflag:s10], $0x1000  }
0x91: {  	[sflag:s10] =	ssyncset.done $0x0  }
0x92: {  	[sflag:s10] =	ssyncadd.s32 $0xFFFFF000  }
0x93: {  	_ =	swait.ge [sflag:s11], $0x1000  }
0x94: {  	[sflag:s11] =	ssyncset.done $0x0  }
0x95: {  	[sflag:s11] =	ssyncadd.s32 $0xFFFFF000  }
0x96: {  	_ =	swait.ge [sflag:s12], $0x100  }
0x97: {  	[sflag:s12] =	ssyncset.done $0x0  }
0x98: {  	[sflag:s12] =	ssyncadd.s32 $0xFFFFFF00  }
0x99: {  	_ =	swait.ge [sflag:s12], $0x100  }
0x9a: {  	[sflag:s12] =	ssyncset.done $0x0  }
0x9b: {  	s24 =	simm.s32 $0x0;
	[sflag:s12] =	ssyncadd.s32 $0xFFFFFF00  }
0x9c: {  	[tilespmem:s14], [sflag:$0x2] =	stream.indirect.gather [hbm4b:s4+s13], $0x80, s24, s13, $0xb8;
	[tilespmem:$0x1D400] =	vst v63  }
0x9d: {  	s7 =	simm.s32 $0x80  }
0x9e: {  	[tilespmem:s5], [sflag:$0x3] =	stream.indirect.gather [hbm4b:s4+s13], $0x80, s7, s13, $0xb8;
	[tilespmem:$0x1D400] =	vst v63  }
0x9f: {  	_ = 	snop  }
0xa0: {  	[tilespmem:s15], [sflag:$0x1] =	stream.linear.gather [hbm4b:s31+s24], $0x100, $0x38;
	[tilespmem:$0x1D400] =	vst v63  }
0xa1: {  	_ = 	snop  }
0xa2: {  	[tilespmem:s16], [sflag:$0x1] =	stream.linear.gather [hbm4b:s0+s24], $0x100, $0x38;
	[tilespmem:$0x1D400] =	vst v63  }
0xa3: {  	[bflag:$0x0] =	sbarrier.arrive $0xFFFF  }
0xa4: {  	_ =	swait.ge [sflag:s12], $0x100  }
0xa5: {  	[sflag:s12] =	ssyncset.done $0x0  }
0xa6: {  	[sflag:s12] =	ssyncadd.s32 $0xFFFFFF00  }
0xa7: {  	_ =	swait.ge [sflag:s12], $0x100  }
0xa8: {  	[sflag:s12] =	ssyncset.done $0x0  }
0xa9: {  	[sflag:s12] =	ssyncadd.s32 $0xFFFFFF00  }
0xaa: {  	s26 =	simm.s32 $0x0;
	_ =	swait.ge [sflag:s10], $0x3E80  }
0xab: {  	s2 =	sand.u32 $0x100, s26;
	[sflag:s10] =	ssyncset.done $0x0  }
0xac: {  	s23 =	sor.u32 $0x200, s2;
	[sflag:s10] =	ssyncadd.s32 $0xFFFFC180  }
0xad: {  	[spmem:s1] =	stream.indirect.scatter.add.f32 [tilespmem:s14], [sflag:$0x4], $0x80, s23, s13, $0xb8;
	[tilespmem:$0x1D400] =	vst v63  }
0xae: {  	_ =	swait.ge [sflag:s17], $0x3E80  }
0xaf: {  	[sflag:s17] =	ssyncset.done $0x0  }
0xb0: {  	s19 =	sxor.u32 $0x100, s2;
	[sflag:s17] =	ssyncadd.s32 $0xFFFFC180  }
0xb1: {  	[tilespmem:s14], [sflag:$0x2] =	stream.indirect.gather [hbm4b:s4+s13], $0x80, s19, s13, $0xb8;
	[tilespmem:$0x1D400] =	vst v63  }
0xb2: {  	_ =	swait.ge [sflag:s11], $0x3E80  }
0xb3: {  	[sflag:s11] =	ssyncset.done $0x0  }
0xb4: {  	s20 =	sor.u32 $0x280, s2;
	[sflag:s11] =	ssyncadd.s32 $0xFFFFC180  }
0xb5: {  	[spmem:s1] =	stream.indirect.scatter.add.f32 [tilespmem:s5], [sflag:$0x4], $0x80, s20, s13, $0xb8;
	[tilespmem:$0x1D400] =	vst v63  }
0xb6: {  	_ =	swait.ge [sflag:s17], $0x3E80  }
0xb7: {  	[sflag:s17] =	ssyncset.done $0x0  }
0xb8: {  	s19 =	sor.u32 $0x80, s19;
	[sflag:s17] =	ssyncadd.s32 $0xFFFFC180  }
0xb9: {  	[tilespmem:s5], [sflag:$0x3] =	stream.indirect.gather [hbm4b:s4+s13], $0x80, s19, s13, $0xb8;
	[tilespmem:$0x1D400] =	vst v63  }
0xba: {  	s21 =	sadd.s32 $0x20, s22  }
0xbb: {  	[tilespmem:s2], [sflag:$0x1] =	stream.linear.gather [hbm4b:s25+s3], $0x100, $0x38;
	[tilespmem:$0x1D400] =	vst v63  }
0xbc: {  	s20 =	sadd.s32 $0x20, s25;
	s19 =	simm.s32 $0x1;
	s2 =	smov.u32 s22  }
.LBB2_4:
0xbd: {  	[tilespmem:s23], [sflag:$0x1] =	stream.linear.gather [hbm4b:s2+s3], $0x100, $0x38;
	[tilespmem:$0x1D400] =	vst v63  }
0xbe: {  	s23 =	smov.u32 s19;
	s2 =	smov.u32 s21  }
0xbf: {  	p0 =	sne.s32 s19, $0x4D;
	s19 =	sadd.s32 $0x1, s19;
	_ =	swait.ge [sflag:s12], $0x100  }
0xc0: {  	[sflag:s12] =	ssyncset.done $0x0  }
0xc1: {  	[sflag:s12] =	ssyncadd.s32 $0xFFFFFF00  }
0xc2: {  	_ =	swait.ge [sflag:s12], $0x100  }
0xc3: {  	[sflag:s12] =	ssyncset.done $0x0  }
0xc4: {  	[sflag:s12] =	ssyncadd.s32 $0xFFFFFF00  }
0xc5: {  	s23 =	sshll.u32 s23, $0x8;
	_ =	swait.ge [sflag:s10], $0x3E80  }
0xc6: {  	s7 =	sand.u32 $0x100, s23;
	[sflag:s10] =	ssyncset.done $0x0  }
0xc7: {  	s23 =	sor.u32 $0x200, s7;
	[sflag:s10] =	ssyncadd.s32 $0xFFFFC180  }
0xc8: {  	[spmem:s1] =	stream.indirect.scatter.add.f32 [tilespmem:s14], [sflag:$0x4], $0x80, s23, s13, $0xb8;
	[tilespmem:$0x1D400] =	vst v63  }
0xc9: {  	_ =	swait.ge [sflag:s17], $0x3E80  }
0xca: {  	[sflag:s17] =	ssyncset.done $0x0  }
0xcb: {  	s24 =	sxor.u32 $0x100, s7;
	[sflag:s17] =	ssyncadd.s32 $0xFFFFC180  }
0xcc: {  	[tilespmem:s14], [sflag:$0x2] =	stream.indirect.gather [hbm4b:s4+s13], $0x80, s24, s13, $0xb8;
	[tilespmem:$0x1D400] =	vst v63  }
0xcd: {  	_ =	swait.ge [sflag:s11], $0x3E80  }
0xce: {  	[sflag:s11] =	ssyncset.done $0x0  }
0xcf: {  	s26 =	sor.u32 $0x280, s7;
	[sflag:s11] =	ssyncadd.s32 $0xFFFFC180  }
0xd0: {  	[spmem:s1] =	stream.indirect.scatter.add.f32 [tilespmem:s5], [sflag:$0x4], $0x80, s26, s13, $0xb8;
	[tilespmem:$0x1D400] =	vst v63  }
0xd1: {  	_ =	swait.ge [sflag:s17], $0x3E80  }
0xd2: {  	[sflag:s17] =	ssyncset.done $0x0  }
.Ltmp1:
0xd3: {  	s24 =	sor.u32 $0x80, s24;
	[sflag:s17] =	ssyncadd.s32 $0xFFFFC180;
	(pc) =	sbr.rel @p0 .LBB2_4-.Ltmp1, $4  }
0xd4: {  	[tilespmem:s5], [sflag:$0x3] =	stream.indirect.gather [hbm4b:s4+s13], $0x80, s24, s13, $0xb8;
	[tilespmem:$0x1D400] =	vst v63  }
0xd5: {  	_ = 	snop  }
0xd6: {  	[tilespmem:s7], [sflag:$0x1] =	stream.linear.gather [hbm4b:s20+s3], $0x100, $0x38;
	[tilespmem:$0x1D400] =	vst v63  }
0xd7: {  	s21 =	sadd.s32 $0x20, s21;
	s20 =	sadd.s32 $0x20, s20  }
0xd8: {  	[tilespmem:s23], [sflag:$0x1] =	stream.linear.gather [hbm4b:s2+s3], $0x100, $0x38;
	[tilespmem:$0x1D400] =	vst v63  }
0xd9: {  	_ =	swait.ge [sflag:s12], $0x100  }
0xda: {  	[sflag:s12] =	ssyncset.done $0x0  }
0xdb: {  	[sflag:s12] =	ssyncadd.s32 $0xFFFFFF00  }
0xdc: {  	_ =	swait.ge [sflag:s12], $0x100  }
0xdd: {  	[sflag:s12] =	ssyncset.done $0x0  }
0xde: {  	[sflag:s12] =	ssyncadd.s32 $0xFFFFFF00  }
0xdf: {  	_ =	swait.ge [sflag:s10], $0x3E80  }
0xe0: {  	[sflag:s10] =	ssyncset.done $0x0  }
0xe1: {  	[sflag:s10] =	ssyncadd.s32 $0xFFFFC180  }
0xe2: {  	[spmem:s1] =	stream.indirect.scatter.add.f32 [tilespmem:s14], [sflag:$0x4], $0x80, s8, s13, $0xb8;
	[tilespmem:$0x1D400] =	vst v63  }
0xe3: {  	_ =	swait.ge [sflag:s17], $0x3E80  }
0xe4: {  	[sflag:s17] =	ssyncset.done $0x0  }
0xe5: {  	[sflag:s17] =	ssyncadd.s32 $0xFFFFC180  }
0xe6: {  	[tilespmem:s14], [sflag:$0x2] =	stream.indirect.gather [hbm4b:s4+s13], $0x80, s15, s13, $0xb8;
	[tilespmem:$0x1D400] =	vst v63  }
0xe7: {  	_ =	swait.ge [sflag:s11], $0x3E80  }
0xe8: {  	[sflag:s11] =	ssyncset.done $0x0  }
0xe9: {  	s20 =	simm.s32 $0x280;
	[sflag:s11] =	ssyncadd.s32 $0xFFFFC180  }
0xea: {  	[spmem:s1] =	stream.indirect.scatter.add.f32 [tilespmem:s5], [sflag:$0x4], $0x80, s20, s13, $0xb8;
	[tilespmem:$0x1D400] =	vst v63  }
0xeb: {  	_ =	swait.ge [sflag:s17], $0x3E80  }
0xec: {  	[sflag:s17] =	ssyncset.done $0x0  }
0xed: {  	s21 =	simm.s32 $0x180;
	[sflag:s17] =	ssyncadd.s32 $0xFFFFC180  }
0xee: {  	[tilespmem:s5], [sflag:$0x3] =	stream.indirect.gather [hbm4b:s4+s13], $0x80, s21, s13, $0xb8;
	[tilespmem:$0x1D400] =	vst v63  }
0xef: {  	_ =	swait.ge [sflag:s10], $0x3E80  }
0xf0: {  	[sflag:s10] =	ssyncset.done $0x0  }
0xf1: {  	[sflag:s10] =	ssyncadd.s32 $0xFFFFC180  }
0xf2: {  	[spmem:s1] =	stream.indirect.scatter.add.f32 [tilespmem:s14], [sflag:$0x4], $0x80, s16, s13, $0xb8;
	[tilespmem:$0x1D400] =	vst v63  }
0xf3: {  	_ =	swait.ge [sflag:s17], $0x3E80  }
0xf4: {  	[sflag:s17] =	ssyncset.done $0x0  }
0xf5: {  	[sflag:s17] =	ssyncadd.s32 $0xFFFFC180  }
0xf6: {  	_ =	swait.ge [sflag:s11], $0x3E80  }
0xf7: {  	[sflag:s11] =	ssyncset.done $0x0  }
0xf8: {  	s23 =	simm.s32 $0x380;
	[sflag:s11] =	ssyncadd.s32 $0xFFFFC180  }
0xf9: {  	[spmem:s1] =	stream.indirect.scatter.add.f32 [tilespmem:s5], [sflag:$0x4], $0x80, s23, s13, $0xb8;
	[tilespmem:$0x1D400] =	vst v63  }
0xfa: {  	_ =	swait.ge [sflag:s17], $0x3E80  }
0xfb: {  	[sflag:s17] =	ssyncset.done $0x0  }
0xfc: {  	s24 =	stileid.u32;
	[sflag:s17] =	ssyncadd.s32 $0xFFFFC180  }
0xfd: {  	s2 =	sshll.u32 s24, $0x6;
	[bflag:$0x0] =	sbarrier.arrive $0xFFFF  }
0xfe: {  	s7 =	sshrl.u32 s6, $0x3;
	s2 =	sor.u32 $0x1C04, s2;
	s19 =	rddreg [dreg:$0x13]  }
0xff: {  	[hbm:s19], [sflag:s2] =	dma.local [spmem:s7], $0x2800  }
0x100: {  	_ =	swait.ge [sflag:s17], $0x2800  }
0x101: {  	s18 =	sadd.s32 $0x1, s18;
	s26 =	rddreg [dreg:$0x14]  }
0x102: {  	p0 =	sne.s32 s18, s26  }
.Ltmp2:
0x103: {  	_ = 	snop;
	(pc) =	sbr.rel @p0 .LBB2_1-.Ltmp2, $3  }
0x104: {  	_ =	sdelay $0x1  }
0x105: {  	[sflag:s17] =	ssyncset.done $0x0  }
0x106: {  	[sflag:s17] =	ssyncadd.s32 $0xFFFFD800  }
0x107: {  	_ =	sfence.sel $0x180000  }
0x108: {  	[bflag:$0x0] =	sbarrier.arrive $0xFFFF  }
0x109: {  	_ =	strace $0x90000047  }
0x10a: {  	s0 =	stileid.u32;
	[bflag:$0x2] =	sbarrier.arrive $0xFFFF  }
0x10b: {  	p0 =	sne.s32 s0, $0x0;
	s0 =	rddreg [dreg:$0x3]  }
0x10c: {  	s0 =	sadd.s32 @!p0 $0x100000, s0  }
0x10d: {  	[sflag:s0] =	ssyncadd.tile.s32 @!p0 $0x1;
	_ =	shalt  }
.Lfunc_end2:
_tile_overlayer_lowered:
.L_overlay_start_2:
0x10e: {  	(tag) =	ssettag $0x2  }
0x10f: {  	s0 =	rddreg [dreg:$0x0];
	s2 =	stileid.u32  }
0x110: {  	s1 =	rddreg [dreg:$0x1];
	p0 =	sne.s32 s2, $0x0  }
0x111: {  	s3 =	rddreg [dreg:$0x2];
	[bflag:$0x3] =	sbarrier.arrive $0xFFFF;
	s2 =	simm.s32 @!p0 $0x1C04  }
0x112: {  	[timem:s3], [sflag:s2] =	dma.local @!p0 [hbm:s0], s1  }
0x113: {  	s0 =	simm.s32 @!p0 $0x4  }
0x114: {  	_ =	swait.ge @!p0 [sflag:s0], s1  }
0x115: {  	s1 =	ssub.s32 @!p0 $0x0, s1;
	[sflag:s0] =	ssyncset.done @!p0 $0x0  }
0x116: {  	[sflag:s0] =	ssyncadd.s32 @!p0 s1  }
0x117: {  	[bflag:$0x3] =	sbarrier.arrive $0xFFFF  }
0x118: {  	_ =	shalt  }

</sc_bundles>
